<compile_context>
chip_gen: v7x
topology: tpu7x:2x2x1
jax: 0.10.2.dev20260603
libtpu: 0.0.44.dev20260713+nightly
codegen_flags: <defaults>
</compile_context>

<pallas_src>
import functools

import jax
import jax.numpy as jnp
from jax import lax
from jax.experimental import pallas as pl
from jax.experimental.pallas import tpu as pltpu
from jax.experimental.pallas import tpu_sc as plsc

_PAD_VAL = -999.0
_L = 16



def _coef_body(e_ref, w_ref, b_ref, o_ref, *, scale, half):
    e = e_ref[...]
    a = jnp.dot(e, w_ref[...], preferred_element_type=jnp.float32)
    a = (a + b_ref[0:1, :]) * scale
    mask = e[:, 0:1] == _PAD_VAL
    a = jnp.where(mask, 0.0, a)
    u = lax.bitcast_convert_type(a, jnp.uint32) + jnp.uint32(0x8000)
    lo = u[:, :half] >> 16
    hi = u[:, half:] & jnp.uint32(0xFFFF0000)
    o_ref[...] = lax.bitcast_convert_type(lo | hi, jnp.int32)


def _edge_coefs(edges2d, Wcat, bb, scale, block_e):
    E, DE = edges2d.shape
    KD2 = Wcat.shape[1]
    half = KD2 // 2
    return pl.pallas_call(
        functools.partial(_coef_body, scale=scale, half=half),
        grid=(E // block_e,),
        in_specs=[
            pl.BlockSpec((block_e, DE), lambda i: (i, 0)),
            pl.BlockSpec((DE, KD2), lambda i: (0, 0)),
            pl.BlockSpec((8, KD2), lambda i: (0, 0)),
        ],
        out_specs=pl.BlockSpec((block_e, half), lambda i: (i, 0)),
        out_shape=jax.ShapeDtypeStruct((E, half), jnp.int32),
    )(edges2d, Wcat, bb)



def _mp_body(a_hbm, x_hbm, pairs_hbm, out_hbm,
             a_v, xg_v, ax_v, idxg_v, m_sh,
             sem_m, sem_x, sem_s,
             *, E, NPAD, D, K, C, EPT, NCHUNK, RPT):
    cid = lax.axis_index("c")
    sid = lax.axis_index("s")
    nj = D // _L
    lanes = jnp.arange(_L, dtype=jnp.int32)

    gd = lax.GatherDimensionNumbers(
        offset_dims=(), collapsed_slice_dims=(0,), start_index_map=(0,))

    def tap(e_row, off):
        if 0 <= off and off + _L <= D:
            return xg_v[e_row, pl.ds(off, _L)]
        base = max(0, min(off, D - _L))
        v = xg_v[e_row, pl.ds(base, _L)]
        rel = jnp.clip(lanes + (off - base), 0, _L - 1)
        w = lax.gather(v, rel[:, None], gd, slice_sizes=(1,),
                       mode=lax.GatherScatterMode.PROMISE_IN_BOUNDS)
        pos = lanes + off
        return jnp.where((pos >= 0) & (pos < D), w, 0.0)

    def zrow(i, carry):
        for j in range(nj):
            ax_v[i, pl.ds(_L * j, _L)] = jnp.zeros((_L,), jnp.float32)
        return carry
    lax.fori_loop(0, 2 * C, zrow, 0)
    base_row = sid * RPT
    zcopies = [
        pltpu.async_copy(
            ax_v, m_sh.at[pl.ds(base_row + r * 2 * C, 2 * C)], sem_x)
        for r in range(RPT // (2 * C))]
    for cp in zcopies:
        cp.wait()
    plsc.subcore_barrier()

    ebase = (cid * 16 + sid) * EPT

    def fire_meta(sl, g):
        b = ebase + g * C
        pltpu.async_copy(pairs_hbm.at[pl.ds(2 * b, 2 * C)], idxg_v[sl],
                         sem_m[sl])
        pltpu.async_copy(a_hbm.at[pl.ds(b, C)], a_v[sl], sem_m[sl])

    def wait_meta(sl):
        pltpu.make_async_copy(pairs_hbm.at[pl.ds(0, 2 * C)], idxg_v[sl],
                              sem_m[sl]).wait()
        pltpu.make_async_copy(a_hbm.at[pl.ds(0, C)], a_v[sl],
                              sem_m[sl]).wait()

    def wait_scatter(sl):
        pltpu.make_async_copy(ax_v, m_sh.at[idxg_v[sl]], sem_s).wait()

    def chunk_work(sl, g, prefetch, guard=True):
        wait_meta(sl)
        gcp = pltpu.async_copy(x_hbm.at[idxg_v[sl]], xg_v, sem_x)
        if guard:
            @pl.when(g > 0)
            def _():
                wait_scatter(1 - sl)
        else:
            wait_scatter(1 - sl)
        if prefetch:
            fire_meta(1 - sl, g + 1)
        gcp.wait()

        def edge(e, ecarry):
            for jj in range(nj // 2):
                acc = [None] * 4
                for k in range(K):
                    w32 = a_v[sl][e, pl.ds((k * (nj // 2) + jj) * _L, _L)]
                    alo = lax.bitcast_convert_type(
                        w32 << 16, jnp.float32)
                    ahi = lax.bitcast_convert_type(
                        w32 & jnp.int32(-65536), jnp.float32)
                    for h, av in ((0, alo), (1, ahi)):
                        off = _L * (2 * jj + h) + k - (K // 2)
                        pf = av * tap(2 * e + 1, off)
                        pr = av * tap(2 * e, off)
                        i0 = 2 * h
                        acc[i0] = pf if acc[i0] is None else acc[i0] + pf
                        acc[i0 + 1] = (pr if acc[i0 + 1] is None
                                       else acc[i0 + 1] + pr)
                for h in (0, 1):
                    ax_v[2 * e, pl.ds(_L * (2 * jj + h), _L)] = acc[2 * h]
                    ax_v[2 * e + 1,
                         pl.ds(_L * (2 * jj + h), _L)] = acc[2 * h + 1]
            return ecarry
        lax.fori_loop(0, C, edge, 0)
        pltpu.async_copy(ax_v, m_sh.at[idxg_v[sl]], sem_s, add=True)

    fire_meta(0, 0)

    def pair(t, carry):
        g0 = 2 * t
        for sl in (0, 1):
            chunk_work(sl, g0 + sl, prefetch=True)
        return carry
    lax.fori_loop(0, (NCHUNK - 1) // 2, pair, 0)
    chunk_work(0, NCHUNK - 1, prefetch=False, guard=False)
    wait_scatter(0)

    plsc.subcore_barrier()
    pltpu.sync_copy(m_sh.at[pl.ds(base_row, RPT)],
                    out_hbm.at[pl.ds((2 * sid + cid) * RPT, RPT)])


def _sc_message(A, x2d, pairs1d, NPAD, D, K):
    E = A.shape[0]
    assert A.shape[1] == K * D // 2
    C = 40
    EPT = E // 32
    NCHUNK = EPT // C
    RPT = NPAD // 16
    assert EPT * 32 == E and NCHUNK * C == EPT and RPT * 16 == NPAD
    assert RPT % (2 * C) == 0 and 2 * C <= 128 and C % 8 == 0
    assert NCHUNK % 2 == 1

    mesh = plsc.VectorSubcoreMesh(core_axis_name="c", subcore_axis_name="s")
    body = functools.partial(
        _mp_body, E=E, NPAD=NPAD, D=D, K=K, C=C, EPT=EPT,
        NCHUNK=NCHUNK, RPT=RPT)
    kfn = pl.kernel(
        body,
        out_type=jax.ShapeDtypeStruct((2 * NPAD, D), jnp.float32),
        mesh=mesh,
        compiler_params=pltpu.CompilerParams(use_tc_tiling_on_sc=True),
        scratch_types=[
            [pltpu.VMEM((C, K * D // 2), jnp.int32)] * 2,
            pltpu.VMEM((2 * C, D), jnp.float32),
            pltpu.VMEM((2 * C, D), jnp.float32),
            [pltpu.VMEM((2 * C,), jnp.int32)] * 2,
            pltpu.VMEM_SHARED((NPAD, D), jnp.float32),
            [pltpu.SemaphoreType.DMA] * 2,
            pltpu.SemaphoreType.DMA,
            pltpu.SemaphoreType.DMA,
        ],
    )
    return kfn(A, x2d, pairs1d)



def _add_body(a_ref, b_ref, o_ref):
    o_ref[...] = a_ref[...] + b_ref[...]


def _combine(partials, N, NPAD, D):
    block_n = NPAD // 16
    return pl.pallas_call(
        _add_body,
        grid=(16,),
        in_specs=[
            pl.BlockSpec((block_n, D), lambda i: (2 * i, 0)),
            pl.BlockSpec((block_n, D), lambda i: (2 * i + 1, 0)),
        ],
        out_specs=pl.BlockSpec((block_n, D), lambda i: (i, 0)),
        out_shape=jax.ShapeDtypeStruct((NPAD, D), jnp.float32),
    )(partials, partials)



def kernel(x, edges, pairs_idx, W_enn, b_enn):
    B, N, D = x.shape
    _, E, DE = edges.shape
    K = W_enn.shape[1] // D
    assert B == 1 and K == 4 and D % _L == 0

    scale = 1.0 / (K ** 0.5)
    edges2d = edges.reshape(E, DE)
    import numpy as np
    kk, jj, w = np.meshgrid(np.arange(K), np.arange(D // 32),
                            np.arange(_L), indexing="ij")
    d_lo = (32 * jj + w).reshape(-1)
    d_hi = d_lo + _L
    k_f = kk.reshape(-1)
    cols = np.concatenate([4 * d_lo + k_f, 4 * d_hi + k_f])
    Wcat = W_enn[:, cols]
    bcat = b_enn[cols]
    bb = jnp.broadcast_to(bcat.reshape(1, -1), (8, cols.size))
    pairs1d = pairs_idx[0].reshape(2 * E)

    NPAD = 10240
    assert N <= NPAD

    A = _edge_coefs(edges2d, Wcat, bb, scale, block_e=2000)
    partials = _sc_message(A, x[0], pairs1d, NPAD, D, K)
    m = _combine(partials, N, NPAD, D)
    return m[:N].reshape(B, N, D)

# --- scband reference (transcript-rebuilt; emitter-appended) ---
"""Pipeline reference for scband-graph-transformer-20959440404666 (READ-ONLY COPY).

The authoritative reference and input builder live on the scoring server;
editing this copy changes nothing except your own understanding.
"""

import jax, jax.numpy as jnp
import numpy as np

B = 1
N = 10000
E = 160000
D_MODEL = 128
D_EDGE = 16
K = 4
PAD_VAL = -999.0


def setup_inputs(seed: int = 0) -> dict:
    key = jax.random.key(seed)
    k1, k2, k3, k4 = jax.random.split(key, 4)
    x = jax.random.normal(k1, (B, N, D_MODEL), dtype=jnp.float32)
    edges = jax.random.normal(k2, (B, E, D_EDGE), dtype=jnp.float32)
    pairs_idx = jax.random.randint(k3, (B, E, 2), 0, N, dtype=jnp.int32)
    # ENN (FullyConnectedNet(d_edge, d_model*kernel_sz)) parameters: single linear layer
    W_enn = jax.random.normal(k4, (D_EDGE, D_MODEL * K), dtype=jnp.float32) * (1.0 / np.sqrt(D_EDGE))
    b_enn = jnp.zeros((D_MODEL * K,), dtype=jnp.float32)
    return {"x": x, "edges": edges, "pairs_idx": pairs_idx, "W_enn": W_enn, "b_enn": b_enn}


def reference(x, edges, pairs_idx, W_enn, b_enn):
    Bc, Ec, _ = edges.shape
    # set_a_mat
    a_vect = edges @ W_enn + b_enn                      # [B, E, d_model*k]
    a_vect = a_vect / (K ** 0.5)
    mask = (edges[:, :, 0:1] == PAD_VAL)                # [B, E, 1] broadcast
    a_vect = jnp.where(mask, 0.0, a_vect)
    a_mat = a_vect.reshape(Bc, Ec, D_MODEL, K)
    a_mat = jnp.concatenate([a_mat, a_mat], axis=1)     # [B, 2E, d_model, k]
    # bidirectional pairs
    pairs = jnp.concatenate([pairs_idx, pairs_idx[:, :, ::-1]], axis=1)  # [B, 2E, 2]
    # add_message: gather source nodes
    x_in = jnp.take_along_axis(x, pairs[:, :, 1][:, :, None], axis=1)    # [B, 2E, d_model]
    # kernel_sz < d_model path: pad + unfold
    pl = K // 2
    pr = K // 2 - (1 if K % 2 == 0 else 0)
    x_pad = jnp.pad(x_in, ((0, 0), (0, 0), (pl, pr)))
    widx = jnp.arange(D_MODEL)[:, None] + jnp.arange(K)[None, :]         # [d_model, k]
    x_unf = x_pad[:, :, widx]                                            # [B, 2E, d_model, k]
    ax = (x_unf * a_mat).sum(-1)                                         # [B, 2E, d_model]
    # scatter-add messages into destination nodes
    def scat(idx0, vals):
        return jnp.zeros((N, D_MODEL), dtype=vals.dtype).at[idx0].add(vals)
    m = jax.vmap(scat)(pairs[:, :, 0], ax)                               # [B, N, d_model]
    return m

if __name__ == "__main__":
    import jax
    _d = setup_inputs()
    print(jax.jit(kernel)(*tuple(_d.values())))

</pallas_src>

<mosaic_0001>
#map = affine_map<(d0, d1) -> (0, 0)>
#map1 = affine_map<(d0, d1) -> (0)>
module attributes {stable_mosaic.version = 14 : i64} {
  func.func @_mp_body(%arg0: i32, %arg1: i32, %arg2: memref<160000x256xi32, #tpu.memory_space<hbm>>, %arg3: memref<10000x128xf32, #tpu.memory_space<hbm>>, %arg4: memref<320000xi32, #tpu.memory_space<hbm>>, %arg5: memref<20480x128xf32, #tpu.memory_space<hbm>>, %arg6: memref<40x256xi32, #tpu.memory_space<vmem>>, %arg7: memref<40x256xi32, #tpu.memory_space<vmem>>, %arg8: memref<80x128xf32, #tpu.memory_space<vmem>>, %arg9: memref<80x128xf32, #tpu.memory_space<vmem>>, %arg10: memref<80xi32, #tpu.memory_space<vmem>>, %arg11: memref<80xi32, #tpu.memory_space<vmem>>, %arg12: memref<10240x128xf32, #tpu.memory_space<vmem_shared>>, %arg13: memref<!tpu.dma_semaphore, #tpu.memory_space<semaphore_mem>>, %arg14: memref<!tpu.dma_semaphore, #tpu.memory_space<semaphore_mem>>, %arg15: memref<!tpu.dma_semaphore, #tpu.memory_space<semaphore_mem>>, %arg16: memref<!tpu.dma_semaphore, #tpu.memory_space<semaphore_mem>>) attributes {dimension_semantics = [#tpu.dimension_semantics<core_parallel>, #tpu.dimension_semantics<subcore_parallel>], iteration_bounds = array<i64: 2, 16>, scalar_prefetch = 0 : i64, scratch_operands = 11 : i64, tpu.core_type = #tpu.core_type<sc_vector_subcore>, window_params = [{transform_indices = #map}, {transform_indices = #map}, {transform_indices = #map1}, {transform_indices = #map}]} {
    %iota3A = tpu.iota {dimensions = array<i32: 0>} : vector<16xi32>
    %scan3A = arith.constant 0 : i32
    %scan3A_0 = arith.constant 0 : i32
    %scan3A_1 = arith.constant 80 : i32
    %scan3A_2 = arith.addi %scan3A_0, %scan3A_1 : i32
    %scan3A_3 = arith.constant 1 : i32
    scf.for %scan3A_141 = %scan3A_0 to %scan3A_2 step %scan3A_3  : i32 {
      %broadcast_in_dim3A = arith.constant 0.000000e+00 : f32
      %broadcast_in_dim3A_142 = vector.broadcast %broadcast_in_dim3A : f32 to vector<16xf32>
      %swap3A = arith.index_cast %scan3A_141 : i32 to index
      %swap3A_143 = arith.constant 0 : index
      %swap3A_144 = tpu.vector_load %arg9[%swap3A, %swap3A_143] {strides = array<i32>} : memref<80x128xf32, #tpu.memory_space<vmem>>, vector<1x16xf32>,
      %swap3A_145 = vector.shape_cast %swap3A_144 : vector<1x16xf32> to vector<16xf32>
      %swap3A_146 = vector.shape_cast %broadcast_in_dim3A_142 : vector<16xf32> to vector<1x16xf32>
      tpu.vector_store %arg9[%swap3A, %swap3A_143], %swap3A_146 {strides = array<i32>} : memref<80x128xf32, #tpu.memory_space<vmem>>, vector<1x16xf32>,
      %broadcast_in_dim3A_147 = arith.constant 0.000000e+00 : f32
      %broadcast_in_dim3A_148 = vector.broadcast %broadcast_in_dim3A_147 : f32 to vector<16xf32>
      %swap3A_149 = arith.index_cast %scan3A_141 : i32 to index
      %swap3A_150 = arith.constant 16 : index
      %swap3A_151 = tpu.vector_load %arg9[%swap3A_149, %swap3A_150] {strides = array<i32>} : memref<80x128xf32, #tpu.memory_space<vmem>>, vector<1x16xf32>,
      %swap3A_152 = vector.shape_cast %swap3A_151 : vector<1x16xf32> to vector<16xf32>
      %swap3A_153 = vector.shape_cast %broadcast_in_dim3A_148 : vector<16xf32> to vector<1x16xf32>
      tpu.vector_store %arg9[%swap3A_149, %swap3A_150], %swap3A_153 {strides = array<i32>} : memref<80x128xf32, #tpu.memory_space<vmem>>, vector<1x16xf32>,
      %broadcast_in_dim3A_154 = arith.constant 0.000000e+00 : f32
      %broadcast_in_dim3A_155 = vector.broadcast %broadcast_in_dim3A_154 : f32 to vector<16xf32>
      %swap3A_156 = arith.index_cast %scan3A_141 : i32 to index
      %swap3A_157 = arith.constant 32 : index
      %swap3A_158 = tpu.vector_load %arg9[%swap3A_156, %swap3A_157] {strides = array<i32>} : memref<80x128xf32, #tpu.memory_space<vmem>>, vector<1x16xf32>,
      %swap3A_159 = vector.shape_cast %swap3A_158 : vector<1x16xf32> to vector<16xf32>
      %swap3A_160 = vector.shape_cast %broadcast_in_dim3A_155 : vector<16xf32> to vector<1x16xf32>
      tpu.vector_store %arg9[%swap3A_156, %swap3A_157], %swap3A_160 {strides = array<i32>} : memref<80x128xf32, #tpu.memory_space<vmem>>, vector<1x16xf32>,
      %broadcast_in_dim3A_161 = arith.constant 0.000000e+00 : f32
      %broadcast_in_dim3A_162 = vector.broadcast %broadcast_in_dim3A_161 : f32 to vector<16xf32>
      %swap3A_163 = arith.index_cast %scan3A_141 : i32 to index
      %swap3A_164 = arith.constant 48 : index
      %swap3A_165 = tpu.vector_load %arg9[%swap3A_163, %swap3A_164] {strides = array<i32>} : memref<80x128xf32, #tpu.memory_space<vmem>>, vector<1x16xf32>,
      %swap3A_166 = vector.shape_cast %swap3A_165 : vector<1x16xf32> to vector<16xf32>
      %swap3A_167 = vector.shape_cast %broadcast_in_dim3A_162 : vector<16xf32> to vector<1x16xf32>
      tpu.vector_store %arg9[%swap3A_163, %swap3A_164], %swap3A_167 {strides = array<i32>} : memref<80x128xf32, #tpu.memory_space<vmem>>, vector<1x16xf32>,
      %broadcast_in_dim3A_168 = arith.constant 0.000000e+00 : f32
      %broadcast_in_dim3A_169 = vector.broadcast %broadcast_in_dim3A_168 : f32 to vector<16xf32>
      %swap3A_170 = arith.index_cast %scan3A_141 : i32 to index
      %swap3A_171 = arith.constant 64 : index
      %swap3A_172 = tpu.vector_load %arg9[%swap3A_170, %swap3A_171] {strides = array<i32>} : memref<80x128xf32, #tpu.memory_space<vmem>>, vector<1x16xf32>,
      %swap3A_173 = vector.shape_cast %swap3A_172 : vector<1x16xf32> to vector<16xf32>
      %swap3A_174 = vector.shape_cast %broadcast_in_dim3A_169 : vector<16xf32> to vector<1x16xf32>
      tpu.vector_store %arg9[%swap3A_170, %swap3A_171], %swap3A_174 {strides = array<i32>} : memref<80x128xf32, #tpu.memory_space<vmem>>, vector<1x16xf32>,
      %broadcast_in_dim3A_175 = arith.constant 0.000000e+00 : f32
      %broadcast_in_dim3A_176 = vector.broadcast %broadcast_in_dim3A_175 : f32 to vector<16xf32>
      %swap3A_177 = arith.index_cast %scan3A_141 : i32 to index
      %swap3A_178 = arith.constant 80 : index
      %swap3A_179 = tpu.vector_load %arg9[%swap3A_177, %swap3A_178] {strides = array<i32>} : memref<80x128xf32, #tpu.memory_space<vmem>>, vector<1x16xf32>,
      %swap3A_180 = vector.shape_cast %swap3A_179 : vector<1x16xf32> to vector<16xf32>
      %swap3A_181 = vector.shape_cast %broadcast_in_dim3A_176 : vector<16xf32> to vector<1x16xf32>
      tpu.vector_store %arg9[%swap3A_177, %swap3A_178], %swap3A_181 {strides = array<i32>} : memref<80x128xf32, #tpu.memory_space<vmem>>, vector<1x16xf32>,
      %broadcast_in_dim3A_182 = arith.constant 0.000000e+00 : f32
      %broadcast_in_dim3A_183 = vector.broadcast %broadcast_in_dim3A_182 : f32 to vector<16xf32>
      %swap3A_184 = arith.index_cast %scan3A_141 : i32 to index
      %swap3A_185 = arith.constant 96 : index
      %swap3A_186 = tpu.vector_load %arg9[%swap3A_184, %swap3A_185] {strides = array<i32>} : memref<80x128xf32, #tpu.memory_space<vmem>>, vector<1x16xf32>,
      %swap3A_187 = vector.shape_cast %swap3A_186 : vector<1x16xf32> to vector<16xf32>
      %swap3A_188 = vector.shape_cast %broadcast_in_dim3A_183 : vector<16xf32> to vector<1x16xf32>
      tpu.vector_store %arg9[%swap3A_184, %swap3A_185], %swap3A_188 {strides = array<i32>} : memref<80x128xf32, #tpu.memory_space<vmem>>, vector<1x16xf32>,
      %broadcast_in_dim3A_189 = arith.constant 0.000000e+00 : f32
      %broadcast_in_dim3A_190 = vector.broadcast %broadcast_in_dim3A_189 : f32 to vector<16xf32>
      %swap3A_191 = arith.index_cast %scan3A_141 : i32 to index
      %swap3A_192 = arith.constant 112 : index
      %swap3A_193 = tpu.vector_load %arg9[%swap3A_191, %swap3A_192] {strides = array<i32>} : memref<80x128xf32, #tpu.memory_space<vmem>>, vector<1x16xf32>,
      %swap3A_194 = vector.shape_cast %swap3A_193 : vector<1x16xf32> to vector<16xf32>
      %swap3A_195 = vector.shape_cast %broadcast_in_dim3A_190 : vector<16xf32> to vector<1x16xf32>
      tpu.vector_store %arg9[%swap3A_191, %swap3A_192], %swap3A_195 {strides = array<i32>} : memref<80x128xf32, #tpu.memory_space<vmem>>, vector<1x16xf32>,
    }
    %scan3A_4 = arith.constant 80 : i32
    %mul3A = arith.constant 640 : i32
    %mul3A_5 = arith.muli %arg1, %mul3A : i32
    %add3A = arith.constant 0 : i32
    %add3A_6 = arith.addi %mul3A_5, %add3A : i32
    %dma_start3A = arith.constant 0 : i32
    %dma_start3A_7 = tpu.memref_slice %arg12[%add3A_6, %dma_start3A] : memref<10240x128xf32, #tpu.memory_space<vmem_shared>> -> memref<80x128xf32, #tpu.memory_space<vmem_shared>>
    %dma_start3A_8 = arith.constant 0 : i32
    %dma_start3A_9 = tpu.memref_slice %arg12[%add3A_6, %dma_start3A_8] : memref<10240x128xf32, #tpu.memory_space<vmem_shared>> -> memref<80x128xf32, #tpu.memory_space<vmem_shared>>
    tpu.enqueue_dma source(%arg9 : memref<80x128xf32, #tpu.memory_space<vmem>>) target(%dma_start3A_9 : memref<80x128xf32, #tpu.memory_space<vmem_shared>>) target_semaphore(%arg15 : memref<!tpu.dma_semaphore, #tpu.memory_space<semaphore_mem>>)
    %add3A_10 = arith.constant 80 : i32
    %add3A_11 = arith.addi %mul3A_5, %add3A_10 : i32
    %dma_start3A_12 = arith.constant 0 : i32
    %dma_start3A_13 = tpu.memref_slice %arg12[%add3A_11, %dma_start3A_12] : memref<10240x128xf32, #tpu.memory_space<vmem_shared>> -> memref<80x128xf32, #tpu.memory_space<vmem_shared>>
    %dma_start3A_14 = arith.constant 0 : i32
    %dma_start3A_15 = tpu.memref_slice %arg12[%add3A_11, %dma_start3A_14] : memref<10240x128xf32, #tpu.memory_space<vmem_shared>> -> memref<80x128xf32, #tpu.memory_space<vmem_shared>>
    tpu.enqueue_dma source(%arg9 : memref<80x128xf32, #tpu.memory_space<vmem>>) target(%dma_start3A_15 : memref<80x128xf32, #tpu.memory_space<vmem_shared>>) target_semaphore(%arg15 : memref<!tpu.dma_semaphore, #tpu.memory_space<semaphore_mem>>)
    %add3A_16 = arith.constant 160 : i32
    %add3A_17 = arith.addi %mul3A_5, %add3A_16 : i32
    %dma_start3A_18 = arith.constant 0 : i32
    %dma_start3A_19 = tpu.memref_slice %arg12[%add3A_17, %dma_start3A_18] : memref<10240x128xf32, #tpu.memory_space<vmem_shared>> -> memref<80x128xf32, #tpu.memory_space<vmem_shared>>
    %dma_start3A_20 = arith.constant 0 : i32
    %dma_start3A_21 = tpu.memref_slice %arg12[%add3A_17, %dma_start3A_20] : memref<10240x128xf32, #tpu.memory_space<vmem_shared>> -> memref<80x128xf32, #tpu.memory_space<vmem_shared>>
    tpu.enqueue_dma source(%arg9 : memref<80x128xf32, #tpu.memory_space<vmem>>) target(%dma_start3A_21 : memref<80x128xf32, #tpu.memory_space<vmem_shared>>) target_semaphore(%arg15 : memref<!tpu.dma_semaphore, #tpu.memory_space<semaphore_mem>>)
    %add3A_22 = arith.constant 240 : i32
    %add3A_23 = arith.addi %mul3A_5, %add3A_22 : i32
    %dma_start3A_24 = arith.constant 0 : i32
    %dma_start3A_25 = tpu.memref_slice %arg12[%add3A_23, %dma_start3A_24] : memref<10240x128xf32, #tpu.memory_space<vmem_shared>> -> memref<80x128xf32, #tpu.memory_space<vmem_shared>>
    %dma_start3A_26 = arith.constant 0 : i32
    %dma_start3A_27 = tpu.memref_slice %arg12[%add3A_23, %dma_start3A_26] : memref<10240x128xf32, #tpu.memory_space<vmem_shared>> -> memref<80x128xf32, #tpu.memory_space<vmem_shared>>
    tpu.enqueue_dma source(%arg9 : memref<80x128xf32, #tpu.memory_space<vmem>>) target(%dma_start3A_27 : memref<80x128xf32, #tpu.memory_space<vmem_shared>>) target_semaphore(%arg15 : memref<!tpu.dma_semaphore, #tpu.memory_space<semaphore_mem>>)
    %add3A_28 = arith.constant 320 : i32
    %add3A_29 = arith.addi %mul3A_5, %add3A_28 : i32
    %dma_start3A_30 = arith.constant 0 : i32
    %dma_start3A_31 = tpu.memref_slice %arg12[%add3A_29, %dma_start3A_30] : memref<10240x128xf32, #tpu.memory_space<vmem_shared>> -> memref<80x128xf32, #tpu.memory_space<vmem_shared>>
    %dma_start3A_32 = arith.constant 0 : i32
    %dma_start3A_33 = tpu.memref_slice %arg12[%add3A_29, %dma_start3A_32] : memref<10240x128xf32, #tpu.memory_space<vmem_shared>> -> memref<80x128xf32, #tpu.memory_space<vmem_shared>>
    tpu.enqueue_dma source(%arg9 : memref<80x128xf32, #tpu.memory_space<vmem>>) target(%dma_start3A_33 : memref<80x128xf32, #tpu.memory_space<vmem_shared>>) target_semaphore(%arg15 : memref<!tpu.dma_semaphore, #tpu.memory_space<semaphore_mem>>)
    %add3A_34 = arith.constant 400 : i32
    %add3A_35 = arith.addi %mul3A_5, %add3A_34 : i32
    %dma_start3A_36 = arith.constant 0 : i32
    %dma_start3A_37 = tpu.memref_slice %arg12[%add3A_35, %dma_start3A_36] : memref<10240x128xf32, #tpu.memory_space<vmem_shared>> -> memref<80x128xf32, #tpu.memory_space<vmem_shared>>
    %dma_start3A_38 = arith.constant 0 : i32
    %dma_start3A_39 = tpu.memref_slice %arg12[%add3A_35, %dma_start3A_38] : memref<10240x128xf32, #tpu.memory_space<vmem_shared>> -> memref<80x128xf32, #tpu.memory_space<vmem_shared>>
    tpu.enqueue_dma source(%arg9 : memref<80x128xf32, #tpu.memory_space<vmem>>) target(%dma_start3A_39 : memref<80x128xf32, #tpu.memory_space<vmem_shared>>) target_semaphore(%arg15 : memref<!tpu.dma_semaphore, #tpu.memory_space<semaphore_mem>>)
    %add3A_40 = arith.constant 480 : i32
    %add3A_41 = arith.addi %mul3A_5, %add3A_40 : i32
    %dma_start3A_42 = arith.constant 0 : i32
    %dma_start3A_43 = tpu.memref_slice %arg12[%add3A_41, %dma_start3A_42] : memref<10240x128xf32, #tpu.memory_space<vmem_shared>> -> memref<80x128xf32, #tpu.memory_space<vmem_shared>>
    %dma_start3A_44 = arith.constant 0 : i32
    %dma_start3A_45 = tpu.memref_slice %arg12[%add3A_41, %dma_start3A_44] : memref<10240x128xf32, #tpu.memory_space<vmem_shared>> -> memref<80x128xf32, #tpu.memory_space<vmem_shared>>
    tpu.enqueue_dma source(%arg9 : memref<80x128xf32, #tpu.memory_space<vmem>>) target(%dma_start3A_45 : memref<80x128xf32, #tpu.memory_space<vmem_shared>>) target_semaphore(%arg15 : memref<!tpu.dma_semaphore, #tpu.memory_space<semaphore_mem>>)
    %add3A_46 = arith.constant 560 : i32
    %add3A_47 = arith.addi %mul3A_5, %add3A_46 : i32
    %dma_start3A_48 = arith.constant 0 : i32
    %dma_start3A_49 = tpu.memref_slice %arg12[%add3A_47, %dma_start3A_48] : memref<10240x128xf32, #tpu.memory_space<vmem_shared>> -> memref<80x128xf32, #tpu.memory_space<vmem_shared>>
    %dma_start3A_50 = arith.constant 0 : i32
    %dma_start3A_51 = tpu.memref_slice %arg12[%add3A_47, %dma_start3A_50] : memref<10240x128xf32, #tpu.memory_space<vmem_shared>> -> memref<80x128xf32, #tpu.memory_space<vmem_shared>>
    tpu.enqueue_dma source(%arg9 : memref<80x128xf32, #tpu.memory_space<vmem>>) target(%dma_start3A_51 : memref<80x128xf32, #tpu.memory_space<vmem_shared>>) target_semaphore(%arg15 : memref<!tpu.dma_semaphore, #tpu.memory_space<semaphore_mem>>)
    %dma_wait3A = arith.constant 0 : i32
    %dma_wait3A_52 = tpu.memref_slice %arg12[%add3A_6, %dma_wait3A] : memref<10240x128xf32, #tpu.memory_space<vmem_shared>> -> memref<80x128xf32, #tpu.memory_space<vmem_shared>>
    %dma_wait3A_53 = arith.constant 0 : i32
    %dma_wait3A_54 = tpu.memref_slice %arg12[%add3A_6, %dma_wait3A_53] : memref<10240x128xf32, #tpu.memory_space<vmem_shared>> -> memref<80x128xf32, #tpu.memory_space<vmem_shared>>
    tpu.wait_dma2 semaphore(%arg15 : memref<!tpu.dma_semaphore, #tpu.memory_space<semaphore_mem>>) src(%arg9 : memref<80x128xf32, #tpu.memory_space<vmem>>) dst(%dma_wait3A_54 : memref<80x128xf32, #tpu.memory_space<vmem_shared>>)
    %dma_wait3A_55 = arith.constant 0 : i32
    %dma_wait3A_56 = tpu.memref_slice %arg12[%add3A_11, %dma_wait3A_55] : memref<10240x128xf32, #tpu.memory_space<vmem_shared>> -> memref<80x128xf32, #tpu.memory_space<vmem_shared>>
    %dma_wait3A_57 = arith.constant 0 : i32
    %dma_wait3A_58 = tpu.memref_slice %arg12[%add3A_11, %dma_wait3A_57] : memref<10240x128xf32, #tpu.memory_space<vmem_shared>> -> memref<80x128xf32, #tpu.memory_space<vmem_shared>>
    tpu.wait_dma2 semaphore(%arg15 : memref<!tpu.dma_semaphore, #tpu.memory_space<semaphore_mem>>) src(%arg9 : memref<80x128xf32, #tpu.memory_space<vmem>>) dst(%dma_wait3A_58 : memref<80x128xf32, #tpu.memory_space<vmem_shared>>)
    %dma_wait3A_59 = arith.constant 0 : i32
    %dma_wait3A_60 = tpu.memref_slice %arg12[%add3A_17, %dma_wait3A_59] : memref<10240x128xf32, #tpu.memory_space<vmem_shared>> -> memref<80x128xf32, #tpu.memory_space<vmem_shared>>
    %dma_wait3A_61 = arith.constant 0 : i32
    %dma_wait3A_62 = tpu.memref_slice %arg12[%add3A_17, %dma_wait3A_61] : memref<10240x128xf32, #tpu.memory_space<vmem_shared>> -> memref<80x128xf32, #tpu.memory_space<vmem_shared>>
    tpu.wait_dma2 semaphore(%arg15 : memref<!tpu.dma_semaphore, #tpu.memory_space<semaphore_mem>>) src(%arg9 : memref<80x128xf32, #tpu.memory_space<vmem>>) dst(%dma_wait3A_62 : memref<80x128xf32, #tpu.memory_space<vmem_shared>>)
    %dma_wait3A_63 = arith.constant 0 : i32
    %dma_wait3A_64 = tpu.memref_slice %arg12[%add3A_23, %dma_wait3A_63] : memref<10240x128xf32, #tpu.memory_space<vmem_shared>> -> memref<80x128xf32, #tpu.memory_space<vmem_shared>>
    %dma_wait3A_65 = arith.constant 0 : i32
    %dma_wait3A_66 = tpu.memref_slice %arg12[%add3A_23, %dma_wait3A_65] : memref<10240x128xf32, #tpu.memory_space<vmem_shared>> -> memref<80x128xf32, #tpu.memory_space<vmem_shared>>
    tpu.wait_dma2 semaphore(%arg15 : memref<!tpu.dma_semaphore, #tpu.memory_space<semaphore_mem>>) src(%arg9 : memref<80x128xf32, #tpu.memory_space<vmem>>) dst(%dma_wait3A_66 : memref<80x128xf32, #tpu.memory_space<vmem_shared>>)
    %dma_wait3A_67 = arith.constant 0 : i32
    %dma_wait3A_68 = tpu.memref_slice %arg12[%add3A_29, %dma_wait3A_67] : memref<10240x128xf32, #tpu.memory_space<vmem_shared>> -> memref<80x128xf32, #tpu.memory_space<vmem_shared>>
    %dma_wait3A_69 = arith.constant 0 : i32
    %dma_wait3A_70 = tpu.memref_slice %arg12[%add3A_29, %dma_wait3A_69] : memref<10240x128xf32, #tpu.memory_space<vmem_shared>> -> memref<80x128xf32, #tpu.memory_space<vmem_shared>>
    tpu.wait_dma2 semaphore(%arg15 : memref<!tpu.dma_semaphore, #tpu.memory_space<semaphore_mem>>) src(%arg9 : memref<80x128xf32, #tpu.memory_space<vmem>>) dst(%dma_wait3A_70 : memref<80x128xf32, #tpu.memory_space<vmem_shared>>)
    %dma_wait3A_71 = arith.constant 0 : i32
    %dma_wait3A_72 = tpu.memref_slice %arg12[%add3A_35, %dma_wait3A_71] : memref<10240x128xf32, #tpu.memory_space<vmem_shared>> -> memref<80x128xf32, #tpu.memory_space<vmem_shared>>
    %dma_wait3A_73 = arith.constant 0 : i32
    %dma_wait3A_74 = tpu.memref_slice %arg12[%add3A_35, %dma_wait3A_73] : memref<10240x128xf32, #tpu.memory_space<vmem_shared>> -> memref<80x128xf32, #tpu.memory_space<vmem_shared>>
    tpu.wait_dma2 semaphore(%arg15 : memref<!tpu.dma_semaphore, #tpu.memory_space<semaphore_mem>>) src(%arg9 : memref<80x128xf32, #tpu.memory_space<vmem>>) dst(%dma_wait3A_74 : memref<80x128xf32, #tpu.memory_space<vmem_shared>>)
    %dma_wait3A_75 = arith.constant 0 : i32
    %dma_wait3A_76 = tpu.memref_slice %arg12[%add3A_41, %dma_wait3A_75] : memref<10240x128xf32, #tpu.memory_space<vmem_shared>> -> memref<80x128xf32, #tpu.memory_space<vmem_shared>>
    %dma_wait3A_77 = arith.constant 0 : i32
    %dma_wait3A_78 = tpu.memref_slice %arg12[%add3A_41, %dma_wait3A_77] : memref<10240x128xf32, #tpu.memory_space<vmem_shared>> -> memref<80x128xf32, #tpu.memory_space<vmem_shared>>
    tpu.wait_dma2 semaphore(%arg15 : memref<!tpu.dma_semaphore, #tpu.memory_space<semaphore_mem>>) src(%arg9 : memref<80x128xf32, #tpu.memory_space<vmem>>) dst(%dma_wait3A_78 : memref<80x128xf32, #tpu.memory_space<vmem_shared>>)
    %dma_wait3A_79 = arith.constant 0 : i32
    %dma_wait3A_80 = tpu.memref_slice %arg12[%add3A_47, %dma_wait3A_79] : memref<10240x128xf32, #tpu.memory_space<vmem_shared>> -> memref<80x128xf32, #tpu.memory_space<vmem_shared>>
    %dma_wait3A_81 = arith.constant 0 : i32
    %dma_wait3A_82 = tpu.memref_slice %arg12[%add3A_47, %dma_wait3A_81] : memref<10240x128xf32, #tpu.memory_space<vmem_shared>> -> memref<80x128xf32, #tpu.memory_space<vmem_shared>>
    tpu.wait_dma2 semaphore(%arg15 : memref<!tpu.dma_semaphore, #tpu.memory_space<semaphore_mem>>) src(%arg9 : memref<80x128xf32, #tpu.memory_space<vmem>>) dst(%dma_wait3A_82 : memref<80x128xf32, #tpu.memory_space<vmem_shared>>)
    %barrier3A = arith.constant 0 : index
    tpu.barrier barrier_id(%barrier3A)
    %mul3A_83 = arith.constant 16 : i32
    %mul3A_84 = arith.muli %arg0, %mul3A_83 : i32
    %add3A_85 = arith.addi %mul3A_84, %arg1 : i32
    %mul3A_86 = arith.constant 5000 : i32
    %mul3A_87 = arith.muli %add3A_85, %mul3A_86 : i32
    %add3A_88 = arith.constant 0 : i32
    %add3A_89 = arith.addi %mul3A_87, %add3A_88 : i32
    %mul3A_90 = arith.constant 2 : i32
    %mul3A_91 = arith.muli %mul3A_90, %add3A_89 : i32
    %dma_start3A_92 = tpu.memref_slice %arg4[%mul3A_91] : memref<320000xi32, #tpu.memory_space<hbm>> -> memref<80xi32, #tpu.memory_space<hbm>>
    %dma_start3A_93 = tpu.memref_slice %arg4[%mul3A_91] : memref<320000xi32, #tpu.memory_space<hbm>> -> memref<80xi32, #tpu.memory_space<hbm>>
    tpu.enqueue_dma source(%dma_start3A_93 : memref<80xi32, #tpu.memory_space<hbm>>) target(%arg10 : memref<80xi32, #tpu.memory_space<vmem>>) target_semaphore(%arg13 : memref<!tpu.dma_semaphore, #tpu.memory_space<semaphore_mem>>)
    %dma_start3A_94 = arith.constant 0 : i32
    %dma_start3A_95 = tpu.memref_slice %arg2[%add3A_89, %dma_start3A_94] : memref<160000x256xi32, #tpu.memory_space<hbm>> -> memref<40x256xi32, #tpu.memory_space<hbm>>
    %dma_start3A_96 = arith.constant 0 : i32
    %dma_start3A_97 = tpu.memref_slice %arg2[%add3A_89, %dma_start3A_96] : memref<160000x256xi32, #tpu.memory_space<hbm>> -> memref<40x256xi32, #tpu.memory_space<hbm>>
    tpu.enqueue_dma source(%dma_start3A_97 : memref<40x256xi32, #tpu.memory_space<hbm>>) target(%arg6 : memref<40x256xi32, #tpu.memory_space<vmem>>) target_semaphore(%arg13 : memref<!tpu.dma_semaphore, #tpu.memory_space<semaphore_mem>>)
    %scan3A_98 = arith.constant 0 : i32
    %scan3A_99 = arith.constant 0 : i32
    %scan3A_100 = arith.constant 62 : i32
    %scan3A_101 = arith.addi %scan3A_99, %scan3A_100 : i32
    %scan3A_102 = arith.constant 1 : i32
    scf.for %scan3A_141 = %scan3A_99 to %scan3A_101 step %scan3A_102  : i32 {
      %mul3A_142 = arith.constant 2 : i32
      %mul3A_143 = arith.muli %mul3A_142, %scan3A_141 : i32
      %add3A_144 = arith.constant 0 : i32
      %add3A_145 = arith.addi %mul3A_143, %add3A_144 : i32
      %dma_wait3A_146 = arith.constant 0 : i32
      %dma_wait3A_147 = tpu.memref_slice %arg4[%dma_wait3A_146] : memref<320000xi32, #tpu.memory_space<hbm>> -> memref<80xi32, #tpu.memory_space<hbm>>
      %dma_wait3A_148 = arith.constant 0 : i32
      %dma_wait3A_149 = tpu.memref_slice %arg4[%dma_wait3A_148] : memref<320000xi32, #tpu.memory_space<hbm>> -> memref<80xi32, #tpu.memory_space<hbm>>
      tpu.wait_dma2 semaphore(%arg13 : memref<!tpu.dma_semaphore, #tpu.memory_space<semaphore_mem>>) src(%dma_wait3A_149 : memref<80xi32, #tpu.memory_space<hbm>>) dst(%arg10 : memref<80xi32, #tpu.memory_space<vmem>>)
      %dma_wait3A_150 = arith.constant 0 : i32
      %dma_wait3A_151 = arith.constant 0 : i32
      %dma_wait3A_152 = tpu.memref_slice %arg2[%dma_wait3A_150, %dma_wait3A_151] : memref<160000x256xi32, #tpu.memory_space<hbm>> -> memref<40x256xi32, #tpu.memory_space<hbm>>
      %dma_wait3A_153 = arith.constant 0 : i32
      %dma_wait3A_154 = arith.constant 0 : i32
      %dma_wait3A_155 = tpu.memref_slice %arg2[%dma_wait3A_153, %dma_wait3A_154] : memref<160000x256xi32, #tpu.memory_space<hbm>> -> memref<40x256xi32, #tpu.memory_space<hbm>>
      tpu.wait_dma2 semaphore(%arg13 : memref<!tpu.dma_semaphore, #tpu.memory_space<semaphore_mem>>) src(%dma_wait3A_155 : memref<40x256xi32, #tpu.memory_space<hbm>>) dst(%arg6 : memref<40x256xi32, #tpu.memory_space<vmem>>)
      %dma_start3A_156 = arith.constant 0 : i32
      %dma_start3A_157 = arith.constant 0 : i32
      %dma_start3A_158 = tpu.memref_slice %arg3[%dma_start3A_156, %dma_start3A_157] : memref<10000x128xf32, #tpu.memory_space<hbm>> -> memref<10000x128xf32, #tpu.memory_space<hbm>>
      tpu.enqueue_indirect_dma source(%dma_start3A_158 : memref<10000x128xf32, #tpu.memory_space<hbm>>) target(%arg8 : memref<80x128xf32, #tpu.memory_space<vmem>>) offsets(%arg10 : memref<80xi32, #tpu.memory_space<vmem>>) semaphore(%arg15 : memref<!tpu.dma_semaphore, #tpu.memory_space<semaphore_mem>>)
      %gt3A = arith.constant 0 : i32
      %gt3A_159 = arith.cmpi sgt, %add3A_145, %gt3A : i32
      %convert_element_type3A = arith.extui %gt3A_159 : i1 to i32
      %cond3A = arith.constant 0 : i32
      %cond3A_160 = arith.cmpi ne, %convert_element_type3A, %cond3A : i32
      scf.if %cond3A_160 {
        %dma_wait3A_231 = arith.constant 0 : i32
        %dma_wait3A_232 = arith.constant 0 : i32
        %dma_wait3A_233 = tpu.memref_slice %arg12[%dma_wait3A_231, %dma_wait3A_232] : memref<10240x128xf32, #tpu.memory_space<vmem_shared>> -> memref<10240x128xf32, #tpu.memory_space<vmem_shared>>
        tpu.wait_indirect_dma semaphore(%arg16 : memref<!tpu.dma_semaphore, #tpu.memory_space<semaphore_mem>>) src(%arg9 : memref<80x128xf32, #tpu.memory_space<vmem>>) dst(%dma_wait3A_233 : memref<10240x128xf32, #tpu.memory_space<vmem_shared>>)
      } else {
      }
      %add3A_161 = arith.constant 1 : i32
      %add3A_162 = arith.addi %add3A_145, %add3A_161 : i32
      %mul3A_163 = arith.constant 40 : i32
      %mul3A_164 = arith.muli %add3A_162, %mul3A_163 : i32
      %add3A_165 = arith.addi %mul3A_87, %mul3A_164 : i32
      %mul3A_166 = arith.constant 2 : i32
      %mul3A_167 = arith.muli %mul3A_166, %add3A_165 : i32
      %dma_start3A_168 = tpu.memref_slice %arg4[%mul3A_167] : memref<320000xi32, #tpu.memory_space<hbm>> -> memref<80xi32, #tpu.memory_space<hbm>>
      %dma_start3A_169 = tpu.memref_slice %arg4[%mul3A_167] : memref<320000xi32, #tpu.memory_space<hbm>> -> memref<80xi32, #tpu.memory_space<hbm>>
      tpu.enqueue_dma source(%dma_start3A_169 : memref<80xi32, #tpu.memory_space<hbm>>) target(%arg11 : memref<80xi32, #tpu.memory_space<vmem>>) target_semaphore(%arg14 : memref<!tpu.dma_semaphore, #tpu.memory_space<semaphore_mem>>)
      %dma_start3A_170 = arith.constant 0 : i32
      %dma_start3A_171 = tpu.memref_slice %arg2[%add3A_165, %dma_start3A_170] : memref<160000x256xi32, #tpu.memory_space<hbm>> -> memref<40x256xi32, #tpu.memory_space<hbm>>
      %dma_start3A_172 = arith.constant 0 : i32
      %dma_start3A_173 = tpu.memref_slice %arg2[%add3A_165, %dma_start3A_172] : memref<160000x256xi32, #tpu.memory_space<hbm>> -> memref<40x256xi32, #tpu.memory_space<hbm>>
      tpu.enqueue_dma source(%dma_start3A_173 : memref<40x256xi32, #tpu.memory_space<hbm>>) target(%arg7 : memref<40x256xi32, #tpu.memory_space<vmem>>) target_semaphore(%arg14 : memref<!tpu.dma_semaphore, #tpu.memory_space<semaphore_mem>>)
      %dma_wait3A_174 = arith.constant 0 : i32
      %dma_wait3A_175 = arith.constant 0 : i32
      %dma_wait3A_176 = tpu.memref_slice %arg3[%dma_wait3A_174, %dma_wait3A_175] : memref<10000x128xf32, #tpu.memory_space<hbm>> -> memref<10000x128xf32, #tpu.memory_space<hbm>>
      tpu.wait_indirect_dma semaphore(%arg15 : memref<!tpu.dma_semaphore, #tpu.memory_space<semaphore_mem>>) src(%dma_wait3A_176 : memref<10000x128xf32, #tpu.memory_space<hbm>>) dst(%arg8 : memref<80x128xf32, #tpu.memory_space<vmem>>)
      %scan3A_177 = arith.constant 0 : i32
      %scan3A_178 = arith.constant 0 : i32
      %scan3A_179 = arith.constant 40 : i32
      %scan3A_180 = arith.addi %scan3A_178, %scan3A_179 : i32
      %scan3A_181 = arith.constant 1 : i32
      scf.for %scan3A_231 = %scan3A_178 to %scan3A_180 step %scan3A_181  : i32 {
        %get3A = arith.index_cast %scan3A_231 : i32 to index
        %get3A_232 = arith.constant 0 : index
        %get3A_233 = tpu.vector_load %arg6[%get3A, %get3A_232] {strides = array<i32>} : memref<40x256xi32, #tpu.memory_space<vmem>>, vector<1x16xi32>,
        %get3A_234 = vector.shape_cast %get3A_233 : vector<1x16xi32> to vector<16xi32>
        %shift_left3A = arith.constant 16 : i32
        %shift_left3A_235 = vector.broadcast %shift_left3A : i32 to vector<16xi32>
        %shift_left3A_236 = arith.shli %get3A_234, %shift_left3A_235 : vector<16xi32>
        %bitcast_convert_type3A = tpu.bitcast %shift_left3A_236 : vector<16xi32> -> vector<16xf32>
        %and3A = arith.constant -65536 : i32
        %and3A_237 = vector.broadcast %and3A : i32 to vector<16xi32>
        %and3A_238 = arith.andi %get3A_234, %and3A_237 : vector<16xi32>
        %bitcast_convert_type3A_239 = tpu.bitcast %and3A_238 : vector<16xi32> -> vector<16xf32>
        %mul3A_240 = arith.constant 2 : i32
        %mul3A_241 = arith.muli %mul3A_240, %scan3A_231 : i32
        %add3A_242 = arith.constant 1 : i32
        %add3A_243 = arith.addi %mul3A_241, %add3A_242 : i32
        %get3A_244 = arith.index_cast %add3A_243 : i32 to index
        %get3A_245 = arith.constant 0 : index
        %get3A_246 = tpu.vector_load %arg8[%get3A_244, %get3A_245] {strides = array<i32>} : memref<80x128xf32, #tpu.memory_space<vmem>>, vector<1x16xf32>,
        %get3A_247 = vector.shape_cast %get3A_246 : vector<1x16xf32> to vector<16xf32>
        %add3A_248 = arith.constant -2 : i32
        %add3A_249 = vector.broadcast %add3A_248 : i32 to vector<16xi32>
        %add3A_250 = arith.addi %iota3A, %add3A_249 : vector<16xi32>
        %jit3A = arith.constant 0 : i32
        %jit3A_251 = arith.constant 15 : i32
        %max3A = vector.broadcast %jit3A : i32 to vector<16xi32>
        %max3A_252 = arith.maxsi %max3A, %add3A_250 : vector<16xi32>
        %min3A = vector.broadcast %jit3A_251 : i32 to vector<16xi32>
        %min3A_253 = arith.minsi %min3A, %max3A_252 : vector<16xi32>
        %broadcast_in_dim3A = vector.shape_cast %min3A_253 : vector<16xi32> to vector<16x1xi32>
        %gather3A = vector.shape_cast %broadcast_in_dim3A : vector<16x1xi32> to vector<16xi32>
        %gather3A_254 = tpu.dynamic_gather %get3A_247[%gather3A] in [0] : vector<16xf32>, vector<16xi32> -> vector<16xf32>
        %add3A_255 = arith.constant -2 : i32
        %add3A_256 = vector.broadcast %add3A_255 : i32 to vector<16xi32>
        %add3A_257 = arith.addi %iota3A, %add3A_256 : vector<16xi32>
        %ge3A = arith.constant 0 : i32
        %ge3A_258 = vector.broadcast %ge3A : i32 to vector<16xi32>
        %ge3A_259 = arith.cmpi sge, %add3A_257, %ge3A_258 : vector<16xi32>
        %lt3A = arith.constant 128 : i32
        %lt3A_260 = vector.broadcast %lt3A : i32 to vector<16xi32>
        %lt3A_261 = arith.cmpi slt, %add3A_257, %lt3A_260 : vector<16xi32>
        %and3A_262 = arith.andi %ge3A_259, %lt3A_261 : vector<16xi1>
        %jit3A_263 = arith.constant 0.000000e+00 : f32
        %broadcast_in_dim3A_264 = vector.broadcast %jit3A_263 : f32 to vector<16xf32>
        %select_n3A = arith.select %and3A_262, %gather3A_254, %broadcast_in_dim3A_264 : vector<16xi1>, vector<16xf32>
        %mul3A_265 = arith.mulf %bitcast_convert_type3A, %select_n3A : vector<16xf32>
        %mul3A_266 = arith.constant 2 : i32
        %mul3A_267 = arith.muli %mul3A_266, %scan3A_231 : i32
        %get3A_268 = arith.index_cast %mul3A_267 : i32 to index
        %get3A_269 = arith.constant 0 : index
        %get3A_270 = tpu.vector_load %arg8[%get3A_268, %get3A_269] {strides = array<i32>} : memref<80x128xf32, #tpu.memory_space<vmem>>, vector<1x16xf32>,
        %get3A_271 = vector.shape_cast %get3A_270 : vector<1x16xf32> to vector<16xf32>
        %add3A_272 = arith.constant -2 : i32
        %add3A_273 = vector.broadcast %add3A_272 : i32 to vector<16xi32>
        %add3A_274 = arith.addi %iota3A, %add3A_273 : vector<16xi32>
        %jit3A_275 = arith.constant 0 : i32
        %jit3A_276 = arith.constant 15 : i32
        %max3A_277 = vector.broadcast %jit3A_275 : i32 to vector<16xi32>
        %max3A_278 = arith.maxsi %max3A_277, %add3A_274 : vector<16xi32>
        %min3A_279 = vector.broadcast %jit3A_276 : i32 to vector<16xi32>
        %min3A_280 = arith.minsi %min3A_279, %max3A_278 : vector<16xi32>
        %broadcast_in_dim3A_281 = vector.shape_cast %min3A_280 : vector<16xi32> to vector<16x1xi32>
        %gather3A_282 = vector.shape_cast %broadcast_in_dim3A_281 : vector<16x1xi32> to vector<16xi32>
        %gather3A_283 = tpu.dynamic_gather %get3A_271[%gather3A_282] in [0] : vector<16xf32>, vector<16xi32> -> vector<16xf32>
        %add3A_284 = arith.constant -2 : i32
        %add3A_285 = vector.broadcast %add3A_284 : i32 to vector<16xi32>
        %add3A_286 = arith.addi %iota3A, %add3A_285 : vector<16xi32>
        %ge3A_287 = arith.constant 0 : i32
        %ge3A_288 = vector.broadcast %ge3A_287 : i32 to vector<16xi32>
        %ge3A_289 = arith.cmpi sge, %add3A_286, %ge3A_288 : vector<16xi32>
        %lt3A_290 = arith.constant 128 : i32
        %lt3A_291 = vector.broadcast %lt3A_290 : i32 to vector<16xi32>
        %lt3A_292 = arith.cmpi slt, %add3A_286, %lt3A_291 : vector<16xi32>
        %and3A_293 = arith.andi %ge3A_289, %lt3A_292 : vector<16xi1>
        %jit3A_294 = arith.constant 0.000000e+00 : f32
        %broadcast_in_dim3A_295 = vector.broadcast %jit3A_294 : f32 to vector<16xf32>
        %select_n3A_296 = arith.select %and3A_293, %gather3A_283, %broadcast_in_dim3A_295 : vector<16xi1>, vector<16xf32>
        %mul3A_297 = arith.mulf %bitcast_convert_type3A, %select_n3A_296 : vector<16xf32>
        %mul3A_298 = arith.constant 2 : i32
        %mul3A_299 = arith.muli %mul3A_298, %scan3A_231 : i32
        %add3A_300 = arith.constant 1 : i32
        %add3A_301 = arith.addi %mul3A_299, %add3A_300 : i32
        %get3A_302 = arith.index_cast %add3A_301 : i32 to index
        %get3A_303 = arith.constant 14 : index
        %get3A_304 = tpu.vector_load %arg8[%get3A_302, %get3A_303] {strides = array<i32>} : memref<80x128xf32, #tpu.memory_space<vmem>>, vector<1x16xf32>,
        %get3A_305 = vector.shape_cast %get3A_304 : vector<1x16xf32> to vector<16xf32>
        %mul3A_306 = arith.mulf %bitcast_convert_type3A_239, %get3A_305 : vector<16xf32>
        %mul3A_307 = arith.constant 2 : i32
        %mul3A_308 = arith.muli %mul3A_307, %scan3A_231 : i32
        %get3A_309 = arith.index_cast %mul3A_308 : i32 to index
        %get3A_310 = arith.constant 14 : index
        %get3A_311 = tpu.vector_load %arg8[%get3A_309, %get3A_310] {strides = array<i32>} : memref<80x128xf32, #tpu.memory_space<vmem>>, vector<1x16xf32>,
        %get3A_312 = vector.shape_cast %get3A_311 : vector<1x16xf32> to vector<16xf32>
        %mul3A_313 = arith.mulf %bitcast_convert_type3A_239, %get3A_312 : vector<16xf32>
        %get3A_314 = arith.index_cast %scan3A_231 : i32 to index
        %get3A_315 = arith.constant 64 : index
        %get3A_316 = tpu.vector_load %arg6[%get3A_314, %get3A_315] {strides = array<i32>} : memref<40x256xi32, #tpu.memory_space<vmem>>, vector<1x16xi32>,
        %get3A_317 = vector.shape_cast %get3A_316 : vector<1x16xi32> to vector<16xi32>
        %shift_left3A_318 = arith.constant 16 : i32
        %shift_left3A_319 = vector.broadcast %shift_left3A_318 : i32 to vector<16xi32>
        %shift_left3A_320 = arith.shli %get3A_317, %shift_left3A_319 : vector<16xi32>
        %bitcast_convert_type3A_321 = tpu.bitcast %shift_left3A_320 : vector<16xi32> -> vector<16xf32>
        %and3A_322 = arith.constant -65536 : i32
        %and3A_323 = vector.broadcast %and3A_322 : i32 to vector<16xi32>
        %and3A_324 = arith.andi %get3A_317, %and3A_323 : vector<16xi32>
        %bitcast_convert_type3A_325 = tpu.bitcast %and3A_324 : vector<16xi32> -> vector<16xf32>
        %mul3A_326 = arith.constant 2 : i32
        %mul3A_327 = arith.muli %mul3A_326, %scan3A_231 : i32
        %add3A_328 = arith.constant 1 : i32
        %add3A_329 = arith.addi %mul3A_327, %add3A_328 : i32
        %get3A_330 = arith.index_cast %add3A_329 : i32 to index
        %get3A_331 = arith.constant 0 : index
        %get3A_332 = tpu.vector_load %arg8[%get3A_330, %get3A_331] {strides = array<i32>} : memref<80x128xf32, #tpu.memory_space<vmem>>, vector<1x16xf32>,
        %get3A_333 = vector.shape_cast %get3A_332 : vector<1x16xf32> to vector<16xf32>
        %add3A_334 = arith.constant -1 : i32
        %add3A_335 = vector.broadcast %add3A_334 : i32 to vector<16xi32>
        %add3A_336 = arith.addi %iota3A, %add3A_335 : vector<16xi32>
        %jit3A_337 = arith.constant 0 : i32
        %jit3A_338 = arith.constant 15 : i32
        %max3A_339 = vector.broadcast %jit3A_337 : i32 to vector<16xi32>
        %max3A_340 = arith.maxsi %max3A_339, %add3A_336 : vector<16xi32>
        %min3A_341 = vector.broadcast %jit3A_338 : i32 to vector<16xi32>
        %min3A_342 = arith.minsi %min3A_341, %max3A_340 : vector<16xi32>
        %broadcast_in_dim3A_343 = vector.shape_cast %min3A_342 : vector<16xi32> to vector<16x1xi32>
        %gather3A_344 = vector.shape_cast %broadcast_in_dim3A_343 : vector<16x1xi32> to vector<16xi32>
        %gather3A_345 = tpu.dynamic_gather %get3A_333[%gather3A_344] in [0] : vector<16xf32>, vector<16xi32> -> vector<16xf32>
        %add3A_346 = arith.constant -1 : i32
        %add3A_347 = vector.broadcast %add3A_346 : i32 to vector<16xi32>
        %add3A_348 = arith.addi %iota3A, %add3A_347 : vector<16xi32>
        %ge3A_349 = arith.constant 0 : i32
        %ge3A_350 = vector.broadcast %ge3A_349 : i32 to vector<16xi32>
        %ge3A_351 = arith.cmpi sge, %add3A_348, %ge3A_350 : vector<16xi32>
        %lt3A_352 = arith.constant 128 : i32
        %lt3A_353 = vector.broadcast %lt3A_352 : i32 to vector<16xi32>
        %lt3A_354 = arith.cmpi slt, %add3A_348, %lt3A_353 : vector<16xi32>
        %and3A_355 = arith.andi %ge3A_351, %lt3A_354 : vector<16xi1>
        %jit3A_356 = arith.constant 0.000000e+00 : f32
        %broadcast_in_dim3A_357 = vector.broadcast %jit3A_356 : f32 to vector<16xf32>
        %select_n3A_358 = arith.select %and3A_355, %gather3A_345, %broadcast_in_dim3A_357 : vector<16xi1>, vector<16xf32>
        %mul3A_359 = arith.mulf %bitcast_convert_type3A_321, %select_n3A_358 : vector<16xf32>
        %mul3A_360 = arith.constant 2 : i32
        %mul3A_361 = arith.muli %mul3A_360, %scan3A_231 : i32
        %get3A_362 = arith.index_cast %mul3A_361 : i32 to index
        %get3A_363 = arith.constant 0 : index
        %get3A_364 = tpu.vector_load %arg8[%get3A_362, %get3A_363] {strides = array<i32>} : memref<80x128xf32, #tpu.memory_space<vmem>>, vector<1x16xf32>,
        %get3A_365 = vector.shape_cast %get3A_364 : vector<1x16xf32> to vector<16xf32>
        %add3A_366 = arith.constant -1 : i32
        %add3A_367 = vector.broadcast %add3A_366 : i32 to vector<16xi32>
        %add3A_368 = arith.addi %iota3A, %add3A_367 : vector<16xi32>
        %jit3A_369 = arith.constant 0 : i32
        %jit3A_370 = arith.constant 15 : i32
        %max3A_371 = vector.broadcast %jit3A_369 : i32 to vector<16xi32>
        %max3A_372 = arith.maxsi %max3A_371, %add3A_368 : vector<16xi32>
        %min3A_373 = vector.broadcast %jit3A_370 : i32 to vector<16xi32>
        %min3A_374 = arith.minsi %min3A_373, %max3A_372 : vector<16xi32>
        %broadcast_in_dim3A_375 = vector.shape_cast %min3A_374 : vector<16xi32> to vector<16x1xi32>
        %gather3A_376 = vector.shape_cast %broadcast_in_dim3A_375 : vector<16x1xi32> to vector<16xi32>
        %gather3A_377 = tpu.dynamic_gather %get3A_365[%gather3A_376] in [0] : vector<16xf32>, vector<16xi32> -> vector<16xf32>
        %add3A_378 = arith.constant -1 : i32
        %add3A_379 = vector.broadcast %add3A_378 : i32 to vector<16xi32>
        %add3A_380 = arith.addi %iota3A, %add3A_379 : vector<16xi32>
        %ge3A_381 = arith.constant 0 : i32
        %ge3A_382 = vector.broadcast %ge3A_381 : i32 to vector<16xi32>
        %ge3A_383 = arith.cmpi sge, %add3A_380, %ge3A_382 : vector<16xi32>
        %lt3A_384 = arith.constant 128 : i32
        %lt3A_385 = vector.broadcast %lt3A_384 : i32 to vector<16xi32>
        %lt3A_386 = arith.cmpi slt, %add3A_380, %lt3A_385 : vector<16xi32>
        %and3A_387 = arith.andi %ge3A_383, %lt3A_386 : vector<16xi1>
        %jit3A_388 = arith.constant 0.000000e+00 : f32
        %broadcast_in_dim3A_389 = vector.broadcast %jit3A_388 : f32 to vector<16xf32>
        %select_n3A_390 = arith.select %and3A_387, %gather3A_377, %broadcast_in_dim3A_389 : vector<16xi1>, vector<16xf32>
        %mul3A_391 = arith.mulf %bitcast_convert_type3A_321, %select_n3A_390 : vector<16xf32>
        %add3A_392 = arith.addf %mul3A_265, %mul3A_359 : vector<16xf32>
        %add3A_393 = arith.addf %mul3A_297, %mul3A_391 : vector<16xf32>
        %mul3A_394 = arith.constant 2 : i32
        %mul3A_395 = arith.muli %mul3A_394, %scan3A_231 : i32
        %add3A_396 = arith.constant 1 : i32
        %add3A_397 = arith.addi %mul3A_395, %add3A_396 : i32
        %get3A_398 = arith.index_cast %add3A_397 : i32 to index
        %get3A_399 = arith.constant 15 : index
        %get3A_400 = tpu.vector_load %arg8[%get3A_398, %get3A_399] {strides = array<i32>} : memref<80x128xf32, #tpu.memory_space<vmem>>, vector<1x16xf32>,
        %get3A_401 = vector.shape_cast %get3A_400 : vector<1x16xf32> to vector<16xf32>
        %mul3A_402 = arith.mulf %bitcast_convert_type3A_325, %get3A_401 : vector<16xf32>
        %mul3A_403 = arith.constant 2 : i32
        %mul3A_404 = arith.muli %mul3A_403, %scan3A_231 : i32
        %get3A_405 = arith.index_cast %mul3A_404 : i32 to index
        %get3A_406 = arith.constant 15 : index
        %get3A_407 = tpu.vector_load %arg8[%get3A_405, %get3A_406] {strides = array<i32>} : memref<80x128xf32, #tpu.memory_space<vmem>>, vector<1x16xf32>,
        %get3A_408 = vector.shape_cast %get3A_407 : vector<1x16xf32> to vector<16xf32>
        %mul3A_409 = arith.mulf %bitcast_convert_type3A_325, %get3A_408 : vector<16xf32>
        %add3A_410 = arith.addf %mul3A_306, %mul3A_402 : vector<16xf32>
        %add3A_411 = arith.addf %mul3A_313, %mul3A_409 : vector<16xf32>
        %get3A_412 = arith.index_cast %scan3A_231 : i32 to index
        %get3A_413 = arith.constant 128 : index
        %get3A_414 = tpu.vector_load %arg6[%get3A_412, %get3A_413] {strides = array<i32>} : memref<40x256xi32, #tpu.memory_space<vmem>>, vector<1x16xi32>,
        %get3A_415 = vector.shape_cast %get3A_414 : vector<1x16xi32> to vector<16xi32>
        %shift_left3A_416 = arith.constant 16 : i32
        %shift_left3A_417 = vector.broadcast %shift_left3A_416 : i32 to vector<16xi32>
        %shift_left3A_418 = arith.shli %get3A_415, %shift_left3A_417 : vector<16xi32>
        %bitcast_convert_type3A_419 = tpu.bitcast %shift_left3A_418 : vector<16xi32> -> vector<16xf32>
        %and3A_420 = arith.constant -65536 : i32
        %and3A_421 = vector.broadcast %and3A_420 : i32 to vector<16xi32>
        %and3A_422 = arith.andi %get3A_415, %and3A_421 : vector<16xi32>
        %bitcast_convert_type3A_423 = tpu.bitcast %and3A_422 : vector<16xi32> -> vector<16xf32>
        %mul3A_424 = arith.constant 2 : i32
        %mul3A_425 = arith.muli %mul3A_424, %scan3A_231 : i32
        %add3A_426 = arith.constant 1 : i32
        %add3A_427 = arith.addi %mul3A_425, %add3A_426 : i32
        %get3A_428 = arith.index_cast %add3A_427 : i32 to index
        %get3A_429 = arith.constant 0 : index
        %get3A_430 = tpu.vector_load %arg8[%get3A_428, %get3A_429] {strides = array<i32>} : memref<80x128xf32, #tpu.memory_space<vmem>>, vector<1x16xf32>,
        %get3A_431 = vector.shape_cast %get3A_430 : vector<1x16xf32> to vector<16xf32>
        %mul3A_432 = arith.mulf %bitcast_convert_type3A_419, %get3A_431 : vector<16xf32>
        %mul3A_433 = arith.constant 2 : i32
        %mul3A_434 = arith.muli %mul3A_433, %scan3A_231 : i32
        %get3A_435 = arith.index_cast %mul3A_434 : i32 to index
        %get3A_436 = arith.constant 0 : index
        %get3A_437 = tpu.vector_load %arg8[%get3A_435, %get3A_436] {strides = array<i32>} : memref<80x128xf32, #tpu.memory_space<vmem>>, vector<1x16xf32>,
        %get3A_438 = vector.shape_cast %get3A_437 : vector<1x16xf32> to vector<16xf32>
        %mul3A_439 = arith.mulf %bitcast_convert_type3A_419, %get3A_438 : vector<16xf32>
        %add3A_440 = arith.addf %add3A_392, %mul3A_432 : vector<16xf32>
        %add3A_441 = arith.addf %add3A_393, %mul3A_439 : vector<16xf32>
        %mul3A_442 = arith.constant 2 : i32
        %mul3A_443 = arith.muli %mul3A_442, %scan3A_231 : i32
        %add3A_444 = arith.constant 1 : i32
        %add3A_445 = arith.addi %mul3A_443, %add3A_444 : i32
        %get3A_446 = arith.index_cast %add3A_445 : i32 to index
        %get3A_447 = arith.constant 16 : index
        %get3A_448 = tpu.vector_load %arg8[%get3A_446, %get3A_447] {strides = array<i32>} : memref<80x128xf32, #tpu.memory_space<vmem>>, vector<1x16xf32>,
        %get3A_449 = vector.shape_cast %get3A_448 : vector<1x16xf32> to vector<16xf32>
        %mul3A_450 = arith.mulf %bitcast_convert_type3A_423, %get3A_449 : vector<16xf32>
        %mul3A_451 = arith.constant 2 : i32
        %mul3A_452 = arith.muli %mul3A_451, %scan3A_231 : i32
        %get3A_453 = arith.index_cast %mul3A_452 : i32 to index
        %get3A_454 = arith.constant 16 : index
        %get3A_455 = tpu.vector_load %arg8[%get3A_453, %get3A_454] {strides = array<i32>} : memref<80x128xf32, #tpu.memory_space<vmem>>, vector<1x16xf32>,
        %get3A_456 = vector.shape_cast %get3A_455 : vector<1x16xf32> to vector<16xf32>
        %mul3A_457 = arith.mulf %bitcast_convert_type3A_423, %get3A_456 : vector<16xf32>
        %add3A_458 = arith.addf %add3A_410, %mul3A_450 : vector<16xf32>
        %add3A_459 = arith.addf %add3A_411, %mul3A_457 : vector<16xf32>
        %get3A_460 = arith.index_cast %scan3A_231 : i32 to index
        %get3A_461 = arith.constant 192 : index
        %get3A_462 = tpu.vector_load %arg6[%get3A_460, %get3A_461] {strides = array<i32>} : memref<40x256xi32, #tpu.memory_space<vmem>>, vector<1x16xi32>,
        %get3A_463 = vector.shape_cast %get3A_462 : vector<1x16xi32> to vector<16xi32>
        %shift_left3A_464 = arith.constant 16 : i32
        %shift_left3A_465 = vector.broadcast %shift_left3A_464 : i32 to vector<16xi32>
        %shift_left3A_466 = arith.shli %get3A_463, %shift_left3A_465 : vector<16xi32>
        %bitcast_convert_type3A_467 = tpu.bitcast %shift_left3A_466 : vector<16xi32> -> vector<16xf32>
        %and3A_468 = arith.constant -65536 : i32
        %and3A_469 = vector.broadcast %and3A_468 : i32 to vector<16xi32>
        %and3A_470 = arith.andi %get3A_463, %and3A_469 : vector<16xi32>
        %bitcast_convert_type3A_471 = tpu.bitcast %and3A_470 : vector<16xi32> -> vector<16xf32>
        %mul3A_472 = arith.constant 2 : i32
        %mul3A_473 = arith.muli %mul3A_472, %scan3A_231 : i32
        %add3A_474 = arith.constant 1 : i32
        %add3A_475 = arith.addi %mul3A_473, %add3A_474 : i32
        %get3A_476 = arith.index_cast %add3A_475 : i32 to index
        %get3A_477 = arith.constant 1 : index
        %get3A_478 = tpu.vector_load %arg8[%get3A_476, %get3A_477] {strides = array<i32>} : memref<80x128xf32, #tpu.memory_space<vmem>>, vector<1x16xf32>,
        %get3A_479 = vector.shape_cast %get3A_478 : vector<1x16xf32> to vector<16xf32>
        %mul3A_480 = arith.mulf %bitcast_convert_type3A_467, %get3A_479 : vector<16xf32>
        %mul3A_481 = arith.constant 2 : i32
        %mul3A_482 = arith.muli %mul3A_481, %scan3A_231 : i32
        %get3A_483 = arith.index_cast %mul3A_482 : i32 to index
        %get3A_484 = arith.constant 1 : index
        %get3A_485 = tpu.vector_load %arg8[%get3A_483, %get3A_484] {strides = array<i32>} : memref<80x128xf32, #tpu.memory_space<vmem>>, vector<1x16xf32>,
        %get3A_486 = vector.shape_cast %get3A_485 : vector<1x16xf32> to vector<16xf32>
        %mul3A_487 = arith.mulf %bitcast_convert_type3A_467, %get3A_486 : vector<16xf32>
        %add3A_488 = arith.addf %add3A_440, %mul3A_480 : vector<16xf32>
        %add3A_489 = arith.addf %add3A_441, %mul3A_487 : vector<16xf32>
        %mul3A_490 = arith.constant 2 : i32
        %mul3A_491 = arith.muli %mul3A_490, %scan3A_231 : i32
        %add3A_492 = arith.constant 1 : i32
        %add3A_493 = arith.addi %mul3A_491, %add3A_492 : i32
        %get3A_494 = arith.index_cast %add3A_493 : i32 to index
        %get3A_495 = arith.constant 17 : index
        %get3A_496 = tpu.vector_load %arg8[%get3A_494, %get3A_495] {strides = array<i32>} : memref<80x128xf32, #tpu.memory_space<vmem>>, vector<1x16xf32>,
        %get3A_497 = vector.shape_cast %get3A_496 : vector<1x16xf32> to vector<16xf32>
        %mul3A_498 = arith.mulf %bitcast_convert_type3A_471, %get3A_497 : vector<16xf32>
        %mul3A_499 = arith.constant 2 : i32
        %mul3A_500 = arith.muli %mul3A_499, %scan3A_231 : i32
        %get3A_501 = arith.index_cast %mul3A_500 : i32 to index
        %get3A_502 = arith.constant 17 : index
        %get3A_503 = tpu.vector_load %arg8[%get3A_501, %get3A_502] {strides = array<i32>} : memref<80x128xf32, #tpu.memory_space<vmem>>, vector<1x16xf32>,
        %get3A_504 = vector.shape_cast %get3A_503 : vector<1x16xf32> to vector<16xf32>
        %mul3A_505 = arith.mulf %bitcast_convert_type3A_471, %get3A_504 : vector<16xf32>
        %add3A_506 = arith.addf %add3A_458, %mul3A_498 : vector<16xf32>
        %add3A_507 = arith.addf %add3A_459, %mul3A_505 : vector<16xf32>
        %mul3A_508 = arith.constant 2 : i32
        %mul3A_509 = arith.muli %mul3A_508, %scan3A_231 : i32
        %swap3A = arith.index_cast %mul3A_509 : i32 to index
        %swap3A_510 = arith.constant 0 : index
        %swap3A_511 = tpu.vector_load %arg9[%swap3A, %swap3A_510] {strides = array<i32>} : memref<80x128xf32, #tpu.memory_space<vmem>>, vector<1x16xf32>,
        %swap3A_512 = vector.shape_cast %swap3A_511 : vector<1x16xf32> to vector<16xf32>
        %swap3A_513 = vector.shape_cast %add3A_488 : vector<16xf32> to vector<1x16xf32>
        tpu.vector_store %arg9[%swap3A, %swap3A_510], %swap3A_513 {strides = array<i32>} : memref<80x128xf32, #tpu.memory_space<vmem>>, vector<1x16xf32>,
        %mul3A_514 = arith.constant 2 : i32
        %mul3A_515 = arith.muli %mul3A_514, %scan3A_231 : i32
        %add3A_516 = arith.constant 1 : i32
        %add3A_517 = arith.addi %mul3A_515, %add3A_516 : i32
        %swap3A_518 = arith.index_cast %add3A_517 : i32 to index
        %swap3A_519 = arith.constant 0 : index
        %swap3A_520 = tpu.vector_load %arg9[%swap3A_518, %swap3A_519] {strides = array<i32>} : memref<80x128xf32, #tpu.memory_space<vmem>>, vector<1x16xf32>,
        %swap3A_521 = vector.shape_cast %swap3A_520 : vector<1x16xf32> to vector<16xf32>
        %swap3A_522 = vector.shape_cast %add3A_489 : vector<16xf32> to vector<1x16xf32>
        tpu.vector_store %arg9[%swap3A_518, %swap3A_519], %swap3A_522 {strides = array<i32>} : memref<80x128xf32, #tpu.memory_space<vmem>>, vector<1x16xf32>,
        %mul3A_523 = arith.constant 2 : i32
        %mul3A_524 = arith.muli %mul3A_523, %scan3A_231 : i32
        %swap3A_525 = arith.index_cast %mul3A_524 : i32 to index
        %swap3A_526 = arith.constant 16 : index
        %swap3A_527 = tpu.vector_load %arg9[%swap3A_525, %swap3A_526] {strides = array<i32>} : memref<80x128xf32, #tpu.memory_space<vmem>>, vector<1x16xf32>,
        %swap3A_528 = vector.shape_cast %swap3A_527 : vector<1x16xf32> to vector<16xf32>
        %swap3A_529 = vector.shape_cast %add3A_506 : vector<16xf32> to vector<1x16xf32>
        tpu.vector_store %arg9[%swap3A_525, %swap3A_526], %swap3A_529 {strides = array<i32>} : memref<80x128xf32, #tpu.memory_space<vmem>>, vector<1x16xf32>,
        %mul3A_530 = arith.constant 2 : i32
        %mul3A_531 = arith.muli %mul3A_530, %scan3A_231 : i32
        %add3A_532 = arith.constant 1 : i32
        %add3A_533 = arith.addi %mul3A_531, %add3A_532 : i32
        %swap3A_534 = arith.index_cast %add3A_533 : i32 to index
        %swap3A_535 = arith.constant 16 : index
        %swap3A_536 = tpu.vector_load %arg9[%swap3A_534, %swap3A_535] {strides = array<i32>} : memref<80x128xf32, #tpu.memory_space<vmem>>, vector<1x16xf32>,
        %swap3A_537 = vector.shape_cast %swap3A_536 : vector<1x16xf32> to vector<16xf32>
        %swap3A_538 = vector.shape_cast %add3A_507 : vector<16xf32> to vector<1x16xf32>
        tpu.vector_store %arg9[%swap3A_534, %swap3A_535], %swap3A_538 {strides = array<i32>} : memref<80x128xf32, #tpu.memory_space<vmem>>, vector<1x16xf32>,
        %get3A_539 = arith.index_cast %scan3A_231 : i32 to index
        %get3A_540 = arith.constant 16 : index
        %get3A_541 = tpu.vector_load %arg6[%get3A_539, %get3A_540] {strides = array<i32>} : memref<40x256xi32, #tpu.memory_space<vmem>>, vector<1x16xi32>,
        %get3A_542 = vector.shape_cast %get3A_541 : vector<1x16xi32> to vector<16xi32>
        %shift_left3A_543 = arith.constant 16 : i32
        %shift_left3A_544 = vector.broadcast %shift_left3A_543 : i32 to vector<16xi32>
        %shift_left3A_545 = arith.shli %get3A_542, %shift_left3A_544 : vector<16xi32>
        %bitcast_convert_type3A_546 = tpu.bitcast %shift_left3A_545 : vector<16xi32> -> vector<16xf32>
        %and3A_547 = arith.constant -65536 : i32
        %and3A_548 = vector.broadcast %and3A_547 : i32 to vector<16xi32>
        %and3A_549 = arith.andi %get3A_542, %and3A_548 : vector<16xi32>
        %bitcast_convert_type3A_550 = tpu.bitcast %and3A_549 : vector<16xi32> -> vector<16xf32>
        %mul3A_551 = arith.constant 2 : i32
        %mul3A_552 = arith.muli %mul3A_551, %scan3A_231 : i32
        %add3A_553 = arith.constant 1 : i32
        %add3A_554 = arith.addi %mul3A_552, %add3A_553 : i32
        %get3A_555 = arith.index_cast %add3A_554 : i32 to index
        %get3A_556 = arith.constant 30 : index
        %get3A_557 = tpu.vector_load %arg8[%get3A_555, %get3A_556] {strides = array<i32>} : memref<80x128xf32, #tpu.memory_space<vmem>>, vector<1x16xf32>,
        %get3A_558 = vector.shape_cast %get3A_557 : vector<1x16xf32> to vector<16xf32>
        %mul3A_559 = arith.mulf %bitcast_convert_type3A_546, %get3A_558 : vector<16xf32>
        %mul3A_560 = arith.constant 2 : i32
        %mul3A_561 = arith.muli %mul3A_560, %scan3A_231 : i32
        %get3A_562 = arith.index_cast %mul3A_561 : i32 to index
        %get3A_563 = arith.constant 30 : index
        %get3A_564 = tpu.vector_load %arg8[%get3A_562, %get3A_563] {strides = array<i32>} : memref<80x128xf32, #tpu.memory_space<vmem>>, vector<1x16xf32>,
        %get3A_565 = vector.shape_cast %get3A_564 : vector<1x16xf32> to vector<16xf32>
        %mul3A_566 = arith.mulf %bitcast_convert_type3A_546, %get3A_565 : vector<16xf32>
        %mul3A_567 = arith.constant 2 : i32
        %mul3A_568 = arith.muli %mul3A_567, %scan3A_231 : i32
        %add3A_569 = arith.constant 1 : i32
        %add3A_570 = arith.addi %mul3A_568, %add3A_569 : i32
        %get3A_571 = arith.index_cast %add3A_570 : i32 to index
        %get3A_572 = arith.constant 46 : index
        %get3A_573 = tpu.vector_load %arg8[%get3A_571, %get3A_572] {strides = array<i32>} : memref<80x128xf32, #tpu.memory_space<vmem>>, vector<1x16xf32>,
        %get3A_574 = vector.shape_cast %get3A_573 : vector<1x16xf32> to vector<16xf32>
        %mul3A_575 = arith.mulf %bitcast_convert_type3A_550, %get3A_574 : vector<16xf32>
        %mul3A_576 = arith.constant 2 : i32
        %mul3A_577 = arith.muli %mul3A_576, %scan3A_231 : i32
        %get3A_578 = arith.index_cast %mul3A_577 : i32 to index
        %get3A_579 = arith.constant 46 : index
        %get3A_580 = tpu.vector_load %arg8[%get3A_578, %get3A_579] {strides = array<i32>} : memref<80x128xf32, #tpu.memory_space<vmem>>, vector<1x16xf32>,
        %get3A_581 = vector.shape_cast %get3A_580 : vector<1x16xf32> to vector<16xf32>
        %mul3A_582 = arith.mulf %bitcast_convert_type3A_550, %get3A_581 : vector<16xf32>
        %get3A_583 = arith.index_cast %scan3A_231 : i32 to index
        %get3A_584 = arith.constant 80 : index
        %get3A_585 = tpu.vector_load %arg6[%get3A_583, %get3A_584] {strides = array<i32>} : memref<40x256xi32, #tpu.memory_space<vmem>>, vector<1x16xi32>,
        %get3A_586 = vector.shape_cast %get3A_585 : vector<1x16xi32> to vector<16xi32>
        %shift_left3A_587 = arith.constant 16 : i32
        %shift_left3A_588 = vector.broadcast %shift_left3A_587 : i32 to vector<16xi32>
        %shift_left3A_589 = arith.shli %get3A_586, %shift_left3A_588 : vector<16xi32>
        %bitcast_convert_type3A_590 = tpu.bitcast %shift_left3A_589 : vector<16xi32> -> vector<16xf32>
        %and3A_591 = arith.constant -65536 : i32
        %and3A_592 = vector.broadcast %and3A_591 : i32 to vector<16xi32>
        %and3A_593 = arith.andi %get3A_586, %and3A_592 : vector<16xi32>
        %bitcast_convert_type3A_594 = tpu.bitcast %and3A_593 : vector<16xi32> -> vector<16xf32>
        %mul3A_595 = arith.constant 2 : i32
        %mul3A_596 = arith.muli %mul3A_595, %scan3A_231 : i32
        %add3A_597 = arith.constant 1 : i32
        %add3A_598 = arith.addi %mul3A_596, %add3A_597 : i32
        %get3A_599 = arith.index_cast %add3A_598 : i32 to index
        %get3A_600 = arith.constant 31 : index
        %get3A_601 = tpu.vector_load %arg8[%get3A_599, %get3A_600] {strides = array<i32>} : memref<80x128xf32, #tpu.memory_space<vmem>>, vector<1x16xf32>,
        %get3A_602 = vector.shape_cast %get3A_601 : vector<1x16xf32> to vector<16xf32>
        %mul3A_603 = arith.mulf %bitcast_convert_type3A_590, %get3A_602 : vector<16xf32>
        %mul3A_604 = arith.constant 2 : i32
        %mul3A_605 = arith.muli %mul3A_604, %scan3A_231 : i32
        %get3A_606 = arith.index_cast %mul3A_605 : i32 to index
        %get3A_607 = arith.constant 31 : index
        %get3A_608 = tpu.vector_load %arg8[%get3A_606, %get3A_607] {strides = array<i32>} : memref<80x128xf32, #tpu.memory_space<vmem>>, vector<1x16xf32>,
        %get3A_609 = vector.shape_cast %get3A_608 : vector<1x16xf32> to vector<16xf32>
        %mul3A_610 = arith.mulf %bitcast_convert_type3A_590, %get3A_609 : vector<16xf32>
        %add3A_611 = arith.addf %mul3A_559, %mul3A_603 : vector<16xf32>
        %add3A_612 = arith.addf %mul3A_566, %mul3A_610 : vector<16xf32>
        %mul3A_613 = arith.constant 2 : i32
        %mul3A_614 = arith.muli %mul3A_613, %scan3A_231 : i32
        %add3A_615 = arith.constant 1 : i32
        %add3A_616 = arith.addi %mul3A_614, %add3A_615 : i32
        %get3A_617 = arith.index_cast %add3A_616 : i32 to index
        %get3A_618 = arith.constant 47 : index
        %get3A_619 = tpu.vector_load %arg8[%get3A_617, %get3A_618] {strides = array<i32>} : memref<80x128xf32, #tpu.memory_space<vmem>>, vector<1x16xf32>,
        %get3A_620 = vector.shape_cast %get3A_619 : vector<1x16xf32> to vector<16xf32>
        %mul3A_621 = arith.mulf %bitcast_convert_type3A_594, %get3A_620 : vector<16xf32>
        %mul3A_622 = arith.constant 2 : i32
        %mul3A_623 = arith.muli %mul3A_622, %scan3A_231 : i32
        %get3A_624 = arith.index_cast %mul3A_623 : i32 to index
        %get3A_625 = arith.constant 47 : index
        %get3A_626 = tpu.vector_load %arg8[%get3A_624, %get3A_625] {strides = array<i32>} : memref<80x128xf32, #tpu.memory_space<vmem>>, vector<1x16xf32>,
        %get3A_627 = vector.shape_cast %get3A_626 : vector<1x16xf32> to vector<16xf32>
        %mul3A_628 = arith.mulf %bitcast_convert_type3A_594, %get3A_627 : vector<16xf32>
        %add3A_629 = arith.addf %mul3A_575, %mul3A_621 : vector<16xf32>
        %add3A_630 = arith.addf %mul3A_582, %mul3A_628 : vector<16xf32>
        %get3A_631 = arith.index_cast %scan3A_231 : i32 to index
        %get3A_632 = arith.constant 144 : index
        %get3A_633 = tpu.vector_load %arg6[%get3A_631, %get3A_632] {strides = array<i32>} : memref<40x256xi32, #tpu.memory_space<vmem>>, vector<1x16xi32>,
        %get3A_634 = vector.shape_cast %get3A_633 : vector<1x16xi32> to vector<16xi32>
        %shift_left3A_635 = arith.constant 16 : i32
        %shift_left3A_636 = vector.broadcast %shift_left3A_635 : i32 to vector<16xi32>
        %shift_left3A_637 = arith.shli %get3A_634, %shift_left3A_636 : vector<16xi32>
        %bitcast_convert_type3A_638 = tpu.bitcast %shift_left3A_637 : vector<16xi32> -> vector<16xf32>
        %and3A_639 = arith.constant -65536 : i32
        %and3A_640 = vector.broadcast %and3A_639 : i32 to vector<16xi32>
        %and3A_641 = arith.andi %get3A_634, %and3A_640 : vector<16xi32>
        %bitcast_convert_type3A_642 = tpu.bitcast %and3A_641 : vector<16xi32> -> vector<16xf32>
        %mul3A_643 = arith.constant 2 : i32
        %mul3A_644 = arith.muli %mul3A_643, %scan3A_231 : i32
        %add3A_645 = arith.constant 1 : i32
        %add3A_646 = arith.addi %mul3A_644, %add3A_645 : i32
        %get3A_647 = arith.index_cast %add3A_646 : i32 to index
        %get3A_648 = arith.constant 32 : index
        %get3A_649 = tpu.vector_load %arg8[%get3A_647, %get3A_648] {strides = array<i32>} : memref<80x128xf32, #tpu.memory_space<vmem>>, vector<1x16xf32>,
        %get3A_650 = vector.shape_cast %get3A_649 : vector<1x16xf32> to vector<16xf32>
        %mul3A_651 = arith.mulf %bitcast_convert_type3A_638, %get3A_650 : vector<16xf32>
        %mul3A_652 = arith.constant 2 : i32
        %mul3A_653 = arith.muli %mul3A_652, %scan3A_231 : i32
        %get3A_654 = arith.index_cast %mul3A_653 : i32 to index
        %get3A_655 = arith.constant 32 : index
        %get3A_656 = tpu.vector_load %arg8[%get3A_654, %get3A_655] {strides = array<i32>} : memref<80x128xf32, #tpu.memory_space<vmem>>, vector<1x16xf32>,
        %get3A_657 = vector.shape_cast %get3A_656 : vector<1x16xf32> to vector<16xf32>
        %mul3A_658 = arith.mulf %bitcast_convert_type3A_638, %get3A_657 : vector<16xf32>
        %add3A_659 = arith.addf %add3A_611, %mul3A_651 : vector<16xf32>
        %add3A_660 = arith.addf %add3A_612, %mul3A_658 : vector<16xf32>
        %mul3A_661 = arith.constant 2 : i32
        %mul3A_662 = arith.muli %mul3A_661, %scan3A_231 : i32
        %add3A_663 = arith.constant 1 : i32
        %add3A_664 = arith.addi %mul3A_662, %add3A_663 : i32
        %get3A_665 = arith.index_cast %add3A_664 : i32 to index
        %get3A_666 = arith.constant 48 : index
        %get3A_667 = tpu.vector_load %arg8[%get3A_665, %get3A_666] {strides = array<i32>} : memref<80x128xf32, #tpu.memory_space<vmem>>, vector<1x16xf32>,
        %get3A_668 = vector.shape_cast %get3A_667 : vector<1x16xf32> to vector<16xf32>
        %mul3A_669 = arith.mulf %bitcast_convert_type3A_642, %get3A_668 : vector<16xf32>
        %mul3A_670 = arith.constant 2 : i32
        %mul3A_671 = arith.muli %mul3A_670, %scan3A_231 : i32
        %get3A_672 = arith.index_cast %mul3A_671 : i32 to index
        %get3A_673 = arith.constant 48 : index
        %get3A_674 = tpu.vector_load %arg8[%get3A_672, %get3A_673] {strides = array<i32>} : memref<80x128xf32, #tpu.memory_space<vmem>>, vector<1x16xf32>,
        %get3A_675 = vector.shape_cast %get3A_674 : vector<1x16xf32> to vector<16xf32>
        %mul3A_676 = arith.mulf %bitcast_convert_type3A_642, %get3A_675 : vector<16xf32>
        %add3A_677 = arith.addf %add3A_629, %mul3A_669 : vector<16xf32>
        %add3A_678 = arith.addf %add3A_630, %mul3A_676 : vector<16xf32>
        %get3A_679 = arith.index_cast %scan3A_231 : i32 to index
        %get3A_680 = arith.constant 208 : index
        %get3A_681 = tpu.vector_load %arg6[%get3A_679, %get3A_680] {strides = array<i32>} : memref<40x256xi32, #tpu.memory_space<vmem>>, vector<1x16xi32>,
        %get3A_682 = vector.shape_cast %get3A_681 : vector<1x16xi32> to vector<16xi32>
        %shift_left3A_683 = arith.constant 16 : i32
        %shift_left3A_684 = vector.broadcast %shift_left3A_683 : i32 to vector<16xi32>
        %shift_left3A_685 = arith.shli %get3A_682, %shift_left3A_684 : vector<16xi32>
        %bitcast_convert_type3A_686 = tpu.bitcast %shift_left3A_685 : vector<16xi32> -> vector<16xf32>
        %and3A_687 = arith.constant -65536 : i32
        %and3A_688 = vector.broadcast %and3A_687 : i32 to vector<16xi32>
        %and3A_689 = arith.andi %get3A_682, %and3A_688 : vector<16xi32>
        %bitcast_convert_type3A_690 = tpu.bitcast %and3A_689 : vector<16xi32> -> vector<16xf32>
        %mul3A_691 = arith.constant 2 : i32
        %mul3A_692 = arith.muli %mul3A_691, %scan3A_231 : i32
        %add3A_693 = arith.constant 1 : i32
        %add3A_694 = arith.addi %mul3A_692, %add3A_693 : i32
        %get3A_695 = arith.index_cast %add3A_694 : i32 to index
        %get3A_696 = arith.constant 33 : index
        %get3A_697 = tpu.vector_load %arg8[%get3A_695, %get3A_696] {strides = array<i32>} : memref<80x128xf32, #tpu.memory_space<vmem>>, vector<1x16xf32>,
        %get3A_698 = vector.shape_cast %get3A_697 : vector<1x16xf32> to vector<16xf32>
        %mul3A_699 = arith.mulf %bitcast_convert_type3A_686, %get3A_698 : vector<16xf32>
        %mul3A_700 = arith.constant 2 : i32
        %mul3A_701 = arith.muli %mul3A_700, %scan3A_231 : i32
        %get3A_702 = arith.index_cast %mul3A_701 : i32 to index
        %get3A_703 = arith.constant 33 : index
        %get3A_704 = tpu.vector_load %arg8[%get3A_702, %get3A_703] {strides = array<i32>} : memref<80x128xf32, #tpu.memory_space<vmem>>, vector<1x16xf32>,
        %get3A_705 = vector.shape_cast %get3A_704 : vector<1x16xf32> to vector<16xf32>
        %mul3A_706 = arith.mulf %bitcast_convert_type3A_686, %get3A_705 : vector<16xf32>
        %add3A_707 = arith.addf %add3A_659, %mul3A_699 : vector<16xf32>
        %add3A_708 = arith.addf %add3A_660, %mul3A_706 : vector<16xf32>
        %mul3A_709 = arith.constant 2 : i32
        %mul3A_710 = arith.muli %mul3A_709, %scan3A_231 : i32
        %add3A_711 = arith.constant 1 : i32
        %add3A_712 = arith.addi %mul3A_710, %add3A_711 : i32
        %get3A_713 = arith.index_cast %add3A_712 : i32 to index
        %get3A_714 = arith.constant 49 : index
        %get3A_715 = tpu.vector_load %arg8[%get3A_713, %get3A_714] {strides = array<i32>} : memref<80x128xf32, #tpu.memory_space<vmem>>, vector<1x16xf32>,
        %get3A_716 = vector.shape_cast %get3A_715 : vector<1x16xf32> to vector<16xf32>
        %mul3A_717 = arith.mulf %bitcast_convert_type3A_690, %get3A_716 : vector<16xf32>
        %mul3A_718 = arith.constant 2 : i32
        %mul3A_719 = arith.muli %mul3A_718, %scan3A_231 : i32
        %get3A_720 = arith.index_cast %mul3A_719 : i32 to index
        %get3A_721 = arith.constant 49 : index
        %get3A_722 = tpu.vector_load %arg8[%get3A_720, %get3A_721] {strides = array<i32>} : memref<80x128xf32, #tpu.memory_space<vmem>>, vector<1x16xf32>,
        %get3A_723 = vector.shape_cast %get3A_722 : vector<1x16xf32> to vector<16xf32>
        %mul3A_724 = arith.mulf %bitcast_convert_type3A_690, %get3A_723 : vector<16xf32>
        %add3A_725 = arith.addf %add3A_677, %mul3A_717 : vector<16xf32>
        %add3A_726 = arith.addf %add3A_678, %mul3A_724 : vector<16xf32>
        %mul3A_727 = arith.constant 2 : i32
        %mul3A_728 = arith.muli %mul3A_727, %scan3A_231 : i32
        %swap3A_729 = arith.index_cast %mul3A_728 : i32 to index
        %swap3A_730 = arith.constant 32 : index
        %swap3A_731 = tpu.vector_load %arg9[%swap3A_729, %swap3A_730] {strides = array<i32>} : memref<80x128xf32, #tpu.memory_space<vmem>>, vector<1x16xf32>,
        %swap3A_732 = vector.shape_cast %swap3A_731 : vector<1x16xf32> to vector<16xf32>
        %swap3A_733 = vector.shape_cast %add3A_707 : vector<16xf32> to vector<1x16xf32>
        tpu.vector_store %arg9[%swap3A_729, %swap3A_730], %swap3A_733 {strides = array<i32>} : memref<80x128xf32, #tpu.memory_space<vmem>>, vector<1x16xf32>,
        %mul3A_734 = arith.constant 2 : i32
        %mul3A_735 = arith.muli %mul3A_734, %scan3A_231 : i32
        %add3A_736 = arith.constant 1 : i32
        %add3A_737 = arith.addi %mul3A_735, %add3A_736 : i32
        %swap3A_738 = arith.index_cast %add3A_737 : i32 to index
        %swap3A_739 = arith.constant 32 : index
        %swap3A_740 = tpu.vector_load %arg9[%swap3A_738, %swap3A_739] {strides = array<i32>} : memref<80x128xf32, #tpu.memory_space<vmem>>, vector<1x16xf32>,
        %swap3A_741 = vector.shape_cast %swap3A_740 : vector<1x16xf32> to vector<16xf32>
        %swap3A_742 = vector.shape_cast %add3A_708 : vector<16xf32> to vector<1x16xf32>
        tpu.vector_store %arg9[%swap3A_738, %swap3A_739], %swap3A_742 {strides = array<i32>} : memref<80x128xf32, #tpu.memory_space<vmem>>, vector<1x16xf32>,
        %mul3A_743 = arith.constant 2 : i32
        %mul3A_744 = arith.muli %mul3A_743, %scan3A_231 : i32
        %swap3A_745 = arith.index_cast %mul3A_744 : i32 to index
        %swap3A_746 = arith.constant 48 : index
        %swap3A_747 = tpu.vector_load %arg9[%swap3A_745, %swap3A_746] {strides = array<i32>} : memref<80x128xf32, #tpu.memory_space<vmem>>, vector<1x16xf32>,
        %swap3A_748 = vector.shape_cast %swap3A_747 : vector<1x16xf32> to vector<16xf32>
        %swap3A_749 = vector.shape_cast %add3A_725 : vector<16xf32> to vector<1x16xf32>
        tpu.vector_store %arg9[%swap3A_745, %swap3A_746], %swap3A_749 {strides = array<i32>} : memref<80x128xf32, #tpu.memory_space<vmem>>, vector<1x16xf32>,
        %mul3A_750 = arith.constant 2 : i32
        %mul3A_751 = arith.muli %mul3A_750, %scan3A_231 : i32
        %add3A_752 = arith.constant 1 : i32
        %add3A_753 = arith.addi %mul3A_751, %add3A_752 : i32
        %swap3A_754 = arith.index_cast %add3A_753 : i32 to index
        %swap3A_755 = arith.constant 48 : index
        %swap3A_756 = tpu.vector_load %arg9[%swap3A_754, %swap3A_755] {strides = array<i32>} : memref<80x128xf32, #tpu.memory_space<vmem>>, vector<1x16xf32>,
        %swap3A_757 = vector.shape_cast %swap3A_756 : vector<1x16xf32> to vector<16xf32>
        %swap3A_758 = vector.shape_cast %add3A_726 : vector<16xf32> to vector<1x16xf32>
        tpu.vector_store %arg9[%swap3A_754, %swap3A_755], %swap3A_758 {strides = array<i32>} : memref<80x128xf32, #tpu.memory_space<vmem>>, vector<1x16xf32>,
        %get3A_759 = arith.index_cast %scan3A_231 : i32 to index
        %get3A_760 = arith.constant 32 : index
        %get3A_761 = tpu.vector_load %arg6[%get3A_759, %get3A_760] {strides = array<i32>} : memref<40x256xi32, #tpu.memory_space<vmem>>, vector<1x16xi32>,
        %get3A_762 = vector.shape_cast %get3A_761 : vector<1x16xi32> to vector<16xi32>
        %shift_left3A_763 = arith.constant 16 : i32
        %shift_left3A_764 = vector.broadcast %shift_left3A_763 : i32 to vector<16xi32>
        %shift_left3A_765 = arith.shli %get3A_762, %shift_left3A_764 : vector<16xi32>
        %bitcast_convert_type3A_766 = tpu.bitcast %shift_left3A_765 : vector<16xi32> -> vector<16xf32>
        %and3A_767 = arith.constant -65536 : i32
        %and3A_768 = vector.broadcast %and3A_767 : i32 to vector<16xi32>
        %and3A_769 = arith.andi %get3A_762, %and3A_768 : vector<16xi32>
        %bitcast_convert_type3A_770 = tpu.bitcast %and3A_769 : vector<16xi32> -> vector<16xf32>
        %mul3A_771 = arith.constant 2 : i32
        %mul3A_772 = arith.muli %mul3A_771, %scan3A_231 : i32
        %add3A_773 = arith.constant 1 : i32
        %add3A_774 = arith.addi %mul3A_772, %add3A_773 : i32
        %get3A_775 = arith.index_cast %add3A_774 : i32 to index
        %get3A_776 = arith.constant 62 : index
        %get3A_777 = tpu.vector_load %arg8[%get3A_775, %get3A_776] {strides = array<i32>} : memref<80x128xf32, #tpu.memory_space<vmem>>, vector<1x16xf32>,
        %get3A_778 = vector.shape_cast %get3A_777 : vector<1x16xf32> to vector<16xf32>
        %mul3A_779 = arith.mulf %bitcast_convert_type3A_766, %get3A_778 : vector<16xf32>
        %mul3A_780 = arith.constant 2 : i32
        %mul3A_781 = arith.muli %mul3A_780, %scan3A_231 : i32
        %get3A_782 = arith.index_cast %mul3A_781 : i32 to index
        %get3A_783 = arith.constant 62 : index
        %get3A_784 = tpu.vector_load %arg8[%get3A_782, %get3A_783] {strides = array<i32>} : memref<80x128xf32, #tpu.memory_space<vmem>>, vector<1x16xf32>,
        %get3A_785 = vector.shape_cast %get3A_784 : vector<1x16xf32> to vector<16xf32>
        %mul3A_786 = arith.mulf %bitcast_convert_type3A_766, %get3A_785 : vector<16xf32>
        %mul3A_787 = arith.constant 2 : i32
        %mul3A_788 = arith.muli %mul3A_787, %scan3A_231 : i32
        %add3A_789 = arith.constant 1 : i32
        %add3A_790 = arith.addi %mul3A_788, %add3A_789 : i32
        %get3A_791 = arith.index_cast %add3A_790 : i32 to index
        %get3A_792 = arith.constant 78 : index
        %get3A_793 = tpu.vector_load %arg8[%get3A_791, %get3A_792] {strides = array<i32>} : memref<80x128xf32, #tpu.memory_space<vmem>>, vector<1x16xf32>,
        %get3A_794 = vector.shape_cast %get3A_793 : vector<1x16xf32> to vector<16xf32>
        %mul3A_795 = arith.mulf %bitcast_convert_type3A_770, %get3A_794 : vector<16xf32>
        %mul3A_796 = arith.constant 2 : i32
        %mul3A_797 = arith.muli %mul3A_796, %scan3A_231 : i32
        %get3A_798 = arith.index_cast %mul3A_797 : i32 to index
        %get3A_799 = arith.constant 78 : index
        %get3A_800 = tpu.vector_load %arg8[%get3A_798, %get3A_799] {strides = array<i32>} : memref<80x128xf32, #tpu.memory_space<vmem>>, vector<1x16xf32>,
        %get3A_801 = vector.shape_cast %get3A_800 : vector<1x16xf32> to vector<16xf32>
        %mul3A_802 = arith.mulf %bitcast_convert_type3A_770, %get3A_801 : vector<16xf32>
        %get3A_803 = arith.index_cast %scan3A_231 : i32 to index
        %get3A_804 = arith.constant 96 : index
        %get3A_805 = tpu.vector_load %arg6[%get3A_803, %get3A_804] {strides = array<i32>} : memref<40x256xi32, #tpu.memory_space<vmem>>, vector<1x16xi32>,
        %get3A_806 = vector.shape_cast %get3A_805 : vector<1x16xi32> to vector<16xi32>
        %shift_left3A_807 = arith.constant 16 : i32
        %shift_left3A_808 = vector.broadcast %shift_left3A_807 : i32 to vector<16xi32>
        %shift_left3A_809 = arith.shli %get3A_806, %shift_left3A_808 : vector<16xi32>
        %bitcast_convert_type3A_810 = tpu.bitcast %shift_left3A_809 : vector<16xi32> -> vector<16xf32>
        %and3A_811 = arith.constant -65536 : i32
        %and3A_812 = vector.broadcast %and3A_811 : i32 to vector<16xi32>
        %and3A_813 = arith.andi %get3A_806, %and3A_812 : vector<16xi32>
        %bitcast_convert_type3A_814 = tpu.bitcast %and3A_813 : vector<16xi32> -> vector<16xf32>
        %mul3A_815 = arith.constant 2 : i32
        %mul3A_816 = arith.muli %mul3A_815, %scan3A_231 : i32
        %add3A_817 = arith.constant 1 : i32
        %add3A_818 = arith.addi %mul3A_816, %add3A_817 : i32
        %get3A_819 = arith.index_cast %add3A_818 : i32 to index
        %get3A_820 = arith.constant 63 : index
        %get3A_821 = tpu.vector_load %arg8[%get3A_819, %get3A_820] {strides = array<i32>} : memref<80x128xf32, #tpu.memory_space<vmem>>, vector<1x16xf32>,
        %get3A_822 = vector.shape_cast %get3A_821 : vector<1x16xf32> to vector<16xf32>
        %mul3A_823 = arith.mulf %bitcast_convert_type3A_810, %get3A_822 : vector<16xf32>
        %mul3A_824 = arith.constant 2 : i32
        %mul3A_825 = arith.muli %mul3A_824, %scan3A_231 : i32
        %get3A_826 = arith.index_cast %mul3A_825 : i32 to index
        %get3A_827 = arith.constant 63 : index
        %get3A_828 = tpu.vector_load %arg8[%get3A_826, %get3A_827] {strides = array<i32>} : memref<80x128xf32, #tpu.memory_space<vmem>>, vector<1x16xf32>,
        %get3A_829 = vector.shape_cast %get3A_828 : vector<1x16xf32> to vector<16xf32>
        %mul3A_830 = arith.mulf %bitcast_convert_type3A_810, %get3A_829 : vector<16xf32>
        %add3A_831 = arith.addf %mul3A_779, %mul3A_823 : vector<16xf32>
        %add3A_832 = arith.addf %mul3A_786, %mul3A_830 : vector<16xf32>
        %mul3A_833 = arith.constant 2 : i32
        %mul3A_834 = arith.muli %mul3A_833, %scan3A_231 : i32
        %add3A_835 = arith.constant 1 : i32
        %add3A_836 = arith.addi %mul3A_834, %add3A_835 : i32
        %get3A_837 = arith.index_cast %add3A_836 : i32 to index
        %get3A_838 = arith.constant 79 : index
        %get3A_839 = tpu.vector_load %arg8[%get3A_837, %get3A_838] {strides = array<i32>} : memref<80x128xf32, #tpu.memory_space<vmem>>, vector<1x16xf32>,
        %get3A_840 = vector.shape_cast %get3A_839 : vector<1x16xf32> to vector<16xf32>
        %mul3A_841 = arith.mulf %bitcast_convert_type3A_814, %get3A_840 : vector<16xf32>
        %mul3A_842 = arith.constant 2 : i32
        %mul3A_843 = arith.muli %mul3A_842, %scan3A_231 : i32
        %get3A_844 = arith.index_cast %mul3A_843 : i32 to index
        %get3A_845 = arith.constant 79 : index
        %get3A_846 = tpu.vector_load %arg8[%get3A_844, %get3A_845] {strides = array<i32>} : memref<80x128xf32, #tpu.memory_space<vmem>>, vector<1x16xf32>,
        %get3A_847 = vector.shape_cast %get3A_846 : vector<1x16xf32> to vector<16xf32>
        %mul3A_848 = arith.mulf %bitcast_convert_type3A_814, %get3A_847 : vector<16xf32>
        %add3A_849 = arith.addf %mul3A_795, %mul3A_841 : vector<16xf32>
        %add3A_850 = arith.addf %mul3A_802, %mul3A_848 : vector<16xf32>
        %get3A_851 = arith.index_cast %scan3A_231 : i32 to index
        %get3A_852 = arith.constant 160 : index
        %get3A_853 = tpu.vector_load %arg6[%get3A_851, %get3A_852] {strides = array<i32>} : memref<40x256xi32, #tpu.memory_space<vmem>>, vector<1x16xi32>,
        %get3A_854 = vector.shape_cast %get3A_853 : vector<1x16xi32> to vector<16xi32>
        %shift_left3A_855 = arith.constant 16 : i32
        %shift_left3A_856 = vector.broadcast %shift_left3A_855 : i32 to vector<16xi32>
        %shift_left3A_857 = arith.shli %get3A_854, %shift_left3A_856 : vector<16xi32>
        %bitcast_convert_type3A_858 = tpu.bitcast %shift_left3A_857 : vector<16xi32> -> vector<16xf32>
        %and3A_859 = arith.constant -65536 : i32
        %and3A_860 = vector.broadcast %and3A_859 : i32 to vector<16xi32>
        %and3A_861 = arith.andi %get3A_854, %and3A_860 : vector<16xi32>
        %bitcast_convert_type3A_862 = tpu.bitcast %and3A_861 : vector<16xi32> -> vector<16xf32>
        %mul3A_863 = arith.constant 2 : i32
        %mul3A_864 = arith.muli %mul3A_863, %scan3A_231 : i32
        %add3A_865 = arith.constant 1 : i32
        %add3A_866 = arith.addi %mul3A_864, %add3A_865 : i32
        %get3A_867 = arith.index_cast %add3A_866 : i32 to index
        %get3A_868 = arith.constant 64 : index
        %get3A_869 = tpu.vector_load %arg8[%get3A_867, %get3A_868] {strides = array<i32>} : memref<80x128xf32, #tpu.memory_space<vmem>>, vector<1x16xf32>,
        %get3A_870 = vector.shape_cast %get3A_869 : vector<1x16xf32> to vector<16xf32>
        %mul3A_871 = arith.mulf %bitcast_convert_type3A_858, %get3A_870 : vector<16xf32>
        %mul3A_872 = arith.constant 2 : i32
        %mul3A_873 = arith.muli %mul3A_872, %scan3A_231 : i32
        %get3A_874 = arith.index_cast %mul3A_873 : i32 to index
        %get3A_875 = arith.constant 64 : index
        %get3A_876 = tpu.vector_load %arg8[%get3A_874, %get3A_875] {strides = array<i32>} : memref<80x128xf32, #tpu.memory_space<vmem>>, vector<1x16xf32>,
        %get3A_877 = vector.shape_cast %get3A_876 : vector<1x16xf32> to vector<16xf32>
        %mul3A_878 = arith.mulf %bitcast_convert_type3A_858, %get3A_877 : vector<16xf32>
        %add3A_879 = arith.addf %add3A_831, %mul3A_871 : vector<16xf32>
        %add3A_880 = arith.addf %add3A_832, %mul3A_878 : vector<16xf32>
        %mul3A_881 = arith.constant 2 : i32
        %mul3A_882 = arith.muli %mul3A_881, %scan3A_231 : i32
        %add3A_883 = arith.constant 1 : i32
        %add3A_884 = arith.addi %mul3A_882, %add3A_883 : i32
        %get3A_885 = arith.index_cast %add3A_884 : i32 to index
        %get3A_886 = arith.constant 80 : index
        %get3A_887 = tpu.vector_load %arg8[%get3A_885, %get3A_886] {strides = array<i32>} : memref<80x128xf32, #tpu.memory_space<vmem>>, vector<1x16xf32>,
        %get3A_888 = vector.shape_cast %get3A_887 : vector<1x16xf32> to vector<16xf32>
        %mul3A_889 = arith.mulf %bitcast_convert_type3A_862, %get3A_888 : vector<16xf32>
        %mul3A_890 = arith.constant 2 : i32
        %mul3A_891 = arith.muli %mul3A_890, %scan3A_231 : i32
        %get3A_892 = arith.index_cast %mul3A_891 : i32 to index
        %get3A_893 = arith.constant 80 : index
        %get3A_894 = tpu.vector_load %arg8[%get3A_892, %get3A_893] {strides = array<i32>} : memref<80x128xf32, #tpu.memory_space<vmem>>, vector<1x16xf32>,
        %get3A_895 = vector.shape_cast %get3A_894 : vector<1x16xf32> to vector<16xf32>
        %mul3A_896 = arith.mulf %bitcast_convert_type3A_862, %get3A_895 : vector<16xf32>
        %add3A_897 = arith.addf %add3A_849, %mul3A_889 : vector<16xf32>
        %add3A_898 = arith.addf %add3A_850, %mul3A_896 : vector<16xf32>
        %get3A_899 = arith.index_cast %scan3A_231 : i32 to index
        %get3A_900 = arith.constant 224 : index
        %get3A_901 = tpu.vector_load %arg6[%get3A_899, %get3A_900] {strides = array<i32>} : memref<40x256xi32, #tpu.memory_space<vmem>>, vector<1x16xi32>,
        %get3A_902 = vector.shape_cast %get3A_901 : vector<1x16xi32> to vector<16xi32>
        %shift_left3A_903 = arith.constant 16 : i32
        %shift_left3A_904 = vector.broadcast %shift_left3A_903 : i32 to vector<16xi32>
        %shift_left3A_905 = arith.shli %get3A_902, %shift_left3A_904 : vector<16xi32>
        %bitcast_convert_type3A_906 = tpu.bitcast %shift_left3A_905 : vector<16xi32> -> vector<16xf32>
        %and3A_907 = arith.constant -65536 : i32
        %and3A_908 = vector.broadcast %and3A_907 : i32 to vector<16xi32>
        %and3A_909 = arith.andi %get3A_902, %and3A_908 : vector<16xi32>
        %bitcast_convert_type3A_910 = tpu.bitcast %and3A_909 : vector<16xi32> -> vector<16xf32>
        %mul3A_911 = arith.constant 2 : i32
        %mul3A_912 = arith.muli %mul3A_911, %scan3A_231 : i32
        %add3A_913 = arith.constant 1 : i32
        %add3A_914 = arith.addi %mul3A_912, %add3A_913 : i32
        %get3A_915 = arith.index_cast %add3A_914 : i32 to index
        %get3A_916 = arith.constant 65 : index
        %get3A_917 = tpu.vector_load %arg8[%get3A_915, %get3A_916] {strides = array<i32>} : memref<80x128xf32, #tpu.memory_space<vmem>>, vector<1x16xf32>,
        %get3A_918 = vector.shape_cast %get3A_917 : vector<1x16xf32> to vector<16xf32>
        %mul3A_919 = arith.mulf %bitcast_convert_type3A_906, %get3A_918 : vector<16xf32>
        %mul3A_920 = arith.constant 2 : i32
        %mul3A_921 = arith.muli %mul3A_920, %scan3A_231 : i32
        %get3A_922 = arith.index_cast %mul3A_921 : i32 to index
        %get3A_923 = arith.constant 65 : index
        %get3A_924 = tpu.vector_load %arg8[%get3A_922, %get3A_923] {strides = array<i32>} : memref<80x128xf32, #tpu.memory_space<vmem>>, vector<1x16xf32>,
        %get3A_925 = vector.shape_cast %get3A_924 : vector<1x16xf32> to vector<16xf32>
        %mul3A_926 = arith.mulf %bitcast_convert_type3A_906, %get3A_925 : vector<16xf32>
        %add3A_927 = arith.addf %add3A_879, %mul3A_919 : vector<16xf32>
        %add3A_928 = arith.addf %add3A_880, %mul3A_926 : vector<16xf32>
        %mul3A_929 = arith.constant 2 : i32
        %mul3A_930 = arith.muli %mul3A_929, %scan3A_231 : i32
        %add3A_931 = arith.constant 1 : i32
        %add3A_932 = arith.addi %mul3A_930, %add3A_931 : i32
        %get3A_933 = arith.index_cast %add3A_932 : i32 to index
        %get3A_934 = arith.constant 81 : index
        %get3A_935 = tpu.vector_load %arg8[%get3A_933, %get3A_934] {strides = array<i32>} : memref<80x128xf32, #tpu.memory_space<vmem>>, vector<1x16xf32>,
        %get3A_936 = vector.shape_cast %get3A_935 : vector<1x16xf32> to vector<16xf32>
        %mul3A_937 = arith.mulf %bitcast_convert_type3A_910, %get3A_936 : vector<16xf32>
        %mul3A_938 = arith.constant 2 : i32
        %mul3A_939 = arith.muli %mul3A_938, %scan3A_231 : i32
        %get3A_940 = arith.index_cast %mul3A_939 : i32 to index
        %get3A_941 = arith.constant 81 : index
        %get3A_942 = tpu.vector_load %arg8[%get3A_940, %get3A_941] {strides = array<i32>} : memref<80x128xf32, #tpu.memory_space<vmem>>, vector<1x16xf32>,
        %get3A_943 = vector.shape_cast %get3A_942 : vector<1x16xf32> to vector<16xf32>
        %mul3A_944 = arith.mulf %bitcast_convert_type3A_910, %get3A_943 : vector<16xf32>
        %add3A_945 = arith.addf %add3A_897, %mul3A_937 : vector<16xf32>
        %add3A_946 = arith.addf %add3A_898, %mul3A_944 : vector<16xf32>
        %mul3A_947 = arith.constant 2 : i32
        %mul3A_948 = arith.muli %mul3A_947, %scan3A_231 : i32
        %swap3A_949 = arith.index_cast %mul3A_948 : i32 to index
        %swap3A_950 = arith.constant 64 : index
        %swap3A_951 = tpu.vector_load %arg9[%swap3A_949, %swap3A_950] {strides = array<i32>} : memref<80x128xf32, #tpu.memory_space<vmem>>, vector<1x16xf32>,
        %swap3A_952 = vector.shape_cast %swap3A_951 : vector<1x16xf32> to vector<16xf32>
        %swap3A_953 = vector.shape_cast %add3A_927 : vector<16xf32> to vector<1x16xf32>
        tpu.vector_store %arg9[%swap3A_949, %swap3A_950], %swap3A_953 {strides = array<i32>} : memref<80x128xf32, #tpu.memory_space<vmem>>, vector<1x16xf32>,
        %mul3A_954 = arith.constant 2 : i32
        %mul3A_955 = arith.muli %mul3A_954, %scan3A_231 : i32
        %add3A_956 = arith.constant 1 : i32
        %add3A_957 = arith.addi %mul3A_955, %add3A_956 : i32
        %swap3A_958 = arith.index_cast %add3A_957 : i32 to index
        %swap3A_959 = arith.constant 64 : index
        %swap3A_960 = tpu.vector_load %arg9[%swap3A_958, %swap3A_959] {strides = array<i32>} : memref<80x128xf32, #tpu.memory_space<vmem>>, vector<1x16xf32>,
        %swap3A_961 = vector.shape_cast %swap3A_960 : vector<1x16xf32> to vector<16xf32>
        %swap3A_962 = vector.shape_cast %add3A_928 : vector<16xf32> to vector<1x16xf32>
        tpu.vector_store %arg9[%swap3A_958, %swap3A_959], %swap3A_962 {strides = array<i32>} : memref<80x128xf32, #tpu.memory_space<vmem>>, vector<1x16xf32>,
        %mul3A_963 = arith.constant 2 : i32
        %mul3A_964 = arith.muli %mul3A_963, %scan3A_231 : i32
        %swap3A_965 = arith.index_cast %mul3A_964 : i32 to index
        %swap3A_966 = arith.constant 80 : index
        %swap3A_967 = tpu.vector_load %arg9[%swap3A_965, %swap3A_966] {strides = array<i32>} : memref<80x128xf32, #tpu.memory_space<vmem>>, vector<1x16xf32>,
        %swap3A_968 = vector.shape_cast %swap3A_967 : vector<1x16xf32> to vector<16xf32>
        %swap3A_969 = vector.shape_cast %add3A_945 : vector<16xf32> to vector<1x16xf32>
        tpu.vector_store %arg9[%swap3A_965, %swap3A_966], %swap3A_969 {strides = array<i32>} : memref<80x128xf32, #tpu.memory_space<vmem>>, vector<1x16xf32>,
        %mul3A_970 = arith.constant 2 : i32
        %mul3A_971 = arith.muli %mul3A_970, %scan3A_231 : i32
        %add3A_972 = arith.constant 1 : i32
        %add3A_973 = arith.addi %mul3A_971, %add3A_972 : i32
        %swap3A_974 = arith.index_cast %add3A_973 : i32 to index
        %swap3A_975 = arith.constant 80 : index
        %swap3A_976 = tpu.vector_load %arg9[%swap3A_974, %swap3A_975] {strides = array<i32>} : memref<80x128xf32, #tpu.memory_space<vmem>>, vector<1x16xf32>,
        %swap3A_977 = vector.shape_cast %swap3A_976 : vector<1x16xf32> to vector<16xf32>
        %swap3A_978 = vector.shape_cast %add3A_946 : vector<16xf32> to vector<1x16xf32>
        tpu.vector_store %arg9[%swap3A_974, %swap3A_975], %swap3A_978 {strides = array<i32>} : memref<80x128xf32, #tpu.memory_space<vmem>>, vector<1x16xf32>,
        %get3A_979 = arith.index_cast %scan3A_231 : i32 to index
        %get3A_980 = arith.constant 48 : index
        %get3A_981 = tpu.vector_load %arg6[%get3A_979, %get3A_980] {strides = array<i32>} : memref<40x256xi32, #tpu.memory_space<vmem>>, vector<1x16xi32>,
        %get3A_982 = vector.shape_cast %get3A_981 : vector<1x16xi32> to vector<16xi32>
        %shift_left3A_983 = arith.constant 16 : i32
        %shift_left3A_984 = vector.broadcast %shift_left3A_983 : i32 to vector<16xi32>
        %shift_left3A_985 = arith.shli %get3A_982, %shift_left3A_984 : vector<16xi32>
        %bitcast_convert_type3A_986 = tpu.bitcast %shift_left3A_985 : vector<16xi32> -> vector<16xf32>
        %and3A_987 = arith.constant -65536 : i32
        %and3A_988 = vector.broadcast %and3A_987 : i32 to vector<16xi32>
        %and3A_989 = arith.andi %get3A_982, %and3A_988 : vector<16xi32>
        %bitcast_convert_type3A_990 = tpu.bitcast %and3A_989 : vector<16xi32> -> vector<16xf32>
        %mul3A_991 = arith.constant 2 : i32
        %mul3A_992 = arith.muli %mul3A_991, %scan3A_231 : i32
        %add3A_993 = arith.constant 1 : i32
        %add3A_994 = arith.addi %mul3A_992, %add3A_993 : i32
        %get3A_995 = arith.index_cast %add3A_994 : i32 to index
        %get3A_996 = arith.constant 94 : index
        %get3A_997 = tpu.vector_load %arg8[%get3A_995, %get3A_996] {strides = array<i32>} : memref<80x128xf32, #tpu.memory_space<vmem>>, vector<1x16xf32>,
        %get3A_998 = vector.shape_cast %get3A_997 : vector<1x16xf32> to vector<16xf32>
        %mul3A_999 = arith.mulf %bitcast_convert_type3A_986, %get3A_998 : vector<16xf32>
        %mul3A_1000 = arith.constant 2 : i32
        %mul3A_1001 = arith.muli %mul3A_1000, %scan3A_231 : i32
        %get3A_1002 = arith.index_cast %mul3A_1001 : i32 to index
        %get3A_1003 = arith.constant 94 : index
        %get3A_1004 = tpu.vector_load %arg8[%get3A_1002, %get3A_1003] {strides = array<i32>} : memref<80x128xf32, #tpu.memory_space<vmem>>, vector<1x16xf32>,
        %get3A_1005 = vector.shape_cast %get3A_1004 : vector<1x16xf32> to vector<16xf32>
        %mul3A_1006 = arith.mulf %bitcast_convert_type3A_986, %get3A_1005 : vector<16xf32>
        %mul3A_1007 = arith.constant 2 : i32
        %mul3A_1008 = arith.muli %mul3A_1007, %scan3A_231 : i32
        %add3A_1009 = arith.constant 1 : i32
        %add3A_1010 = arith.addi %mul3A_1008, %add3A_1009 : i32
        %get3A_1011 = arith.index_cast %add3A_1010 : i32 to index
        %get3A_1012 = arith.constant 110 : index
        %get3A_1013 = tpu.vector_load %arg8[%get3A_1011, %get3A_1012] {strides = array<i32>} : memref<80x128xf32, #tpu.memory_space<vmem>>, vector<1x16xf32>,
        %get3A_1014 = vector.shape_cast %get3A_1013 : vector<1x16xf32> to vector<16xf32>
        %mul3A_1015 = arith.mulf %bitcast_convert_type3A_990, %get3A_1014 : vector<16xf32>
        %mul3A_1016 = arith.constant 2 : i32
        %mul3A_1017 = arith.muli %mul3A_1016, %scan3A_231 : i32
        %get3A_1018 = arith.index_cast %mul3A_1017 : i32 to index
        %get3A_1019 = arith.constant 110 : index
        %get3A_1020 = tpu.vector_load %arg8[%get3A_1018, %get3A_1019] {strides = array<i32>} : memref<80x128xf32, #tpu.memory_space<vmem>>, vector<1x16xf32>,
        %get3A_1021 = vector.shape_cast %get3A_1020 : vector<1x16xf32> to vector<16xf32>
        %mul3A_1022 = arith.mulf %bitcast_convert_type3A_990, %get3A_1021 : vector<16xf32>
        %get3A_1023 = arith.index_cast %scan3A_231 : i32 to index
        %get3A_1024 = arith.constant 112 : index
        %get3A_1025 = tpu.vector_load %arg6[%get3A_1023, %get3A_1024] {strides = array<i32>} : memref<40x256xi32, #tpu.memory_space<vmem>>, vector<1x16xi32>,
        %get3A_1026 = vector.shape_cast %get3A_1025 : vector<1x16xi32> to vector<16xi32>
        %shift_left3A_1027 = arith.constant 16 : i32
        %shift_left3A_1028 = vector.broadcast %shift_left3A_1027 : i32 to vector<16xi32>
        %shift_left3A_1029 = arith.shli %get3A_1026, %shift_left3A_1028 : vector<16xi32>
        %bitcast_convert_type3A_1030 = tpu.bitcast %shift_left3A_1029 : vector<16xi32> -> vector<16xf32>
        %and3A_1031 = arith.constant -65536 : i32
        %and3A_1032 = vector.broadcast %and3A_1031 : i32 to vector<16xi32>
        %and3A_1033 = arith.andi %get3A_1026, %and3A_1032 : vector<16xi32>
        %bitcast_convert_type3A_1034 = tpu.bitcast %and3A_1033 : vector<16xi32> -> vector<16xf32>
        %mul3A_1035 = arith.constant 2 : i32
        %mul3A_1036 = arith.muli %mul3A_1035, %scan3A_231 : i32
        %add3A_1037 = arith.constant 1 : i32
        %add3A_1038 = arith.addi %mul3A_1036, %add3A_1037 : i32
        %get3A_1039 = arith.index_cast %add3A_1038 : i32 to index
        %get3A_1040 = arith.constant 95 : index
        %get3A_1041 = tpu.vector_load %arg8[%get3A_1039, %get3A_1040] {strides = array<i32>} : memref<80x128xf32, #tpu.memory_space<vmem>>, vector<1x16xf32>,
        %get3A_1042 = vector.shape_cast %get3A_1041 : vector<1x16xf32> to vector<16xf32>
        %mul3A_1043 = arith.mulf %bitcast_convert_type3A_1030, %get3A_1042 : vector<16xf32>
        %mul3A_1044 = arith.constant 2 : i32
        %mul3A_1045 = arith.muli %mul3A_1044, %scan3A_231 : i32
        %get3A_1046 = arith.index_cast %mul3A_1045 : i32 to index
        %get3A_1047 = arith.constant 95 : index
        %get3A_1048 = tpu.vector_load %arg8[%get3A_1046, %get3A_1047] {strides = array<i32>} : memref<80x128xf32, #tpu.memory_space<vmem>>, vector<1x16xf32>,
        %get3A_1049 = vector.shape_cast %get3A_1048 : vector<1x16xf32> to vector<16xf32>
        %mul3A_1050 = arith.mulf %bitcast_convert_type3A_1030, %get3A_1049 : vector<16xf32>
        %add3A_1051 = arith.addf %mul3A_999, %mul3A_1043 : vector<16xf32>
        %add3A_1052 = arith.addf %mul3A_1006, %mul3A_1050 : vector<16xf32>
        %mul3A_1053 = arith.constant 2 : i32
        %mul3A_1054 = arith.muli %mul3A_1053, %scan3A_231 : i32
        %add3A_1055 = arith.constant 1 : i32
        %add3A_1056 = arith.addi %mul3A_1054, %add3A_1055 : i32
        %get3A_1057 = arith.index_cast %add3A_1056 : i32 to index
        %get3A_1058 = arith.constant 111 : index
        %get3A_1059 = tpu.vector_load %arg8[%get3A_1057, %get3A_1058] {strides = array<i32>} : memref<80x128xf32, #tpu.memory_space<vmem>>, vector<1x16xf32>,
        %get3A_1060 = vector.shape_cast %get3A_1059 : vector<1x16xf32> to vector<16xf32>
        %mul3A_1061 = arith.mulf %bitcast_convert_type3A_1034, %get3A_1060 : vector<16xf32>
        %mul3A_1062 = arith.constant 2 : i32
        %mul3A_1063 = arith.muli %mul3A_1062, %scan3A_231 : i32
        %get3A_1064 = arith.index_cast %mul3A_1063 : i32 to index
        %get3A_1065 = arith.constant 111 : index
        %get3A_1066 = tpu.vector_load %arg8[%get3A_1064, %get3A_1065] {strides = array<i32>} : memref<80x128xf32, #tpu.memory_space<vmem>>, vector<1x16xf32>,
        %get3A_1067 = vector.shape_cast %get3A_1066 : vector<1x16xf32> to vector<16xf32>
        %mul3A_1068 = arith.mulf %bitcast_convert_type3A_1034, %get3A_1067 : vector<16xf32>
        %add3A_1069 = arith.addf %mul3A_1015, %mul3A_1061 : vector<16xf32>
        %add3A_1070 = arith.addf %mul3A_1022, %mul3A_1068 : vector<16xf32>
        %get3A_1071 = arith.index_cast %scan3A_231 : i32 to index
        %get3A_1072 = arith.constant 176 : index
        %get3A_1073 = tpu.vector_load %arg6[%get3A_1071, %get3A_1072] {strides = array<i32>} : memref<40x256xi32, #tpu.memory_space<vmem>>, vector<1x16xi32>,
        %get3A_1074 = vector.shape_cast %get3A_1073 : vector<1x16xi32> to vector<16xi32>
        %shift_left3A_1075 = arith.constant 16 : i32
        %shift_left3A_1076 = vector.broadcast %shift_left3A_1075 : i32 to vector<16xi32>
        %shift_left3A_1077 = arith.shli %get3A_1074, %shift_left3A_1076 : vector<16xi32>
        %bitcast_convert_type3A_1078 = tpu.bitcast %shift_left3A_1077 : vector<16xi32> -> vector<16xf32>
        %and3A_1079 = arith.constant -65536 : i32
        %and3A_1080 = vector.broadcast %and3A_1079 : i32 to vector<16xi32>
        %and3A_1081 = arith.andi %get3A_1074, %and3A_1080 : vector<16xi32>
        %bitcast_convert_type3A_1082 = tpu.bitcast %and3A_1081 : vector<16xi32> -> vector<16xf32>
        %mul3A_1083 = arith.constant 2 : i32
        %mul3A_1084 = arith.muli %mul3A_1083, %scan3A_231 : i32
        %add3A_1085 = arith.constant 1 : i32
        %add3A_1086 = arith.addi %mul3A_1084, %add3A_1085 : i32
        %get3A_1087 = arith.index_cast %add3A_1086 : i32 to index
        %get3A_1088 = arith.constant 96 : index
        %get3A_1089 = tpu.vector_load %arg8[%get3A_1087, %get3A_1088] {strides = array<i32>} : memref<80x128xf32, #tpu.memory_space<vmem>>, vector<1x16xf32>,
        %get3A_1090 = vector.shape_cast %get3A_1089 : vector<1x16xf32> to vector<16xf32>
        %mul3A_1091 = arith.mulf %bitcast_convert_type3A_1078, %get3A_1090 : vector<16xf32>
        %mul3A_1092 = arith.constant 2 : i32
        %mul3A_1093 = arith.muli %mul3A_1092, %scan3A_231 : i32
        %get3A_1094 = arith.index_cast %mul3A_1093 : i32 to index
        %get3A_1095 = arith.constant 96 : index
        %get3A_1096 = tpu.vector_load %arg8[%get3A_1094, %get3A_1095] {strides = array<i32>} : memref<80x128xf32, #tpu.memory_space<vmem>>, vector<1x16xf32>,
        %get3A_1097 = vector.shape_cast %get3A_1096 : vector<1x16xf32> to vector<16xf32>
        %mul3A_1098 = arith.mulf %bitcast_convert_type3A_1078, %get3A_1097 : vector<16xf32>
        %add3A_1099 = arith.addf %add3A_1051, %mul3A_1091 : vector<16xf32>
        %add3A_1100 = arith.addf %add3A_1052, %mul3A_1098 : vector<16xf32>
        %mul3A_1101 = arith.constant 2 : i32
        %mul3A_1102 = arith.muli %mul3A_1101, %scan3A_231 : i32
        %add3A_1103 = arith.constant 1 : i32
        %add3A_1104 = arith.addi %mul3A_1102, %add3A_1103 : i32
        %get3A_1105 = arith.index_cast %add3A_1104 : i32 to index
        %get3A_1106 = arith.constant 112 : index
        %get3A_1107 = tpu.vector_load %arg8[%get3A_1105, %get3A_1106] {strides = array<i32>} : memref<80x128xf32, #tpu.memory_space<vmem>>, vector<1x16xf32>,
        %get3A_1108 = vector.shape_cast %get3A_1107 : vector<1x16xf32> to vector<16xf32>
        %mul3A_1109 = arith.mulf %bitcast_convert_type3A_1082, %get3A_1108 : vector<16xf32>
        %mul3A_1110 = arith.constant 2 : i32
        %mul3A_1111 = arith.muli %mul3A_1110, %scan3A_231 : i32
        %get3A_1112 = arith.index_cast %mul3A_1111 : i32 to index
        %get3A_1113 = arith.constant 112 : index
        %get3A_1114 = tpu.vector_load %arg8[%get3A_1112, %get3A_1113] {strides = array<i32>} : memref<80x128xf32, #tpu.memory_space<vmem>>, vector<1x16xf32>,
        %get3A_1115 = vector.shape_cast %get3A_1114 : vector<1x16xf32> to vector<16xf32>
        %mul3A_1116 = arith.mulf %bitcast_convert_type3A_1082, %get3A_1115 : vector<16xf32>
        %add3A_1117 = arith.addf %add3A_1069, %mul3A_1109 : vector<16xf32>
        %add3A_1118 = arith.addf %add3A_1070, %mul3A_1116 : vector<16xf32>
        %get3A_1119 = arith.index_cast %scan3A_231 : i32 to index
        %get3A_1120 = arith.constant 240 : index
        %get3A_1121 = tpu.vector_load %arg6[%get3A_1119, %get3A_1120] {strides = array<i32>} : memref<40x256xi32, #tpu.memory_space<vmem>>, vector<1x16xi32>,
        %get3A_1122 = vector.shape_cast %get3A_1121 : vector<1x16xi32> to vector<16xi32>
        %shift_left3A_1123 = arith.constant 16 : i32
        %shift_left3A_1124 = vector.broadcast %shift_left3A_1123 : i32 to vector<16xi32>
        %shift_left3A_1125 = arith.shli %get3A_1122, %shift_left3A_1124 : vector<16xi32>
        %bitcast_convert_type3A_1126 = tpu.bitcast %shift_left3A_1125 : vector<16xi32> -> vector<16xf32>
        %and3A_1127 = arith.constant -65536 : i32
        %and3A_1128 = vector.broadcast %and3A_1127 : i32 to vector<16xi32>
        %and3A_1129 = arith.andi %get3A_1122, %and3A_1128 : vector<16xi32>
        %bitcast_convert_type3A_1130 = tpu.bitcast %and3A_1129 : vector<16xi32> -> vector<16xf32>
        %mul3A_1131 = arith.constant 2 : i32
        %mul3A_1132 = arith.muli %mul3A_1131, %scan3A_231 : i32
        %add3A_1133 = arith.constant 1 : i32
        %add3A_1134 = arith.addi %mul3A_1132, %add3A_1133 : i32
        %get3A_1135 = arith.index_cast %add3A_1134 : i32 to index
        %get3A_1136 = arith.constant 97 : index
        %get3A_1137 = tpu.vector_load %arg8[%get3A_1135, %get3A_1136] {strides = array<i32>} : memref<80x128xf32, #tpu.memory_space<vmem>>, vector<1x16xf32>,
        %get3A_1138 = vector.shape_cast %get3A_1137 : vector<1x16xf32> to vector<16xf32>
        %mul3A_1139 = arith.mulf %bitcast_convert_type3A_1126, %get3A_1138 : vector<16xf32>
        %mul3A_1140 = arith.constant 2 : i32
        %mul3A_1141 = arith.muli %mul3A_1140, %scan3A_231 : i32
        %get3A_1142 = arith.index_cast %mul3A_1141 : i32 to index
        %get3A_1143 = arith.constant 97 : index
        %get3A_1144 = tpu.vector_load %arg8[%get3A_1142, %get3A_1143] {strides = array<i32>} : memref<80x128xf32, #tpu.memory_space<vmem>>, vector<1x16xf32>,
        %get3A_1145 = vector.shape_cast %get3A_1144 : vector<1x16xf32> to vector<16xf32>
        %mul3A_1146 = arith.mulf %bitcast_convert_type3A_1126, %get3A_1145 : vector<16xf32>
        %add3A_1147 = arith.addf %add3A_1099, %mul3A_1139 : vector<16xf32>
        %add3A_1148 = arith.addf %add3A_1100, %mul3A_1146 : vector<16xf32>
        %mul3A_1149 = arith.constant 2 : i32
        %mul3A_1150 = arith.muli %mul3A_1149, %scan3A_231 : i32
        %add3A_1151 = arith.constant 1 : i32
        %add3A_1152 = arith.addi %mul3A_1150, %add3A_1151 : i32
        %get3A_1153 = arith.index_cast %add3A_1152 : i32 to index
        %get3A_1154 = arith.constant 112 : index
        %get3A_1155 = tpu.vector_load %arg8[%get3A_1153, %get3A_1154] {strides = array<i32>} : memref<80x128xf32, #tpu.memory_space<vmem>>, vector<1x16xf32>,
        %get3A_1156 = vector.shape_cast %get3A_1155 : vector<1x16xf32> to vector<16xf32>
        %add3A_1157 = arith.constant 1 : i32
        %add3A_1158 = vector.broadcast %add3A_1157 : i32 to vector<16xi32>
        %add3A_1159 = arith.addi %iota3A, %add3A_1158 : vector<16xi32>
        %jit3A_1160 = arith.constant 0 : i32
        %jit3A_1161 = arith.constant 15 : i32
        %max3A_1162 = vector.broadcast %jit3A_1160 : i32 to vector<16xi32>
        %max3A_1163 = arith.maxsi %max3A_1162, %add3A_1159 : vector<16xi32>
        %min3A_1164 = vector.broadcast %jit3A_1161 : i32 to vector<16xi32>
        %min3A_1165 = arith.minsi %min3A_1164, %max3A_1163 : vector<16xi32>
        %broadcast_in_dim3A_1166 = vector.shape_cast %min3A_1165 : vector<16xi32> to vector<16x1xi32>
        %gather3A_1167 = vector.shape_cast %broadcast_in_dim3A_1166 : vector<16x1xi32> to vector<16xi32>
        %gather3A_1168 = tpu.dynamic_gather %get3A_1156[%gather3A_1167] in [0] : vector<16xf32>, vector<16xi32> -> vector<16xf32>
        %add3A_1169 = arith.constant 113 : i32
        %add3A_1170 = vector.broadcast %add3A_1169 : i32 to vector<16xi32>
        %add3A_1171 = arith.addi %iota3A, %add3A_1170 : vector<16xi32>
        %ge3A_1172 = arith.constant 0 : i32
        %ge3A_1173 = vector.broadcast %ge3A_1172 : i32 to vector<16xi32>
        %ge3A_1174 = arith.cmpi sge, %add3A_1171, %ge3A_1173 : vector<16xi32>
        %lt3A_1175 = arith.constant 128 : i32
        %lt3A_1176 = vector.broadcast %lt3A_1175 : i32 to vector<16xi32>
        %lt3A_1177 = arith.cmpi slt, %add3A_1171, %lt3A_1176 : vector<16xi32>
        %and3A_1178 = arith.andi %ge3A_1174, %lt3A_1177 : vector<16xi1>
        %jit3A_1179 = arith.constant 0.000000e+00 : f32
        %broadcast_in_dim3A_1180 = vector.broadcast %jit3A_1179 : f32 to vector<16xf32>
        %select_n3A_1181 = arith.select %and3A_1178, %gather3A_1168, %broadcast_in_dim3A_1180 : vector<16xi1>, vector<16xf32>
        %mul3A_1182 = arith.mulf %bitcast_convert_type3A_1130, %select_n3A_1181 : vector<16xf32>
        %mul3A_1183 = arith.constant 2 : i32
        %mul3A_1184 = arith.muli %mul3A_1183, %scan3A_231 : i32
        %get3A_1185 = arith.index_cast %mul3A_1184 : i32 to index
        %get3A_1186 = arith.constant 112 : index
        %get3A_1187 = tpu.vector_load %arg8[%get3A_1185, %get3A_1186] {strides = array<i32>} : memref<80x128xf32, #tpu.memory_space<vmem>>, vector<1x16xf32>,
        %get3A_1188 = vector.shape_cast %get3A_1187 : vector<1x16xf32> to vector<16xf32>
        %add3A_1189 = arith.constant 1 : i32
        %add3A_1190 = vector.broadcast %add3A_1189 : i32 to vector<16xi32>
        %add3A_1191 = arith.addi %iota3A, %add3A_1190 : vector<16xi32>
        %jit3A_1192 = arith.constant 0 : i32
        %jit3A_1193 = arith.constant 15 : i32
        %max3A_1194 = vector.broadcast %jit3A_1192 : i32 to vector<16xi32>
        %max3A_1195 = arith.maxsi %max3A_1194, %add3A_1191 : vector<16xi32>
        %min3A_1196 = vector.broadcast %jit3A_1193 : i32 to vector<16xi32>
        %min3A_1197 = arith.minsi %min3A_1196, %max3A_1195 : vector<16xi32>
        %broadcast_in_dim3A_1198 = vector.shape_cast %min3A_1197 : vector<16xi32> to vector<16x1xi32>
        %gather3A_1199 = vector.shape_cast %broadcast_in_dim3A_1198 : vector<16x1xi32> to vector<16xi32>
        %gather3A_1200 = tpu.dynamic_gather %get3A_1188[%gather3A_1199] in [0] : vector<16xf32>, vector<16xi32> -> vector<16xf32>
        %add3A_1201 = arith.constant 113 : i32
        %add3A_1202 = vector.broadcast %add3A_1201 : i32 to vector<16xi32>
        %add3A_1203 = arith.addi %iota3A, %add3A_1202 : vector<16xi32>
        %ge3A_1204 = arith.constant 0 : i32
        %ge3A_1205 = vector.broadcast %ge3A_1204 : i32 to vector<16xi32>
        %ge3A_1206 = arith.cmpi sge, %add3A_1203, %ge3A_1205 : vector<16xi32>
        %lt3A_1207 = arith.constant 128 : i32
        %lt3A_1208 = vector.broadcast %lt3A_1207 : i32 to vector<16xi32>
        %lt3A_1209 = arith.cmpi slt, %add3A_1203, %lt3A_1208 : vector<16xi32>
        %and3A_1210 = arith.andi %ge3A_1206, %lt3A_1209 : vector<16xi1>
        %jit3A_1211 = arith.constant 0.000000e+00 : f32
        %broadcast_in_dim3A_1212 = vector.broadcast %jit3A_1211 : f32 to vector<16xf32>
        %select_n3A_1213 = arith.select %and3A_1210, %gather3A_1200, %broadcast_in_dim3A_1212 : vector<16xi1>, vector<16xf32>
        %mul3A_1214 = arith.mulf %bitcast_convert_type3A_1130, %select_n3A_1213 : vector<16xf32>
        %add3A_1215 = arith.addf %add3A_1117, %mul3A_1182 : vector<16xf32>
        %add3A_1216 = arith.addf %add3A_1118, %mul3A_1214 : vector<16xf32>
        %mul3A_1217 = arith.constant 2 : i32
        %mul3A_1218 = arith.muli %mul3A_1217, %scan3A_231 : i32
        %swap3A_1219 = arith.index_cast %mul3A_1218 : i32 to index
        %swap3A_1220 = arith.constant 96 : index
        %swap3A_1221 = tpu.vector_load %arg9[%swap3A_1219, %swap3A_1220] {strides = array<i32>} : memref<80x128xf32, #tpu.memory_space<vmem>>, vector<1x16xf32>,
        %swap3A_1222 = vector.shape_cast %swap3A_1221 : vector<1x16xf32> to vector<16xf32>
        %swap3A_1223 = vector.shape_cast %add3A_1147 : vector<16xf32> to vector<1x16xf32>
        tpu.vector_store %arg9[%swap3A_1219, %swap3A_1220], %swap3A_1223 {strides = array<i32>} : memref<80x128xf32, #tpu.memory_space<vmem>>, vector<1x16xf32>,
        %mul3A_1224 = arith.constant 2 : i32
        %mul3A_1225 = arith.muli %mul3A_1224, %scan3A_231 : i32
        %add3A_1226 = arith.constant 1 : i32
        %add3A_1227 = arith.addi %mul3A_1225, %add3A_1226 : i32
        %swap3A_1228 = arith.index_cast %add3A_1227 : i32 to index
        %swap3A_1229 = arith.constant 96 : index
        %swap3A_1230 = tpu.vector_load %arg9[%swap3A_1228, %swap3A_1229] {strides = array<i32>} : memref<80x128xf32, #tpu.memory_space<vmem>>, vector<1x16xf32>,
        %swap3A_1231 = vector.shape_cast %swap3A_1230 : vector<1x16xf32> to vector<16xf32>
        %swap3A_1232 = vector.shape_cast %add3A_1148 : vector<16xf32> to vector<1x16xf32>
        tpu.vector_store %arg9[%swap3A_1228, %swap3A_1229], %swap3A_1232 {strides = array<i32>} : memref<80x128xf32, #tpu.memory_space<vmem>>, vector<1x16xf32>,
        %mul3A_1233 = arith.constant 2 : i32
        %mul3A_1234 = arith.muli %mul3A_1233, %scan3A_231 : i32
        %swap3A_1235 = arith.index_cast %mul3A_1234 : i32 to index
        %swap3A_1236 = arith.constant 112 : index
        %swap3A_1237 = tpu.vector_load %arg9[%swap3A_1235, %swap3A_1236] {strides = array<i32>} : memref<80x128xf32, #tpu.memory_space<vmem>>, vector<1x16xf32>,
        %swap3A_1238 = vector.shape_cast %swap3A_1237 : vector<1x16xf32> to vector<16xf32>
        %swap3A_1239 = vector.shape_cast %add3A_1215 : vector<16xf32> to vector<1x16xf32>
        tpu.vector_store %arg9[%swap3A_1235, %swap3A_1236], %swap3A_1239 {strides = array<i32>} : memref<80x128xf32, #tpu.memory_space<vmem>>, vector<1x16xf32>,
        %mul3A_1240 = arith.constant 2 : i32
        %mul3A_1241 = arith.muli %mul3A_1240, %scan3A_231 : i32
        %add3A_1242 = arith.constant 1 : i32
        %add3A_1243 = arith.addi %mul3A_1241, %add3A_1242 : i32
        %swap3A_1244 = arith.index_cast %add3A_1243 : i32 to index
        %swap3A_1245 = arith.constant 112 : index
        %swap3A_1246 = tpu.vector_load %arg9[%swap3A_1244, %swap3A_1245] {strides = array<i32>} : memref<80x128xf32, #tpu.memory_space<vmem>>, vector<1x16xf32>,
        %swap3A_1247 = vector.shape_cast %swap3A_1246 : vector<1x16xf32> to vector<16xf32>
        %swap3A_1248 = vector.shape_cast %add3A_1216 : vector<16xf32> to vector<1x16xf32>
        tpu.vector_store %arg9[%swap3A_1244, %swap3A_1245], %swap3A_1248 {strides = array<i32>} : memref<80x128xf32, #tpu.memory_space<vmem>>, vector<1x16xf32>,
      }
      %scan3A_182 = arith.constant 40 : i32
      %dma_start3A_183 = arith.constant 0 : i32
      %dma_start3A_184 = arith.constant 0 : i32
      %dma_start3A_185 = tpu.memref_slice %arg12[%dma_start3A_183, %dma_start3A_184] : memref<10240x128xf32, #tpu.memory_space<vmem_shared>> -> memref<10240x128xf32, #tpu.memory_space<vmem_shared>>
      tpu.enqueue_indirect_dma source(%arg9 : memref<80x128xf32, #tpu.memory_space<vmem>>) target(%dma_start3A_185 : memref<10240x128xf32, #tpu.memory_space<vmem_shared>>) offsets(%arg10 : memref<80xi32, #tpu.memory_space<vmem>>) semaphore(%arg16 : memref<!tpu.dma_semaphore, #tpu.memory_space<semaphore_mem>>) {add = true}
      %add3A_186 = arith.constant 1 : i32
      %add3A_187 = arith.addi %mul3A_143, %add3A_186 : i32
      %dma_wait3A_188 = arith.constant 0 : i32
      %dma_wait3A_189 = tpu.memref_slice %arg4[%dma_wait3A_188] : memref<320000xi32, #tpu.memory_space<hbm>> -> memref<80xi32, #tpu.memory_space<hbm>>
      %dma_wait3A_190 = arith.constant 0 : i32
      %dma_wait3A_191 = tpu.memref_slice %arg4[%dma_wait3A_190] : memref<320000xi32, #tpu.memory_space<hbm>> -> memref<80xi32, #tpu.memory_space<hbm>>
      tpu.wait_dma2 semaphore(%arg14 : memref<!tpu.dma_semaphore, #tpu.memory_space<semaphore_mem>>) src(%dma_wait3A_191 : memref<80xi32, #tpu.memory_space<hbm>>) dst(%arg11 : memref<80xi32, #tpu.memory_space<vmem>>)
      %dma_wait3A_192 = arith.constant 0 : i32
      %dma_wait3A_193 = arith.constant 0 : i32
      %dma_wait3A_194 = tpu.memref_slice %arg2[%dma_wait3A_192, %dma_wait3A_193] : memref<160000x256xi32, #tpu.memory_space<hbm>> -> memref<40x256xi32, #tpu.memory_space<hbm>>
      %dma_wait3A_195 = arith.constant 0 : i32
      %dma_wait3A_196 = arith.constant 0 : i32
      %dma_wait3A_197 = tpu.memref_slice %arg2[%dma_wait3A_195, %dma_wait3A_196] : memref<160000x256xi32, #tpu.memory_space<hbm>> -> memref<40x256xi32, #tpu.memory_space<hbm>>
      tpu.wait_dma2 semaphore(%arg14 : memref<!tpu.dma_semaphore, #tpu.memory_space<semaphore_mem>>) src(%dma_wait3A_197 : memref<40x256xi32, #tpu.memory_space<hbm>>) dst(%arg7 : memref<40x256xi32, #tpu.memory_space<vmem>>)
      %dma_start3A_198 = arith.constant 0 : i32
      %dma_start3A_199 = arith.constant 0 : i32
      %dma_start3A_200 = tpu.memref_slice %arg3[%dma_start3A_198, %dma_start3A_199] : memref<10000x128xf32, #tpu.memory_space<hbm>> -> memref<10000x128xf32, #tpu.memory_space<hbm>>
      tpu.enqueue_indirect_dma source(%dma_start3A_200 : memref<10000x128xf32, #tpu.memory_space<hbm>>) target(%arg8 : memref<80x128xf32, #tpu.memory_space<vmem>>) offsets(%arg11 : memref<80xi32, #tpu.memory_space<vmem>>) semaphore(%arg15 : memref<!tpu.dma_semaphore, #tpu.memory_space<semaphore_mem>>)
      %gt3A_201 = arith.constant 0 : i32
      %gt3A_202 = arith.cmpi sgt, %add3A_187, %gt3A_201 : i32
      %convert_element_type3A_203 = arith.extui %gt3A_202 : i1 to i32
      %cond3A_204 = arith.constant 0 : i32
      %cond3A_205 = arith.cmpi ne, %convert_element_type3A_203, %cond3A_204 : i32
      scf.if %cond3A_205 {
        %dma_wait3A_231 = arith.constant 0 : i32
        %dma_wait3A_232 = arith.constant 0 : i32
        %dma_wait3A_233 = tpu.memref_slice %arg12[%dma_wait3A_231, %dma_wait3A_232] : memref<10240x128xf32, #tpu.memory_space<vmem_shared>> -> memref<10240x128xf32, #tpu.memory_space<vmem_shared>>
        tpu.wait_indirect_dma semaphore(%arg16 : memref<!tpu.dma_semaphore, #tpu.memory_space<semaphore_mem>>) src(%arg9 : memref<80x128xf32, #tpu.memory_space<vmem>>) dst(%dma_wait3A_233 : memref<10240x128xf32, #tpu.memory_space<vmem_shared>>)
      } else {
      }
      %add3A_206 = arith.constant 1 : i32
      %add3A_207 = arith.addi %add3A_187, %add3A_206 : i32
      %mul3A_208 = arith.constant 40 : i32
      %mul3A_209 = arith.muli %add3A_207, %mul3A_208 : i32
      %add3A_210 = arith.addi %mul3A_87, %mul3A_209 : i32
      %mul3A_211 = arith.constant 2 : i32
      %mul3A_212 = arith.muli %mul3A_211, %add3A_210 : i32
      %dma_start3A_213 = tpu.memref_slice %arg4[%mul3A_212] : memref<320000xi32, #tpu.memory_space<hbm>> -> memref<80xi32, #tpu.memory_space<hbm>>
      %dma_start3A_214 = tpu.memref_slice %arg4[%mul3A_212] : memref<320000xi32, #tpu.memory_space<hbm>> -> memref<80xi32, #tpu.memory_space<hbm>>
      tpu.enqueue_dma source(%dma_start3A_214 : memref<80xi32, #tpu.memory_space<hbm>>) target(%arg10 : memref<80xi32, #tpu.memory_space<vmem>>) target_semaphore(%arg13 : memref<!tpu.dma_semaphore, #tpu.memory_space<semaphore_mem>>)
      %dma_start3A_215 = arith.constant 0 : i32
      %dma_start3A_216 = tpu.memref_slice %arg2[%add3A_210, %dma_start3A_215] : memref<160000x256xi32, #tpu.memory_space<hbm>> -> memref<40x256xi32, #tpu.memory_space<hbm>>
      %dma_start3A_217 = arith.constant 0 : i32
      %dma_start3A_218 = tpu.memref_slice %arg2[%add3A_210, %dma_start3A_217] : memref<160000x256xi32, #tpu.memory_space<hbm>> -> memref<40x256xi32, #tpu.memory_space<hbm>>
      tpu.enqueue_dma source(%dma_start3A_218 : memref<40x256xi32, #tpu.memory_space<hbm>>) target(%arg6 : memref<40x256xi32, #tpu.memory_space<vmem>>) target_semaphore(%arg13 : memref<!tpu.dma_semaphore, #tpu.memory_space<semaphore_mem>>)
      %dma_wait3A_219 = arith.constant 0 : i32
      %dma_wait3A_220 = arith.constant 0 : i32
      %dma_wait3A_221 = tpu.memref_slice %arg3[%dma_wait3A_219, %dma_wait3A_220] : memref<10000x128xf32, #tpu.memory_space<hbm>> -> memref<10000x128xf32, #tpu.memory_space<hbm>>
      tpu.wait_indirect_dma semaphore(%arg15 : memref<!tpu.dma_semaphore, #tpu.memory_space<semaphore_mem>>) src(%dma_wait3A_221 : memref<10000x128xf32, #tpu.memory_space<hbm>>) dst(%arg8 : memref<80x128xf32, #tpu.memory_space<vmem>>)
      %scan3A_222 = arith.constant 0 : i32
      %scan3A_223 = arith.constant 0 : i32
      %scan3A_224 = arith.constant 40 : i32
      %scan3A_225 = arith.addi %scan3A_223, %scan3A_224 : i32
      %scan3A_226 = arith.constant 1 : i32
      scf.for %scan3A_231 = %scan3A_223 to %scan3A_225 step %scan3A_226  : i32 {
        %get3A = arith.index_cast %scan3A_231 : i32 to index
        %get3A_232 = arith.constant 0 : index
        %get3A_233 = tpu.vector_load %arg7[%get3A, %get3A_232] {strides = array<i32>} : memref<40x256xi32, #tpu.memory_space<vmem>>, vector<1x16xi32>,
        %get3A_234 = vector.shape_cast %get3A_233 : vector<1x16xi32> to vector<16xi32>
        %shift_left3A = arith.constant 16 : i32
        %shift_left3A_235 = vector.broadcast %shift_left3A : i32 to vector<16xi32>
        %shift_left3A_236 = arith.shli %get3A_234, %shift_left3A_235 : vector<16xi32>
        %bitcast_convert_type3A = tpu.bitcast %shift_left3A_236 : vector<16xi32> -> vector<16xf32>
        %and3A = arith.constant -65536 : i32
        %and3A_237 = vector.broadcast %and3A : i32 to vector<16xi32>
        %and3A_238 = arith.andi %get3A_234, %and3A_237 : vector<16xi32>
        %bitcast_convert_type3A_239 = tpu.bitcast %and3A_238 : vector<16xi32> -> vector<16xf32>
        %mul3A_240 = arith.constant 2 : i32
        %mul3A_241 = arith.muli %mul3A_240, %scan3A_231 : i32
        %add3A_242 = arith.constant 1 : i32
        %add3A_243 = arith.addi %mul3A_241, %add3A_242 : i32
        %get3A_244 = arith.index_cast %add3A_243 : i32 to index
        %get3A_245 = arith.constant 0 : index
        %get3A_246 = tpu.vector_load %arg8[%get3A_244, %get3A_245] {strides = array<i32>} : memref<80x128xf32, #tpu.memory_space<vmem>>, vector<1x16xf32>,
        %get3A_247 = vector.shape_cast %get3A_246 : vector<1x16xf32> to vector<16xf32>
        %add3A_248 = arith.constant -2 : i32
        %add3A_249 = vector.broadcast %add3A_248 : i32 to vector<16xi32>
        %add3A_250 = arith.addi %iota3A, %add3A_249 : vector<16xi32>
        %jit3A = arith.constant 0 : i32
        %jit3A_251 = arith.constant 15 : i32
        %max3A = vector.broadcast %jit3A : i32 to vector<16xi32>
        %max3A_252 = arith.maxsi %max3A, %add3A_250 : vector<16xi32>
        %min3A = vector.broadcast %jit3A_251 : i32 to vector<16xi32>
        %min3A_253 = arith.minsi %min3A, %max3A_252 : vector<16xi32>
        %broadcast_in_dim3A = vector.shape_cast %min3A_253 : vector<16xi32> to vector<16x1xi32>
        %gather3A = vector.shape_cast %broadcast_in_dim3A : vector<16x1xi32> to vector<16xi32>
        %gather3A_254 = tpu.dynamic_gather %get3A_247[%gather3A] in [0] : vector<16xf32>, vector<16xi32> -> vector<16xf32>
        %add3A_255 = arith.constant -2 : i32
        %add3A_256 = vector.broadcast %add3A_255 : i32 to vector<16xi32>
        %add3A_257 = arith.addi %iota3A, %add3A_256 : vector<16xi32>
        %ge3A = arith.constant 0 : i32
        %ge3A_258 = vector.broadcast %ge3A : i32 to vector<16xi32>
        %ge3A_259 = arith.cmpi sge, %add3A_257, %ge3A_258 : vector<16xi32>
        %lt3A = arith.constant 128 : i32
        %lt3A_260 = vector.broadcast %lt3A : i32 to vector<16xi32>
        %lt3A_261 = arith.cmpi slt, %add3A_257, %lt3A_260 : vector<16xi32>
        %and3A_262 = arith.andi %ge3A_259, %lt3A_261 : vector<16xi1>
        %jit3A_263 = arith.constant 0.000000e+00 : f32
        %broadcast_in_dim3A_264 = vector.broadcast %jit3A_263 : f32 to vector<16xf32>
        %select_n3A = arith.select %and3A_262, %gather3A_254, %broadcast_in_dim3A_264 : vector<16xi1>, vector<16xf32>
        %mul3A_265 = arith.mulf %bitcast_convert_type3A, %select_n3A : vector<16xf32>
        %mul3A_266 = arith.constant 2 : i32
        %mul3A_267 = arith.muli %mul3A_266, %scan3A_231 : i32
        %get3A_268 = arith.index_cast %mul3A_267 : i32 to index
        %get3A_269 = arith.constant 0 : index
        %get3A_270 = tpu.vector_load %arg8[%get3A_268, %get3A_269] {strides = array<i32>} : memref<80x128xf32, #tpu.memory_space<vmem>>, vector<1x16xf32>,
        %get3A_271 = vector.shape_cast %get3A_270 : vector<1x16xf32> to vector<16xf32>
        %add3A_272 = arith.constant -2 : i32
        %add3A_273 = vector.broadcast %add3A_272 : i32 to vector<16xi32>
        %add3A_274 = arith.addi %iota3A, %add3A_273 : vector<16xi32>
        %jit3A_275 = arith.constant 0 : i32
        %jit3A_276 = arith.constant 15 : i32
        %max3A_277 = vector.broadcast %jit3A_275 : i32 to vector<16xi32>
        %max3A_278 = arith.maxsi %max3A_277, %add3A_274 : vector<16xi32>
        %min3A_279 = vector.broadcast %jit3A_276 : i32 to vector<16xi32>
        %min3A_280 = arith.minsi %min3A_279, %max3A_278 : vector<16xi32>
        %broadcast_in_dim3A_281 = vector.shape_cast %min3A_280 : vector<16xi32> to vector<16x1xi32>
        %gather3A_282 = vector.shape_cast %broadcast_in_dim3A_281 : vector<16x1xi32> to vector<16xi32>
        %gather3A_283 = tpu.dynamic_gather %get3A_271[%gather3A_282] in [0] : vector<16xf32>, vector<16xi32> -> vector<16xf32>
        %add3A_284 = arith.constant -2 : i32
        %add3A_285 = vector.broadcast %add3A_284 : i32 to vector<16xi32>
        %add3A_286 = arith.addi %iota3A, %add3A_285 : vector<16xi32>
        %ge3A_287 = arith.constant 0 : i32
        %ge3A_288 = vector.broadcast %ge3A_287 : i32 to vector<16xi32>
        %ge3A_289 = arith.cmpi sge, %add3A_286, %ge3A_288 : vector<16xi32>
        %lt3A_290 = arith.constant 128 : i32
        %lt3A_291 = vector.broadcast %lt3A_290 : i32 to vector<16xi32>
        %lt3A_292 = arith.cmpi slt, %add3A_286, %lt3A_291 : vector<16xi32>
        %and3A_293 = arith.andi %ge3A_289, %lt3A_292 : vector<16xi1>
        %jit3A_294 = arith.constant 0.000000e+00 : f32
        %broadcast_in_dim3A_295 = vector.broadcast %jit3A_294 : f32 to vector<16xf32>
        %select_n3A_296 = arith.select %and3A_293, %gather3A_283, %broadcast_in_dim3A_295 : vector<16xi1>, vector<16xf32>
        %mul3A_297 = arith.mulf %bitcast_convert_type3A, %select_n3A_296 : vector<16xf32>
        %mul3A_298 = arith.constant 2 : i32
        %mul3A_299 = arith.muli %mul3A_298, %scan3A_231 : i32
        %add3A_300 = arith.constant 1 : i32
        %add3A_301 = arith.addi %mul3A_299, %add3A_300 : i32
        %get3A_302 = arith.index_cast %add3A_301 : i32 to index
        %get3A_303 = arith.constant 14 : index
        %get3A_304 = tpu.vector_load %arg8[%get3A_302, %get3A_303] {strides = array<i32>} : memref<80x128xf32, #tpu.memory_space<vmem>>, vector<1x16xf32>,
        %get3A_305 = vector.shape_cast %get3A_304 : vector<1x16xf32> to vector<16xf32>
        %mul3A_306 = arith.mulf %bitcast_convert_type3A_239, %get3A_305 : vector<16xf32>
        %mul3A_307 = arith.constant 2 : i32
        %mul3A_308 = arith.muli %mul3A_307, %scan3A_231 : i32
        %get3A_309 = arith.index_cast %mul3A_308 : i32 to index
        %get3A_310 = arith.constant 14 : index
        %get3A_311 = tpu.vector_load %arg8[%get3A_309, %get3A_310] {strides = array<i32>} : memref<80x128xf32, #tpu.memory_space<vmem>>, vector<1x16xf32>,
        %get3A_312 = vector.shape_cast %get3A_311 : vector<1x16xf32> to vector<16xf32>
        %mul3A_313 = arith.mulf %bitcast_convert_type3A_239, %get3A_312 : vector<16xf32>
        %get3A_314 = arith.index_cast %scan3A_231 : i32 to index
        %get3A_315 = arith.constant 64 : index
        %get3A_316 = tpu.vector_load %arg7[%get3A_314, %get3A_315] {strides = array<i32>} : memref<40x256xi32, #tpu.memory_space<vmem>>, vector<1x16xi32>,
        %get3A_317 = vector.shape_cast %get3A_316 : vector<1x16xi32> to vector<16xi32>
        %shift_left3A_318 = arith.constant 16 : i32
        %shift_left3A_319 = vector.broadcast %shift_left3A_318 : i32 to vector<16xi32>
        %shift_left3A_320 = arith.shli %get3A_317, %shift_left3A_319 : vector<16xi32>
        %bitcast_convert_type3A_321 = tpu.bitcast %shift_left3A_320 : vector<16xi32> -> vector<16xf32>
        %and3A_322 = arith.constant -65536 : i32
        %and3A_323 = vector.broadcast %and3A_322 : i32 to vector<16xi32>
        %and3A_324 = arith.andi %get3A_317, %and3A_323 : vector<16xi32>
        %bitcast_convert_type3A_325 = tpu.bitcast %and3A_324 : vector<16xi32> -> vector<16xf32>
        %mul3A_326 = arith.constant 2 : i32
        %mul3A_327 = arith.muli %mul3A_326, %scan3A_231 : i32
        %add3A_328 = arith.constant 1 : i32
        %add3A_329 = arith.addi %mul3A_327, %add3A_328 : i32
        %get3A_330 = arith.index_cast %add3A_329 : i32 to index
        %get3A_331 = arith.constant 0 : index
        %get3A_332 = tpu.vector_load %arg8[%get3A_330, %get3A_331] {strides = array<i32>} : memref<80x128xf32, #tpu.memory_space<vmem>>, vector<1x16xf32>,
        %get3A_333 = vector.shape_cast %get3A_332 : vector<1x16xf32> to vector<16xf32>
        %add3A_334 = arith.constant -1 : i32
        %add3A_335 = vector.broadcast %add3A_334 : i32 to vector<16xi32>
        %add3A_336 = arith.addi %iota3A, %add3A_335 : vector<16xi32>
        %jit3A_337 = arith.constant 0 : i32
        %jit3A_338 = arith.constant 15 : i32
        %max3A_339 = vector.broadcast %jit3A_337 : i32 to vector<16xi32>
        %max3A_340 = arith.maxsi %max3A_339, %add3A_336 : vector<16xi32>
        %min3A_341 = vector.broadcast %jit3A_338 : i32 to vector<16xi32>
        %min3A_342 = arith.minsi %min3A_341, %max3A_340 : vector<16xi32>
        %broadcast_in_dim3A_343 = vector.shape_cast %min3A_342 : vector<16xi32> to vector<16x1xi32>
        %gather3A_344 = vector.shape_cast %broadcast_in_dim3A_343 : vector<16x1xi32> to vector<16xi32>
        %gather3A_345 = tpu.dynamic_gather %get3A_333[%gather3A_344] in [0] : vector<16xf32>, vector<16xi32> -> vector<16xf32>
        %add3A_346 = arith.constant -1 : i32
        %add3A_347 = vector.broadcast %add3A_346 : i32 to vector<16xi32>
        %add3A_348 = arith.addi %iota3A, %add3A_347 : vector<16xi32>
        %ge3A_349 = arith.constant 0 : i32
        %ge3A_350 = vector.broadcast %ge3A_349 : i32 to vector<16xi32>
        %ge3A_351 = arith.cmpi sge, %add3A_348, %ge3A_350 : vector<16xi32>
        %lt3A_352 = arith.constant 128 : i32
        %lt3A_353 = vector.broadcast %lt3A_352 : i32 to vector<16xi32>
        %lt3A_354 = arith.cmpi slt, %add3A_348, %lt3A_353 : vector<16xi32>
        %and3A_355 = arith.andi %ge3A_351, %lt3A_354 : vector<16xi1>
        %jit3A_356 = arith.constant 0.000000e+00 : f32
        %broadcast_in_dim3A_357 = vector.broadcast %jit3A_356 : f32 to vector<16xf32>
        %select_n3A_358 = arith.select %and3A_355, %gather3A_345, %broadcast_in_dim3A_357 : vector<16xi1>, vector<16xf32>
        %mul3A_359 = arith.mulf %bitcast_convert_type3A_321, %select_n3A_358 : vector<16xf32>
        %mul3A_360 = arith.constant 2 : i32
        %mul3A_361 = arith.muli %mul3A_360, %scan3A_231 : i32
        %get3A_362 = arith.index_cast %mul3A_361 : i32 to index
        %get3A_363 = arith.constant 0 : index
        %get3A_364 = tpu.vector_load %arg8[%get3A_362, %get3A_363] {strides = array<i32>} : memref<80x128xf32, #tpu.memory_space<vmem>>, vector<1x16xf32>,
        %get3A_365 = vector.shape_cast %get3A_364 : vector<1x16xf32> to vector<16xf32>
        %add3A_366 = arith.constant -1 : i32
        %add3A_367 = vector.broadcast %add3A_366 : i32 to vector<16xi32>
        %add3A_368 = arith.addi %iota3A, %add3A_367 : vector<16xi32>
        %jit3A_369 = arith.constant 0 : i32
        %jit3A_370 = arith.constant 15 : i32
        %max3A_371 = vector.broadcast %jit3A_369 : i32 to vector<16xi32>
        %max3A_372 = arith.maxsi %max3A_371, %add3A_368 : vector<16xi32>
        %min3A_373 = vector.broadcast %jit3A_370 : i32 to vector<16xi32>
        %min3A_374 = arith.minsi %min3A_373, %max3A_372 : vector<16xi32>
        %broadcast_in_dim3A_375 = vector.shape_cast %min3A_374 : vector<16xi32> to vector<16x1xi32>
        %gather3A_376 = vector.shape_cast %broadcast_in_dim3A_375 : vector<16x1xi32> to vector<16xi32>
        %gather3A_377 = tpu.dynamic_gather %get3A_365[%gather3A_376] in [0] : vector<16xf32>, vector<16xi32> -> vector<16xf32>
        %add3A_378 = arith.constant -1 : i32
        %add3A_379 = vector.broadcast %add3A_378 : i32 to vector<16xi32>
        %add3A_380 = arith.addi %iota3A, %add3A_379 : vector<16xi32>
        %ge3A_381 = arith.constant 0 : i32
        %ge3A_382 = vector.broadcast %ge3A_381 : i32 to vector<16xi32>
        %ge3A_383 = arith.cmpi sge, %add3A_380, %ge3A_382 : vector<16xi32>
        %lt3A_384 = arith.constant 128 : i32
        %lt3A_385 = vector.broadcast %lt3A_384 : i32 to vector<16xi32>
        %lt3A_386 = arith.cmpi slt, %add3A_380, %lt3A_385 : vector<16xi32>
        %and3A_387 = arith.andi %ge3A_383, %lt3A_386 : vector<16xi1>
        %jit3A_388 = arith.constant 0.000000e+00 : f32
        %broadcast_in_dim3A_389 = vector.broadcast %jit3A_388 : f32 to vector<16xf32>
        %select_n3A_390 = arith.select %and3A_387, %gather3A_377, %broadcast_in_dim3A_389 : vector<16xi1>, vector<16xf32>
        %mul3A_391 = arith.mulf %bitcast_convert_type3A_321, %select_n3A_390 : vector<16xf32>
        %add3A_392 = arith.addf %mul3A_265, %mul3A_359 : vector<16xf32>
        %add3A_393 = arith.addf %mul3A_297, %mul3A_391 : vector<16xf32>
        %mul3A_394 = arith.constant 2 : i32
        %mul3A_395 = arith.muli %mul3A_394, %scan3A_231 : i32
        %add3A_396 = arith.constant 1 : i32
        %add3A_397 = arith.addi %mul3A_395, %add3A_396 : i32
        %get3A_398 = arith.index_cast %add3A_397 : i32 to index
        %get3A_399 = arith.constant 15 : index
        %get3A_400 = tpu.vector_load %arg8[%get3A_398, %get3A_399] {strides = array<i32>} : memref<80x128xf32, #tpu.memory_space<vmem>>, vector<1x16xf32>,
        %get3A_401 = vector.shape_cast %get3A_400 : vector<1x16xf32> to vector<16xf32>
        %mul3A_402 = arith.mulf %bitcast_convert_type3A_325, %get3A_401 : vector<16xf32>
        %mul3A_403 = arith.constant 2 : i32
        %mul3A_404 = arith.muli %mul3A_403, %scan3A_231 : i32
        %get3A_405 = arith.index_cast %mul3A_404 : i32 to index
        %get3A_406 = arith.constant 15 : index
        %get3A_407 = tpu.vector_load %arg8[%get3A_405, %get3A_406] {strides = array<i32>} : memref<80x128xf32, #tpu.memory_space<vmem>>, vector<1x16xf32>,
        %get3A_408 = vector.shape_cast %get3A_407 : vector<1x16xf32> to vector<16xf32>
        %mul3A_409 = arith.mulf %bitcast_convert_type3A_325, %get3A_408 : vector<16xf32>
        %add3A_410 = arith.addf %mul3A_306, %mul3A_402 : vector<16xf32>
        %add3A_411 = arith.addf %mul3A_313, %mul3A_409 : vector<16xf32>
        %get3A_412 = arith.index_cast %scan3A_231 : i32 to index
        %get3A_413 = arith.constant 128 : index
        %get3A_414 = tpu.vector_load %arg7[%get3A_412, %get3A_413] {strides = array<i32>} : memref<40x256xi32, #tpu.memory_space<vmem>>, vector<1x16xi32>,
        %get3A_415 = vector.shape_cast %get3A_414 : vector<1x16xi32> to vector<16xi32>
        %shift_left3A_416 = arith.constant 16 : i32
        %shift_left3A_417 = vector.broadcast %shift_left3A_416 : i32 to vector<16xi32>
        %shift_left3A_418 = arith.shli %get3A_415, %shift_left3A_417 : vector<16xi32>
        %bitcast_convert_type3A_419 = tpu.bitcast %shift_left3A_418 : vector<16xi32> -> vector<16xf32>
        %and3A_420 = arith.constant -65536 : i32
        %and3A_421 = vector.broadcast %and3A_420 : i32 to vector<16xi32>
        %and3A_422 = arith.andi %get3A_415, %and3A_421 : vector<16xi32>
        %bitcast_convert_type3A_423 = tpu.bitcast %and3A_422 : vector<16xi32> -> vector<16xf32>
        %mul3A_424 = arith.constant 2 : i32
        %mul3A_425 = arith.muli %mul3A_424, %scan3A_231 : i32
        %add3A_426 = arith.constant 1 : i32
        %add3A_427 = arith.addi %mul3A_425, %add3A_426 : i32
        %get3A_428 = arith.index_cast %add3A_427 : i32 to index
        %get3A_429 = arith.constant 0 : index
        %get3A_430 = tpu.vector_load %arg8[%get3A_428, %get3A_429] {strides = array<i32>} : memref<80x128xf32, #tpu.memory_space<vmem>>, vector<1x16xf32>,
        %get3A_431 = vector.shape_cast %get3A_430 : vector<1x16xf32> to vector<16xf32>
        %mul3A_432 = arith.mulf %bitcast_convert_type3A_419, %get3A_431 : vector<16xf32>
        %mul3A_433 = arith.constant 2 : i32
        %mul3A_434 = arith.muli %mul3A_433, %scan3A_231 : i32
        %get3A_435 = arith.index_cast %mul3A_434 : i32 to index
        %get3A_436 = arith.constant 0 : index
        %get3A_437 = tpu.vector_load %arg8[%get3A_435, %get3A_436] {strides = array<i32>} : memref<80x128xf32, #tpu.memory_space<vmem>>, vector<1x16xf32>,
        %get3A_438 = vector.shape_cast %get3A_437 : vector<1x16xf32> to vector<16xf32>
        %mul3A_439 = arith.mulf %bitcast_convert_type3A_419, %get3A_438 : vector<16xf32>
        %add3A_440 = arith.addf %add3A_392, %mul3A_432 : vector<16xf32>
        %add3A_441 = arith.addf %add3A_393, %mul3A_439 : vector<16xf32>
        %mul3A_442 = arith.constant 2 : i32
        %mul3A_443 = arith.muli %mul3A_442, %scan3A_231 : i32
        %add3A_444 = arith.constant 1 : i32
        %add3A_445 = arith.addi %mul3A_443, %add3A_444 : i32
        %get3A_446 = arith.index_cast %add3A_445 : i32 to index
        %get3A_447 = arith.constant 16 : index
        %get3A_448 = tpu.vector_load %arg8[%get3A_446, %get3A_447] {strides = array<i32>} : memref<80x128xf32, #tpu.memory_space<vmem>>, vector<1x16xf32>,
        %get3A_449 = vector.shape_cast %get3A_448 : vector<1x16xf32> to vector<16xf32>
        %mul3A_450 = arith.mulf %bitcast_convert_type3A_423, %get3A_449 : vector<16xf32>
        %mul3A_451 = arith.constant 2 : i32
        %mul3A_452 = arith.muli %mul3A_451, %scan3A_231 : i32
        %get3A_453 = arith.index_cast %mul3A_452 : i32 to index
        %get3A_454 = arith.constant 16 : index
        %get3A_455 = tpu.vector_load %arg8[%get3A_453, %get3A_454] {strides = array<i32>} : memref<80x128xf32, #tpu.memory_space<vmem>>, vector<1x16xf32>,
        %get3A_456 = vector.shape_cast %get3A_455 : vector<1x16xf32> to vector<16xf32>
        %mul3A_457 = arith.mulf %bitcast_convert_type3A_423, %get3A_456 : vector<16xf32>
        %add3A_458 = arith.addf %add3A_410, %mul3A_450 : vector<16xf32>
        %add3A_459 = arith.addf %add3A_411, %mul3A_457 : vector<16xf32>
        %get3A_460 = arith.index_cast %scan3A_231 : i32 to index
        %get3A_461 = arith.constant 192 : index
        %get3A_462 = tpu.vector_load %arg7[%get3A_460, %get3A_461] {strides = array<i32>} : memref<40x256xi32, #tpu.memory_space<vmem>>, vector<1x16xi32>,
        %get3A_463 = vector.shape_cast %get3A_462 : vector<1x16xi32> to vector<16xi32>
        %shift_left3A_464 = arith.constant 16 : i32
        %shift_left3A_465 = vector.broadcast %shift_left3A_464 : i32 to vector<16xi32>
        %shift_left3A_466 = arith.shli %get3A_463, %shift_left3A_465 : vector<16xi32>
        %bitcast_convert_type3A_467 = tpu.bitcast %shift_left3A_466 : vector<16xi32> -> vector<16xf32>
        %and3A_468 = arith.constant -65536 : i32
        %and3A_469 = vector.broadcast %and3A_468 : i32 to vector<16xi32>
        %and3A_470 = arith.andi %get3A_463, %and3A_469 : vector<16xi32>
        %bitcast_convert_type3A_471 = tpu.bitcast %and3A_470 : vector<16xi32> -> vector<16xf32>
        %mul3A_472 = arith.constant 2 : i32
        %mul3A_473 = arith.muli %mul3A_472, %scan3A_231 : i32
        %add3A_474 = arith.constant 1 : i32
        %add3A_475 = arith.addi %mul3A_473, %add3A_474 : i32
        %get3A_476 = arith.index_cast %add3A_475 : i32 to index
        %get3A_477 = arith.constant 1 : index
        %get3A_478 = tpu.vector_load %arg8[%get3A_476, %get3A_477] {strides = array<i32>} : memref<80x128xf32, #tpu.memory_space<vmem>>, vector<1x16xf32>,
        %get3A_479 = vector.shape_cast %get3A_478 : vector<1x16xf32> to vector<16xf32>
        %mul3A_480 = arith.mulf %bitcast_convert_type3A_467, %get3A_479 : vector<16xf32>
        %mul3A_481 = arith.constant 2 : i32
        %mul3A_482 = arith.muli %mul3A_481, %scan3A_231 : i32
        %get3A_483 = arith.index_cast %mul3A_482 : i32 to index
        %get3A_484 = arith.constant 1 : index
        %get3A_485 = tpu.vector_load %arg8[%get3A_483, %get3A_484] {strides = array<i32>} : memref<80x128xf32, #tpu.memory_space<vmem>>, vector<1x16xf32>,
        %get3A_486 = vector.shape_cast %get3A_485 : vector<1x16xf32> to vector<16xf32>
        %mul3A_487 = arith.mulf %bitcast_convert_type3A_467, %get3A_486 : vector<16xf32>
        %add3A_488 = arith.addf %add3A_440, %mul3A_480 : vector<16xf32>
        %add3A_489 = arith.addf %add3A_441, %mul3A_487 : vector<16xf32>
        %mul3A_490 = arith.constant 2 : i32
        %mul3A_491 = arith.muli %mul3A_490, %scan3A_231 : i32
        %add3A_492 = arith.constant 1 : i32
        %add3A_493 = arith.addi %mul3A_491, %add3A_492 : i32
        %get3A_494 = arith.index_cast %add3A_493 : i32 to index
        %get3A_495 = arith.constant 17 : index
        %get3A_496 = tpu.vector_load %arg8[%get3A_494, %get3A_495] {strides = array<i32>} : memref<80x128xf32, #tpu.memory_space<vmem>>, vector<1x16xf32>,
        %get3A_497 = vector.shape_cast %get3A_496 : vector<1x16xf32> to vector<16xf32>
        %mul3A_498 = arith.mulf %bitcast_convert_type3A_471, %get3A_497 : vector<16xf32>
        %mul3A_499 = arith.constant 2 : i32
        %mul3A_500 = arith.muli %mul3A_499, %scan3A_231 : i32
        %get3A_501 = arith.index_cast %mul3A_500 : i32 to index
        %get3A_502 = arith.constant 17 : index
        %get3A_503 = tpu.vector_load %arg8[%get3A_501, %get3A_502] {strides = array<i32>} : memref<80x128xf32, #tpu.memory_space<vmem>>, vector<1x16xf32>,
        %get3A_504 = vector.shape_cast %get3A_503 : vector<1x16xf32> to vector<16xf32>
        %mul3A_505 = arith.mulf %bitcast_convert_type3A_471, %get3A_504 : vector<16xf32>
        %add3A_506 = arith.addf %add3A_458, %mul3A_498 : vector<16xf32>
        %add3A_507 = arith.addf %add3A_459, %mul3A_505 : vector<16xf32>
        %mul3A_508 = arith.constant 2 : i32
        %mul3A_509 = arith.muli %mul3A_508, %scan3A_231 : i32
        %swap3A = arith.index_cast %mul3A_509 : i32 to index
        %swap3A_510 = arith.constant 0 : index
        %swap3A_511 = tpu.vector_load %arg9[%swap3A, %swap3A_510] {strides = array<i32>} : memref<80x128xf32, #tpu.memory_space<vmem>>, vector<1x16xf32>,
        %swap3A_512 = vector.shape_cast %swap3A_511 : vector<1x16xf32> to vector<16xf32>
        %swap3A_513 = vector.shape_cast %add3A_488 : vector<16xf32> to vector<1x16xf32>
        tpu.vector_store %arg9[%swap3A, %swap3A_510], %swap3A_513 {strides = array<i32>} : memref<80x128xf32, #tpu.memory_space<vmem>>, vector<1x16xf32>,
        %mul3A_514 = arith.constant 2 : i32
        %mul3A_515 = arith.muli %mul3A_514, %scan3A_231 : i32
        %add3A_516 = arith.constant 1 : i32
        %add3A_517 = arith.addi %mul3A_515, %add3A_516 : i32
        %swap3A_518 = arith.index_cast %add3A_517 : i32 to index
        %swap3A_519 = arith.constant 0 : index
        %swap3A_520 = tpu.vector_load %arg9[%swap3A_518, %swap3A_519] {strides = array<i32>} : memref<80x128xf32, #tpu.memory_space<vmem>>, vector<1x16xf32>,
        %swap3A_521 = vector.shape_cast %swap3A_520 : vector<1x16xf32> to vector<16xf32>
        %swap3A_522 = vector.shape_cast %add3A_489 : vector<16xf32> to vector<1x16xf32>
        tpu.vector_store %arg9[%swap3A_518, %swap3A_519], %swap3A_522 {strides = array<i32>} : memref<80x128xf32, #tpu.memory_space<vmem>>, vector<1x16xf32>,
        %mul3A_523 = arith.constant 2 : i32
        %mul3A_524 = arith.muli %mul3A_523, %scan3A_231 : i32
        %swap3A_525 = arith.index_cast %mul3A_524 : i32 to index
        %swap3A_526 = arith.constant 16 : index
        %swap3A_527 = tpu.vector_load %arg9[%swap3A_525, %swap3A_526] {strides = array<i32>} : memref<80x128xf32, #tpu.memory_space<vmem>>, vector<1x16xf32>,
        %swap3A_528 = vector.shape_cast %swap3A_527 : vector<1x16xf32> to vector<16xf32>
        %swap3A_529 = vector.shape_cast %add3A_506 : vector<16xf32> to vector<1x16xf32>
        tpu.vector_store %arg9[%swap3A_525, %swap3A_526], %swap3A_529 {strides = array<i32>} : memref<80x128xf32, #tpu.memory_space<vmem>>, vector<1x16xf32>,
        %mul3A_530 = arith.constant 2 : i32
        %mul3A_531 = arith.muli %mul3A_530, %scan3A_231 : i32
        %add3A_532 = arith.constant 1 : i32
        %add3A_533 = arith.addi %mul3A_531, %add3A_532 : i32
        %swap3A_534 = arith.index_cast %add3A_533 : i32 to index
        %swap3A_535 = arith.constant 16 : index
        %swap3A_536 = tpu.vector_load %arg9[%swap3A_534, %swap3A_535] {strides = array<i32>} : memref<80x128xf32, #tpu.memory_space<vmem>>, vector<1x16xf32>,
        %swap3A_537 = vector.shape_cast %swap3A_536 : vector<1x16xf32> to vector<16xf32>
        %swap3A_538 = vector.shape_cast %add3A_507 : vector<16xf32> to vector<1x16xf32>
        tpu.vector_store %arg9[%swap3A_534, %swap3A_535], %swap3A_538 {strides = array<i32>} : memref<80x128xf32, #tpu.memory_space<vmem>>, vector<1x16xf32>,
        %get3A_539 = arith.index_cast %scan3A_231 : i32 to index
        %get3A_540 = arith.constant 16 : index
        %get3A_541 = tpu.vector_load %arg7[%get3A_539, %get3A_540] {strides = array<i32>} : memref<40x256xi32, #tpu.memory_space<vmem>>, vector<1x16xi32>,
        %get3A_542 = vector.shape_cast %get3A_541 : vector<1x16xi32> to vector<16xi32>
        %shift_left3A_543 = arith.constant 16 : i32
        %shift_left3A_544 = vector.broadcast %shift_left3A_543 : i32 to vector<16xi32>
        %shift_left3A_545 = arith.shli %get3A_542, %shift_left3A_544 : vector<16xi32>
        %bitcast_convert_type3A_546 = tpu.bitcast %shift_left3A_545 : vector<16xi32> -> vector<16xf32>
        %and3A_547 = arith.constant -65536 : i32
        %and3A_548 = vector.broadcast %and3A_547 : i32 to vector<16xi32>
        %and3A_549 = arith.andi %get3A_542, %and3A_548 : vector<16xi32>
        %bitcast_convert_type3A_550 = tpu.bitcast %and3A_549 : vector<16xi32> -> vector<16xf32>
        %mul3A_551 = arith.constant 2 : i32
        %mul3A_552 = arith.muli %mul3A_551, %scan3A_231 : i32
        %add3A_553 = arith.constant 1 : i32
        %add3A_554 = arith.addi %mul3A_552, %add3A_553 : i32
        %get3A_555 = arith.index_cast %add3A_554 : i32 to index
        %get3A_556 = arith.constant 30 : index
        %get3A_557 = tpu.vector_load %arg8[%get3A_555, %get3A_556] {strides = array<i32>} : memref<80x128xf32, #tpu.memory_space<vmem>>, vector<1x16xf32>,
        %get3A_558 = vector.shape_cast %get3A_557 : vector<1x16xf32> to vector<16xf32>
        %mul3A_559 = arith.mulf %bitcast_convert_type3A_546, %get3A_558 : vector<16xf32>
        %mul3A_560 = arith.constant 2 : i32
        %mul3A_561 = arith.muli %mul3A_560, %scan3A_231 : i32
        %get3A_562 = arith.index_cast %mul3A_561 : i32 to index
        %get3A_563 = arith.constant 30 : index
        %get3A_564 = tpu.vector_load %arg8[%get3A_562, %get3A_563] {strides = array<i32>} : memref<80x128xf32, #tpu.memory_space<vmem>>, vector<1x16xf32>,
        %get3A_565 = vector.shape_cast %get3A_564 : vector<1x16xf32> to vector<16xf32>
        %mul3A_566 = arith.mulf %bitcast_convert_type3A_546, %get3A_565 : vector<16xf32>
        %mul3A_567 = arith.constant 2 : i32
        %mul3A_568 = arith.muli %mul3A_567, %scan3A_231 : i32
        %add3A_569 = arith.constant 1 : i32
        %add3A_570 = arith.addi %mul3A_568, %add3A_569 : i32
        %get3A_571 = arith.index_cast %add3A_570 : i32 to index
        %get3A_572 = arith.constant 46 : index
        %get3A_573 = tpu.vector_load %arg8[%get3A_571, %get3A_572] {strides = array<i32>} : memref<80x128xf32, #tpu.memory_space<vmem>>, vector<1x16xf32>,
        %get3A_574 = vector.shape_cast %get3A_573 : vector<1x16xf32> to vector<16xf32>
        %mul3A_575 = arith.mulf %bitcast_convert_type3A_550, %get3A_574 : vector<16xf32>
        %mul3A_576 = arith.constant 2 : i32
        %mul3A_577 = arith.muli %mul3A_576, %scan3A_231 : i32
        %get3A_578 = arith.index_cast %mul3A_577 : i32 to index
        %get3A_579 = arith.constant 46 : index
        %get3A_580 = tpu.vector_load %arg8[%get3A_578, %get3A_579] {strides = array<i32>} : memref<80x128xf32, #tpu.memory_space<vmem>>, vector<1x16xf32>,
        %get3A_581 = vector.shape_cast %get3A_580 : vector<1x16xf32> to vector<16xf32>
        %mul3A_582 = arith.mulf %bitcast_convert_type3A_550, %get3A_581 : vector<16xf32>
        %get3A_583 = arith.index_cast %scan3A_231 : i32 to index
        %get3A_584 = arith.constant 80 : index
        %get3A_585 = tpu.vector_load %arg7[%get3A_583, %get3A_584] {strides = array<i32>} : memref<40x256xi32, #tpu.memory_space<vmem>>, vector<1x16xi32>,
        %get3A_586 = vector.shape_cast %get3A_585 : vector<1x16xi32> to vector<16xi32>
        %shift_left3A_587 = arith.constant 16 : i32
        %shift_left3A_588 = vector.broadcast %shift_left3A_587 : i32 to vector<16xi32>
        %shift_left3A_589 = arith.shli %get3A_586, %shift_left3A_588 : vector<16xi32>
        %bitcast_convert_type3A_590 = tpu.bitcast %shift_left3A_589 : vector<16xi32> -> vector<16xf32>
        %and3A_591 = arith.constant -65536 : i32
        %and3A_592 = vector.broadcast %and3A_591 : i32 to vector<16xi32>
        %and3A_593 = arith.andi %get3A_586, %and3A_592 : vector<16xi32>
        %bitcast_convert_type3A_594 = tpu.bitcast %and3A_593 : vector<16xi32> -> vector<16xf32>
        %mul3A_595 = arith.constant 2 : i32
        %mul3A_596 = arith.muli %mul3A_595, %scan3A_231 : i32
        %add3A_597 = arith.constant 1 : i32
        %add3A_598 = arith.addi %mul3A_596, %add3A_597 : i32
        %get3A_599 = arith.index_cast %add3A_598 : i32 to index
        %get3A_600 = arith.constant 31 : index
        %get3A_601 = tpu.vector_load %arg8[%get3A_599, %get3A_600] {strides = array<i32>} : memref<80x128xf32, #tpu.memory_space<vmem>>, vector<1x16xf32>,
        %get3A_602 = vector.shape_cast %get3A_601 : vector<1x16xf32> to vector<16xf32>
        %mul3A_603 = arith.mulf %bitcast_convert_type3A_590, %get3A_602 : vector<16xf32>
        %mul3A_604 = arith.constant 2 : i32
        %mul3A_605 = arith.muli %mul3A_604, %scan3A_231 : i32
        %get3A_606 = arith.index_cast %mul3A_605 : i32 to index
        %get3A_607 = arith.constant 31 : index
        %get3A_608 = tpu.vector_load %arg8[%get3A_606, %get3A_607] {strides = array<i32>} : memref<80x128xf32, #tpu.memory_space<vmem>>, vector<1x16xf32>,
        %get3A_609 = vector.shape_cast %get3A_608 : vector<1x16xf32> to vector<16xf32>
        %mul3A_610 = arith.mulf %bitcast_convert_type3A_590, %get3A_609 : vector<16xf32>
        %add3A_611 = arith.addf %mul3A_559, %mul3A_603 : vector<16xf32>
        %add3A_612 = arith.addf %mul3A_566, %mul3A_610 : vector<16xf32>
        %mul3A_613 = arith.constant 2 : i32
        %mul3A_614 = arith.muli %mul3A_613, %scan3A_231 : i32
        %add3A_615 = arith.constant 1 : i32
        %add3A_616 = arith.addi %mul3A_614, %add3A_615 : i32
        %get3A_617 = arith.index_cast %add3A_616 : i32 to index
        %get3A_618 = arith.constant 47 : index
        %get3A_619 = tpu.vector_load %arg8[%get3A_617, %get3A_618] {strides = array<i32>} : memref<80x128xf32, #tpu.memory_space<vmem>>, vector<1x16xf32>,
        %get3A_620 = vector.shape_cast %get3A_619 : vector<1x16xf32> to vector<16xf32>
        %mul3A_621 = arith.mulf %bitcast_convert_type3A_594, %get3A_620 : vector<16xf32>
        %mul3A_622 = arith.constant 2 : i32
        %mul3A_623 = arith.muli %mul3A_622, %scan3A_231 : i32
        %get3A_624 = arith.index_cast %mul3A_623 : i32 to index
        %get3A_625 = arith.constant 47 : index
        %get3A_626 = tpu.vector_load %arg8[%get3A_624, %get3A_625] {strides = array<i32>} : memref<80x128xf32, #tpu.memory_space<vmem>>, vector<1x16xf32>,
        %get3A_627 = vector.shape_cast %get3A_626 : vector<1x16xf32> to vector<16xf32>
        %mul3A_628 = arith.mulf %bitcast_convert_type3A_594, %get3A_627 : vector<16xf32>
        %add3A_629 = arith.addf %mul3A_575, %mul3A_621 : vector<16xf32>
        %add3A_630 = arith.addf %mul3A_582, %mul3A_628 : vector<16xf32>
        %get3A_631 = arith.index_cast %scan3A_231 : i32 to index
        %get3A_632 = arith.constant 144 : index
        %get3A_633 = tpu.vector_load %arg7[%get3A_631, %get3A_632] {strides = array<i32>} : memref<40x256xi32, #tpu.memory_space<vmem>>, vector<1x16xi32>,
        %get3A_634 = vector.shape_cast %get3A_633 : vector<1x16xi32> to vector<16xi32>
        %shift_left3A_635 = arith.constant 16 : i32
        %shift_left3A_636 = vector.broadcast %shift_left3A_635 : i32 to vector<16xi32>
        %shift_left3A_637 = arith.shli %get3A_634, %shift_left3A_636 : vector<16xi32>
        %bitcast_convert_type3A_638 = tpu.bitcast %shift_left3A_637 : vector<16xi32> -> vector<16xf32>
        %and3A_639 = arith.constant -65536 : i32
        %and3A_640 = vector.broadcast %and3A_639 : i32 to vector<16xi32>
        %and3A_641 = arith.andi %get3A_634, %and3A_640 : vector<16xi32>
        %bitcast_convert_type3A_642 = tpu.bitcast %and3A_641 : vector<16xi32> -> vector<16xf32>
        %mul3A_643 = arith.constant 2 : i32
        %mul3A_644 = arith.muli %mul3A_643, %scan3A_231 : i32
        %add3A_645 = arith.constant 1 : i32
        %add3A_646 = arith.addi %mul3A_644, %add3A_645 : i32
        %get3A_647 = arith.index_cast %add3A_646 : i32 to index
        %get3A_648 = arith.constant 32 : index
        %get3A_649 = tpu.vector_load %arg8[%get3A_647, %get3A_648] {strides = array<i32>} : memref<80x128xf32, #tpu.memory_space<vmem>>, vector<1x16xf32>,
        %get3A_650 = vector.shape_cast %get3A_649 : vector<1x16xf32> to vector<16xf32>
        %mul3A_651 = arith.mulf %bitcast_convert_type3A_638, %get3A_650 : vector<16xf32>
        %mul3A_652 = arith.constant 2 : i32
        %mul3A_653 = arith.muli %mul3A_652, %scan3A_231 : i32
        %get3A_654 = arith.index_cast %mul3A_653 : i32 to index
        %get3A_655 = arith.constant 32 : index
        %get3A_656 = tpu.vector_load %arg8[%get3A_654, %get3A_655] {strides = array<i32>} : memref<80x128xf32, #tpu.memory_space<vmem>>, vector<1x16xf32>,
        %get3A_657 = vector.shape_cast %get3A_656 : vector<1x16xf32> to vector<16xf32>
        %mul3A_658 = arith.mulf %bitcast_convert_type3A_638, %get3A_657 : vector<16xf32>
        %add3A_659 = arith.addf %add3A_611, %mul3A_651 : vector<16xf32>
        %add3A_660 = arith.addf %add3A_612, %mul3A_658 : vector<16xf32>
        %mul3A_661 = arith.constant 2 : i32
        %mul3A_662 = arith.muli %mul3A_661, %scan3A_231 : i32
        %add3A_663 = arith.constant 1 : i32
        %add3A_664 = arith.addi %mul3A_662, %add3A_663 : i32
        %get3A_665 = arith.index_cast %add3A_664 : i32 to index
        %get3A_666 = arith.constant 48 : index
        %get3A_667 = tpu.vector_load %arg8[%get3A_665, %get3A_666] {strides = array<i32>} : memref<80x128xf32, #tpu.memory_space<vmem>>, vector<1x16xf32>,
        %get3A_668 = vector.shape_cast %get3A_667 : vector<1x16xf32> to vector<16xf32>
        %mul3A_669 = arith.mulf %bitcast_convert_type3A_642, %get3A_668 : vector<16xf32>
        %mul3A_670 = arith.constant 2 : i32
        %mul3A_671 = arith.muli %mul3A_670, %scan3A_231 : i32
        %get3A_672 = arith.index_cast %mul3A_671 : i32 to index
        %get3A_673 = arith.constant 48 : index
        %get3A_674 = tpu.vector_load %arg8[%get3A_672, %get3A_673] {strides = array<i32>} : memref<80x128xf32, #tpu.memory_space<vmem>>, vector<1x16xf32>,
        %get3A_675 = vector.shape_cast %get3A_674 : vector<1x16xf32> to vector<16xf32>
        %mul3A_676 = arith.mulf %bitcast_convert_type3A_642, %get3A_675 : vector<16xf32>
        %add3A_677 = arith.addf %add3A_629, %mul3A_669 : vector<16xf32>
        %add3A_678 = arith.addf %add3A_630, %mul3A_676 : vector<16xf32>
        %get3A_679 = arith.index_cast %scan3A_231 : i32 to index
        %get3A_680 = arith.constant 208 : index
        %get3A_681 = tpu.vector_load %arg7[%get3A_679, %get3A_680] {strides = array<i32>} : memref<40x256xi32, #tpu.memory_space<vmem>>, vector<1x16xi32>,
        %get3A_682 = vector.shape_cast %get3A_681 : vector<1x16xi32> to vector<16xi32>
        %shift_left3A_683 = arith.constant 16 : i32
        %shift_left3A_684 = vector.broadcast %shift_left3A_683 : i32 to vector<16xi32>
        %shift_left3A_685 = arith.shli %get3A_682, %shift_left3A_684 : vector<16xi32>
        %bitcast_convert_type3A_686 = tpu.bitcast %shift_left3A_685 : vector<16xi32> -> vector<16xf32>
        %and3A_687 = arith.constant -65536 : i32
        %and3A_688 = vector.broadcast %and3A_687 : i32 to vector<16xi32>
        %and3A_689 = arith.andi %get3A_682, %and3A_688 : vector<16xi32>
        %bitcast_convert_type3A_690 = tpu.bitcast %and3A_689 : vector<16xi32> -> vector<16xf32>
        %mul3A_691 = arith.constant 2 : i32
        %mul3A_692 = arith.muli %mul3A_691, %scan3A_231 : i32
        %add3A_693 = arith.constant 1 : i32
        %add3A_694 = arith.addi %mul3A_692, %add3A_693 : i32
        %get3A_695 = arith.index_cast %add3A_694 : i32 to index
        %get3A_696 = arith.constant 33 : index
        %get3A_697 = tpu.vector_load %arg8[%get3A_695, %get3A_696] {strides = array<i32>} : memref<80x128xf32, #tpu.memory_space<vmem>>, vector<1x16xf32>,
        %get3A_698 = vector.shape_cast %get3A_697 : vector<1x16xf32> to vector<16xf32>
        %mul3A_699 = arith.mulf %bitcast_convert_type3A_686, %get3A_698 : vector<16xf32>
        %mul3A_700 = arith.constant 2 : i32
        %mul3A_701 = arith.muli %mul3A_700, %scan3A_231 : i32
        %get3A_702 = arith.index_cast %mul3A_701 : i32 to index
        %get3A_703 = arith.constant 33 : index
        %get3A_704 = tpu.vector_load %arg8[%get3A_702, %get3A_703] {strides = array<i32>} : memref<80x128xf32, #tpu.memory_space<vmem>>, vector<1x16xf32>,
        %get3A_705 = vector.shape_cast %get3A_704 : vector<1x16xf32> to vector<16xf32>
        %mul3A_706 = arith.mulf %bitcast_convert_type3A_686, %get3A_705 : vector<16xf32>
        %add3A_707 = arith.addf %add3A_659, %mul3A_699 : vector<16xf32>
        %add3A_708 = arith.addf %add3A_660, %mul3A_706 : vector<16xf32>
        %mul3A_709 = arith.constant 2 : i32
        %mul3A_710 = arith.muli %mul3A_709, %scan3A_231 : i32
        %add3A_711 = arith.constant 1 : i32
        %add3A_712 = arith.addi %mul3A_710, %add3A_711 : i32
        %get3A_713 = arith.index_cast %add3A_712 : i32 to index
        %get3A_714 = arith.constant 49 : index
        %get3A_715 = tpu.vector_load %arg8[%get3A_713, %get3A_714] {strides = array<i32>} : memref<80x128xf32, #tpu.memory_space<vmem>>, vector<1x16xf32>,
        %get3A_716 = vector.shape_cast %get3A_715 : vector<1x16xf32> to vector<16xf32>
        %mul3A_717 = arith.mulf %bitcast_convert_type3A_690, %get3A_716 : vector<16xf32>
        %mul3A_718 = arith.constant 2 : i32
        %mul3A_719 = arith.muli %mul3A_718, %scan3A_231 : i32
        %get3A_720 = arith.index_cast %mul3A_719 : i32 to index
        %get3A_721 = arith.constant 49 : index
        %get3A_722 = tpu.vector_load %arg8[%get3A_720, %get3A_721] {strides = array<i32>} : memref<80x128xf32, #tpu.memory_space<vmem>>, vector<1x16xf32>,
        %get3A_723 = vector.shape_cast %get3A_722 : vector<1x16xf32> to vector<16xf32>
        %mul3A_724 = arith.mulf %bitcast_convert_type3A_690, %get3A_723 : vector<16xf32>
        %add3A_725 = arith.addf %add3A_677, %mul3A_717 : vector<16xf32>
        %add3A_726 = arith.addf %add3A_678, %mul3A_724 : vector<16xf32>
        %mul3A_727 = arith.constant 2 : i32
        %mul3A_728 = arith.muli %mul3A_727, %scan3A_231 : i32
        %swap3A_729 = arith.index_cast %mul3A_728 : i32 to index
        %swap3A_730 = arith.constant 32 : index
        %swap3A_731 = tpu.vector_load %arg9[%swap3A_729, %swap3A_730] {strides = array<i32>} : memref<80x128xf32, #tpu.memory_space<vmem>>, vector<1x16xf32>,
        %swap3A_732 = vector.shape_cast %swap3A_731 : vector<1x16xf32> to vector<16xf32>
        %swap3A_733 = vector.shape_cast %add3A_707 : vector<16xf32> to vector<1x16xf32>
        tpu.vector_store %arg9[%swap3A_729, %swap3A_730], %swap3A_733 {strides = array<i32>} : memref<80x128xf32, #tpu.memory_space<vmem>>, vector<1x16xf32>,
        %mul3A_734 = arith.constant 2 : i32
        %mul3A_735 = arith.muli %mul3A_734, %scan3A_231 : i32
        %add3A_736 = arith.constant 1 : i32
        %add3A_737 = arith.addi %mul3A_735, %add3A_736 : i32
        %swap3A_738 = arith.index_cast %add3A_737 : i32 to index
        %swap3A_739 = arith.constant 32 : index
        %swap3A_740 = tpu.vector_load %arg9[%swap3A_738, %swap3A_739] {strides = array<i32>} : memref<80x128xf32, #tpu.memory_space<vmem>>, vector<1x16xf32>,
        %swap3A_741 = vector.shape_cast %swap3A_740 : vector<1x16xf32> to vector<16xf32>
        %swap3A_742 = vector.shape_cast %add3A_708 : vector<16xf32> to vector<1x16xf32>
        tpu.vector_store %arg9[%swap3A_738, %swap3A_739], %swap3A_742 {strides = array<i32>} : memref<80x128xf32, #tpu.memory_space<vmem>>, vector<1x16xf32>,
        %mul3A_743 = arith.constant 2 : i32
        %mul3A_744 = arith.muli %mul3A_743, %scan3A_231 : i32
        %swap3A_745 = arith.index_cast %mul3A_744 : i32 to index
        %swap3A_746 = arith.constant 48 : index
        %swap3A_747 = tpu.vector_load %arg9[%swap3A_745, %swap3A_746] {strides = array<i32>} : memref<80x128xf32, #tpu.memory_space<vmem>>, vector<1x16xf32>,
        %swap3A_748 = vector.shape_cast %swap3A_747 : vector<1x16xf32> to vector<16xf32>
        %swap3A_749 = vector.shape_cast %add3A_725 : vector<16xf32> to vector<1x16xf32>
        tpu.vector_store %arg9[%swap3A_745, %swap3A_746], %swap3A_749 {strides = array<i32>} : memref<80x128xf32, #tpu.memory_space<vmem>>, vector<1x16xf32>,
        %mul3A_750 = arith.constant 2 : i32
        %mul3A_751 = arith.muli %mul3A_750, %scan3A_231 : i32
        %add3A_752 = arith.constant 1 : i32
        %add3A_753 = arith.addi %mul3A_751, %add3A_752 : i32
        %swap3A_754 = arith.index_cast %add3A_753 : i32 to index
        %swap3A_755 = arith.constant 48 : index
        %swap3A_756 = tpu.vector_load %arg9[%swap3A_754, %swap3A_755] {strides = array<i32>} : memref<80x128xf32, #tpu.memory_space<vmem>>, vector<1x16xf32>,
        %swap3A_757 = vector.shape_cast %swap3A_756 : vector<1x16xf32> to vector<16xf32>
        %swap3A_758 = vector.shape_cast %add3A_726 : vector<16xf32> to vector<1x16xf32>
        tpu.vector_store %arg9[%swap3A_754, %swap3A_755], %swap3A_758 {strides = array<i32>} : memref<80x128xf32, #tpu.memory_space<vmem>>, vector<1x16xf32>,
        %get3A_759 = arith.index_cast %scan3A_231 : i32 to index
        %get3A_760 = arith.constant 32 : index
        %get3A_761 = tpu.vector_load %arg7[%get3A_759, %get3A_760] {strides = array<i32>} : memref<40x256xi32, #tpu.memory_space<vmem>>, vector<1x16xi32>,
        %get3A_762 = vector.shape_cast %get3A_761 : vector<1x16xi32> to vector<16xi32>
        %shift_left3A_763 = arith.constant 16 : i32
        %shift_left3A_764 = vector.broadcast %shift_left3A_763 : i32 to vector<16xi32>
        %shift_left3A_765 = arith.shli %get3A_762, %shift_left3A_764 : vector<16xi32>
        %bitcast_convert_type3A_766 = tpu.bitcast %shift_left3A_765 : vector<16xi32> -> vector<16xf32>
        %and3A_767 = arith.constant -65536 : i32
        %and3A_768 = vector.broadcast %and3A_767 : i32 to vector<16xi32>
        %and3A_769 = arith.andi %get3A_762, %and3A_768 : vector<16xi32>
        %bitcast_convert_type3A_770 = tpu.bitcast %and3A_769 : vector<16xi32> -> vector<16xf32>
        %mul3A_771 = arith.constant 2 : i32
        %mul3A_772 = arith.muli %mul3A_771, %scan3A_231 : i32
        %add3A_773 = arith.constant 1 : i32
        %add3A_774 = arith.addi %mul3A_772, %add3A_773 : i32
        %get3A_775 = arith.index_cast %add3A_774 : i32 to index
        %get3A_776 = arith.constant 62 : index
        %get3A_777 = tpu.vector_load %arg8[%get3A_775, %get3A_776] {strides = array<i32>} : memref<80x128xf32, #tpu.memory_space<vmem>>, vector<1x16xf32>,
        %get3A_778 = vector.shape_cast %get3A_777 : vector<1x16xf32> to vector<16xf32>
        %mul3A_779 = arith.mulf %bitcast_convert_type3A_766, %get3A_778 : vector<16xf32>
        %mul3A_780 = arith.constant 2 : i32
        %mul3A_781 = arith.muli %mul3A_780, %scan3A_231 : i32
        %get3A_782 = arith.index_cast %mul3A_781 : i32 to index
        %get3A_783 = arith.constant 62 : index
        %get3A_784 = tpu.vector_load %arg8[%get3A_782, %get3A_783] {strides = array<i32>} : memref<80x128xf32, #tpu.memory_space<vmem>>, vector<1x16xf32>,
        %get3A_785 = vector.shape_cast %get3A_784 : vector<1x16xf32> to vector<16xf32>
        %mul3A_786 = arith.mulf %bitcast_convert_type3A_766, %get3A_785 : vector<16xf32>
        %mul3A_787 = arith.constant 2 : i32
        %mul3A_788 = arith.muli %mul3A_787, %scan3A_231 : i32
        %add3A_789 = arith.constant 1 : i32
        %add3A_790 = arith.addi %mul3A_788, %add3A_789 : i32
        %get3A_791 = arith.index_cast %add3A_790 : i32 to index
        %get3A_792 = arith.constant 78 : index
        %get3A_793 = tpu.vector_load %arg8[%get3A_791, %get3A_792] {strides = array<i32>} : memref<80x128xf32, #tpu.memory_space<vmem>>, vector<1x16xf32>,
        %get3A_794 = vector.shape_cast %get3A_793 : vector<1x16xf32> to vector<16xf32>
        %mul3A_795 = arith.mulf %bitcast_convert_type3A_770, %get3A_794 : vector<16xf32>
        %mul3A_796 = arith.constant 2 : i32
        %mul3A_797 = arith.muli %mul3A_796, %scan3A_231 : i32
        %get3A_798 = arith.index_cast %mul3A_797 : i32 to index
        %get3A_799 = arith.constant 78 : index
        %get3A_800 = tpu.vector_load %arg8[%get3A_798, %get3A_799] {strides = array<i32>} : memref<80x128xf32, #tpu.memory_space<vmem>>, vector<1x16xf32>,
        %get3A_801 = vector.shape_cast %get3A_800 : vector<1x16xf32> to vector<16xf32>
        %mul3A_802 = arith.mulf %bitcast_convert_type3A_770, %get3A_801 : vector<16xf32>
        %get3A_803 = arith.index_cast %scan3A_231 : i32 to index
        %get3A_804 = arith.constant 96 : index
        %get3A_805 = tpu.vector_load %arg7[%get3A_803, %get3A_804] {strides = array<i32>} : memref<40x256xi32, #tpu.memory_space<vmem>>, vector<1x16xi32>,
        %get3A_806 = vector.shape_cast %get3A_805 : vector<1x16xi32> to vector<16xi32>
        %shift_left3A_807 = arith.constant 16 : i32
        %shift_left3A_808 = vector.broadcast %shift_left3A_807 : i32 to vector<16xi32>
        %shift_left3A_809 = arith.shli %get3A_806, %shift_left3A_808 : vector<16xi32>
        %bitcast_convert_type3A_810 = tpu.bitcast %shift_left3A_809 : vector<16xi32> -> vector<16xf32>
        %and3A_811 = arith.constant -65536 : i32
        %and3A_812 = vector.broadcast %and3A_811 : i32 to vector<16xi32>
        %and3A_813 = arith.andi %get3A_806, %and3A_812 : vector<16xi32>
        %bitcast_convert_type3A_814 = tpu.bitcast %and3A_813 : vector<16xi32> -> vector<16xf32>
        %mul3A_815 = arith.constant 2 : i32
        %mul3A_816 = arith.muli %mul3A_815, %scan3A_231 : i32
        %add3A_817 = arith.constant 1 : i32
        %add3A_818 = arith.addi %mul3A_816, %add3A_817 : i32
        %get3A_819 = arith.index_cast %add3A_818 : i32 to index
        %get3A_820 = arith.constant 63 : index
        %get3A_821 = tpu.vector_load %arg8[%get3A_819, %get3A_820] {strides = array<i32>} : memref<80x128xf32, #tpu.memory_space<vmem>>, vector<1x16xf32>,
        %get3A_822 = vector.shape_cast %get3A_821 : vector<1x16xf32> to vector<16xf32>
        %mul3A_823 = arith.mulf %bitcast_convert_type3A_810, %get3A_822 : vector<16xf32>
        %mul3A_824 = arith.constant 2 : i32
        %mul3A_825 = arith.muli %mul3A_824, %scan3A_231 : i32
        %get3A_826 = arith.index_cast %mul3A_825 : i32 to index
        %get3A_827 = arith.constant 63 : index
        %get3A_828 = tpu.vector_load %arg8[%get3A_826, %get3A_827] {strides = array<i32>} : memref<80x128xf32, #tpu.memory_space<vmem>>, vector<1x16xf32>,
        %get3A_829 = vector.shape_cast %get3A_828 : vector<1x16xf32> to vector<16xf32>
        %mul3A_830 = arith.mulf %bitcast_convert_type3A_810, %get3A_829 : vector<16xf32>
        %add3A_831 = arith.addf %mul3A_779, %mul3A_823 : vector<16xf32>
        %add3A_832 = arith.addf %mul3A_786, %mul3A_830 : vector<16xf32>
        %mul3A_833 = arith.constant 2 : i32
        %mul3A_834 = arith.muli %mul3A_833, %scan3A_231 : i32
        %add3A_835 = arith.constant 1 : i32
        %add3A_836 = arith.addi %mul3A_834, %add3A_835 : i32
        %get3A_837 = arith.index_cast %add3A_836 : i32 to index
        %get3A_838 = arith.constant 79 : index
        %get3A_839 = tpu.vector_load %arg8[%get3A_837, %get3A_838] {strides = array<i32>} : memref<80x128xf32, #tpu.memory_space<vmem>>, vector<1x16xf32>,
        %get3A_840 = vector.shape_cast %get3A_839 : vector<1x16xf32> to vector<16xf32>
        %mul3A_841 = arith.mulf %bitcast_convert_type3A_814, %get3A_840 : vector<16xf32>
        %mul3A_842 = arith.constant 2 : i32
        %mul3A_843 = arith.muli %mul3A_842, %scan3A_231 : i32
        %get3A_844 = arith.index_cast %mul3A_843 : i32 to index
        %get3A_845 = arith.constant 79 : index
        %get3A_846 = tpu.vector_load %arg8[%get3A_844, %get3A_845] {strides = array<i32>} : memref<80x128xf32, #tpu.memory_space<vmem>>, vector<1x16xf32>,
        %get3A_847 = vector.shape_cast %get3A_846 : vector<1x16xf32> to vector<16xf32>
        %mul3A_848 = arith.mulf %bitcast_convert_type3A_814, %get3A_847 : vector<16xf32>
        %add3A_849 = arith.addf %mul3A_795, %mul3A_841 : vector<16xf32>
        %add3A_850 = arith.addf %mul3A_802, %mul3A_848 : vector<16xf32>
        %get3A_851 = arith.index_cast %scan3A_231 : i32 to index
        %get3A_852 = arith.constant 160 : index
        %get3A_853 = tpu.vector_load %arg7[%get3A_851, %get3A_852] {strides = array<i32>} : memref<40x256xi32, #tpu.memory_space<vmem>>, vector<1x16xi32>,
        %get3A_854 = vector.shape_cast %get3A_853 : vector<1x16xi32> to vector<16xi32>
        %shift_left3A_855 = arith.constant 16 : i32
        %shift_left3A_856 = vector.broadcast %shift_left3A_855 : i32 to vector<16xi32>
        %shift_left3A_857 = arith.shli %get3A_854, %shift_left3A_856 : vector<16xi32>
        %bitcast_convert_type3A_858 = tpu.bitcast %shift_left3A_857 : vector<16xi32> -> vector<16xf32>
        %and3A_859 = arith.constant -65536 : i32
        %and3A_860 = vector.broadcast %and3A_859 : i32 to vector<16xi32>
        %and3A_861 = arith.andi %get3A_854, %and3A_860 : vector<16xi32>
        %bitcast_convert_type3A_862 = tpu.bitcast %and3A_861 : vector<16xi32> -> vector<16xf32>
        %mul3A_863 = arith.constant 2 : i32
        %mul3A_864 = arith.muli %mul3A_863, %scan3A_231 : i32
        %add3A_865 = arith.constant 1 : i32
        %add3A_866 = arith.addi %mul3A_864, %add3A_865 : i32
        %get3A_867 = arith.index_cast %add3A_866 : i32 to index
        %get3A_868 = arith.constant 64 : index
        %get3A_869 = tpu.vector_load %arg8[%get3A_867, %get3A_868] {strides = array<i32>} : memref<80x128xf32, #tpu.memory_space<vmem>>, vector<1x16xf32>,
        %get3A_870 = vector.shape_cast %get3A_869 : vector<1x16xf32> to vector<16xf32>
        %mul3A_871 = arith.mulf %bitcast_convert_type3A_858, %get3A_870 : vector<16xf32>
        %mul3A_872 = arith.constant 2 : i32
        %mul3A_873 = arith.muli %mul3A_872, %scan3A_231 : i32
        %get3A_874 = arith.index_cast %mul3A_873 : i32 to index
        %get3A_875 = arith.constant 64 : index
        %get3A_876 = tpu.vector_load %arg8[%get3A_874, %get3A_875] {strides = array<i32>} : memref<80x128xf32, #tpu.memory_space<vmem>>, vector<1x16xf32>,
        %get3A_877 = vector.shape_cast %get3A_876 : vector<1x16xf32> to vector<16xf32>
        %mul3A_878 = arith.mulf %bitcast_convert_type3A_858, %get3A_877 : vector<16xf32>
        %add3A_879 = arith.addf %add3A_831, %mul3A_871 : vector<16xf32>
        %add3A_880 = arith.addf %add3A_832, %mul3A_878 : vector<16xf32>
        %mul3A_881 = arith.constant 2 : i32
        %mul3A_882 = arith.muli %mul3A_881, %scan3A_231 : i32
        %add3A_883 = arith.constant 1 : i32
        %add3A_884 = arith.addi %mul3A_882, %add3A_883 : i32
        %get3A_885 = arith.index_cast %add3A_884 : i32 to index
        %get3A_886 = arith.constant 80 : index
        %get3A_887 = tpu.vector_load %arg8[%get3A_885, %get3A_886] {strides = array<i32>} : memref<80x128xf32, #tpu.memory_space<vmem>>, vector<1x16xf32>,
        %get3A_888 = vector.shape_cast %get3A_887 : vector<1x16xf32> to vector<16xf32>
        %mul3A_889 = arith.mulf %bitcast_convert_type3A_862, %get3A_888 : vector<16xf32>
        %mul3A_890 = arith.constant 2 : i32
        %mul3A_891 = arith.muli %mul3A_890, %scan3A_231 : i32
        %get3A_892 = arith.index_cast %mul3A_891 : i32 to index
        %get3A_893 = arith.constant 80 : index
        %get3A_894 = tpu.vector_load %arg8[%get3A_892, %get3A_893] {strides = array<i32>} : memref<80x128xf32, #tpu.memory_space<vmem>>, vector<1x16xf32>,
        %get3A_895 = vector.shape_cast %get3A_894 : vector<1x16xf32> to vector<16xf32>
        %mul3A_896 = arith.mulf %bitcast_convert_type3A_862, %get3A_895 : vector<16xf32>
        %add3A_897 = arith.addf %add3A_849, %mul3A_889 : vector<16xf32>
        %add3A_898 = arith.addf %add3A_850, %mul3A_896 : vector<16xf32>
        %get3A_899 = arith.index_cast %scan3A_231 : i32 to index
        %get3A_900 = arith.constant 224 : index
        %get3A_901 = tpu.vector_load %arg7[%get3A_899, %get3A_900] {strides = array<i32>} : memref<40x256xi32, #tpu.memory_space<vmem>>, vector<1x16xi32>,
        %get3A_902 = vector.shape_cast %get3A_901 : vector<1x16xi32> to vector<16xi32>
        %shift_left3A_903 = arith.constant 16 : i32
        %shift_left3A_904 = vector.broadcast %shift_left3A_903 : i32 to vector<16xi32>
        %shift_left3A_905 = arith.shli %get3A_902, %shift_left3A_904 : vector<16xi32>
        %bitcast_convert_type3A_906 = tpu.bitcast %shift_left3A_905 : vector<16xi32> -> vector<16xf32>
        %and3A_907 = arith.constant -65536 : i32
        %and3A_908 = vector.broadcast %and3A_907 : i32 to vector<16xi32>
        %and3A_909 = arith.andi %get3A_902, %and3A_908 : vector<16xi32>
        %bitcast_convert_type3A_910 = tpu.bitcast %and3A_909 : vector<16xi32> -> vector<16xf32>
        %mul3A_911 = arith.constant 2 : i32
        %mul3A_912 = arith.muli %mul3A_911, %scan3A_231 : i32
        %add3A_913 = arith.constant 1 : i32
        %add3A_914 = arith.addi %mul3A_912, %add3A_913 : i32
        %get3A_915 = arith.index_cast %add3A_914 : i32 to index
        %get3A_916 = arith.constant 65 : index
        %get3A_917 = tpu.vector_load %arg8[%get3A_915, %get3A_916] {strides = array<i32>} : memref<80x128xf32, #tpu.memory_space<vmem>>, vector<1x16xf32>,
        %get3A_918 = vector.shape_cast %get3A_917 : vector<1x16xf32> to vector<16xf32>
        %mul3A_919 = arith.mulf %bitcast_convert_type3A_906, %get3A_918 : vector<16xf32>
        %mul3A_920 = arith.constant 2 : i32
        %mul3A_921 = arith.muli %mul3A_920, %scan3A_231 : i32
        %get3A_922 = arith.index_cast %mul3A_921 : i32 to index
        %get3A_923 = arith.constant 65 : index
        %get3A_924 = tpu.vector_load %arg8[%get3A_922, %get3A_923] {strides = array<i32>} : memref<80x128xf32, #tpu.memory_space<vmem>>, vector<1x16xf32>,
        %get3A_925 = vector.shape_cast %get3A_924 : vector<1x16xf32> to vector<16xf32>
        %mul3A_926 = arith.mulf %bitcast_convert_type3A_906, %get3A_925 : vector<16xf32>
        %add3A_927 = arith.addf %add3A_879, %mul3A_919 : vector<16xf32>
        %add3A_928 = arith.addf %add3A_880, %mul3A_926 : vector<16xf32>
        %mul3A_929 = arith.constant 2 : i32
        %mul3A_930 = arith.muli %mul3A_929, %scan3A_231 : i32
        %add3A_931 = arith.constant 1 : i32
        %add3A_932 = arith.addi %mul3A_930, %add3A_931 : i32
        %get3A_933 = arith.index_cast %add3A_932 : i32 to index
        %get3A_934 = arith.constant 81 : index
        %get3A_935 = tpu.vector_load %arg8[%get3A_933, %get3A_934] {strides = array<i32>} : memref<80x128xf32, #tpu.memory_space<vmem>>, vector<1x16xf32>,
        %get3A_936 = vector.shape_cast %get3A_935 : vector<1x16xf32> to vector<16xf32>
        %mul3A_937 = arith.mulf %bitcast_convert_type3A_910, %get3A_936 : vector<16xf32>
        %mul3A_938 = arith.constant 2 : i32
        %mul3A_939 = arith.muli %mul3A_938, %scan3A_231 : i32
        %get3A_940 = arith.index_cast %mul3A_939 : i32 to index
        %get3A_941 = arith.constant 81 : index
        %get3A_942 = tpu.vector_load %arg8[%get3A_940, %get3A_941] {strides = array<i32>} : memref<80x128xf32, #tpu.memory_space<vmem>>, vector<1x16xf32>,
        %get3A_943 = vector.shape_cast %get3A_942 : vector<1x16xf32> to vector<16xf32>
        %mul3A_944 = arith.mulf %bitcast_convert_type3A_910, %get3A_943 : vector<16xf32>
        %add3A_945 = arith.addf %add3A_897, %mul3A_937 : vector<16xf32>
        %add3A_946 = arith.addf %add3A_898, %mul3A_944 : vector<16xf32>
        %mul3A_947 = arith.constant 2 : i32
        %mul3A_948 = arith.muli %mul3A_947, %scan3A_231 : i32
        %swap3A_949 = arith.index_cast %mul3A_948 : i32 to index
        %swap3A_950 = arith.constant 64 : index
        %swap3A_951 = tpu.vector_load %arg9[%swap3A_949, %swap3A_950] {strides = array<i32>} : memref<80x128xf32, #tpu.memory_space<vmem>>, vector<1x16xf32>,
        %swap3A_952 = vector.shape_cast %swap3A_951 : vector<1x16xf32> to vector<16xf32>
        %swap3A_953 = vector.shape_cast %add3A_927 : vector<16xf32> to vector<1x16xf32>
        tpu.vector_store %arg9[%swap3A_949, %swap3A_950], %swap3A_953 {strides = array<i32>} : memref<80x128xf32, #tpu.memory_space<vmem>>, vector<1x16xf32>,
        %mul3A_954 = arith.constant 2 : i32
        %mul3A_955 = arith.muli %mul3A_954, %scan3A_231 : i32
        %add3A_956 = arith.constant 1 : i32
        %add3A_957 = arith.addi %mul3A_955, %add3A_956 : i32
        %swap3A_958 = arith.index_cast %add3A_957 : i32 to index
        %swap3A_959 = arith.constant 64 : index
        %swap3A_960 = tpu.vector_load %arg9[%swap3A_958, %swap3A_959] {strides = array<i32>} : memref<80x128xf32, #tpu.memory_space<vmem>>, vector<1x16xf32>,
        %swap3A_961 = vector.shape_cast %swap3A_960 : vector<1x16xf32> to vector<16xf32>
        %swap3A_962 = vector.shape_cast %add3A_928 : vector<16xf32> to vector<1x16xf32>
        tpu.vector_store %arg9[%swap3A_958, %swap3A_959], %swap3A_962 {strides = array<i32>} : memref<80x128xf32, #tpu.memory_space<vmem>>, vector<1x16xf32>,
        %mul3A_963 = arith.constant 2 : i32
        %mul3A_964 = arith.muli %mul3A_963, %scan3A_231 : i32
        %swap3A_965 = arith.index_cast %mul3A_964 : i32 to index
        %swap3A_966 = arith.constant 80 : index
        %swap3A_967 = tpu.vector_load %arg9[%swap3A_965, %swap3A_966] {strides = array<i32>} : memref<80x128xf32, #tpu.memory_space<vmem>>, vector<1x16xf32>,
        %swap3A_968 = vector.shape_cast %swap3A_967 : vector<1x16xf32> to vector<16xf32>
        %swap3A_969 = vector.shape_cast %add3A_945 : vector<16xf32> to vector<1x16xf32>
        tpu.vector_store %arg9[%swap3A_965, %swap3A_966], %swap3A_969 {strides = array<i32>} : memref<80x128xf32, #tpu.memory_space<vmem>>, vector<1x16xf32>,
        %mul3A_970 = arith.constant 2 : i32
        %mul3A_971 = arith.muli %mul3A_970, %scan3A_231 : i32
        %add3A_972 = arith.constant 1 : i32
        %add3A_973 = arith.addi %mul3A_971, %add3A_972 : i32
        %swap3A_974 = arith.index_cast %add3A_973 : i32 to index
        %swap3A_975 = arith.constant 80 : index
        %swap3A_976 = tpu.vector_load %arg9[%swap3A_974, %swap3A_975] {strides = array<i32>} : memref<80x128xf32, #tpu.memory_space<vmem>>, vector<1x16xf32>,
        %swap3A_977 = vector.shape_cast %swap3A_976 : vector<1x16xf32> to vector<16xf32>
        %swap3A_978 = vector.shape_cast %add3A_946 : vector<16xf32> to vector<1x16xf32>
        tpu.vector_store %arg9[%swap3A_974, %swap3A_975], %swap3A_978 {strides = array<i32>} : memref<80x128xf32, #tpu.memory_space<vmem>>, vector<1x16xf32>,
        %get3A_979 = arith.index_cast %scan3A_231 : i32 to index
        %get3A_980 = arith.constant 48 : index
        %get3A_981 = tpu.vector_load %arg7[%get3A_979, %get3A_980] {strides = array<i32>} : memref<40x256xi32, #tpu.memory_space<vmem>>, vector<1x16xi32>,
        %get3A_982 = vector.shape_cast %get3A_981 : vector<1x16xi32> to vector<16xi32>
        %shift_left3A_983 = arith.constant 16 : i32
        %shift_left3A_984 = vector.broadcast %shift_left3A_983 : i32 to vector<16xi32>
        %shift_left3A_985 = arith.shli %get3A_982, %shift_left3A_984 : vector<16xi32>
        %bitcast_convert_type3A_986 = tpu.bitcast %shift_left3A_985 : vector<16xi32> -> vector<16xf32>
        %and3A_987 = arith.constant -65536 : i32
        %and3A_988 = vector.broadcast %and3A_987 : i32 to vector<16xi32>
        %and3A_989 = arith.andi %get3A_982, %and3A_988 : vector<16xi32>
        %bitcast_convert_type3A_990 = tpu.bitcast %and3A_989 : vector<16xi32> -> vector<16xf32>
        %mul3A_991 = arith.constant 2 : i32
        %mul3A_992 = arith.muli %mul3A_991, %scan3A_231 : i32
        %add3A_993 = arith.constant 1 : i32
        %add3A_994 = arith.addi %mul3A_992, %add3A_993 : i32
        %get3A_995 = arith.index_cast %add3A_994 : i32 to index
        %get3A_996 = arith.constant 94 : index
        %get3A_997 = tpu.vector_load %arg8[%get3A_995, %get3A_996] {strides = array<i32>} : memref<80x128xf32, #tpu.memory_space<vmem>>, vector<1x16xf32>,
        %get3A_998 = vector.shape_cast %get3A_997 : vector<1x16xf32> to vector<16xf32>
        %mul3A_999 = arith.mulf %bitcast_convert_type3A_986, %get3A_998 : vector<16xf32>
        %mul3A_1000 = arith.constant 2 : i32
        %mul3A_1001 = arith.muli %mul3A_1000, %scan3A_231 : i32
        %get3A_1002 = arith.index_cast %mul3A_1001 : i32 to index
        %get3A_1003 = arith.constant 94 : index
        %get3A_1004 = tpu.vector_load %arg8[%get3A_1002, %get3A_1003] {strides = array<i32>} : memref<80x128xf32, #tpu.memory_space<vmem>>, vector<1x16xf32>,
        %get3A_1005 = vector.shape_cast %get3A_1004 : vector<1x16xf32> to vector<16xf32>
        %mul3A_1006 = arith.mulf %bitcast_convert_type3A_986, %get3A_1005 : vector<16xf32>
        %mul3A_1007 = arith.constant 2 : i32
        %mul3A_1008 = arith.muli %mul3A_1007, %scan3A_231 : i32
        %add3A_1009 = arith.constant 1 : i32
        %add3A_1010 = arith.addi %mul3A_1008, %add3A_1009 : i32
        %get3A_1011 = arith.index_cast %add3A_1010 : i32 to index
        %get3A_1012 = arith.constant 110 : index
        %get3A_1013 = tpu.vector_load %arg8[%get3A_1011, %get3A_1012] {strides = array<i32>} : memref<80x128xf32, #tpu.memory_space<vmem>>, vector<1x16xf32>,
        %get3A_1014 = vector.shape_cast %get3A_1013 : vector<1x16xf32> to vector<16xf32>
        %mul3A_1015 = arith.mulf %bitcast_convert_type3A_990, %get3A_1014 : vector<16xf32>
        %mul3A_1016 = arith.constant 2 : i32
        %mul3A_1017 = arith.muli %mul3A_1016, %scan3A_231 : i32
        %get3A_1018 = arith.index_cast %mul3A_1017 : i32 to index
        %get3A_1019 = arith.constant 110 : index
        %get3A_1020 = tpu.vector_load %arg8[%get3A_1018, %get3A_1019] {strides = array<i32>} : memref<80x128xf32, #tpu.memory_space<vmem>>, vector<1x16xf32>,
        %get3A_1021 = vector.shape_cast %get3A_1020 : vector<1x16xf32> to vector<16xf32>
        %mul3A_1022 = arith.mulf %bitcast_convert_type3A_990, %get3A_1021 : vector<16xf32>
        %get3A_1023 = arith.index_cast %scan3A_231 : i32 to index
        %get3A_1024 = arith.constant 112 : index
        %get3A_1025 = tpu.vector_load %arg7[%get3A_1023, %get3A_1024] {strides = array<i32>} : memref<40x256xi32, #tpu.memory_space<vmem>>, vector<1x16xi32>,
        %get3A_1026 = vector.shape_cast %get3A_1025 : vector<1x16xi32> to vector<16xi32>
        %shift_left3A_1027 = arith.constant 16 : i32
        %shift_left3A_1028 = vector.broadcast %shift_left3A_1027 : i32 to vector<16xi32>
        %shift_left3A_1029 = arith.shli %get3A_1026, %shift_left3A_1028 : vector<16xi32>
        %bitcast_convert_type3A_1030 = tpu.bitcast %shift_left3A_1029 : vector<16xi32> -> vector<16xf32>
        %and3A_1031 = arith.constant -65536 : i32
        %and3A_1032 = vector.broadcast %and3A_1031 : i32 to vector<16xi32>
        %and3A_1033 = arith.andi %get3A_1026, %and3A_1032 : vector<16xi32>
        %bitcast_convert_type3A_1034 = tpu.bitcast %and3A_1033 : vector<16xi32> -> vector<16xf32>
        %mul3A_1035 = arith.constant 2 : i32
        %mul3A_1036 = arith.muli %mul3A_1035, %scan3A_231 : i32
        %add3A_1037 = arith.constant 1 : i32
        %add3A_1038 = arith.addi %mul3A_1036, %add3A_1037 : i32
        %get3A_1039 = arith.index_cast %add3A_1038 : i32 to index
        %get3A_1040 = arith.constant 95 : index
        %get3A_1041 = tpu.vector_load %arg8[%get3A_1039, %get3A_1040] {strides = array<i32>} : memref<80x128xf32, #tpu.memory_space<vmem>>, vector<1x16xf32>,
        %get3A_1042 = vector.shape_cast %get3A_1041 : vector<1x16xf32> to vector<16xf32>
        %mul3A_1043 = arith.mulf %bitcast_convert_type3A_1030, %get3A_1042 : vector<16xf32>
        %mul3A_1044 = arith.constant 2 : i32
        %mul3A_1045 = arith.muli %mul3A_1044, %scan3A_231 : i32
        %get3A_1046 = arith.index_cast %mul3A_1045 : i32 to index
        %get3A_1047 = arith.constant 95 : index
        %get3A_1048 = tpu.vector_load %arg8[%get3A_1046, %get3A_1047] {strides = array<i32>} : memref<80x128xf32, #tpu.memory_space<vmem>>, vector<1x16xf32>,
        %get3A_1049 = vector.shape_cast %get3A_1048 : vector<1x16xf32> to vector<16xf32>
        %mul3A_1050 = arith.mulf %bitcast_convert_type3A_1030, %get3A_1049 : vector<16xf32>
        %add3A_1051 = arith.addf %mul3A_999, %mul3A_1043 : vector<16xf32>
        %add3A_1052 = arith.addf %mul3A_1006, %mul3A_1050 : vector<16xf32>
        %mul3A_1053 = arith.constant 2 : i32
        %mul3A_1054 = arith.muli %mul3A_1053, %scan3A_231 : i32
        %add3A_1055 = arith.constant 1 : i32
        %add3A_1056 = arith.addi %mul3A_1054, %add3A_1055 : i32
        %get3A_1057 = arith.index_cast %add3A_1056 : i32 to index
        %get3A_1058 = arith.constant 111 : index
        %get3A_1059 = tpu.vector_load %arg8[%get3A_1057, %get3A_1058] {strides = array<i32>} : memref<80x128xf32, #tpu.memory_space<vmem>>, vector<1x16xf32>,
        %get3A_1060 = vector.shape_cast %get3A_1059 : vector<1x16xf32> to vector<16xf32>
        %mul3A_1061 = arith.mulf %bitcast_convert_type3A_1034, %get3A_1060 : vector<16xf32>
        %mul3A_1062 = arith.constant 2 : i32
        %mul3A_1063 = arith.muli %mul3A_1062, %scan3A_231 : i32
        %get3A_1064 = arith.index_cast %mul3A_1063 : i32 to index
        %get3A_1065 = arith.constant 111 : index
        %get3A_1066 = tpu.vector_load %arg8[%get3A_1064, %get3A_1065] {strides = array<i32>} : memref<80x128xf32, #tpu.memory_space<vmem>>, vector<1x16xf32>,
        %get3A_1067 = vector.shape_cast %get3A_1066 : vector<1x16xf32> to vector<16xf32>
        %mul3A_1068 = arith.mulf %bitcast_convert_type3A_1034, %get3A_1067 : vector<16xf32>
        %add3A_1069 = arith.addf %mul3A_1015, %mul3A_1061 : vector<16xf32>
        %add3A_1070 = arith.addf %mul3A_1022, %mul3A_1068 : vector<16xf32>
        %get3A_1071 = arith.index_cast %scan3A_231 : i32 to index
        %get3A_1072 = arith.constant 176 : index
        %get3A_1073 = tpu.vector_load %arg7[%get3A_1071, %get3A_1072] {strides = array<i32>} : memref<40x256xi32, #tpu.memory_space<vmem>>, vector<1x16xi32>,
        %get3A_1074 = vector.shape_cast %get3A_1073 : vector<1x16xi32> to vector<16xi32>
        %shift_left3A_1075 = arith.constant 16 : i32
        %shift_left3A_1076 = vector.broadcast %shift_left3A_1075 : i32 to vector<16xi32>
        %shift_left3A_1077 = arith.shli %get3A_1074, %shift_left3A_1076 : vector<16xi32>
        %bitcast_convert_type3A_1078 = tpu.bitcast %shift_left3A_1077 : vector<16xi32> -> vector<16xf32>
        %and3A_1079 = arith.constant -65536 : i32
        %and3A_1080 = vector.broadcast %and3A_1079 : i32 to vector<16xi32>
        %and3A_1081 = arith.andi %get3A_1074, %and3A_1080 : vector<16xi32>
        %bitcast_convert_type3A_1082 = tpu.bitcast %and3A_1081 : vector<16xi32> -> vector<16xf32>
        %mul3A_1083 = arith.constant 2 : i32
        %mul3A_1084 = arith.muli %mul3A_1083, %scan3A_231 : i32
        %add3A_1085 = arith.constant 1 : i32
        %add3A_1086 = arith.addi %mul3A_1084, %add3A_1085 : i32
        %get3A_1087 = arith.index_cast %add3A_1086 : i32 to index
        %get3A_1088 = arith.constant 96 : index
        %get3A_1089 = tpu.vector_load %arg8[%get3A_1087, %get3A_1088] {strides = array<i32>} : memref<80x128xf32, #tpu.memory_space<vmem>>, vector<1x16xf32>,
        %get3A_1090 = vector.shape_cast %get3A_1089 : vector<1x16xf32> to vector<16xf32>
        %mul3A_1091 = arith.mulf %bitcast_convert_type3A_1078, %get3A_1090 : vector<16xf32>
        %mul3A_1092 = arith.constant 2 : i32
        %mul3A_1093 = arith.muli %mul3A_1092, %scan3A_231 : i32
        %get3A_1094 = arith.index_cast %mul3A_1093 : i32 to index
        %get3A_1095 = arith.constant 96 : index
        %get3A_1096 = tpu.vector_load %arg8[%get3A_1094, %get3A_1095] {strides = array<i32>} : memref<80x128xf32, #tpu.memory_space<vmem>>, vector<1x16xf32>,
        %get3A_1097 = vector.shape_cast %get3A_1096 : vector<1x16xf32> to vector<16xf32>
        %mul3A_1098 = arith.mulf %bitcast_convert_type3A_1078, %get3A_1097 : vector<16xf32>
        %add3A_1099 = arith.addf %add3A_1051, %mul3A_1091 : vector<16xf32>
        %add3A_1100 = arith.addf %add3A_1052, %mul3A_1098 : vector<16xf32>
        %mul3A_1101 = arith.constant 2 : i32
        %mul3A_1102 = arith.muli %mul3A_1101, %scan3A_231 : i32
        %add3A_1103 = arith.constant 1 : i32
        %add3A_1104 = arith.addi %mul3A_1102, %add3A_1103 : i32
        %get3A_1105 = arith.index_cast %add3A_1104 : i32 to index
        %get3A_1106 = arith.constant 112 : index
        %get3A_1107 = tpu.vector_load %arg8[%get3A_1105, %get3A_1106] {strides = array<i32>} : memref<80x128xf32, #tpu.memory_space<vmem>>, vector<1x16xf32>,
        %get3A_1108 = vector.shape_cast %get3A_1107 : vector<1x16xf32> to vector<16xf32>
        %mul3A_1109 = arith.mulf %bitcast_convert_type3A_1082, %get3A_1108 : vector<16xf32>
        %mul3A_1110 = arith.constant 2 : i32
        %mul3A_1111 = arith.muli %mul3A_1110, %scan3A_231 : i32
        %get3A_1112 = arith.index_cast %mul3A_1111 : i32 to index
        %get3A_1113 = arith.constant 112 : index
        %get3A_1114 = tpu.vector_load %arg8[%get3A_1112, %get3A_1113] {strides = array<i32>} : memref<80x128xf32, #tpu.memory_space<vmem>>, vector<1x16xf32>,
        %get3A_1115 = vector.shape_cast %get3A_1114 : vector<1x16xf32> to vector<16xf32>
        %mul3A_1116 = arith.mulf %bitcast_convert_type3A_1082, %get3A_1115 : vector<16xf32>
        %add3A_1117 = arith.addf %add3A_1069, %mul3A_1109 : vector<16xf32>
        %add3A_1118 = arith.addf %add3A_1070, %mul3A_1116 : vector<16xf32>
        %get3A_1119 = arith.index_cast %scan3A_231 : i32 to index
        %get3A_1120 = arith.constant 240 : index
        %get3A_1121 = tpu.vector_load %arg7[%get3A_1119, %get3A_1120] {strides = array<i32>} : memref<40x256xi32, #tpu.memory_space<vmem>>, vector<1x16xi32>,
        %get3A_1122 = vector.shape_cast %get3A_1121 : vector<1x16xi32> to vector<16xi32>
        %shift_left3A_1123 = arith.constant 16 : i32
        %shift_left3A_1124 = vector.broadcast %shift_left3A_1123 : i32 to vector<16xi32>
        %shift_left3A_1125 = arith.shli %get3A_1122, %shift_left3A_1124 : vector<16xi32>
        %bitcast_convert_type3A_1126 = tpu.bitcast %shift_left3A_1125 : vector<16xi32> -> vector<16xf32>
        %and3A_1127 = arith.constant -65536 : i32
        %and3A_1128 = vector.broadcast %and3A_1127 : i32 to vector<16xi32>
        %and3A_1129 = arith.andi %get3A_1122, %and3A_1128 : vector<16xi32>
        %bitcast_convert_type3A_1130 = tpu.bitcast %and3A_1129 : vector<16xi32> -> vector<16xf32>
        %mul3A_1131 = arith.constant 2 : i32
        %mul3A_1132 = arith.muli %mul3A_1131, %scan3A_231 : i32
        %add3A_1133 = arith.constant 1 : i32
        %add3A_1134 = arith.addi %mul3A_1132, %add3A_1133 : i32
        %get3A_1135 = arith.index_cast %add3A_1134 : i32 to index
        %get3A_1136 = arith.constant 97 : index
        %get3A_1137 = tpu.vector_load %arg8[%get3A_1135, %get3A_1136] {strides = array<i32>} : memref<80x128xf32, #tpu.memory_space<vmem>>, vector<1x16xf32>,
        %get3A_1138 = vector.shape_cast %get3A_1137 : vector<1x16xf32> to vector<16xf32>
        %mul3A_1139 = arith.mulf %bitcast_convert_type3A_1126, %get3A_1138 : vector<16xf32>
        %mul3A_1140 = arith.constant 2 : i32
        %mul3A_1141 = arith.muli %mul3A_1140, %scan3A_231 : i32
        %get3A_1142 = arith.index_cast %mul3A_1141 : i32 to index
        %get3A_1143 = arith.constant 97 : index
        %get3A_1144 = tpu.vector_load %arg8[%get3A_1142, %get3A_1143] {strides = array<i32>} : memref<80x128xf32, #tpu.memory_space<vmem>>, vector<1x16xf32>,
        %get3A_1145 = vector.shape_cast %get3A_1144 : vector<1x16xf32> to vector<16xf32>
        %mul3A_1146 = arith.mulf %bitcast_convert_type3A_1126, %get3A_1145 : vector<16xf32>
        %add3A_1147 = arith.addf %add3A_1099, %mul3A_1139 : vector<16xf32>
        %add3A_1148 = arith.addf %add3A_1100, %mul3A_1146 : vector<16xf32>
        %mul3A_1149 = arith.constant 2 : i32
        %mul3A_1150 = arith.muli %mul3A_1149, %scan3A_231 : i32
        %add3A_1151 = arith.constant 1 : i32
        %add3A_1152 = arith.addi %mul3A_1150, %add3A_1151 : i32
        %get3A_1153 = arith.index_cast %add3A_1152 : i32 to index
        %get3A_1154 = arith.constant 112 : index
        %get3A_1155 = tpu.vector_load %arg8[%get3A_1153, %get3A_1154] {strides = array<i32>} : memref<80x128xf32, #tpu.memory_space<vmem>>, vector<1x16xf32>,
        %get3A_1156 = vector.shape_cast %get3A_1155 : vector<1x16xf32> to vector<16xf32>
        %add3A_1157 = arith.constant 1 : i32
        %add3A_1158 = vector.broadcast %add3A_1157 : i32 to vector<16xi32>
        %add3A_1159 = arith.addi %iota3A, %add3A_1158 : vector<16xi32>
        %jit3A_1160 = arith.constant 0 : i32
        %jit3A_1161 = arith.constant 15 : i32
        %max3A_1162 = vector.broadcast %jit3A_1160 : i32 to vector<16xi32>
        %max3A_1163 = arith.maxsi %max3A_1162, %add3A_1159 : vector<16xi32>
        %min3A_1164 = vector.broadcast %jit3A_1161 : i32 to vector<16xi32>
        %min3A_1165 = arith.minsi %min3A_1164, %max3A_1163 : vector<16xi32>
        %broadcast_in_dim3A_1166 = vector.shape_cast %min3A_1165 : vector<16xi32> to vector<16x1xi32>
        %gather3A_1167 = vector.shape_cast %broadcast_in_dim3A_1166 : vector<16x1xi32> to vector<16xi32>
        %gather3A_1168 = tpu.dynamic_gather %get3A_1156[%gather3A_1167] in [0] : vector<16xf32>, vector<16xi32> -> vector<16xf32>
        %add3A_1169 = arith.constant 113 : i32
        %add3A_1170 = vector.broadcast %add3A_1169 : i32 to vector<16xi32>
        %add3A_1171 = arith.addi %iota3A, %add3A_1170 : vector<16xi32>
        %ge3A_1172 = arith.constant 0 : i32
        %ge3A_1173 = vector.broadcast %ge3A_1172 : i32 to vector<16xi32>
        %ge3A_1174 = arith.cmpi sge, %add3A_1171, %ge3A_1173 : vector<16xi32>
        %lt3A_1175 = arith.constant 128 : i32
        %lt3A_1176 = vector.broadcast %lt3A_1175 : i32 to vector<16xi32>
        %lt3A_1177 = arith.cmpi slt, %add3A_1171, %lt3A_1176 : vector<16xi32>
        %and3A_1178 = arith.andi %ge3A_1174, %lt3A_1177 : vector<16xi1>
        %jit3A_1179 = arith.constant 0.000000e+00 : f32
        %broadcast_in_dim3A_1180 = vector.broadcast %jit3A_1179 : f32 to vector<16xf32>
        %select_n3A_1181 = arith.select %and3A_1178, %gather3A_1168, %broadcast_in_dim3A_1180 : vector<16xi1>, vector<16xf32>
        %mul3A_1182 = arith.mulf %bitcast_convert_type3A_1130, %select_n3A_1181 : vector<16xf32>
        %mul3A_1183 = arith.constant 2 : i32
        %mul3A_1184 = arith.muli %mul3A_1183, %scan3A_231 : i32
        %get3A_1185 = arith.index_cast %mul3A_1184 : i32 to index
        %get3A_1186 = arith.constant 112 : index
        %get3A_1187 = tpu.vector_load %arg8[%get3A_1185, %get3A_1186] {strides = array<i32>} : memref<80x128xf32, #tpu.memory_space<vmem>>, vector<1x16xf32>,
        %get3A_1188 = vector.shape_cast %get3A_1187 : vector<1x16xf32> to vector<16xf32>
        %add3A_1189 = arith.constant 1 : i32
        %add3A_1190 = vector.broadcast %add3A_1189 : i32 to vector<16xi32>
        %add3A_1191 = arith.addi %iota3A, %add3A_1190 : vector<16xi32>
        %jit3A_1192 = arith.constant 0 : i32
        %jit3A_1193 = arith.constant 15 : i32
        %max3A_1194 = vector.broadcast %jit3A_1192 : i32 to vector<16xi32>
        %max3A_1195 = arith.maxsi %max3A_1194, %add3A_1191 : vector<16xi32>
        %min3A_1196 = vector.broadcast %jit3A_1193 : i32 to vector<16xi32>
        %min3A_1197 = arith.minsi %min3A_1196, %max3A_1195 : vector<16xi32>
        %broadcast_in_dim3A_1198 = vector.shape_cast %min3A_1197 : vector<16xi32> to vector<16x1xi32>
        %gather3A_1199 = vector.shape_cast %broadcast_in_dim3A_1198 : vector<16x1xi32> to vector<16xi32>
        %gather3A_1200 = tpu.dynamic_gather %get3A_1188[%gather3A_1199] in [0] : vector<16xf32>, vector<16xi32> -> vector<16xf32>
        %add3A_1201 = arith.constant 113 : i32
        %add3A_1202 = vector.broadcast %add3A_1201 : i32 to vector<16xi32>
        %add3A_1203 = arith.addi %iota3A, %add3A_1202 : vector<16xi32>
        %ge3A_1204 = arith.constant 0 : i32
        %ge3A_1205 = vector.broadcast %ge3A_1204 : i32 to vector<16xi32>
        %ge3A_1206 = arith.cmpi sge, %add3A_1203, %ge3A_1205 : vector<16xi32>
        %lt3A_1207 = arith.constant 128 : i32
        %lt3A_1208 = vector.broadcast %lt3A_1207 : i32 to vector<16xi32>
        %lt3A_1209 = arith.cmpi slt, %add3A_1203, %lt3A_1208 : vector<16xi32>
        %and3A_1210 = arith.andi %ge3A_1206, %lt3A_1209 : vector<16xi1>
        %jit3A_1211 = arith.constant 0.000000e+00 : f32
        %broadcast_in_dim3A_1212 = vector.broadcast %jit3A_1211 : f32 to vector<16xf32>
        %select_n3A_1213 = arith.select %and3A_1210, %gather3A_1200, %broadcast_in_dim3A_1212 : vector<16xi1>, vector<16xf32>
        %mul3A_1214 = arith.mulf %bitcast_convert_type3A_1130, %select_n3A_1213 : vector<16xf32>
        %add3A_1215 = arith.addf %add3A_1117, %mul3A_1182 : vector<16xf32>
        %add3A_1216 = arith.addf %add3A_1118, %mul3A_1214 : vector<16xf32>
        %mul3A_1217 = arith.constant 2 : i32
        %mul3A_1218 = arith.muli %mul3A_1217, %scan3A_231 : i32
        %swap3A_1219 = arith.index_cast %mul3A_1218 : i32 to index
        %swap3A_1220 = arith.constant 96 : index
        %swap3A_1221 = tpu.vector_load %arg9[%swap3A_1219, %swap3A_1220] {strides = array<i32>} : memref<80x128xf32, #tpu.memory_space<vmem>>, vector<1x16xf32>,
        %swap3A_1222 = vector.shape_cast %swap3A_1221 : vector<1x16xf32> to vector<16xf32>
        %swap3A_1223 = vector.shape_cast %add3A_1147 : vector<16xf32> to vector<1x16xf32>
        tpu.vector_store %arg9[%swap3A_1219, %swap3A_1220], %swap3A_1223 {strides = array<i32>} : memref<80x128xf32, #tpu.memory_space<vmem>>, vector<1x16xf32>,
        %mul3A_1224 = arith.constant 2 : i32
        %mul3A_1225 = arith.muli %mul3A_1224, %scan3A_231 : i32
        %add3A_1226 = arith.constant 1 : i32
        %add3A_1227 = arith.addi %mul3A_1225, %add3A_1226 : i32
        %swap3A_1228 = arith.index_cast %add3A_1227 : i32 to index
        %swap3A_1229 = arith.constant 96 : index
        %swap3A_1230 = tpu.vector_load %arg9[%swap3A_1228, %swap3A_1229] {strides = array<i32>} : memref<80x128xf32, #tpu.memory_space<vmem>>, vector<1x16xf32>,
        %swap3A_1231 = vector.shape_cast %swap3A_1230 : vector<1x16xf32> to vector<16xf32>
        %swap3A_1232 = vector.shape_cast %add3A_1148 : vector<16xf32> to vector<1x16xf32>
        tpu.vector_store %arg9[%swap3A_1228, %swap3A_1229], %swap3A_1232 {strides = array<i32>} : memref<80x128xf32, #tpu.memory_space<vmem>>, vector<1x16xf32>,
        %mul3A_1233 = arith.constant 2 : i32
        %mul3A_1234 = arith.muli %mul3A_1233, %scan3A_231 : i32
        %swap3A_1235 = arith.index_cast %mul3A_1234 : i32 to index
        %swap3A_1236 = arith.constant 112 : index
        %swap3A_1237 = tpu.vector_load %arg9[%swap3A_1235, %swap3A_1236] {strides = array<i32>} : memref<80x128xf32, #tpu.memory_space<vmem>>, vector<1x16xf32>,
        %swap3A_1238 = vector.shape_cast %swap3A_1237 : vector<1x16xf32> to vector<16xf32>
        %swap3A_1239 = vector.shape_cast %add3A_1215 : vector<16xf32> to vector<1x16xf32>
        tpu.vector_store %arg9[%swap3A_1235, %swap3A_1236], %swap3A_1239 {strides = array<i32>} : memref<80x128xf32, #tpu.memory_space<vmem>>, vector<1x16xf32>,
        %mul3A_1240 = arith.constant 2 : i32
        %mul3A_1241 = arith.muli %mul3A_1240, %scan3A_231 : i32
        %add3A_1242 = arith.constant 1 : i32
        %add3A_1243 = arith.addi %mul3A_1241, %add3A_1242 : i32
        %swap3A_1244 = arith.index_cast %add3A_1243 : i32 to index
        %swap3A_1245 = arith.constant 112 : index
        %swap3A_1246 = tpu.vector_load %arg9[%swap3A_1244, %swap3A_1245] {strides = array<i32>} : memref<80x128xf32, #tpu.memory_space<vmem>>, vector<1x16xf32>,
        %swap3A_1247 = vector.shape_cast %swap3A_1246 : vector<1x16xf32> to vector<16xf32>
        %swap3A_1248 = vector.shape_cast %add3A_1216 : vector<16xf32> to vector<1x16xf32>
        tpu.vector_store %arg9[%swap3A_1244, %swap3A_1245], %swap3A_1248 {strides = array<i32>} : memref<80x128xf32, #tpu.memory_space<vmem>>, vector<1x16xf32>,
      }
      %scan3A_227 = arith.constant 40 : i32
      %dma_start3A_228 = arith.constant 0 : i32
      %dma_start3A_229 = arith.constant 0 : i32
      %dma_start3A_230 = tpu.memref_slice %arg12[%dma_start3A_228, %dma_start3A_229] : memref<10240x128xf32, #tpu.memory_space<vmem_shared>> -> memref<10240x128xf32, #tpu.memory_space<vmem_shared>>
      tpu.enqueue_indirect_dma source(%arg9 : memref<80x128xf32, #tpu.memory_space<vmem>>) target(%dma_start3A_230 : memref<10240x128xf32, #tpu.memory_space<vmem_shared>>) offsets(%arg11 : memref<80xi32, #tpu.memory_space<vmem>>) semaphore(%arg16 : memref<!tpu.dma_semaphore, #tpu.memory_space<semaphore_mem>>) {add = true}
    }
    %scan3A_103 = arith.constant 62 : i32
    %dma_wait3A_104 = arith.constant 0 : i32
    %dma_wait3A_105 = tpu.memref_slice %arg4[%dma_wait3A_104] : memref<320000xi32, #tpu.memory_space<hbm>> -> memref<80xi32, #tpu.memory_space<hbm>>
    %dma_wait3A_106 = arith.constant 0 : i32
    %dma_wait3A_107 = tpu.memref_slice %arg4[%dma_wait3A_106] : memref<320000xi32, #tpu.memory_space<hbm>> -> memref<80xi32, #tpu.memory_space<hbm>>
    tpu.wait_dma2 semaphore(%arg13 : memref<!tpu.dma_semaphore, #tpu.memory_space<semaphore_mem>>) src(%dma_wait3A_107 : memref<80xi32, #tpu.memory_space<hbm>>) dst(%arg10 : memref<80xi32, #tpu.memory_space<vmem>>)
    %dma_wait3A_108 = arith.constant 0 : i32
    %dma_wait3A_109 = arith.constant 0 : i32
    %dma_wait3A_110 = tpu.memref_slice %arg2[%dma_wait3A_108, %dma_wait3A_109] : memref<160000x256xi32, #tpu.memory_space<hbm>> -> memref<40x256xi32, #tpu.memory_space<hbm>>
    %dma_wait3A_111 = arith.constant 0 : i32
    %dma_wait3A_112 = arith.constant 0 : i32
    %dma_wait3A_113 = tpu.memref_slice %arg2[%dma_wait3A_111, %dma_wait3A_112] : memref<160000x256xi32, #tpu.memory_space<hbm>> -> memref<40x256xi32, #tpu.memory_space<hbm>>
    tpu.wait_dma2 semaphore(%arg13 : memref<!tpu.dma_semaphore, #tpu.memory_space<semaphore_mem>>) src(%dma_wait3A_113 : memref<40x256xi32, #tpu.memory_space<hbm>>) dst(%arg6 : memref<40x256xi32, #tpu.memory_space<vmem>>)
    %dma_start3A_114 = arith.constant 0 : i32
    %dma_start3A_115 = arith.constant 0 : i32
    %dma_start3A_116 = tpu.memref_slice %arg3[%dma_start3A_114, %dma_start3A_115] : memref<10000x128xf32, #tpu.memory_space<hbm>> -> memref<10000x128xf32, #tpu.memory_space<hbm>>
    tpu.enqueue_indirect_dma source(%dma_start3A_116 : memref<10000x128xf32, #tpu.memory_space<hbm>>) target(%arg8 : memref<80x128xf32, #tpu.memory_space<vmem>>) offsets(%arg10 : memref<80xi32, #tpu.memory_space<vmem>>) semaphore(%arg15 : memref<!tpu.dma_semaphore, #tpu.memory_space<semaphore_mem>>)
    %dma_wait3A_117 = arith.constant 0 : i32
    %dma_wait3A_118 = arith.constant 0 : i32
    %dma_wait3A_119 = tpu.memref_slice %arg12[%dma_wait3A_117, %dma_wait3A_118] : memref<10240x128xf32, #tpu.memory_space<vmem_shared>> -> memref<10240x128xf32, #tpu.memory_space<vmem_shared>>
    tpu.wait_indirect_dma semaphore(%arg16 : memref<!tpu.dma_semaphore, #tpu.memory_space<semaphore_mem>>) src(%arg9 : memref<80x128xf32, #tpu.memory_space<vmem>>) dst(%dma_wait3A_119 : memref<10240x128xf32, #tpu.memory_space<vmem_shared>>)
    %dma_wait3A_120 = arith.constant 0 : i32
    %dma_wait3A_121 = arith.constant 0 : i32
    %dma_wait3A_122 = tpu.memref_slice %arg3[%dma_wait3A_120, %dma_wait3A_121] : memref<10000x128xf32, #tpu.memory_space<hbm>> -> memref<10000x128xf32, #tpu.memory_space<hbm>>
    tpu.wait_indirect_dma semaphore(%arg15 : memref<!tpu.dma_semaphore, #tpu.memory_space<semaphore_mem>>) src(%dma_wait3A_122 : memref<10000x128xf32, #tpu.memory_space<hbm>>) dst(%arg8 : memref<80x128xf32, #tpu.memory_space<vmem>>)
    %scan3A_123 = arith.constant 0 : i32
    %scan3A_124 = arith.constant 0 : i32
    %scan3A_125 = arith.constant 40 : i32
    %scan3A_126 = arith.addi %scan3A_124, %scan3A_125 : i32
    %scan3A_127 = arith.constant 1 : i32
    scf.for %scan3A_141 = %scan3A_124 to %scan3A_126 step %scan3A_127  : i32 {
      %get3A = arith.index_cast %scan3A_141 : i32 to index
      %get3A_142 = arith.constant 0 : index
      %get3A_143 = tpu.vector_load %arg6[%get3A, %get3A_142] {strides = array<i32>} : memref<40x256xi32, #tpu.memory_space<vmem>>, vector<1x16xi32>,
      %get3A_144 = vector.shape_cast %get3A_143 : vector<1x16xi32> to vector<16xi32>
      %shift_left3A = arith.constant 16 : i32
      %shift_left3A_145 = vector.broadcast %shift_left3A : i32 to vector<16xi32>
      %shift_left3A_146 = arith.shli %get3A_144, %shift_left3A_145 : vector<16xi32>
      %bitcast_convert_type3A = tpu.bitcast %shift_left3A_146 : vector<16xi32> -> vector<16xf32>
      %and3A = arith.constant -65536 : i32
      %and3A_147 = vector.broadcast %and3A : i32 to vector<16xi32>
      %and3A_148 = arith.andi %get3A_144, %and3A_147 : vector<16xi32>
      %bitcast_convert_type3A_149 = tpu.bitcast %and3A_148 : vector<16xi32> -> vector<16xf32>
      %mul3A_150 = arith.constant 2 : i32
      %mul3A_151 = arith.muli %mul3A_150, %scan3A_141 : i32
      %add3A_152 = arith.constant 1 : i32
      %add3A_153 = arith.addi %mul3A_151, %add3A_152 : i32
      %get3A_154 = arith.index_cast %add3A_153 : i32 to index
      %get3A_155 = arith.constant 0 : index
      %get3A_156 = tpu.vector_load %arg8[%get3A_154, %get3A_155] {strides = array<i32>} : memref<80x128xf32, #tpu.memory_space<vmem>>, vector<1x16xf32>,
      %get3A_157 = vector.shape_cast %get3A_156 : vector<1x16xf32> to vector<16xf32>
      %add3A_158 = arith.constant -2 : i32
      %add3A_159 = vector.broadcast %add3A_158 : i32 to vector<16xi32>
      %add3A_160 = arith.addi %iota3A, %add3A_159 : vector<16xi32>
      %jit3A = arith.constant 0 : i32
      %jit3A_161 = arith.constant 15 : i32
      %max3A = vector.broadcast %jit3A : i32 to vector<16xi32>
      %max3A_162 = arith.maxsi %max3A, %add3A_160 : vector<16xi32>
      %min3A = vector.broadcast %jit3A_161 : i32 to vector<16xi32>
      %min3A_163 = arith.minsi %min3A, %max3A_162 : vector<16xi32>
      %broadcast_in_dim3A = vector.shape_cast %min3A_163 : vector<16xi32> to vector<16x1xi32>
      %gather3A = vector.shape_cast %broadcast_in_dim3A : vector<16x1xi32> to vector<16xi32>
      %gather3A_164 = tpu.dynamic_gather %get3A_157[%gather3A] in [0] : vector<16xf32>, vector<16xi32> -> vector<16xf32>
      %add3A_165 = arith.constant -2 : i32
      %add3A_166 = vector.broadcast %add3A_165 : i32 to vector<16xi32>
      %add3A_167 = arith.addi %iota3A, %add3A_166 : vector<16xi32>
      %ge3A = arith.constant 0 : i32
      %ge3A_168 = vector.broadcast %ge3A : i32 to vector<16xi32>
      %ge3A_169 = arith.cmpi sge, %add3A_167, %ge3A_168 : vector<16xi32>
      %lt3A = arith.constant 128 : i32
      %lt3A_170 = vector.broadcast %lt3A : i32 to vector<16xi32>
      %lt3A_171 = arith.cmpi slt, %add3A_167, %lt3A_170 : vector<16xi32>
      %and3A_172 = arith.andi %ge3A_169, %lt3A_171 : vector<16xi1>
      %jit3A_173 = arith.constant 0.000000e+00 : f32
      %broadcast_in_dim3A_174 = vector.broadcast %jit3A_173 : f32 to vector<16xf32>
      %select_n3A = arith.select %and3A_172, %gather3A_164, %broadcast_in_dim3A_174 : vector<16xi1>, vector<16xf32>
      %mul3A_175 = arith.mulf %bitcast_convert_type3A, %select_n3A : vector<16xf32>
      %mul3A_176 = arith.constant 2 : i32
      %mul3A_177 = arith.muli %mul3A_176, %scan3A_141 : i32
      %get3A_178 = arith.index_cast %mul3A_177 : i32 to index
      %get3A_179 = arith.constant 0 : index
      %get3A_180 = tpu.vector_load %arg8[%get3A_178, %get3A_179] {strides = array<i32>} : memref<80x128xf32, #tpu.memory_space<vmem>>, vector<1x16xf32>,
      %get3A_181 = vector.shape_cast %get3A_180 : vector<1x16xf32> to vector<16xf32>
      %add3A_182 = arith.constant -2 : i32
      %add3A_183 = vector.broadcast %add3A_182 : i32 to vector<16xi32>
      %add3A_184 = arith.addi %iota3A, %add3A_183 : vector<16xi32>
      %jit3A_185 = arith.constant 0 : i32
      %jit3A_186 = arith.constant 15 : i32
      %max3A_187 = vector.broadcast %jit3A_185 : i32 to vector<16xi32>
      %max3A_188 = arith.maxsi %max3A_187, %add3A_184 : vector<16xi32>
      %min3A_189 = vector.broadcast %jit3A_186 : i32 to vector<16xi32>
      %min3A_190 = arith.minsi %min3A_189, %max3A_188 : vector<16xi32>
      %broadcast_in_dim3A_191 = vector.shape_cast %min3A_190 : vector<16xi32> to vector<16x1xi32>
      %gather3A_192 = vector.shape_cast %broadcast_in_dim3A_191 : vector<16x1xi32> to vector<16xi32>
      %gather3A_193 = tpu.dynamic_gather %get3A_181[%gather3A_192] in [0] : vector<16xf32>, vector<16xi32> -> vector<16xf32>
      %add3A_194 = arith.constant -2 : i32
      %add3A_195 = vector.broadcast %add3A_194 : i32 to vector<16xi32>
      %add3A_196 = arith.addi %iota3A, %add3A_195 : vector<16xi32>
      %ge3A_197 = arith.constant 0 : i32
      %ge3A_198 = vector.broadcast %ge3A_197 : i32 to vector<16xi32>
      %ge3A_199 = arith.cmpi sge, %add3A_196, %ge3A_198 : vector<16xi32>
      %lt3A_200 = arith.constant 128 : i32
      %lt3A_201 = vector.broadcast %lt3A_200 : i32 to vector<16xi32>
      %lt3A_202 = arith.cmpi slt, %add3A_196, %lt3A_201 : vector<16xi32>
      %and3A_203 = arith.andi %ge3A_199, %lt3A_202 : vector<16xi1>
      %jit3A_204 = arith.constant 0.000000e+00 : f32
      %broadcast_in_dim3A_205 = vector.broadcast %jit3A_204 : f32 to vector<16xf32>
      %select_n3A_206 = arith.select %and3A_203, %gather3A_193, %broadcast_in_dim3A_205 : vector<16xi1>, vector<16xf32>
      %mul3A_207 = arith.mulf %bitcast_convert_type3A, %select_n3A_206 : vector<16xf32>
      %mul3A_208 = arith.constant 2 : i32
      %mul3A_209 = arith.muli %mul3A_208, %scan3A_141 : i32
      %add3A_210 = arith.constant 1 : i32
      %add3A_211 = arith.addi %mul3A_209, %add3A_210 : i32
      %get3A_212 = arith.index_cast %add3A_211 : i32 to index
      %get3A_213 = arith.constant 14 : index
      %get3A_214 = tpu.vector_load %arg8[%get3A_212, %get3A_213] {strides = array<i32>} : memref<80x128xf32, #tpu.memory_space<vmem>>, vector<1x16xf32>,
      %get3A_215 = vector.shape_cast %get3A_214 : vector<1x16xf32> to vector<16xf32>
      %mul3A_216 = arith.mulf %bitcast_convert_type3A_149, %get3A_215 : vector<16xf32>
      %mul3A_217 = arith.constant 2 : i32
      %mul3A_218 = arith.muli %mul3A_217, %scan3A_141 : i32
      %get3A_219 = arith.index_cast %mul3A_218 : i32 to index
      %get3A_220 = arith.constant 14 : index
      %get3A_221 = tpu.vector_load %arg8[%get3A_219, %get3A_220] {strides = array<i32>} : memref<80x128xf32, #tpu.memory_space<vmem>>, vector<1x16xf32>,
      %get3A_222 = vector.shape_cast %get3A_221 : vector<1x16xf32> to vector<16xf32>
      %mul3A_223 = arith.mulf %bitcast_convert_type3A_149, %get3A_222 : vector<16xf32>
      %get3A_224 = arith.index_cast %scan3A_141 : i32 to index
      %get3A_225 = arith.constant 64 : index
      %get3A_226 = tpu.vector_load %arg6[%get3A_224, %get3A_225] {strides = array<i32>} : memref<40x256xi32, #tpu.memory_space<vmem>>, vector<1x16xi32>,
      %get3A_227 = vector.shape_cast %get3A_226 : vector<1x16xi32> to vector<16xi32>
      %shift_left3A_228 = arith.constant 16 : i32
      %shift_left3A_229 = vector.broadcast %shift_left3A_228 : i32 to vector<16xi32>
      %shift_left3A_230 = arith.shli %get3A_227, %shift_left3A_229 : vector<16xi32>
      %bitcast_convert_type3A_231 = tpu.bitcast %shift_left3A_230 : vector<16xi32> -> vector<16xf32>
      %and3A_232 = arith.constant -65536 : i32
      %and3A_233 = vector.broadcast %and3A_232 : i32 to vector<16xi32>
      %and3A_234 = arith.andi %get3A_227, %and3A_233 : vector<16xi32>
      %bitcast_convert_type3A_235 = tpu.bitcast %and3A_234 : vector<16xi32> -> vector<16xf32>
      %mul3A_236 = arith.constant 2 : i32
      %mul3A_237 = arith.muli %mul3A_236, %scan3A_141 : i32
      %add3A_238 = arith.constant 1 : i32
      %add3A_239 = arith.addi %mul3A_237, %add3A_238 : i32
      %get3A_240 = arith.index_cast %add3A_239 : i32 to index
      %get3A_241 = arith.constant 0 : index
      %get3A_242 = tpu.vector_load %arg8[%get3A_240, %get3A_241] {strides = array<i32>} : memref<80x128xf32, #tpu.memory_space<vmem>>, vector<1x16xf32>,
      %get3A_243 = vector.shape_cast %get3A_242 : vector<1x16xf32> to vector<16xf32>
      %add3A_244 = arith.constant -1 : i32
      %add3A_245 = vector.broadcast %add3A_244 : i32 to vector<16xi32>
      %add3A_246 = arith.addi %iota3A, %add3A_245 : vector<16xi32>
      %jit3A_247 = arith.constant 0 : i32
      %jit3A_248 = arith.constant 15 : i32
      %max3A_249 = vector.broadcast %jit3A_247 : i32 to vector<16xi32>
      %max3A_250 = arith.maxsi %max3A_249, %add3A_246 : vector<16xi32>
      %min3A_251 = vector.broadcast %jit3A_248 : i32 to vector<16xi32>
      %min3A_252 = arith.minsi %min3A_251, %max3A_250 : vector<16xi32>
      %broadcast_in_dim3A_253 = vector.shape_cast %min3A_252 : vector<16xi32> to vector<16x1xi32>
      %gather3A_254 = vector.shape_cast %broadcast_in_dim3A_253 : vector<16x1xi32> to vector<16xi32>
      %gather3A_255 = tpu.dynamic_gather %get3A_243[%gather3A_254] in [0] : vector<16xf32>, vector<16xi32> -> vector<16xf32>
      %add3A_256 = arith.constant -1 : i32
      %add3A_257 = vector.broadcast %add3A_256 : i32 to vector<16xi32>
      %add3A_258 = arith.addi %iota3A, %add3A_257 : vector<16xi32>
      %ge3A_259 = arith.constant 0 : i32
      %ge3A_260 = vector.broadcast %ge3A_259 : i32 to vector<16xi32>
      %ge3A_261 = arith.cmpi sge, %add3A_258, %ge3A_260 : vector<16xi32>
      %lt3A_262 = arith.constant 128 : i32
      %lt3A_263 = vector.broadcast %lt3A_262 : i32 to vector<16xi32>
      %lt3A_264 = arith.cmpi slt, %add3A_258, %lt3A_263 : vector<16xi32>
      %and3A_265 = arith.andi %ge3A_261, %lt3A_264 : vector<16xi1>
      %jit3A_266 = arith.constant 0.000000e+00 : f32
      %broadcast_in_dim3A_267 = vector.broadcast %jit3A_266 : f32 to vector<16xf32>
      %select_n3A_268 = arith.select %and3A_265, %gather3A_255, %broadcast_in_dim3A_267 : vector<16xi1>, vector<16xf32>
      %mul3A_269 = arith.mulf %bitcast_convert_type3A_231, %select_n3A_268 : vector<16xf32>
      %mul3A_270 = arith.constant 2 : i32
      %mul3A_271 = arith.muli %mul3A_270, %scan3A_141 : i32
      %get3A_272 = arith.index_cast %mul3A_271 : i32 to index
      %get3A_273 = arith.constant 0 : index
      %get3A_274 = tpu.vector_load %arg8[%get3A_272, %get3A_273] {strides = array<i32>} : memref<80x128xf32, #tpu.memory_space<vmem>>, vector<1x16xf32>,
      %get3A_275 = vector.shape_cast %get3A_274 : vector<1x16xf32> to vector<16xf32>
      %add3A_276 = arith.constant -1 : i32
      %add3A_277 = vector.broadcast %add3A_276 : i32 to vector<16xi32>
      %add3A_278 = arith.addi %iota3A, %add3A_277 : vector<16xi32>
      %jit3A_279 = arith.constant 0 : i32
      %jit3A_280 = arith.constant 15 : i32
      %max3A_281 = vector.broadcast %jit3A_279 : i32 to vector<16xi32>
      %max3A_282 = arith.maxsi %max3A_281, %add3A_278 : vector<16xi32>
      %min3A_283 = vector.broadcast %jit3A_280 : i32 to vector<16xi32>
      %min3A_284 = arith.minsi %min3A_283, %max3A_282 : vector<16xi32>
      %broadcast_in_dim3A_285 = vector.shape_cast %min3A_284 : vector<16xi32> to vector<16x1xi32>
      %gather3A_286 = vector.shape_cast %broadcast_in_dim3A_285 : vector<16x1xi32> to vector<16xi32>
      %gather3A_287 = tpu.dynamic_gather %get3A_275[%gather3A_286] in [0] : vector<16xf32>, vector<16xi32> -> vector<16xf32>
      %add3A_288 = arith.constant -1 : i32
      %add3A_289 = vector.broadcast %add3A_288 : i32 to vector<16xi32>
      %add3A_290 = arith.addi %iota3A, %add3A_289 : vector<16xi32>
      %ge3A_291 = arith.constant 0 : i32
      %ge3A_292 = vector.broadcast %ge3A_291 : i32 to vector<16xi32>
      %ge3A_293 = arith.cmpi sge, %add3A_290, %ge3A_292 : vector<16xi32>
      %lt3A_294 = arith.constant 128 : i32
      %lt3A_295 = vector.broadcast %lt3A_294 : i32 to vector<16xi32>
      %lt3A_296 = arith.cmpi slt, %add3A_290, %lt3A_295 : vector<16xi32>
      %and3A_297 = arith.andi %ge3A_293, %lt3A_296 : vector<16xi1>
      %jit3A_298 = arith.constant 0.000000e+00 : f32
      %broadcast_in_dim3A_299 = vector.broadcast %jit3A_298 : f32 to vector<16xf32>
      %select_n3A_300 = arith.select %and3A_297, %gather3A_287, %broadcast_in_dim3A_299 : vector<16xi1>, vector<16xf32>
      %mul3A_301 = arith.mulf %bitcast_convert_type3A_231, %select_n3A_300 : vector<16xf32>
      %add3A_302 = arith.addf %mul3A_175, %mul3A_269 : vector<16xf32>
      %add3A_303 = arith.addf %mul3A_207, %mul3A_301 : vector<16xf32>
      %mul3A_304 = arith.constant 2 : i32
      %mul3A_305 = arith.muli %mul3A_304, %scan3A_141 : i32
      %add3A_306 = arith.constant 1 : i32
      %add3A_307 = arith.addi %mul3A_305, %add3A_306 : i32
      %get3A_308 = arith.index_cast %add3A_307 : i32 to index
      %get3A_309 = arith.constant 15 : index
      %get3A_310 = tpu.vector_load %arg8[%get3A_308, %get3A_309] {strides = array<i32>} : memref<80x128xf32, #tpu.memory_space<vmem>>, vector<1x16xf32>,
      %get3A_311 = vector.shape_cast %get3A_310 : vector<1x16xf32> to vector<16xf32>
      %mul3A_312 = arith.mulf %bitcast_convert_type3A_235, %get3A_311 : vector<16xf32>
      %mul3A_313 = arith.constant 2 : i32
      %mul3A_314 = arith.muli %mul3A_313, %scan3A_141 : i32
      %get3A_315 = arith.index_cast %mul3A_314 : i32 to index
      %get3A_316 = arith.constant 15 : index
      %get3A_317 = tpu.vector_load %arg8[%get3A_315, %get3A_316] {strides = array<i32>} : memref<80x128xf32, #tpu.memory_space<vmem>>, vector<1x16xf32>,
      %get3A_318 = vector.shape_cast %get3A_317 : vector<1x16xf32> to vector<16xf32>
      %mul3A_319 = arith.mulf %bitcast_convert_type3A_235, %get3A_318 : vector<16xf32>
      %add3A_320 = arith.addf %mul3A_216, %mul3A_312 : vector<16xf32>
      %add3A_321 = arith.addf %mul3A_223, %mul3A_319 : vector<16xf32>
      %get3A_322 = arith.index_cast %scan3A_141 : i32 to index
      %get3A_323 = arith.constant 128 : index
      %get3A_324 = tpu.vector_load %arg6[%get3A_322, %get3A_323] {strides = array<i32>} : memref<40x256xi32, #tpu.memory_space<vmem>>, vector<1x16xi32>,
      %get3A_325 = vector.shape_cast %get3A_324 : vector<1x16xi32> to vector<16xi32>
      %shift_left3A_326 = arith.constant 16 : i32
      %shift_left3A_327 = vector.broadcast %shift_left3A_326 : i32 to vector<16xi32>
      %shift_left3A_328 = arith.shli %get3A_325, %shift_left3A_327 : vector<16xi32>
      %bitcast_convert_type3A_329 = tpu.bitcast %shift_left3A_328 : vector<16xi32> -> vector<16xf32>
      %and3A_330 = arith.constant -65536 : i32
      %and3A_331 = vector.broadcast %and3A_330 : i32 to vector<16xi32>
      %and3A_332 = arith.andi %get3A_325, %and3A_331 : vector<16xi32>
      %bitcast_convert_type3A_333 = tpu.bitcast %and3A_332 : vector<16xi32> -> vector<16xf32>
      %mul3A_334 = arith.constant 2 : i32
      %mul3A_335 = arith.muli %mul3A_334, %scan3A_141 : i32
      %add3A_336 = arith.constant 1 : i32
      %add3A_337 = arith.addi %mul3A_335, %add3A_336 : i32
      %get3A_338 = arith.index_cast %add3A_337 : i32 to index
      %get3A_339 = arith.constant 0 : index
      %get3A_340 = tpu.vector_load %arg8[%get3A_338, %get3A_339] {strides = array<i32>} : memref<80x128xf32, #tpu.memory_space<vmem>>, vector<1x16xf32>,
      %get3A_341 = vector.shape_cast %get3A_340 : vector<1x16xf32> to vector<16xf32>
      %mul3A_342 = arith.mulf %bitcast_convert_type3A_329, %get3A_341 : vector<16xf32>
      %mul3A_343 = arith.constant 2 : i32
      %mul3A_344 = arith.muli %mul3A_343, %scan3A_141 : i32
      %get3A_345 = arith.index_cast %mul3A_344 : i32 to index
      %get3A_346 = arith.constant 0 : index
      %get3A_347 = tpu.vector_load %arg8[%get3A_345, %get3A_346] {strides = array<i32>} : memref<80x128xf32, #tpu.memory_space<vmem>>, vector<1x16xf32>,
      %get3A_348 = vector.shape_cast %get3A_347 : vector<1x16xf32> to vector<16xf32>
      %mul3A_349 = arith.mulf %bitcast_convert_type3A_329, %get3A_348 : vector<16xf32>
      %add3A_350 = arith.addf %add3A_302, %mul3A_342 : vector<16xf32>
      %add3A_351 = arith.addf %add3A_303, %mul3A_349 : vector<16xf32>
      %mul3A_352 = arith.constant 2 : i32
      %mul3A_353 = arith.muli %mul3A_352, %scan3A_141 : i32
      %add3A_354 = arith.constant 1 : i32
      %add3A_355 = arith.addi %mul3A_353, %add3A_354 : i32
      %get3A_356 = arith.index_cast %add3A_355 : i32 to index
      %get3A_357 = arith.constant 16 : index
      %get3A_358 = tpu.vector_load %arg8[%get3A_356, %get3A_357] {strides = array<i32>} : memref<80x128xf32, #tpu.memory_space<vmem>>, vector<1x16xf32>,
      %get3A_359 = vector.shape_cast %get3A_358 : vector<1x16xf32> to vector<16xf32>
      %mul3A_360 = arith.mulf %bitcast_convert_type3A_333, %get3A_359 : vector<16xf32>
      %mul3A_361 = arith.constant 2 : i32
      %mul3A_362 = arith.muli %mul3A_361, %scan3A_141 : i32
      %get3A_363 = arith.index_cast %mul3A_362 : i32 to index
      %get3A_364 = arith.constant 16 : index
      %get3A_365 = tpu.vector_load %arg8[%get3A_363, %get3A_364] {strides = array<i32>} : memref<80x128xf32, #tpu.memory_space<vmem>>, vector<1x16xf32>,
      %get3A_366 = vector.shape_cast %get3A_365 : vector<1x16xf32> to vector<16xf32>
      %mul3A_367 = arith.mulf %bitcast_convert_type3A_333, %get3A_366 : vector<16xf32>
      %add3A_368 = arith.addf %add3A_320, %mul3A_360 : vector<16xf32>
      %add3A_369 = arith.addf %add3A_321, %mul3A_367 : vector<16xf32>
      %get3A_370 = arith.index_cast %scan3A_141 : i32 to index
      %get3A_371 = arith.constant 192 : index
      %get3A_372 = tpu.vector_load %arg6[%get3A_370, %get3A_371] {strides = array<i32>} : memref<40x256xi32, #tpu.memory_space<vmem>>, vector<1x16xi32>,
      %get3A_373 = vector.shape_cast %get3A_372 : vector<1x16xi32> to vector<16xi32>
      %shift_left3A_374 = arith.constant 16 : i32
      %shift_left3A_375 = vector.broadcast %shift_left3A_374 : i32 to vector<16xi32>
      %shift_left3A_376 = arith.shli %get3A_373, %shift_left3A_375 : vector<16xi32>
      %bitcast_convert_type3A_377 = tpu.bitcast %shift_left3A_376 : vector<16xi32> -> vector<16xf32>
      %and3A_378 = arith.constant -65536 : i32
      %and3A_379 = vector.broadcast %and3A_378 : i32 to vector<16xi32>
      %and3A_380 = arith.andi %get3A_373, %and3A_379 : vector<16xi32>
      %bitcast_convert_type3A_381 = tpu.bitcast %and3A_380 : vector<16xi32> -> vector<16xf32>
      %mul3A_382 = arith.constant 2 : i32
      %mul3A_383 = arith.muli %mul3A_382, %scan3A_141 : i32
      %add3A_384 = arith.constant 1 : i32
      %add3A_385 = arith.addi %mul3A_383, %add3A_384 : i32
      %get3A_386 = arith.index_cast %add3A_385 : i32 to index
      %get3A_387 = arith.constant 1 : index
      %get3A_388 = tpu.vector_load %arg8[%get3A_386, %get3A_387] {strides = array<i32>} : memref<80x128xf32, #tpu.memory_space<vmem>>, vector<1x16xf32>,
      %get3A_389 = vector.shape_cast %get3A_388 : vector<1x16xf32> to vector<16xf32>
      %mul3A_390 = arith.mulf %bitcast_convert_type3A_377, %get3A_389 : vector<16xf32>
      %mul3A_391 = arith.constant 2 : i32
      %mul3A_392 = arith.muli %mul3A_391, %scan3A_141 : i32
      %get3A_393 = arith.index_cast %mul3A_392 : i32 to index
      %get3A_394 = arith.constant 1 : index
      %get3A_395 = tpu.vector_load %arg8[%get3A_393, %get3A_394] {strides = array<i32>} : memref<80x128xf32, #tpu.memory_space<vmem>>, vector<1x16xf32>,
      %get3A_396 = vector.shape_cast %get3A_395 : vector<1x16xf32> to vector<16xf32>
      %mul3A_397 = arith.mulf %bitcast_convert_type3A_377, %get3A_396 : vector<16xf32>
      %add3A_398 = arith.addf %add3A_350, %mul3A_390 : vector<16xf32>
      %add3A_399 = arith.addf %add3A_351, %mul3A_397 : vector<16xf32>
      %mul3A_400 = arith.constant 2 : i32
      %mul3A_401 = arith.muli %mul3A_400, %scan3A_141 : i32
      %add3A_402 = arith.constant 1 : i32
      %add3A_403 = arith.addi %mul3A_401, %add3A_402 : i32
      %get3A_404 = arith.index_cast %add3A_403 : i32 to index
      %get3A_405 = arith.constant 17 : index
      %get3A_406 = tpu.vector_load %arg8[%get3A_404, %get3A_405] {strides = array<i32>} : memref<80x128xf32, #tpu.memory_space<vmem>>, vector<1x16xf32>,
      %get3A_407 = vector.shape_cast %get3A_406 : vector<1x16xf32> to vector<16xf32>
      %mul3A_408 = arith.mulf %bitcast_convert_type3A_381, %get3A_407 : vector<16xf32>
      %mul3A_409 = arith.constant 2 : i32
      %mul3A_410 = arith.muli %mul3A_409, %scan3A_141 : i32
      %get3A_411 = arith.index_cast %mul3A_410 : i32 to index
      %get3A_412 = arith.constant 17 : index
      %get3A_413 = tpu.vector_load %arg8[%get3A_411, %get3A_412] {strides = array<i32>} : memref<80x128xf32, #tpu.memory_space<vmem>>, vector<1x16xf32>,
      %get3A_414 = vector.shape_cast %get3A_413 : vector<1x16xf32> to vector<16xf32>
      %mul3A_415 = arith.mulf %bitcast_convert_type3A_381, %get3A_414 : vector<16xf32>
      %add3A_416 = arith.addf %add3A_368, %mul3A_408 : vector<16xf32>
      %add3A_417 = arith.addf %add3A_369, %mul3A_415 : vector<16xf32>
      %mul3A_418 = arith.constant 2 : i32
      %mul3A_419 = arith.muli %mul3A_418, %scan3A_141 : i32
      %swap3A = arith.index_cast %mul3A_419 : i32 to index
      %swap3A_420 = arith.constant 0 : index
      %swap3A_421 = tpu.vector_load %arg9[%swap3A, %swap3A_420] {strides = array<i32>} : memref<80x128xf32, #tpu.memory_space<vmem>>, vector<1x16xf32>,
      %swap3A_422 = vector.shape_cast %swap3A_421 : vector<1x16xf32> to vector<16xf32>
      %swap3A_423 = vector.shape_cast %add3A_398 : vector<16xf32> to vector<1x16xf32>
      tpu.vector_store %arg9[%swap3A, %swap3A_420], %swap3A_423 {strides = array<i32>} : memref<80x128xf32, #tpu.memory_space<vmem>>, vector<1x16xf32>,
      %mul3A_424 = arith.constant 2 : i32
      %mul3A_425 = arith.muli %mul3A_424, %scan3A_141 : i32
      %add3A_426 = arith.constant 1 : i32
      %add3A_427 = arith.addi %mul3A_425, %add3A_426 : i32
      %swap3A_428 = arith.index_cast %add3A_427 : i32 to index
      %swap3A_429 = arith.constant 0 : index
      %swap3A_430 = tpu.vector_load %arg9[%swap3A_428, %swap3A_429] {strides = array<i32>} : memref<80x128xf32, #tpu.memory_space<vmem>>, vector<1x16xf32>,
      %swap3A_431 = vector.shape_cast %swap3A_430 : vector<1x16xf32> to vector<16xf32>
      %swap3A_432 = vector.shape_cast %add3A_399 : vector<16xf32> to vector<1x16xf32>
      tpu.vector_store %arg9[%swap3A_428, %swap3A_429], %swap3A_432 {strides = array<i32>} : memref<80x128xf32, #tpu.memory_space<vmem>>, vector<1x16xf32>,
      %mul3A_433 = arith.constant 2 : i32
      %mul3A_434 = arith.muli %mul3A_433, %scan3A_141 : i32
      %swap3A_435 = arith.index_cast %mul3A_434 : i32 to index
      %swap3A_436 = arith.constant 16 : index
      %swap3A_437 = tpu.vector_load %arg9[%swap3A_435, %swap3A_436] {strides = array<i32>} : memref<80x128xf32, #tpu.memory_space<vmem>>, vector<1x16xf32>,
      %swap3A_438 = vector.shape_cast %swap3A_437 : vector<1x16xf32> to vector<16xf32>
      %swap3A_439 = vector.shape_cast %add3A_416 : vector<16xf32> to vector<1x16xf32>
      tpu.vector_store %arg9[%swap3A_435, %swap3A_436], %swap3A_439 {strides = array<i32>} : memref<80x128xf32, #tpu.memory_space<vmem>>, vector<1x16xf32>,
      %mul3A_440 = arith.constant 2 : i32
      %mul3A_441 = arith.muli %mul3A_440, %scan3A_141 : i32
      %add3A_442 = arith.constant 1 : i32
      %add3A_443 = arith.addi %mul3A_441, %add3A_442 : i32
      %swap3A_444 = arith.index_cast %add3A_443 : i32 to index
      %swap3A_445 = arith.constant 16 : index
      %swap3A_446 = tpu.vector_load %arg9[%swap3A_444, %swap3A_445] {strides = array<i32>} : memref<80x128xf32, #tpu.memory_space<vmem>>, vector<1x16xf32>,
      %swap3A_447 = vector.shape_cast %swap3A_446 : vector<1x16xf32> to vector<16xf32>
      %swap3A_448 = vector.shape_cast %add3A_417 : vector<16xf32> to vector<1x16xf32>
      tpu.vector_store %arg9[%swap3A_444, %swap3A_445], %swap3A_448 {strides = array<i32>} : memref<80x128xf32, #tpu.memory_space<vmem>>, vector<1x16xf32>,
      %get3A_449 = arith.index_cast %scan3A_141 : i32 to index
      %get3A_450 = arith.constant 16 : index
      %get3A_451 = tpu.vector_load %arg6[%get3A_449, %get3A_450] {strides = array<i32>} : memref<40x256xi32, #tpu.memory_space<vmem>>, vector<1x16xi32>,
      %get3A_452 = vector.shape_cast %get3A_451 : vector<1x16xi32> to vector<16xi32>
      %shift_left3A_453 = arith.constant 16 : i32
      %shift_left3A_454 = vector.broadcast %shift_left3A_453 : i32 to vector<16xi32>
      %shift_left3A_455 = arith.shli %get3A_452, %shift_left3A_454 : vector<16xi32>
      %bitcast_convert_type3A_456 = tpu.bitcast %shift_left3A_455 : vector<16xi32> -> vector<16xf32>
      %and3A_457 = arith.constant -65536 : i32
      %and3A_458 = vector.broadcast %and3A_457 : i32 to vector<16xi32>
      %and3A_459 = arith.andi %get3A_452, %and3A_458 : vector<16xi32>
      %bitcast_convert_type3A_460 = tpu.bitcast %and3A_459 : vector<16xi32> -> vector<16xf32>
      %mul3A_461 = arith.constant 2 : i32
      %mul3A_462 = arith.muli %mul3A_461, %scan3A_141 : i32
      %add3A_463 = arith.constant 1 : i32
      %add3A_464 = arith.addi %mul3A_462, %add3A_463 : i32
      %get3A_465 = arith.index_cast %add3A_464 : i32 to index
      %get3A_466 = arith.constant 30 : index
      %get3A_467 = tpu.vector_load %arg8[%get3A_465, %get3A_466] {strides = array<i32>} : memref<80x128xf32, #tpu.memory_space<vmem>>, vector<1x16xf32>,
      %get3A_468 = vector.shape_cast %get3A_467 : vector<1x16xf32> to vector<16xf32>
      %mul3A_469 = arith.mulf %bitcast_convert_type3A_456, %get3A_468 : vector<16xf32>
      %mul3A_470 = arith.constant 2 : i32
      %mul3A_471 = arith.muli %mul3A_470, %scan3A_141 : i32
      %get3A_472 = arith.index_cast %mul3A_471 : i32 to index
      %get3A_473 = arith.constant 30 : index
      %get3A_474 = tpu.vector_load %arg8[%get3A_472, %get3A_473] {strides = array<i32>} : memref<80x128xf32, #tpu.memory_space<vmem>>, vector<1x16xf32>,
      %get3A_475 = vector.shape_cast %get3A_474 : vector<1x16xf32> to vector<16xf32>
      %mul3A_476 = arith.mulf %bitcast_convert_type3A_456, %get3A_475 : vector<16xf32>
      %mul3A_477 = arith.constant 2 : i32
      %mul3A_478 = arith.muli %mul3A_477, %scan3A_141 : i32
      %add3A_479 = arith.constant 1 : i32
      %add3A_480 = arith.addi %mul3A_478, %add3A_479 : i32
      %get3A_481 = arith.index_cast %add3A_480 : i32 to index
      %get3A_482 = arith.constant 46 : index
      %get3A_483 = tpu.vector_load %arg8[%get3A_481, %get3A_482] {strides = array<i32>} : memref<80x128xf32, #tpu.memory_space<vmem>>, vector<1x16xf32>,
      %get3A_484 = vector.shape_cast %get3A_483 : vector<1x16xf32> to vector<16xf32>
      %mul3A_485 = arith.mulf %bitcast_convert_type3A_460, %get3A_484 : vector<16xf32>
      %mul3A_486 = arith.constant 2 : i32
      %mul3A_487 = arith.muli %mul3A_486, %scan3A_141 : i32
      %get3A_488 = arith.index_cast %mul3A_487 : i32 to index
      %get3A_489 = arith.constant 46 : index
      %get3A_490 = tpu.vector_load %arg8[%get3A_488, %get3A_489] {strides = array<i32>} : memref<80x128xf32, #tpu.memory_space<vmem>>, vector<1x16xf32>,
      %get3A_491 = vector.shape_cast %get3A_490 : vector<1x16xf32> to vector<16xf32>
      %mul3A_492 = arith.mulf %bitcast_convert_type3A_460, %get3A_491 : vector<16xf32>
      %get3A_493 = arith.index_cast %scan3A_141 : i32 to index
      %get3A_494 = arith.constant 80 : index
      %get3A_495 = tpu.vector_load %arg6[%get3A_493, %get3A_494] {strides = array<i32>} : memref<40x256xi32, #tpu.memory_space<vmem>>, vector<1x16xi32>,
      %get3A_496 = vector.shape_cast %get3A_495 : vector<1x16xi32> to vector<16xi32>
      %shift_left3A_497 = arith.constant 16 : i32
      %shift_left3A_498 = vector.broadcast %shift_left3A_497 : i32 to vector<16xi32>
      %shift_left3A_499 = arith.shli %get3A_496, %shift_left3A_498 : vector<16xi32>
      %bitcast_convert_type3A_500 = tpu.bitcast %shift_left3A_499 : vector<16xi32> -> vector<16xf32>
      %and3A_501 = arith.constant -65536 : i32
      %and3A_502 = vector.broadcast %and3A_501 : i32 to vector<16xi32>
      %and3A_503 = arith.andi %get3A_496, %and3A_502 : vector<16xi32>
      %bitcast_convert_type3A_504 = tpu.bitcast %and3A_503 : vector<16xi32> -> vector<16xf32>
      %mul3A_505 = arith.constant 2 : i32
      %mul3A_506 = arith.muli %mul3A_505, %scan3A_141 : i32
      %add3A_507 = arith.constant 1 : i32
      %add3A_508 = arith.addi %mul3A_506, %add3A_507 : i32
      %get3A_509 = arith.index_cast %add3A_508 : i32 to index
      %get3A_510 = arith.constant 31 : index
      %get3A_511 = tpu.vector_load %arg8[%get3A_509, %get3A_510] {strides = array<i32>} : memref<80x128xf32, #tpu.memory_space<vmem>>, vector<1x16xf32>,
      %get3A_512 = vector.shape_cast %get3A_511 : vector<1x16xf32> to vector<16xf32>
      %mul3A_513 = arith.mulf %bitcast_convert_type3A_500, %get3A_512 : vector<16xf32>
      %mul3A_514 = arith.constant 2 : i32
      %mul3A_515 = arith.muli %mul3A_514, %scan3A_141 : i32
      %get3A_516 = arith.index_cast %mul3A_515 : i32 to index
      %get3A_517 = arith.constant 31 : index
      %get3A_518 = tpu.vector_load %arg8[%get3A_516, %get3A_517] {strides = array<i32>} : memref<80x128xf32, #tpu.memory_space<vmem>>, vector<1x16xf32>,
      %get3A_519 = vector.shape_cast %get3A_518 : vector<1x16xf32> to vector<16xf32>
      %mul3A_520 = arith.mulf %bitcast_convert_type3A_500, %get3A_519 : vector<16xf32>
      %add3A_521 = arith.addf %mul3A_469, %mul3A_513 : vector<16xf32>
      %add3A_522 = arith.addf %mul3A_476, %mul3A_520 : vector<16xf32>
      %mul3A_523 = arith.constant 2 : i32
      %mul3A_524 = arith.muli %mul3A_523, %scan3A_141 : i32
      %add3A_525 = arith.constant 1 : i32
      %add3A_526 = arith.addi %mul3A_524, %add3A_525 : i32
      %get3A_527 = arith.index_cast %add3A_526 : i32 to index
      %get3A_528 = arith.constant 47 : index
      %get3A_529 = tpu.vector_load %arg8[%get3A_527, %get3A_528] {strides = array<i32>} : memref<80x128xf32, #tpu.memory_space<vmem>>, vector<1x16xf32>,
      %get3A_530 = vector.shape_cast %get3A_529 : vector<1x16xf32> to vector<16xf32>
      %mul3A_531 = arith.mulf %bitcast_convert_type3A_504, %get3A_530 : vector<16xf32>
      %mul3A_532 = arith.constant 2 : i32
      %mul3A_533 = arith.muli %mul3A_532, %scan3A_141 : i32
      %get3A_534 = arith.index_cast %mul3A_533 : i32 to index
      %get3A_535 = arith.constant 47 : index
      %get3A_536 = tpu.vector_load %arg8[%get3A_534, %get3A_535] {strides = array<i32>} : memref<80x128xf32, #tpu.memory_space<vmem>>, vector<1x16xf32>,
      %get3A_537 = vector.shape_cast %get3A_536 : vector<1x16xf32> to vector<16xf32>
      %mul3A_538 = arith.mulf %bitcast_convert_type3A_504, %get3A_537 : vector<16xf32>
      %add3A_539 = arith.addf %mul3A_485, %mul3A_531 : vector<16xf32>
      %add3A_540 = arith.addf %mul3A_492, %mul3A_538 : vector<16xf32>
      %get3A_541 = arith.index_cast %scan3A_141 : i32 to index
      %get3A_542 = arith.constant 144 : index
      %get3A_543 = tpu.vector_load %arg6[%get3A_541, %get3A_542] {strides = array<i32>} : memref<40x256xi32, #tpu.memory_space<vmem>>, vector<1x16xi32>,
      %get3A_544 = vector.shape_cast %get3A_543 : vector<1x16xi32> to vector<16xi32>
      %shift_left3A_545 = arith.constant 16 : i32
      %shift_left3A_546 = vector.broadcast %shift_left3A_545 : i32 to vector<16xi32>
      %shift_left3A_547 = arith.shli %get3A_544, %shift_left3A_546 : vector<16xi32>
      %bitcast_convert_type3A_548 = tpu.bitcast %shift_left3A_547 : vector<16xi32> -> vector<16xf32>
      %and3A_549 = arith.constant -65536 : i32
      %and3A_550 = vector.broadcast %and3A_549 : i32 to vector<16xi32>
      %and3A_551 = arith.andi %get3A_544, %and3A_550 : vector<16xi32>
      %bitcast_convert_type3A_552 = tpu.bitcast %and3A_551 : vector<16xi32> -> vector<16xf32>
      %mul3A_553 = arith.constant 2 : i32
      %mul3A_554 = arith.muli %mul3A_553, %scan3A_141 : i32
      %add3A_555 = arith.constant 1 : i32
      %add3A_556 = arith.addi %mul3A_554, %add3A_555 : i32
      %get3A_557 = arith.index_cast %add3A_556 : i32 to index
      %get3A_558 = arith.constant 32 : index
      %get3A_559 = tpu.vector_load %arg8[%get3A_557, %get3A_558] {strides = array<i32>} : memref<80x128xf32, #tpu.memory_space<vmem>>, vector<1x16xf32>,
      %get3A_560 = vector.shape_cast %get3A_559 : vector<1x16xf32> to vector<16xf32>
      %mul3A_561 = arith.mulf %bitcast_convert_type3A_548, %get3A_560 : vector<16xf32>
      %mul3A_562 = arith.constant 2 : i32
      %mul3A_563 = arith.muli %mul3A_562, %scan3A_141 : i32
      %get3A_564 = arith.index_cast %mul3A_563 : i32 to index
      %get3A_565 = arith.constant 32 : index
      %get3A_566 = tpu.vector_load %arg8[%get3A_564, %get3A_565] {strides = array<i32>} : memref<80x128xf32, #tpu.memory_space<vmem>>, vector<1x16xf32>,
      %get3A_567 = vector.shape_cast %get3A_566 : vector<1x16xf32> to vector<16xf32>
      %mul3A_568 = arith.mulf %bitcast_convert_type3A_548, %get3A_567 : vector<16xf32>
      %add3A_569 = arith.addf %add3A_521, %mul3A_561 : vector<16xf32>
      %add3A_570 = arith.addf %add3A_522, %mul3A_568 : vector<16xf32>
      %mul3A_571 = arith.constant 2 : i32
      %mul3A_572 = arith.muli %mul3A_571, %scan3A_141 : i32
      %add3A_573 = arith.constant 1 : i32
      %add3A_574 = arith.addi %mul3A_572, %add3A_573 : i32
      %get3A_575 = arith.index_cast %add3A_574 : i32 to index
      %get3A_576 = arith.constant 48 : index
      %get3A_577 = tpu.vector_load %arg8[%get3A_575, %get3A_576] {strides = array<i32>} : memref<80x128xf32, #tpu.memory_space<vmem>>, vector<1x16xf32>,
      %get3A_578 = vector.shape_cast %get3A_577 : vector<1x16xf32> to vector<16xf32>
      %mul3A_579 = arith.mulf %bitcast_convert_type3A_552, %get3A_578 : vector<16xf32>
      %mul3A_580 = arith.constant 2 : i32
      %mul3A_581 = arith.muli %mul3A_580, %scan3A_141 : i32
      %get3A_582 = arith.index_cast %mul3A_581 : i32 to index
      %get3A_583 = arith.constant 48 : index
      %get3A_584 = tpu.vector_load %arg8[%get3A_582, %get3A_583] {strides = array<i32>} : memref<80x128xf32, #tpu.memory_space<vmem>>, vector<1x16xf32>,
      %get3A_585 = vector.shape_cast %get3A_584 : vector<1x16xf32> to vector<16xf32>
      %mul3A_586 = arith.mulf %bitcast_convert_type3A_552, %get3A_585 : vector<16xf32>
      %add3A_587 = arith.addf %add3A_539, %mul3A_579 : vector<16xf32>
      %add3A_588 = arith.addf %add3A_540, %mul3A_586 : vector<16xf32>
      %get3A_589 = arith.index_cast %scan3A_141 : i32 to index
      %get3A_590 = arith.constant 208 : index
      %get3A_591 = tpu.vector_load %arg6[%get3A_589, %get3A_590] {strides = array<i32>} : memref<40x256xi32, #tpu.memory_space<vmem>>, vector<1x16xi32>,
      %get3A_592 = vector.shape_cast %get3A_591 : vector<1x16xi32> to vector<16xi32>
      %shift_left3A_593 = arith.constant 16 : i32
      %shift_left3A_594 = vector.broadcast %shift_left3A_593 : i32 to vector<16xi32>
      %shift_left3A_595 = arith.shli %get3A_592, %shift_left3A_594 : vector<16xi32>
      %bitcast_convert_type3A_596 = tpu.bitcast %shift_left3A_595 : vector<16xi32> -> vector<16xf32>
      %and3A_597 = arith.constant -65536 : i32
      %and3A_598 = vector.broadcast %and3A_597 : i32 to vector<16xi32>
      %and3A_599 = arith.andi %get3A_592, %and3A_598 : vector<16xi32>
      %bitcast_convert_type3A_600 = tpu.bitcast %and3A_599 : vector<16xi32> -> vector<16xf32>
      %mul3A_601 = arith.constant 2 : i32
      %mul3A_602 = arith.muli %mul3A_601, %scan3A_141 : i32
      %add3A_603 = arith.constant 1 : i32
      %add3A_604 = arith.addi %mul3A_602, %add3A_603 : i32
      %get3A_605 = arith.index_cast %add3A_604 : i32 to index
      %get3A_606 = arith.constant 33 : index
      %get3A_607 = tpu.vector_load %arg8[%get3A_605, %get3A_606] {strides = array<i32>} : memref<80x128xf32, #tpu.memory_space<vmem>>, vector<1x16xf32>,
      %get3A_608 = vector.shape_cast %get3A_607 : vector<1x16xf32> to vector<16xf32>
      %mul3A_609 = arith.mulf %bitcast_convert_type3A_596, %get3A_608 : vector<16xf32>
      %mul3A_610 = arith.constant 2 : i32
      %mul3A_611 = arith.muli %mul3A_610, %scan3A_141 : i32
      %get3A_612 = arith.index_cast %mul3A_611 : i32 to index
      %get3A_613 = arith.constant 33 : index
      %get3A_614 = tpu.vector_load %arg8[%get3A_612, %get3A_613] {strides = array<i32>} : memref<80x128xf32, #tpu.memory_space<vmem>>, vector<1x16xf32>,
      %get3A_615 = vector.shape_cast %get3A_614 : vector<1x16xf32> to vector<16xf32>
      %mul3A_616 = arith.mulf %bitcast_convert_type3A_596, %get3A_615 : vector<16xf32>
      %add3A_617 = arith.addf %add3A_569, %mul3A_609 : vector<16xf32>
      %add3A_618 = arith.addf %add3A_570, %mul3A_616 : vector<16xf32>
      %mul3A_619 = arith.constant 2 : i32
      %mul3A_620 = arith.muli %mul3A_619, %scan3A_141 : i32
      %add3A_621 = arith.constant 1 : i32
      %add3A_622 = arith.addi %mul3A_620, %add3A_621 : i32
      %get3A_623 = arith.index_cast %add3A_622 : i32 to index
      %get3A_624 = arith.constant 49 : index
      %get3A_625 = tpu.vector_load %arg8[%get3A_623, %get3A_624] {strides = array<i32>} : memref<80x128xf32, #tpu.memory_space<vmem>>, vector<1x16xf32>,
      %get3A_626 = vector.shape_cast %get3A_625 : vector<1x16xf32> to vector<16xf32>
      %mul3A_627 = arith.mulf %bitcast_convert_type3A_600, %get3A_626 : vector<16xf32>
      %mul3A_628 = arith.constant 2 : i32
      %mul3A_629 = arith.muli %mul3A_628, %scan3A_141 : i32
      %get3A_630 = arith.index_cast %mul3A_629 : i32 to index
      %get3A_631 = arith.constant 49 : index
      %get3A_632 = tpu.vector_load %arg8[%get3A_630, %get3A_631] {strides = array<i32>} : memref<80x128xf32, #tpu.memory_space<vmem>>, vector<1x16xf32>,
      %get3A_633 = vector.shape_cast %get3A_632 : vector<1x16xf32> to vector<16xf32>
      %mul3A_634 = arith.mulf %bitcast_convert_type3A_600, %get3A_633 : vector<16xf32>
      %add3A_635 = arith.addf %add3A_587, %mul3A_627 : vector<16xf32>
      %add3A_636 = arith.addf %add3A_588, %mul3A_634 : vector<16xf32>
      %mul3A_637 = arith.constant 2 : i32
      %mul3A_638 = arith.muli %mul3A_637, %scan3A_141 : i32
      %swap3A_639 = arith.index_cast %mul3A_638 : i32 to index
      %swap3A_640 = arith.constant 32 : index
      %swap3A_641 = tpu.vector_load %arg9[%swap3A_639, %swap3A_640] {strides = array<i32>} : memref<80x128xf32, #tpu.memory_space<vmem>>, vector<1x16xf32>,
      %swap3A_642 = vector.shape_cast %swap3A_641 : vector<1x16xf32> to vector<16xf32>
      %swap3A_643 = vector.shape_cast %add3A_617 : vector<16xf32> to vector<1x16xf32>
      tpu.vector_store %arg9[%swap3A_639, %swap3A_640], %swap3A_643 {strides = array<i32>} : memref<80x128xf32, #tpu.memory_space<vmem>>, vector<1x16xf32>,
      %mul3A_644 = arith.constant 2 : i32
      %mul3A_645 = arith.muli %mul3A_644, %scan3A_141 : i32
      %add3A_646 = arith.constant 1 : i32
      %add3A_647 = arith.addi %mul3A_645, %add3A_646 : i32
      %swap3A_648 = arith.index_cast %add3A_647 : i32 to index
      %swap3A_649 = arith.constant 32 : index
      %swap3A_650 = tpu.vector_load %arg9[%swap3A_648, %swap3A_649] {strides = array<i32>} : memref<80x128xf32, #tpu.memory_space<vmem>>, vector<1x16xf32>,
      %swap3A_651 = vector.shape_cast %swap3A_650 : vector<1x16xf32> to vector<16xf32>
      %swap3A_652 = vector.shape_cast %add3A_618 : vector<16xf32> to vector<1x16xf32>
      tpu.vector_store %arg9[%swap3A_648, %swap3A_649], %swap3A_652 {strides = array<i32>} : memref<80x128xf32, #tpu.memory_space<vmem>>, vector<1x16xf32>,
      %mul3A_653 = arith.constant 2 : i32
      %mul3A_654 = arith.muli %mul3A_653, %scan3A_141 : i32
      %swap3A_655 = arith.index_cast %mul3A_654 : i32 to index
      %swap3A_656 = arith.constant 48 : index
      %swap3A_657 = tpu.vector_load %arg9[%swap3A_655, %swap3A_656] {strides = array<i32>} : memref<80x128xf32, #tpu.memory_space<vmem>>, vector<1x16xf32>,
      %swap3A_658 = vector.shape_cast %swap3A_657 : vector<1x16xf32> to vector<16xf32>
      %swap3A_659 = vector.shape_cast %add3A_635 : vector<16xf32> to vector<1x16xf32>
      tpu.vector_store %arg9[%swap3A_655, %swap3A_656], %swap3A_659 {strides = array<i32>} : memref<80x128xf32, #tpu.memory_space<vmem>>, vector<1x16xf32>,
      %mul3A_660 = arith.constant 2 : i32
      %mul3A_661 = arith.muli %mul3A_660, %scan3A_141 : i32
      %add3A_662 = arith.constant 1 : i32
      %add3A_663 = arith.addi %mul3A_661, %add3A_662 : i32
      %swap3A_664 = arith.index_cast %add3A_663 : i32 to index
      %swap3A_665 = arith.constant 48 : index
      %swap3A_666 = tpu.vector_load %arg9[%swap3A_664, %swap3A_665] {strides = array<i32>} : memref<80x128xf32, #tpu.memory_space<vmem>>, vector<1x16xf32>,
      %swap3A_667 = vector.shape_cast %swap3A_666 : vector<1x16xf32> to vector<16xf32>
      %swap3A_668 = vector.shape_cast %add3A_636 : vector<16xf32> to vector<1x16xf32>
      tpu.vector_store %arg9[%swap3A_664, %swap3A_665], %swap3A_668 {strides = array<i32>} : memref<80x128xf32, #tpu.memory_space<vmem>>, vector<1x16xf32>,
      %get3A_669 = arith.index_cast %scan3A_141 : i32 to index
      %get3A_670 = arith.constant 32 : index
      %get3A_671 = tpu.vector_load %arg6[%get3A_669, %get3A_670] {strides = array<i32>} : memref<40x256xi32, #tpu.memory_space<vmem>>, vector<1x16xi32>,
      %get3A_672 = vector.shape_cast %get3A_671 : vector<1x16xi32> to vector<16xi32>
      %shift_left3A_673 = arith.constant 16 : i32
      %shift_left3A_674 = vector.broadcast %shift_left3A_673 : i32 to vector<16xi32>
      %shift_left3A_675 = arith.shli %get3A_672, %shift_left3A_674 : vector<16xi32>
      %bitcast_convert_type3A_676 = tpu.bitcast %shift_left3A_675 : vector<16xi32> -> vector<16xf32>
      %and3A_677 = arith.constant -65536 : i32
      %and3A_678 = vector.broadcast %and3A_677 : i32 to vector<16xi32>
      %and3A_679 = arith.andi %get3A_672, %and3A_678 : vector<16xi32>
      %bitcast_convert_type3A_680 = tpu.bitcast %and3A_679 : vector<16xi32> -> vector<16xf32>
      %mul3A_681 = arith.constant 2 : i32
      %mul3A_682 = arith.muli %mul3A_681, %scan3A_141 : i32
      %add3A_683 = arith.constant 1 : i32
      %add3A_684 = arith.addi %mul3A_682, %add3A_683 : i32
      %get3A_685 = arith.index_cast %add3A_684 : i32 to index
      %get3A_686 = arith.constant 62 : index
      %get3A_687 = tpu.vector_load %arg8[%get3A_685, %get3A_686] {strides = array<i32>} : memref<80x128xf32, #tpu.memory_space<vmem>>, vector<1x16xf32>,
      %get3A_688 = vector.shape_cast %get3A_687 : vector<1x16xf32> to vector<16xf32>
      %mul3A_689 = arith.mulf %bitcast_convert_type3A_676, %get3A_688 : vector<16xf32>
      %mul3A_690 = arith.constant 2 : i32
      %mul3A_691 = arith.muli %mul3A_690, %scan3A_141 : i32
      %get3A_692 = arith.index_cast %mul3A_691 : i32 to index
      %get3A_693 = arith.constant 62 : index
      %get3A_694 = tpu.vector_load %arg8[%get3A_692, %get3A_693] {strides = array<i32>} : memref<80x128xf32, #tpu.memory_space<vmem>>, vector<1x16xf32>,
      %get3A_695 = vector.shape_cast %get3A_694 : vector<1x16xf32> to vector<16xf32>
      %mul3A_696 = arith.mulf %bitcast_convert_type3A_676, %get3A_695 : vector<16xf32>
      %mul3A_697 = arith.constant 2 : i32
      %mul3A_698 = arith.muli %mul3A_697, %scan3A_141 : i32
      %add3A_699 = arith.constant 1 : i32
      %add3A_700 = arith.addi %mul3A_698, %add3A_699 : i32
      %get3A_701 = arith.index_cast %add3A_700 : i32 to index
      %get3A_702 = arith.constant 78 : index
      %get3A_703 = tpu.vector_load %arg8[%get3A_701, %get3A_702] {strides = array<i32>} : memref<80x128xf32, #tpu.memory_space<vmem>>, vector<1x16xf32>,
      %get3A_704 = vector.shape_cast %get3A_703 : vector<1x16xf32> to vector<16xf32>
      %mul3A_705 = arith.mulf %bitcast_convert_type3A_680, %get3A_704 : vector<16xf32>
      %mul3A_706 = arith.constant 2 : i32
      %mul3A_707 = arith.muli %mul3A_706, %scan3A_141 : i32
      %get3A_708 = arith.index_cast %mul3A_707 : i32 to index
      %get3A_709 = arith.constant 78 : index
      %get3A_710 = tpu.vector_load %arg8[%get3A_708, %get3A_709] {strides = array<i32>} : memref<80x128xf32, #tpu.memory_space<vmem>>, vector<1x16xf32>,
      %get3A_711 = vector.shape_cast %get3A_710 : vector<1x16xf32> to vector<16xf32>
      %mul3A_712 = arith.mulf %bitcast_convert_type3A_680, %get3A_711 : vector<16xf32>
      %get3A_713 = arith.index_cast %scan3A_141 : i32 to index
      %get3A_714 = arith.constant 96 : index
      %get3A_715 = tpu.vector_load %arg6[%get3A_713, %get3A_714] {strides = array<i32>} : memref<40x256xi32, #tpu.memory_space<vmem>>, vector<1x16xi32>,
      %get3A_716 = vector.shape_cast %get3A_715 : vector<1x16xi32> to vector<16xi32>
      %shift_left3A_717 = arith.constant 16 : i32
      %shift_left3A_718 = vector.broadcast %shift_left3A_717 : i32 to vector<16xi32>
      %shift_left3A_719 = arith.shli %get3A_716, %shift_left3A_718 : vector<16xi32>
      %bitcast_convert_type3A_720 = tpu.bitcast %shift_left3A_719 : vector<16xi32> -> vector<16xf32>
      %and3A_721 = arith.constant -65536 : i32
      %and3A_722 = vector.broadcast %and3A_721 : i32 to vector<16xi32>
      %and3A_723 = arith.andi %get3A_716, %and3A_722 : vector<16xi32>
      %bitcast_convert_type3A_724 = tpu.bitcast %and3A_723 : vector<16xi32> -> vector<16xf32>
      %mul3A_725 = arith.constant 2 : i32
      %mul3A_726 = arith.muli %mul3A_725, %scan3A_141 : i32
      %add3A_727 = arith.constant 1 : i32
      %add3A_728 = arith.addi %mul3A_726, %add3A_727 : i32
      %get3A_729 = arith.index_cast %add3A_728 : i32 to index
      %get3A_730 = arith.constant 63 : index
      %get3A_731 = tpu.vector_load %arg8[%get3A_729, %get3A_730] {strides = array<i32>} : memref<80x128xf32, #tpu.memory_space<vmem>>, vector<1x16xf32>,
      %get3A_732 = vector.shape_cast %get3A_731 : vector<1x16xf32> to vector<16xf32>
      %mul3A_733 = arith.mulf %bitcast_convert_type3A_720, %get3A_732 : vector<16xf32>
      %mul3A_734 = arith.constant 2 : i32
      %mul3A_735 = arith.muli %mul3A_734, %scan3A_141 : i32
      %get3A_736 = arith.index_cast %mul3A_735 : i32 to index
      %get3A_737 = arith.constant 63 : index
      %get3A_738 = tpu.vector_load %arg8[%get3A_736, %get3A_737] {strides = array<i32>} : memref<80x128xf32, #tpu.memory_space<vmem>>, vector<1x16xf32>,
      %get3A_739 = vector.shape_cast %get3A_738 : vector<1x16xf32> to vector<16xf32>
      %mul3A_740 = arith.mulf %bitcast_convert_type3A_720, %get3A_739 : vector<16xf32>
      %add3A_741 = arith.addf %mul3A_689, %mul3A_733 : vector<16xf32>
      %add3A_742 = arith.addf %mul3A_696, %mul3A_740 : vector<16xf32>
      %mul3A_743 = arith.constant 2 : i32
      %mul3A_744 = arith.muli %mul3A_743, %scan3A_141 : i32
      %add3A_745 = arith.constant 1 : i32
      %add3A_746 = arith.addi %mul3A_744, %add3A_745 : i32
      %get3A_747 = arith.index_cast %add3A_746 : i32 to index
      %get3A_748 = arith.constant 79 : index
      %get3A_749 = tpu.vector_load %arg8[%get3A_747, %get3A_748] {strides = array<i32>} : memref<80x128xf32, #tpu.memory_space<vmem>>, vector<1x16xf32>,
      %get3A_750 = vector.shape_cast %get3A_749 : vector<1x16xf32> to vector<16xf32>
      %mul3A_751 = arith.mulf %bitcast_convert_type3A_724, %get3A_750 : vector<16xf32>
      %mul3A_752 = arith.constant 2 : i32
      %mul3A_753 = arith.muli %mul3A_752, %scan3A_141 : i32
      %get3A_754 = arith.index_cast %mul3A_753 : i32 to index
      %get3A_755 = arith.constant 79 : index
      %get3A_756 = tpu.vector_load %arg8[%get3A_754, %get3A_755] {strides = array<i32>} : memref<80x128xf32, #tpu.memory_space<vmem>>, vector<1x16xf32>,
      %get3A_757 = vector.shape_cast %get3A_756 : vector<1x16xf32> to vector<16xf32>
      %mul3A_758 = arith.mulf %bitcast_convert_type3A_724, %get3A_757 : vector<16xf32>
      %add3A_759 = arith.addf %mul3A_705, %mul3A_751 : vector<16xf32>
      %add3A_760 = arith.addf %mul3A_712, %mul3A_758 : vector<16xf32>
      %get3A_761 = arith.index_cast %scan3A_141 : i32 to index
      %get3A_762 = arith.constant 160 : index
      %get3A_763 = tpu.vector_load %arg6[%get3A_761, %get3A_762] {strides = array<i32>} : memref<40x256xi32, #tpu.memory_space<vmem>>, vector<1x16xi32>,
      %get3A_764 = vector.shape_cast %get3A_763 : vector<1x16xi32> to vector<16xi32>
      %shift_left3A_765 = arith.constant 16 : i32
      %shift_left3A_766 = vector.broadcast %shift_left3A_765 : i32 to vector<16xi32>
      %shift_left3A_767 = arith.shli %get3A_764, %shift_left3A_766 : vector<16xi32>
      %bitcast_convert_type3A_768 = tpu.bitcast %shift_left3A_767 : vector<16xi32> -> vector<16xf32>
      %and3A_769 = arith.constant -65536 : i32
      %and3A_770 = vector.broadcast %and3A_769 : i32 to vector<16xi32>
      %and3A_771 = arith.andi %get3A_764, %and3A_770 : vector<16xi32>
      %bitcast_convert_type3A_772 = tpu.bitcast %and3A_771 : vector<16xi32> -> vector<16xf32>
      %mul3A_773 = arith.constant 2 : i32
      %mul3A_774 = arith.muli %mul3A_773, %scan3A_141 : i32
      %add3A_775 = arith.constant 1 : i32
      %add3A_776 = arith.addi %mul3A_774, %add3A_775 : i32
      %get3A_777 = arith.index_cast %add3A_776 : i32 to index
      %get3A_778 = arith.constant 64 : index
      %get3A_779 = tpu.vector_load %arg8[%get3A_777, %get3A_778] {strides = array<i32>} : memref<80x128xf32, #tpu.memory_space<vmem>>, vector<1x16xf32>,
      %get3A_780 = vector.shape_cast %get3A_779 : vector<1x16xf32> to vector<16xf32>
      %mul3A_781 = arith.mulf %bitcast_convert_type3A_768, %get3A_780 : vector<16xf32>
      %mul3A_782 = arith.constant 2 : i32
      %mul3A_783 = arith.muli %mul3A_782, %scan3A_141 : i32
      %get3A_784 = arith.index_cast %mul3A_783 : i32 to index
      %get3A_785 = arith.constant 64 : index
      %get3A_786 = tpu.vector_load %arg8[%get3A_784, %get3A_785] {strides = array<i32>} : memref<80x128xf32, #tpu.memory_space<vmem>>, vector<1x16xf32>,
      %get3A_787 = vector.shape_cast %get3A_786 : vector<1x16xf32> to vector<16xf32>
      %mul3A_788 = arith.mulf %bitcast_convert_type3A_768, %get3A_787 : vector<16xf32>
      %add3A_789 = arith.addf %add3A_741, %mul3A_781 : vector<16xf32>
      %add3A_790 = arith.addf %add3A_742, %mul3A_788 : vector<16xf32>
      %mul3A_791 = arith.constant 2 : i32
      %mul3A_792 = arith.muli %mul3A_791, %scan3A_141 : i32
      %add3A_793 = arith.constant 1 : i32
      %add3A_794 = arith.addi %mul3A_792, %add3A_793 : i32
      %get3A_795 = arith.index_cast %add3A_794 : i32 to index
      %get3A_796 = arith.constant 80 : index
      %get3A_797 = tpu.vector_load %arg8[%get3A_795, %get3A_796] {strides = array<i32>} : memref<80x128xf32, #tpu.memory_space<vmem>>, vector<1x16xf32>,
      %get3A_798 = vector.shape_cast %get3A_797 : vector<1x16xf32> to vector<16xf32>
      %mul3A_799 = arith.mulf %bitcast_convert_type3A_772, %get3A_798 : vector<16xf32>
      %mul3A_800 = arith.constant 2 : i32
      %mul3A_801 = arith.muli %mul3A_800, %scan3A_141 : i32
      %get3A_802 = arith.index_cast %mul3A_801 : i32 to index
      %get3A_803 = arith.constant 80 : index
      %get3A_804 = tpu.vector_load %arg8[%get3A_802, %get3A_803] {strides = array<i32>} : memref<80x128xf32, #tpu.memory_space<vmem>>, vector<1x16xf32>,
      %get3A_805 = vector.shape_cast %get3A_804 : vector<1x16xf32> to vector<16xf32>
      %mul3A_806 = arith.mulf %bitcast_convert_type3A_772, %get3A_805 : vector<16xf32>
      %add3A_807 = arith.addf %add3A_759, %mul3A_799 : vector<16xf32>
      %add3A_808 = arith.addf %add3A_760, %mul3A_806 : vector<16xf32>
      %get3A_809 = arith.index_cast %scan3A_141 : i32 to index
      %get3A_810 = arith.constant 224 : index
      %get3A_811 = tpu.vector_load %arg6[%get3A_809, %get3A_810] {strides = array<i32>} : memref<40x256xi32, #tpu.memory_space<vmem>>, vector<1x16xi32>,
      %get3A_812 = vector.shape_cast %get3A_811 : vector<1x16xi32> to vector<16xi32>
      %shift_left3A_813 = arith.constant 16 : i32
      %shift_left3A_814 = vector.broadcast %shift_left3A_813 : i32 to vector<16xi32>
      %shift_left3A_815 = arith.shli %get3A_812, %shift_left3A_814 : vector<16xi32>
      %bitcast_convert_type3A_816 = tpu.bitcast %shift_left3A_815 : vector<16xi32> -> vector<16xf32>
      %and3A_817 = arith.constant -65536 : i32
      %and3A_818 = vector.broadcast %and3A_817 : i32 to vector<16xi32>
      %and3A_819 = arith.andi %get3A_812, %and3A_818 : vector<16xi32>
      %bitcast_convert_type3A_820 = tpu.bitcast %and3A_819 : vector<16xi32> -> vector<16xf32>
      %mul3A_821 = arith.constant 2 : i32
      %mul3A_822 = arith.muli %mul3A_821, %scan3A_141 : i32
      %add3A_823 = arith.constant 1 : i32
      %add3A_824 = arith.addi %mul3A_822, %add3A_823 : i32
      %get3A_825 = arith.index_cast %add3A_824 : i32 to index
      %get3A_826 = arith.constant 65 : index
      %get3A_827 = tpu.vector_load %arg8[%get3A_825, %get3A_826] {strides = array<i32>} : memref<80x128xf32, #tpu.memory_space<vmem>>, vector<1x16xf32>,
      %get3A_828 = vector.shape_cast %get3A_827 : vector<1x16xf32> to vector<16xf32>
      %mul3A_829 = arith.mulf %bitcast_convert_type3A_816, %get3A_828 : vector<16xf32>
      %mul3A_830 = arith.constant 2 : i32
      %mul3A_831 = arith.muli %mul3A_830, %scan3A_141 : i32
      %get3A_832 = arith.index_cast %mul3A_831 : i32 to index
      %get3A_833 = arith.constant 65 : index
      %get3A_834 = tpu.vector_load %arg8[%get3A_832, %get3A_833] {strides = array<i32>} : memref<80x128xf32, #tpu.memory_space<vmem>>, vector<1x16xf32>,
      %get3A_835 = vector.shape_cast %get3A_834 : vector<1x16xf32> to vector<16xf32>
      %mul3A_836 = arith.mulf %bitcast_convert_type3A_816, %get3A_835 : vector<16xf32>
      %add3A_837 = arith.addf %add3A_789, %mul3A_829 : vector<16xf32>
      %add3A_838 = arith.addf %add3A_790, %mul3A_836 : vector<16xf32>
      %mul3A_839 = arith.constant 2 : i32
      %mul3A_840 = arith.muli %mul3A_839, %scan3A_141 : i32
      %add3A_841 = arith.constant 1 : i32
      %add3A_842 = arith.addi %mul3A_840, %add3A_841 : i32
      %get3A_843 = arith.index_cast %add3A_842 : i32 to index
      %get3A_844 = arith.constant 81 : index
      %get3A_845 = tpu.vector_load %arg8[%get3A_843, %get3A_844] {strides = array<i32>} : memref<80x128xf32, #tpu.memory_space<vmem>>, vector<1x16xf32>,
      %get3A_846 = vector.shape_cast %get3A_845 : vector<1x16xf32> to vector<16xf32>
      %mul3A_847 = arith.mulf %bitcast_convert_type3A_820, %get3A_846 : vector<16xf32>
      %mul3A_848 = arith.constant 2 : i32
      %mul3A_849 = arith.muli %mul3A_848, %scan3A_141 : i32
      %get3A_850 = arith.index_cast %mul3A_849 : i32 to index
      %get3A_851 = arith.constant 81 : index
      %get3A_852 = tpu.vector_load %arg8[%get3A_850, %get3A_851] {strides = array<i32>} : memref<80x128xf32, #tpu.memory_space<vmem>>, vector<1x16xf32>,
      %get3A_853 = vector.shape_cast %get3A_852 : vector<1x16xf32> to vector<16xf32>
      %mul3A_854 = arith.mulf %bitcast_convert_type3A_820, %get3A_853 : vector<16xf32>
      %add3A_855 = arith.addf %add3A_807, %mul3A_847 : vector<16xf32>
      %add3A_856 = arith.addf %add3A_808, %mul3A_854 : vector<16xf32>
      %mul3A_857 = arith.constant 2 : i32
      %mul3A_858 = arith.muli %mul3A_857, %scan3A_141 : i32
      %swap3A_859 = arith.index_cast %mul3A_858 : i32 to index
      %swap3A_860 = arith.constant 64 : index
      %swap3A_861 = tpu.vector_load %arg9[%swap3A_859, %swap3A_860] {strides = array<i32>} : memref<80x128xf32, #tpu.memory_space<vmem>>, vector<1x16xf32>,
      %swap3A_862 = vector.shape_cast %swap3A_861 : vector<1x16xf32> to vector<16xf32>
      %swap3A_863 = vector.shape_cast %add3A_837 : vector<16xf32> to vector<1x16xf32>
      tpu.vector_store %arg9[%swap3A_859, %swap3A_860], %swap3A_863 {strides = array<i32>} : memref<80x128xf32, #tpu.memory_space<vmem>>, vector<1x16xf32>,
      %mul3A_864 = arith.constant 2 : i32
      %mul3A_865 = arith.muli %mul3A_864, %scan3A_141 : i32
      %add3A_866 = arith.constant 1 : i32
      %add3A_867 = arith.addi %mul3A_865, %add3A_866 : i32
      %swap3A_868 = arith.index_cast %add3A_867 : i32 to index
      %swap3A_869 = arith.constant 64 : index
      %swap3A_870 = tpu.vector_load %arg9[%swap3A_868, %swap3A_869] {strides = array<i32>} : memref<80x128xf32, #tpu.memory_space<vmem>>, vector<1x16xf32>,
      %swap3A_871 = vector.shape_cast %swap3A_870 : vector<1x16xf32> to vector<16xf32>
      %swap3A_872 = vector.shape_cast %add3A_838 : vector<16xf32> to vector<1x16xf32>
      tpu.vector_store %arg9[%swap3A_868, %swap3A_869], %swap3A_872 {strides = array<i32>} : memref<80x128xf32, #tpu.memory_space<vmem>>, vector<1x16xf32>,
      %mul3A_873 = arith.constant 2 : i32
      %mul3A_874 = arith.muli %mul3A_873, %scan3A_141 : i32
      %swap3A_875 = arith.index_cast %mul3A_874 : i32 to index
      %swap3A_876 = arith.constant 80 : index
      %swap3A_877 = tpu.vector_load %arg9[%swap3A_875, %swap3A_876] {strides = array<i32>} : memref<80x128xf32, #tpu.memory_space<vmem>>, vector<1x16xf32>,
      %swap3A_878 = vector.shape_cast %swap3A_877 : vector<1x16xf32> to vector<16xf32>
      %swap3A_879 = vector.shape_cast %add3A_855 : vector<16xf32> to vector<1x16xf32>
      tpu.vector_store %arg9[%swap3A_875, %swap3A_876], %swap3A_879 {strides = array<i32>} : memref<80x128xf32, #tpu.memory_space<vmem>>, vector<1x16xf32>,
      %mul3A_880 = arith.constant 2 : i32
      %mul3A_881 = arith.muli %mul3A_880, %scan3A_141 : i32
      %add3A_882 = arith.constant 1 : i32
      %add3A_883 = arith.addi %mul3A_881, %add3A_882 : i32
      %swap3A_884 = arith.index_cast %add3A_883 : i32 to index
      %swap3A_885 = arith.constant 80 : index
      %swap3A_886 = tpu.vector_load %arg9[%swap3A_884, %swap3A_885] {strides = array<i32>} : memref<80x128xf32, #tpu.memory_space<vmem>>, vector<1x16xf32>,
      %swap3A_887 = vector.shape_cast %swap3A_886 : vector<1x16xf32> to vector<16xf32>
      %swap3A_888 = vector.shape_cast %add3A_856 : vector<16xf32> to vector<1x16xf32>
      tpu.vector_store %arg9[%swap3A_884, %swap3A_885], %swap3A_888 {strides = array<i32>} : memref<80x128xf32, #tpu.memory_space<vmem>>, vector<1x16xf32>,
      %get3A_889 = arith.index_cast %scan3A_141 : i32 to index
      %get3A_890 = arith.constant 48 : index
      %get3A_891 = tpu.vector_load %arg6[%get3A_889, %get3A_890] {strides = array<i32>} : memref<40x256xi32, #tpu.memory_space<vmem>>, vector<1x16xi32>,
      %get3A_892 = vector.shape_cast %get3A_891 : vector<1x16xi32> to vector<16xi32>
      %shift_left3A_893 = arith.constant 16 : i32
      %shift_left3A_894 = vector.broadcast %shift_left3A_893 : i32 to vector<16xi32>
      %shift_left3A_895 = arith.shli %get3A_892, %shift_left3A_894 : vector<16xi32>
      %bitcast_convert_type3A_896 = tpu.bitcast %shift_left3A_895 : vector<16xi32> -> vector<16xf32>
      %and3A_897 = arith.constant -65536 : i32
      %and3A_898 = vector.broadcast %and3A_897 : i32 to vector<16xi32>
      %and3A_899 = arith.andi %get3A_892, %and3A_898 : vector<16xi32>
      %bitcast_convert_type3A_900 = tpu.bitcast %and3A_899 : vector<16xi32> -> vector<16xf32>
      %mul3A_901 = arith.constant 2 : i32
      %mul3A_902 = arith.muli %mul3A_901, %scan3A_141 : i32
      %add3A_903 = arith.constant 1 : i32
      %add3A_904 = arith.addi %mul3A_902, %add3A_903 : i32
      %get3A_905 = arith.index_cast %add3A_904 : i32 to index
      %get3A_906 = arith.constant 94 : index
      %get3A_907 = tpu.vector_load %arg8[%get3A_905, %get3A_906] {strides = array<i32>} : memref<80x128xf32, #tpu.memory_space<vmem>>, vector<1x16xf32>,
      %get3A_908 = vector.shape_cast %get3A_907 : vector<1x16xf32> to vector<16xf32>
      %mul3A_909 = arith.mulf %bitcast_convert_type3A_896, %get3A_908 : vector<16xf32>
      %mul3A_910 = arith.constant 2 : i32
      %mul3A_911 = arith.muli %mul3A_910, %scan3A_141 : i32
      %get3A_912 = arith.index_cast %mul3A_911 : i32 to index
      %get3A_913 = arith.constant 94 : index
      %get3A_914 = tpu.vector_load %arg8[%get3A_912, %get3A_913] {strides = array<i32>} : memref<80x128xf32, #tpu.memory_space<vmem>>, vector<1x16xf32>,
      %get3A_915 = vector.shape_cast %get3A_914 : vector<1x16xf32> to vector<16xf32>
      %mul3A_916 = arith.mulf %bitcast_convert_type3A_896, %get3A_915 : vector<16xf32>
      %mul3A_917 = arith.constant 2 : i32
      %mul3A_918 = arith.muli %mul3A_917, %scan3A_141 : i32
      %add3A_919 = arith.constant 1 : i32
      %add3A_920 = arith.addi %mul3A_918, %add3A_919 : i32
      %get3A_921 = arith.index_cast %add3A_920 : i32 to index
      %get3A_922 = arith.constant 110 : index
      %get3A_923 = tpu.vector_load %arg8[%get3A_921, %get3A_922] {strides = array<i32>} : memref<80x128xf32, #tpu.memory_space<vmem>>, vector<1x16xf32>,
      %get3A_924 = vector.shape_cast %get3A_923 : vector<1x16xf32> to vector<16xf32>
      %mul3A_925 = arith.mulf %bitcast_convert_type3A_900, %get3A_924 : vector<16xf32>
      %mul3A_926 = arith.constant 2 : i32
      %mul3A_927 = arith.muli %mul3A_926, %scan3A_141 : i32
      %get3A_928 = arith.index_cast %mul3A_927 : i32 to index
      %get3A_929 = arith.constant 110 : index
      %get3A_930 = tpu.vector_load %arg8[%get3A_928, %get3A_929] {strides = array<i32>} : memref<80x128xf32, #tpu.memory_space<vmem>>, vector<1x16xf32>,
      %get3A_931 = vector.shape_cast %get3A_930 : vector<1x16xf32> to vector<16xf32>
      %mul3A_932 = arith.mulf %bitcast_convert_type3A_900, %get3A_931 : vector<16xf32>
      %get3A_933 = arith.index_cast %scan3A_141 : i32 to index
      %get3A_934 = arith.constant 112 : index
      %get3A_935 = tpu.vector_load %arg6[%get3A_933, %get3A_934] {strides = array<i32>} : memref<40x256xi32, #tpu.memory_space<vmem>>, vector<1x16xi32>,
      %get3A_936 = vector.shape_cast %get3A_935 : vector<1x16xi32> to vector<16xi32>
      %shift_left3A_937 = arith.constant 16 : i32
      %shift_left3A_938 = vector.broadcast %shift_left3A_937 : i32 to vector<16xi32>
      %shift_left3A_939 = arith.shli %get3A_936, %shift_left3A_938 : vector<16xi32>
      %bitcast_convert_type3A_940 = tpu.bitcast %shift_left3A_939 : vector<16xi32> -> vector<16xf32>
      %and3A_941 = arith.constant -65536 : i32
      %and3A_942 = vector.broadcast %and3A_941 : i32 to vector<16xi32>
      %and3A_943 = arith.andi %get3A_936, %and3A_942 : vector<16xi32>
      %bitcast_convert_type3A_944 = tpu.bitcast %and3A_943 : vector<16xi32> -> vector<16xf32>
      %mul3A_945 = arith.constant 2 : i32
      %mul3A_946 = arith.muli %mul3A_945, %scan3A_141 : i32
      %add3A_947 = arith.constant 1 : i32
      %add3A_948 = arith.addi %mul3A_946, %add3A_947 : i32
      %get3A_949 = arith.index_cast %add3A_948 : i32 to index
      %get3A_950 = arith.constant 95 : index
      %get3A_951 = tpu.vector_load %arg8[%get3A_949, %get3A_950] {strides = array<i32>} : memref<80x128xf32, #tpu.memory_space<vmem>>, vector<1x16xf32>,
      %get3A_952 = vector.shape_cast %get3A_951 : vector<1x16xf32> to vector<16xf32>
      %mul3A_953 = arith.mulf %bitcast_convert_type3A_940, %get3A_952 : vector<16xf32>
      %mul3A_954 = arith.constant 2 : i32
      %mul3A_955 = arith.muli %mul3A_954, %scan3A_141 : i32
      %get3A_956 = arith.index_cast %mul3A_955 : i32 to index
      %get3A_957 = arith.constant 95 : index
      %get3A_958 = tpu.vector_load %arg8[%get3A_956, %get3A_957] {strides = array<i32>} : memref<80x128xf32, #tpu.memory_space<vmem>>, vector<1x16xf32>,
      %get3A_959 = vector.shape_cast %get3A_958 : vector<1x16xf32> to vector<16xf32>
      %mul3A_960 = arith.mulf %bitcast_convert_type3A_940, %get3A_959 : vector<16xf32>
      %add3A_961 = arith.addf %mul3A_909, %mul3A_953 : vector<16xf32>
      %add3A_962 = arith.addf %mul3A_916, %mul3A_960 : vector<16xf32>
      %mul3A_963 = arith.constant 2 : i32
      %mul3A_964 = arith.muli %mul3A_963, %scan3A_141 : i32
      %add3A_965 = arith.constant 1 : i32
      %add3A_966 = arith.addi %mul3A_964, %add3A_965 : i32
      %get3A_967 = arith.index_cast %add3A_966 : i32 to index
      %get3A_968 = arith.constant 111 : index
      %get3A_969 = tpu.vector_load %arg8[%get3A_967, %get3A_968] {strides = array<i32>} : memref<80x128xf32, #tpu.memory_space<vmem>>, vector<1x16xf32>,
      %get3A_970 = vector.shape_cast %get3A_969 : vector<1x16xf32> to vector<16xf32>
      %mul3A_971 = arith.mulf %bitcast_convert_type3A_944, %get3A_970 : vector<16xf32>
      %mul3A_972 = arith.constant 2 : i32
      %mul3A_973 = arith.muli %mul3A_972, %scan3A_141 : i32
      %get3A_974 = arith.index_cast %mul3A_973 : i32 to index
      %get3A_975 = arith.constant 111 : index
      %get3A_976 = tpu.vector_load %arg8[%get3A_974, %get3A_975] {strides = array<i32>} : memref<80x128xf32, #tpu.memory_space<vmem>>, vector<1x16xf32>,
      %get3A_977 = vector.shape_cast %get3A_976 : vector<1x16xf32> to vector<16xf32>
      %mul3A_978 = arith.mulf %bitcast_convert_type3A_944, %get3A_977 : vector<16xf32>
      %add3A_979 = arith.addf %mul3A_925, %mul3A_971 : vector<16xf32>
      %add3A_980 = arith.addf %mul3A_932, %mul3A_978 : vector<16xf32>
      %get3A_981 = arith.index_cast %scan3A_141 : i32 to index
      %get3A_982 = arith.constant 176 : index
      %get3A_983 = tpu.vector_load %arg6[%get3A_981, %get3A_982] {strides = array<i32>} : memref<40x256xi32, #tpu.memory_space<vmem>>, vector<1x16xi32>,
      %get3A_984 = vector.shape_cast %get3A_983 : vector<1x16xi32> to vector<16xi32>
      %shift_left3A_985 = arith.constant 16 : i32
      %shift_left3A_986 = vector.broadcast %shift_left3A_985 : i32 to vector<16xi32>
      %shift_left3A_987 = arith.shli %get3A_984, %shift_left3A_986 : vector<16xi32>
      %bitcast_convert_type3A_988 = tpu.bitcast %shift_left3A_987 : vector<16xi32> -> vector<16xf32>
      %and3A_989 = arith.constant -65536 : i32
      %and3A_990 = vector.broadcast %and3A_989 : i32 to vector<16xi32>
      %and3A_991 = arith.andi %get3A_984, %and3A_990 : vector<16xi32>
      %bitcast_convert_type3A_992 = tpu.bitcast %and3A_991 : vector<16xi32> -> vector<16xf32>
      %mul3A_993 = arith.constant 2 : i32
      %mul3A_994 = arith.muli %mul3A_993, %scan3A_141 : i32
      %add3A_995 = arith.constant 1 : i32
      %add3A_996 = arith.addi %mul3A_994, %add3A_995 : i32
      %get3A_997 = arith.index_cast %add3A_996 : i32 to index
      %get3A_998 = arith.constant 96 : index
      %get3A_999 = tpu.vector_load %arg8[%get3A_997, %get3A_998] {strides = array<i32>} : memref<80x128xf32, #tpu.memory_space<vmem>>, vector<1x16xf32>,
      %get3A_1000 = vector.shape_cast %get3A_999 : vector<1x16xf32> to vector<16xf32>
      %mul3A_1001 = arith.mulf %bitcast_convert_type3A_988, %get3A_1000 : vector<16xf32>
      %mul3A_1002 = arith.constant 2 : i32
      %mul3A_1003 = arith.muli %mul3A_1002, %scan3A_141 : i32
      %get3A_1004 = arith.index_cast %mul3A_1003 : i32 to index
      %get3A_1005 = arith.constant 96 : index
      %get3A_1006 = tpu.vector_load %arg8[%get3A_1004, %get3A_1005] {strides = array<i32>} : memref<80x128xf32, #tpu.memory_space<vmem>>, vector<1x16xf32>,
      %get3A_1007 = vector.shape_cast %get3A_1006 : vector<1x16xf32> to vector<16xf32>
      %mul3A_1008 = arith.mulf %bitcast_convert_type3A_988, %get3A_1007 : vector<16xf32>
      %add3A_1009 = arith.addf %add3A_961, %mul3A_1001 : vector<16xf32>
      %add3A_1010 = arith.addf %add3A_962, %mul3A_1008 : vector<16xf32>
      %mul3A_1011 = arith.constant 2 : i32
      %mul3A_1012 = arith.muli %mul3A_1011, %scan3A_141 : i32
      %add3A_1013 = arith.constant 1 : i32
      %add3A_1014 = arith.addi %mul3A_1012, %add3A_1013 : i32
      %get3A_1015 = arith.index_cast %add3A_1014 : i32 to index
      %get3A_1016 = arith.constant 112 : index
      %get3A_1017 = tpu.vector_load %arg8[%get3A_1015, %get3A_1016] {strides = array<i32>} : memref<80x128xf32, #tpu.memory_space<vmem>>, vector<1x16xf32>,
      %get3A_1018 = vector.shape_cast %get3A_1017 : vector<1x16xf32> to vector<16xf32>
      %mul3A_1019 = arith.mulf %bitcast_convert_type3A_992, %get3A_1018 : vector<16xf32>
      %mul3A_1020 = arith.constant 2 : i32
      %mul3A_1021 = arith.muli %mul3A_1020, %scan3A_141 : i32
      %get3A_1022 = arith.index_cast %mul3A_1021 : i32 to index
      %get3A_1023 = arith.constant 112 : index
      %get3A_1024 = tpu.vector_load %arg8[%get3A_1022, %get3A_1023] {strides = array<i32>} : memref<80x128xf32, #tpu.memory_space<vmem>>, vector<1x16xf32>,
      %get3A_1025 = vector.shape_cast %get3A_1024 : vector<1x16xf32> to vector<16xf32>
      %mul3A_1026 = arith.mulf %bitcast_convert_type3A_992, %get3A_1025 : vector<16xf32>
      %add3A_1027 = arith.addf %add3A_979, %mul3A_1019 : vector<16xf32>
      %add3A_1028 = arith.addf %add3A_980, %mul3A_1026 : vector<16xf32>
      %get3A_1029 = arith.index_cast %scan3A_141 : i32 to index
      %get3A_1030 = arith.constant 240 : index
      %get3A_1031 = tpu.vector_load %arg6[%get3A_1029, %get3A_1030] {strides = array<i32>} : memref<40x256xi32, #tpu.memory_space<vmem>>, vector<1x16xi32>,
      %get3A_1032 = vector.shape_cast %get3A_1031 : vector<1x16xi32> to vector<16xi32>
      %shift_left3A_1033 = arith.constant 16 : i32
      %shift_left3A_1034 = vector.broadcast %shift_left3A_1033 : i32 to vector<16xi32>
      %shift_left3A_1035 = arith.shli %get3A_1032, %shift_left3A_1034 : vector<16xi32>
      %bitcast_convert_type3A_1036 = tpu.bitcast %shift_left3A_1035 : vector<16xi32> -> vector<16xf32>
      %and3A_1037 = arith.constant -65536 : i32
      %and3A_1038 = vector.broadcast %and3A_1037 : i32 to vector<16xi32>
      %and3A_1039 = arith.andi %get3A_1032, %and3A_1038 : vector<16xi32>
      %bitcast_convert_type3A_1040 = tpu.bitcast %and3A_1039 : vector<16xi32> -> vector<16xf32>
      %mul3A_1041 = arith.constant 2 : i32
      %mul3A_1042 = arith.muli %mul3A_1041, %scan3A_141 : i32
      %add3A_1043 = arith.constant 1 : i32
      %add3A_1044 = arith.addi %mul3A_1042, %add3A_1043 : i32
      %get3A_1045 = arith.index_cast %add3A_1044 : i32 to index
      %get3A_1046 = arith.constant 97 : index
      %get3A_1047 = tpu.vector_load %arg8[%get3A_1045, %get3A_1046] {strides = array<i32>} : memref<80x128xf32, #tpu.memory_space<vmem>>, vector<1x16xf32>,
      %get3A_1048 = vector.shape_cast %get3A_1047 : vector<1x16xf32> to vector<16xf32>
      %mul3A_1049 = arith.mulf %bitcast_convert_type3A_1036, %get3A_1048 : vector<16xf32>
      %mul3A_1050 = arith.constant 2 : i32
      %mul3A_1051 = arith.muli %mul3A_1050, %scan3A_141 : i32
      %get3A_1052 = arith.index_cast %mul3A_1051 : i32 to index
      %get3A_1053 = arith.constant 97 : index
      %get3A_1054 = tpu.vector_load %arg8[%get3A_1052, %get3A_1053] {strides = array<i32>} : memref<80x128xf32, #tpu.memory_space<vmem>>, vector<1x16xf32>,
      %get3A_1055 = vector.shape_cast %get3A_1054 : vector<1x16xf32> to vector<16xf32>
      %mul3A_1056 = arith.mulf %bitcast_convert_type3A_1036, %get3A_1055 : vector<16xf32>
      %add3A_1057 = arith.addf %add3A_1009, %mul3A_1049 : vector<16xf32>
      %add3A_1058 = arith.addf %add3A_1010, %mul3A_1056 : vector<16xf32>
      %mul3A_1059 = arith.constant 2 : i32
      %mul3A_1060 = arith.muli %mul3A_1059, %scan3A_141 : i32
      %add3A_1061 = arith.constant 1 : i32
      %add3A_1062 = arith.addi %mul3A_1060, %add3A_1061 : i32
      %get3A_1063 = arith.index_cast %add3A_1062 : i32 to index
      %get3A_1064 = arith.constant 112 : index
      %get3A_1065 = tpu.vector_load %arg8[%get3A_1063, %get3A_1064] {strides = array<i32>} : memref<80x128xf32, #tpu.memory_space<vmem>>, vector<1x16xf32>,
      %get3A_1066 = vector.shape_cast %get3A_1065 : vector<1x16xf32> to vector<16xf32>
      %add3A_1067 = arith.constant 1 : i32
      %add3A_1068 = vector.broadcast %add3A_1067 : i32 to vector<16xi32>
      %add3A_1069 = arith.addi %iota3A, %add3A_1068 : vector<16xi32>
      %jit3A_1070 = arith.constant 0 : i32
      %jit3A_1071 = arith.constant 15 : i32
      %max3A_1072 = vector.broadcast %jit3A_1070 : i32 to vector<16xi32>
      %max3A_1073 = arith.maxsi %max3A_1072, %add3A_1069 : vector<16xi32>
      %min3A_1074 = vector.broadcast %jit3A_1071 : i32 to vector<16xi32>
      %min3A_1075 = arith.minsi %min3A_1074, %max3A_1073 : vector<16xi32>
      %broadcast_in_dim3A_1076 = vector.shape_cast %min3A_1075 : vector<16xi32> to vector<16x1xi32>
      %gather3A_1077 = vector.shape_cast %broadcast_in_dim3A_1076 : vector<16x1xi32> to vector<16xi32>
      %gather3A_1078 = tpu.dynamic_gather %get3A_1066[%gather3A_1077] in [0] : vector<16xf32>, vector<16xi32> -> vector<16xf32>
      %add3A_1079 = arith.constant 113 : i32
      %add3A_1080 = vector.broadcast %add3A_1079 : i32 to vector<16xi32>
      %add3A_1081 = arith.addi %iota3A, %add3A_1080 : vector<16xi32>
      %ge3A_1082 = arith.constant 0 : i32
      %ge3A_1083 = vector.broadcast %ge3A_1082 : i32 to vector<16xi32>
      %ge3A_1084 = arith.cmpi sge, %add3A_1081, %ge3A_1083 : vector<16xi32>
      %lt3A_1085 = arith.constant 128 : i32
      %lt3A_1086 = vector.broadcast %lt3A_1085 : i32 to vector<16xi32>
      %lt3A_1087 = arith.cmpi slt, %add3A_1081, %lt3A_1086 : vector<16xi32>
      %and3A_1088 = arith.andi %ge3A_1084, %lt3A_1087 : vector<16xi1>
      %jit3A_1089 = arith.constant 0.000000e+00 : f32
      %broadcast_in_dim3A_1090 = vector.broadcast %jit3A_1089 : f32 to vector<16xf32>
      %select_n3A_1091 = arith.select %and3A_1088, %gather3A_1078, %broadcast_in_dim3A_1090 : vector<16xi1>, vector<16xf32>
      %mul3A_1092 = arith.mulf %bitcast_convert_type3A_1040, %select_n3A_1091 : vector<16xf32>
      %mul3A_1093 = arith.constant 2 : i32
      %mul3A_1094 = arith.muli %mul3A_1093, %scan3A_141 : i32
      %get3A_1095 = arith.index_cast %mul3A_1094 : i32 to index
      %get3A_1096 = arith.constant 112 : index
      %get3A_1097 = tpu.vector_load %arg8[%get3A_1095, %get3A_1096] {strides = array<i32>} : memref<80x128xf32, #tpu.memory_space<vmem>>, vector<1x16xf32>,
      %get3A_1098 = vector.shape_cast %get3A_1097 : vector<1x16xf32> to vector<16xf32>
      %add3A_1099 = arith.constant 1 : i32
      %add3A_1100 = vector.broadcast %add3A_1099 : i32 to vector<16xi32>
      %add3A_1101 = arith.addi %iota3A, %add3A_1100 : vector<16xi32>
      %jit3A_1102 = arith.constant 0 : i32
      %jit3A_1103 = arith.constant 15 : i32
      %max3A_1104 = vector.broadcast %jit3A_1102 : i32 to vector<16xi32>
      %max3A_1105 = arith.maxsi %max3A_1104, %add3A_1101 : vector<16xi32>
      %min3A_1106 = vector.broadcast %jit3A_1103 : i32 to vector<16xi32>
      %min3A_1107 = arith.minsi %min3A_1106, %max3A_1105 : vector<16xi32>
      %broadcast_in_dim3A_1108 = vector.shape_cast %min3A_1107 : vector<16xi32> to vector<16x1xi32>
      %gather3A_1109 = vector.shape_cast %broadcast_in_dim3A_1108 : vector<16x1xi32> to vector<16xi32>
      %gather3A_1110 = tpu.dynamic_gather %get3A_1098[%gather3A_1109] in [0] : vector<16xf32>, vector<16xi32> -> vector<16xf32>
      %add3A_1111 = arith.constant 113 : i32
      %add3A_1112 = vector.broadcast %add3A_1111 : i32 to vector<16xi32>
      %add3A_1113 = arith.addi %iota3A, %add3A_1112 : vector<16xi32>
      %ge3A_1114 = arith.constant 0 : i32
      %ge3A_1115 = vector.broadcast %ge3A_1114 : i32 to vector<16xi32>
      %ge3A_1116 = arith.cmpi sge, %add3A_1113, %ge3A_1115 : vector<16xi32>
      %lt3A_1117 = arith.constant 128 : i32
      %lt3A_1118 = vector.broadcast %lt3A_1117 : i32 to vector<16xi32>
      %lt3A_1119 = arith.cmpi slt, %add3A_1113, %lt3A_1118 : vector<16xi32>
      %and3A_1120 = arith.andi %ge3A_1116, %lt3A_1119 : vector<16xi1>
      %jit3A_1121 = arith.constant 0.000000e+00 : f32
      %broadcast_in_dim3A_1122 = vector.broadcast %jit3A_1121 : f32 to vector<16xf32>
      %select_n3A_1123 = arith.select %and3A_1120, %gather3A_1110, %broadcast_in_dim3A_1122 : vector<16xi1>, vector<16xf32>
      %mul3A_1124 = arith.mulf %bitcast_convert_type3A_1040, %select_n3A_1123 : vector<16xf32>
      %add3A_1125 = arith.addf %add3A_1027, %mul3A_1092 : vector<16xf32>
      %add3A_1126 = arith.addf %add3A_1028, %mul3A_1124 : vector<16xf32>
      %mul3A_1127 = arith.constant 2 : i32
      %mul3A_1128 = arith.muli %mul3A_1127, %scan3A_141 : i32
      %swap3A_1129 = arith.index_cast %mul3A_1128 : i32 to index
      %swap3A_1130 = arith.constant 96 : index
      %swap3A_1131 = tpu.vector_load %arg9[%swap3A_1129, %swap3A_1130] {strides = array<i32>} : memref<80x128xf32, #tpu.memory_space<vmem>>, vector<1x16xf32>,
      %swap3A_1132 = vector.shape_cast %swap3A_1131 : vector<1x16xf32> to vector<16xf32>
      %swap3A_1133 = vector.shape_cast %add3A_1057 : vector<16xf32> to vector<1x16xf32>
      tpu.vector_store %arg9[%swap3A_1129, %swap3A_1130], %swap3A_1133 {strides = array<i32>} : memref<80x128xf32, #tpu.memory_space<vmem>>, vector<1x16xf32>,
      %mul3A_1134 = arith.constant 2 : i32
      %mul3A_1135 = arith.muli %mul3A_1134, %scan3A_141 : i32
      %add3A_1136 = arith.constant 1 : i32
      %add3A_1137 = arith.addi %mul3A_1135, %add3A_1136 : i32
      %swap3A_1138 = arith.index_cast %add3A_1137 : i32 to index
      %swap3A_1139 = arith.constant 96 : index
      %swap3A_1140 = tpu.vector_load %arg9[%swap3A_1138, %swap3A_1139] {strides = array<i32>} : memref<80x128xf32, #tpu.memory_space<vmem>>, vector<1x16xf32>,
      %swap3A_1141 = vector.shape_cast %swap3A_1140 : vector<1x16xf32> to vector<16xf32>
      %swap3A_1142 = vector.shape_cast %add3A_1058 : vector<16xf32> to vector<1x16xf32>
      tpu.vector_store %arg9[%swap3A_1138, %swap3A_1139], %swap3A_1142 {strides = array<i32>} : memref<80x128xf32, #tpu.memory_space<vmem>>, vector<1x16xf32>,
      %mul3A_1143 = arith.constant 2 : i32
      %mul3A_1144 = arith.muli %mul3A_1143, %scan3A_141 : i32
      %swap3A_1145 = arith.index_cast %mul3A_1144 : i32 to index
      %swap3A_1146 = arith.constant 112 : index
      %swap3A_1147 = tpu.vector_load %arg9[%swap3A_1145, %swap3A_1146] {strides = array<i32>} : memref<80x128xf32, #tpu.memory_space<vmem>>, vector<1x16xf32>,
      %swap3A_1148 = vector.shape_cast %swap3A_1147 : vector<1x16xf32> to vector<16xf32>
      %swap3A_1149 = vector.shape_cast %add3A_1125 : vector<16xf32> to vector<1x16xf32>
      tpu.vector_store %arg9[%swap3A_1145, %swap3A_1146], %swap3A_1149 {strides = array<i32>} : memref<80x128xf32, #tpu.memory_space<vmem>>, vector<1x16xf32>,
      %mul3A_1150 = arith.constant 2 : i32
      %mul3A_1151 = arith.muli %mul3A_1150, %scan3A_141 : i32
      %add3A_1152 = arith.constant 1 : i32
      %add3A_1153 = arith.addi %mul3A_1151, %add3A_1152 : i32
      %swap3A_1154 = arith.index_cast %add3A_1153 : i32 to index
      %swap3A_1155 = arith.constant 112 : index
      %swap3A_1156 = tpu.vector_load %arg9[%swap3A_1154, %swap3A_1155] {strides = array<i32>} : memref<80x128xf32, #tpu.memory_space<vmem>>, vector<1x16xf32>,
      %swap3A_1157 = vector.shape_cast %swap3A_1156 : vector<1x16xf32> to vector<16xf32>
      %swap3A_1158 = vector.shape_cast %add3A_1126 : vector<16xf32> to vector<1x16xf32>
      tpu.vector_store %arg9[%swap3A_1154, %swap3A_1155], %swap3A_1158 {strides = array<i32>} : memref<80x128xf32, #tpu.memory_space<vmem>>, vector<1x16xf32>,
    }
    %scan3A_128 = arith.constant 40 : i32
    %dma_start3A_129 = arith.constant 0 : i32
    %dma_start3A_130 = arith.constant 0 : i32
    %dma_start3A_131 = tpu.memref_slice %arg12[%dma_start3A_129, %dma_start3A_130] : memref<10240x128xf32, #tpu.memory_space<vmem_shared>> -> memref<10240x128xf32, #tpu.memory_space<vmem_shared>>
    tpu.enqueue_indirect_dma source(%arg9 : memref<80x128xf32, #tpu.memory_space<vmem>>) target(%dma_start3A_131 : memref<10240x128xf32, #tpu.memory_space<vmem_shared>>) offsets(%arg10 : memref<80xi32, #tpu.memory_space<vmem>>) semaphore(%arg16 : memref<!tpu.dma_semaphore, #tpu.memory_space<semaphore_mem>>) {add = true}
    %dma_wait3A_132 = arith.constant 0 : i32
    %dma_wait3A_133 = arith.constant 0 : i32
    %dma_wait3A_134 = tpu.memref_slice %arg12[%dma_wait3A_132, %dma_wait3A_133] : memref<10240x128xf32, #tpu.memory_space<vmem_shared>> -> memref<10240x128xf32, #tpu.memory_space<vmem_shared>>
    tpu.wait_indirect_dma semaphore(%arg16 : memref<!tpu.dma_semaphore, #tpu.memory_space<semaphore_mem>>) src(%arg9 : memref<80x128xf32, #tpu.memory_space<vmem>>) dst(%dma_wait3A_134 : memref<10240x128xf32, #tpu.memory_space<vmem_shared>>)
    %barrier3A_135 = arith.constant 0 : index
    tpu.barrier barrier_id(%barrier3A_135)
    %mul3A_136 = arith.constant 2 : i32
    %mul3A_137 = arith.muli %mul3A_136, %arg1 : i32
    %add3A_138 = arith.addi %mul3A_137, %arg0 : i32
    %mul3A_139 = arith.constant 640 : i32
    %mul3A_140 = arith.muli %add3A_138, %mul3A_139 : i32
    "tpu.region"() ({
      %run_scoped3A = tpu.sem_alloc : memref<!tpu.dma_semaphore, #tpu.memory_space<semaphore_mem>>
      %dma_start3A_141 = arith.constant 0 : i32
      %dma_start3A_142 = tpu.memref_slice %arg5[%mul3A_140, %dma_start3A_141] : memref<20480x128xf32, #tpu.memory_space<hbm>> -> memref<640x128xf32, #tpu.memory_space<hbm>>
      %dma_start3A_143 = arith.constant 0 : i32
      %dma_start3A_144 = tpu.memref_slice %arg12[%mul3A_5, %dma_start3A_143] : memref<10240x128xf32, #tpu.memory_space<vmem_shared>> -> memref<640x128xf32, #tpu.memory_space<vmem_shared>>
      tpu.enqueue_dma source(%dma_start3A_144 : memref<640x128xf32, #tpu.memory_space<vmem_shared>>) target(%dma_start3A_142 : memref<640x128xf32, #tpu.memory_space<hbm>>) target_semaphore(%run_scoped3A : memref<!tpu.dma_semaphore, #tpu.memory_space<semaphore_mem>>)
      %dma_wait3A_145 = arith.constant 0 : i32
      %dma_wait3A_146 = tpu.memref_slice %arg5[%mul3A_140, %dma_wait3A_145] : memref<20480x128xf32, #tpu.memory_space<hbm>> -> memref<640x128xf32, #tpu.memory_space<hbm>>
      %dma_wait3A_147 = arith.constant 0 : i32
      %dma_wait3A_148 = tpu.memref_slice %arg12[%mul3A_5, %dma_wait3A_147] : memref<10240x128xf32, #tpu.memory_space<vmem_shared>> -> memref<640x128xf32, #tpu.memory_space<vmem_shared>>
      tpu.wait_dma2 semaphore(%run_scoped3A : memref<!tpu.dma_semaphore, #tpu.memory_space<semaphore_mem>>) src(%dma_wait3A_148 : memref<640x128xf32, #tpu.memory_space<vmem_shared>>) dst(%dma_wait3A_146 : memref<640x128xf32, #tpu.memory_space<hbm>>)
      tpu.yield
    }) : () -> ()
    return
  }
}

module attributes {stable_mosaic.version = 14 : i64} {
  func.func @_coef_body(%arg0: i32, %arg1: memref<2000x16xf32, #tpu.memory_space<vmem>>, %arg2: memref<16x512xf32, #tpu.memory_space<vmem>>, %arg3: memref<8x512xf32, #tpu.memory_space<vmem>>, %arg4: memref<2000x256xi32, #tpu.memory_space<vmem>>) attributes {dimension_semantics = [#tpu.dimension_semantics<arbitrary>], iteration_bounds = array<i64: 80>, scalar_prefetch = 0 : i64, scratch_operands = 0 : i64, tpu.core_type = #tpu.core_type<tc>, window_params = [{transform_indices = @transform_0, window_bounds = array<i64: 2000, 16>}, {pipeline_mode = #tpu.pipeline_mode<synchronous>, transform_indices = @transform_1, window_bounds = array<i64: 16, 512>}, {pipeline_mode = #tpu.pipeline_mode<synchronous>, transform_indices = @transform_2, window_bounds = array<i64: 8, 512>}, {transform_indices = @transform_3, window_bounds = array<i64: 2000, 256>}]} {
    %get3A = arith.constant 0 : index
    %get3A_0 = arith.constant 0 : index
    %get3A_1 = vector.load %arg1[%get3A, %get3A_0] : memref<2000x16xf32, #tpu.memory_space<vmem>>, vector<2000x16xf32>
    %get3A_2 = arith.constant 0 : index
    %get3A_3 = arith.constant 0 : index
    %get3A_4 = vector.load %arg2[%get3A_2, %get3A_3] : memref<16x512xf32, #tpu.memory_space<vmem>>, vector<16x512xf32>
    %dot_general3A = arith.constant dense<0.000000e+00> : vector<2000x512xf32>
    %dot_general3A_5 = tpu.matmul %get3A_1, %get3A_4, %dot_general3A {dimension_numbers = #tpu.dot_dimension_numbers<[1], [0], [0], [1], [0, 0, 1, 1], [], []>, transpose_lhs_hint = false} : vector<2000x16xf32>, vector<16x512xf32>, vector<2000x512xf32> -> vector<2000x512xf32>
    %get3A_6 = arith.constant 0 : index
    %get3A_7 = arith.constant 0 : index
    %get3A_8 = vector.load %arg3[%get3A_6, %get3A_7] : memref<8x512xf32, #tpu.memory_space<vmem>>, vector<1x512xf32>
    %add3A = vector.broadcast %get3A_8 : vector<1x512xf32> to vector<2000x512xf32>
    %add3A_9 = arith.addf %dot_general3A_5, %add3A : vector<2000x512xf32>
    %mul3A = arith.constant 5.000000e-01 : f32
    %mul3A_10 = vector.broadcast %mul3A : f32 to vector<2000x512xf32>
    %mul3A_11 = arith.mulf %add3A_9, %mul3A_10 : vector<2000x512xf32>
    %slice3A = vector.extract_strided_slice %get3A_1 {offsets = [0, 0], sizes = [2000, 1], strides = [1, 1]} : vector<2000x16xf32> to vector<2000x1xf32>
    %eq3A = arith.constant -9.990000e+02 : f32
    %eq3A_12 = vector.broadcast %eq3A : f32 to vector<2000x1xf32>
    %eq3A_13 = arith.cmpf oeq, %slice3A, %eq3A_12 : vector<2000x1xf32>
    %jit3A = arith.constant 0.000000e+00 : f32
    %broadcast_in_dim3A = vector.shape_cast %eq3A_13 : vector<2000x1xi1> to vector<2000x1xi1>
    %broadcast_in_dim3A_14 = vector.broadcast %broadcast_in_dim3A : vector<2000x1xi1> to vector<2000x512xi1>
    %broadcast_in_dim3A_15 = vector.broadcast %jit3A : f32 to vector<2000x512xf32>
    %select_n3A = arith.select %broadcast_in_dim3A_14, %broadcast_in_dim3A_15, %mul3A_11 : vector<2000x512xi1>, vector<2000x512xf32>
    %bitcast_convert_type3A = tpu.bitcast %select_n3A : vector<2000x512xf32> -> vector<2000x512xi32>
    %add3A_16 = arith.constant 32768 : i32
    %add3A_17 = vector.broadcast %add3A_16 : i32 to vector<2000x512xi32>
    %add3A_18 = arith.addi %bitcast_convert_type3A, %add3A_17 : vector<2000x512xi32>
    %slice3A_19 = vector.extract_strided_slice %add3A_18 {offsets = [0, 0], sizes = [2000, 256], strides = [1, 1]} : vector<2000x512xi32> to vector<2000x256xi32>
    %shift_right_logical3A = arith.constant 16 : i32
    %shift_right_logical3A_20 = vector.broadcast %shift_right_logical3A : i32 to vector<2000x256xi32>
    %shift_right_logical3A_21 = arith.shrui %slice3A_19, %shift_right_logical3A_20 : vector<2000x256xi32>
    %slice3A_22 = vector.extract_strided_slice %add3A_18 {offsets = [0, 256], sizes = [2000, 256], strides = [1, 1]} : vector<2000x512xi32> to vector<2000x256xi32>
    %and3A = arith.constant -65536 : i32
    %and3A_23 = vector.broadcast %and3A : i32 to vector<2000x256xi32>
    %and3A_24 = arith.andi %slice3A_22, %and3A_23 : vector<2000x256xi32>
    %or3A = arith.ori %shift_right_logical3A_21, %and3A_24 : vector<2000x256xi32>
    %bitcast_convert_type3A_25 = tpu.bitcast %or3A : vector<2000x256xi32> -> vector<2000x256xi32>
    %swap3A = arith.constant 0 : index
    %swap3A_26 = arith.constant 0 : index
    %swap3A_27 = vector.load %arg4[%swap3A, %swap3A_26] : memref<2000x256xi32, #tpu.memory_space<vmem>>, vector<2000x256xi32>
    tpu.vector_store %arg4[%swap3A, %swap3A_26], %bitcast_convert_type3A_25 {strides = array<i32>} : memref<2000x256xi32, #tpu.memory_space<vmem>>, vector<2000x256xi32>,
    return
  }
  func.func @transform_0(%arg0: i32) -> (i32, i32) {
    %c0_i32 = arith.constant 0 : i32
    %c0_i32_0 = arith.constant 0 : i32
    return %arg0, %c0_i32 : i32, i32
  }
  func.func @transform_1(%arg0: i32) -> (i32, i32) {
    %c0_i32 = arith.constant 0 : i32
    %c0_i32_0 = arith.constant 0 : i32
    %c0_i32_1 = arith.constant 0 : i32
    return %c0_i32, %c0_i32_0 : i32, i32
  }
  func.func @transform_2(%arg0: i32) -> (i32, i32) {
    %c0_i32 = arith.constant 0 : i32
    %c0_i32_0 = arith.constant 0 : i32
    %c0_i32_1 = arith.constant 0 : i32
    return %c0_i32, %c0_i32_0 : i32, i32
  }
  func.func @transform_3(%arg0: i32) -> (i32, i32) {
    %c0_i32 = arith.constant 0 : i32
    %c0_i32_0 = arith.constant 0 : i32
    return %arg0, %c0_i32 : i32, i32
  }
}

module attributes {stable_mosaic.version = 14 : i64} {
  func.func @_add_body(%arg0: i32, %arg1: memref<640x128xf32, #tpu.memory_space<vmem>>, %arg2: memref<640x128xf32, #tpu.memory_space<vmem>>, %arg3: memref<640x128xf32, #tpu.memory_space<vmem>>) attributes {dimension_semantics = [#tpu.dimension_semantics<arbitrary>], iteration_bounds = array<i64: 16>, scalar_prefetch = 0 : i64, scratch_operands = 0 : i64, tpu.core_type = #tpu.core_type<tc>, window_params = [{transform_indices = @transform_0, window_bounds = array<i64: 640, 128>}, {transform_indices = @transform_1, window_bounds = array<i64: 640, 128>}, {transform_indices = @transform_2, window_bounds = array<i64: 640, 128>}]} {
    %get3A = arith.constant 0 : index
    %get3A_0 = arith.constant 0 : index
    %get3A_1 = vector.load %arg1[%get3A, %get3A_0] : memref<640x128xf32, #tpu.memory_space<vmem>>, vector<640x128xf32>
    %get3A_2 = arith.constant 0 : index
    %get3A_3 = arith.constant 0 : index
    %get3A_4 = vector.load %arg2[%get3A_2, %get3A_3] : memref<640x128xf32, #tpu.memory_space<vmem>>, vector<640x128xf32>
    %add3A = arith.addf %get3A_1, %get3A_4 : vector<640x128xf32>
    %swap3A = arith.constant 0 : index
    %swap3A_5 = arith.constant 0 : index
    %swap3A_6 = vector.load %arg3[%swap3A, %swap3A_5] : memref<640x128xf32, #tpu.memory_space<vmem>>, vector<640x128xf32>
    tpu.vector_store %arg3[%swap3A, %swap3A_5], %add3A {strides = array<i32>} : memref<640x128xf32, #tpu.memory_space<vmem>>, vector<640x128xf32>,
    return
  }
  func.func @transform_0(%arg0: i32) -> (i32, i32) {
    %mul3A = arith.constant 2 : i32
    %mul3A_0 = arith.muli %mul3A, %arg0 : i32
    %c0_i32 = arith.constant 0 : i32
    %c0_i32_1 = arith.constant 0 : i32
    return %mul3A_0, %c0_i32 : i32, i32
  }
  func.func @transform_1(%arg0: i32) -> (i32, i32) {
    %mul3A = arith.constant 2 : i32
    %mul3A_0 = arith.muli %mul3A, %arg0 : i32
    %add3A = arith.constant 1 : i32
    %add3A_1 = arith.addi %mul3A_0, %add3A : i32
    %c0_i32 = arith.constant 0 : i32
    %c0_i32_2 = arith.constant 0 : i32
    return %add3A_1, %c0_i32 : i32, i32
  }
  func.func @transform_2(%arg0: i32) -> (i32, i32) {
    %c0_i32 = arith.constant 0 : i32
    %c0_i32_0 = arith.constant 0 : i32
    return %arg0, %c0_i32 : i32, i32
  }
}

</mosaic_0001>

<sc_bundles>
// kernel: kernel.5.cloned.1.call-start
scs
__scs_entry_jumppad:
0x0: {  	(pc) =	sbr.rel $0x88, $3  }
0x1: {  	(tag) =	ssettag $0x0;
	lr =	simm.s32 $0x1  }
0x2: {  	[smem:$0x3F9C] =	sst lr;
	_ =	strace $0xD0000000  }
0x3: {  	_ = 	snop  }
0x4: {  	_ = 	snop  }
0x5: {  	_ = 	snop  }
0x6: {  	_ = 	snop  }
0x7: {  	_ = 	snop  }
__scs_overlays_trampoline_lowered:
0x8: {  	[smem:$0x3FAB] =	sst s0  }
0x9: {  	[smem:$0x3FAC] =	sst s1  }
0xa: {  	[smem:$0x3FAD] =	sst s2  }
0xb: {  	[smem:$0x3FAE] =	sst s3  }
0xc: {  	[smem:$0x3FAF] =	sst s4  }
0xd: {  	[smem:$0x3FB0] =	sst s5  }
0xe: {  	[smem:$0x3FB1] =	sst s6  }
0xf: {  	[smem:$0x3FB2] =	sst s7  }
0x10: {  	[smem:$0x3FB3] =	sst s8  }
0x11: {  	[smem:$0x3FB4] =	sst s9;
	s0 =	simm.s32 @!p0 $0x0  }
0x12: {  	s1 =	sld [smem:$0x3F9A];
	s0 =	simm.s32 @p0 $0x1  }
0x13: {  	[smem:$0x3FB5] =	sst s0;
	s0 =	simm.s32 @!p1 $0x0  }
0x14: {  	s2 =	sld [smem:$0x3F99];
	s0 =	simm.s32 @p1 $0x1  }
0x15: {  	[smem:$0x3FB6] =	sst s0;
	s0 =	simm.s32 @!p2 $0x0  }
0x16: {  	s3 =	sld [smem:$0x3FDB];
	s0 =	simm.s32 @p2 $0x1  }
0x17: {  	s4 =	simm.s32 $0x1BF5;
	[smem:$0x3FB8] =	sst s0  }
0x18: {  	s0 =	sld [smem:$0x3F9B];
	_ =	swait.ge [sflag:s4], $0x0  }
0x19: {  	s7 =	sld [smem:$0x3F9C]  }
0x1a: {  	s8 =	sadd.s32 $0xFFFFE003, lr  }
0x1b: {  	s9 =	sadd.s32 $0xFFFFFEF7, lr;
	s5 =	simm.s32 $0xFFFFFFFF;
	p2 =	slt.u32 s8, $0xFFFFF086  }
0x1c: {  	p1 =	slt.u32 s9, $0xF7A;
	s5 =	simm.s32 @!p2 $0x0  }
0x1d: {  	s5 =	simm.s32 @p1 $0x1;
	p0 =	seq.s32 s7, s2  }
0x1e: {  	s7 =	smul.u32 @!p0 $0xF7A, s2;
	p2 =	seq.s32 @!p0 s5, $0x0  }
0x1f: {  	s9 =	smul.u32 $0xF7A, s1;
	s8 =	simm.s32 @!p0 $0x1BF5;
	p2 =	por !p2, p0  }
0x20: {  	[sflag:s8] =	ssyncset.s32 @!p0 $0xFFFFF086;
	s6 =	sadd.s32 @!p0 s3, s7;
	s7 =	simm.s32 @!p0 $0x108  }
0x21: {  	s3 =	sadd.s32 s3, s9;
	s6 =	sadd.s32 @!p0 $0x88, s6;
	s7 =	simm.s32 @p2 $0x1082  }
0x22: {  	[simem:s7], [sflag:s8] =	dma.local @!p0 [hbm:s6], $0xF7A  }
0x23: {  	s9 =	sor.u32 $0xD0000000, s2;
	s6 =	simm.s32 $0x108;
	_ =	swait.ge @!p0 [sflag:s8], $0x0  }
0x24: {  	s3 =	sadd.s32 $0x88, s3;
	s6 =	simm.s32 @!p1 $0x1082;
	[sflag:s4] =	ssyncset.s32 $0xFFFFF086  }
0x25: {  	[simem:s6], [sflag:s4] =	dma.local [hbm:s3], $0xF7A  }
0x26: {  	[smem:$0x3F9C] =	sst s1;
	(tag) =	ssettag s2;
	_ =	strace s9  }
0x27: {  	s1 =	sld [smem:$0x3FAC]  }
0x28: {  	s2 =	sld [smem:$0x3FAD]  }
0x29: {  	s4 =	sld [smem:$0x3FAF]  }
0x2a: {  	p0 =	seq.s32 s5, $0x0;
	s5 =	sld [smem:$0x3FB0]  }
0x2b: {  	s6 =	sld [smem:$0x3FB1]  }
0x2c: {  	s7 =	sld [smem:$0x3FB2]  }
0x2d: {  	s3 =	simm.s32 $0x108;
	s8 =	sld [smem:$0x3FB3]  }
0x2e: {  	s3 =	simm.s32 @!p0 $0x1082;
	s9 =	sld [smem:$0x3FB4]  }
0x2f: {  	lr =	sadd.s32 s0, s3;
	s0 =	sld [smem:$0x3FAB]  }
0x30: {  	s3 =	sld [smem:$0x3FAE]  }
0x31: {  	[smem:$0x3FB7] =	sst s10  }
0x32: {  	s10 =	sld [smem:$0x3FB5];
	_ =	sdelay $0x3  }
0x33: {  	p0 =	seq.s32 s10, $0x1;
	s10 =	sld [smem:$0x3FB7];
	_ =	sdelay $0x3  }
0x34: {  	[smem:$0x3FB7] =	sst s10  }
0x35: {  	s10 =	sld [smem:$0x3FB6];
	_ =	sdelay $0x3  }
0x36: {  	p1 =	seq.s32 s10, $0x1;
	s10 =	sld [smem:$0x3FB7];
	_ =	sdelay $0x3  }
0x37: {  	[smem:$0x3FB7] =	sst s10  }
0x38: {  	s10 =	sld [smem:$0x3FB8]  }
0x39: {  	_ = 	snop;
	(pc) =	sbr.ind lr, $3  }
0x3a: {  	_ = 	snop  }
0x3b: {  	_ = 	snop  }
0x3c: {  	p2 =	seq.s32 s10, $0x1;
	s10 =	sld [smem:$0x3FB7]  }
0x3d: {  	_ =	shalt  }
0x3e: {  	_ =	shalt  }
0x3f: {  	_ =	shalt  }
0x40: {  	_ =	shalt  }
0x41: {  	_ =	shalt  }
0x42: {  	_ =	shalt  }
0x43: {  	_ =	shalt  }
0x44: {  	_ =	shalt  }
0x45: {  	_ =	shalt  }
0x46: {  	_ =	shalt  }
0x47: {  	_ =	shalt  }
0x48: {  	_ =	shalt  }
0x49: {  	_ =	shalt  }
0x4a: {  	_ =	shalt  }
0x4b: {  	_ =	shalt  }
0x4c: {  	_ =	shalt  }
0x4d: {  	_ =	shalt  }
0x4e: {  	_ =	shalt  }
0x4f: {  	_ =	shalt  }
0x50: {  	_ =	shalt  }
0x51: {  	_ =	shalt  }
0x52: {  	_ =	shalt  }
0x53: {  	_ =	shalt  }
0x54: {  	_ =	shalt  }
0x55: {  	_ =	shalt  }
0x56: {  	_ =	shalt  }
0x57: {  	_ =	shalt  }
0x58: {  	_ =	shalt  }
0x59: {  	_ =	shalt  }
0x5a: {  	_ =	shalt  }
0x5b: {  	_ =	shalt  }
0x5c: {  	_ =	shalt  }
0x5d: {  	_ =	shalt  }
0x5e: {  	_ =	shalt  }
0x5f: {  	_ =	shalt  }
0x60: {  	_ =	shalt  }
0x61: {  	_ =	shalt  }
0x62: {  	_ =	shalt  }
0x63: {  	_ =	shalt  }
0x64: {  	_ =	shalt  }
0x65: {  	_ =	shalt  }
0x66: {  	_ =	shalt  }
0x67: {  	_ =	shalt  }
0x68: {  	_ =	shalt  }
0x69: {  	_ =	shalt  }
0x6a: {  	_ =	shalt  }
0x6b: {  	_ =	shalt  }
0x6c: {  	_ =	shalt  }
0x6d: {  	_ =	shalt  }
0x6e: {  	_ =	shalt  }
0x6f: {  	_ =	shalt  }
0x70: {  	_ =	shalt  }
0x71: {  	_ =	shalt  }
0x72: {  	_ =	shalt  }
0x73: {  	_ =	shalt  }
0x74: {  	_ =	shalt  }
0x75: {  	_ =	shalt  }
0x76: {  	_ =	shalt  }
0x77: {  	_ =	shalt  }
0x78: {  	_ =	shalt  }
0x79: {  	_ =	shalt  }
0x7a: {  	_ =	shalt  }
0x7b: {  	_ =	shalt  }
0x7c: {  	_ =	shalt  }
0x7d: {  	_ =	shalt  }
0x7e: {  	_ =	shalt  }
0x7f: {  	_ =	shalt  }
0x80: {  	_ =	shalt  }
0x81: {  	_ =	shalt  }
0x82: {  	_ =	shalt  }
0x83: {  	_ =	shalt  }
0x84: {  	_ =	shalt  }
0x85: {  	_ =	shalt  }
0x86: {  	_ =	shalt  }
0x87: {  	_ =	shalt  }
.Lfunc_end0:
.L_simem_size_0:
called_computation_lowered:
.L_overlay_start_0:
0x88: {  	s2 =	sld [smem:$0x3FD9]  }
0x89: {  	s3 =	sld [smem:$0x3FFE];
	_ =	sdelay $0x1  }
0x8a: {  	s1 =	srdreg.scid  }
0x8b: {  	s0 =	sand.u32 $0x1, s1  }
0x8c: {  	s17 =	sshll.u32 s0, $0xA;
	s2 =	sadd.s32 s3, s2  }
0x8d: {  	s2 =	sadd.s32 s2, s17  }
0x8e: {  	[smem:$0x3FC3] =	sst s2  }
0x8f: {  	_ = 	snop  }
0x90: {  	s2 =	sld [smem:$0x3FC9]  }
0x91: {  	s18 =	sld [smem:$0x3FD0];
	(tm) =	ssettm $0x1  }
0x92: {  	s4 =	sld [smem:$0x3FFB];
	_ =	sdelay $0x3  }
0x93: {  	_ =	strace s4  }
0x94: {  	s4 =	sld [smem:$0x3FFC];
	_ =	sdelay $0x3  }
0x95: {  	_ =	strace s4  }
0x96: {  	s4 =	sld [smem:$0x3FFD];
	_ =	sdelay $0x3  }
0x97: {  	_ =	strace s4  }
0x98: {  	_ =	strace $0x8FFFFFFF  }
0x99: {  	s19 =	sld [smem:$0x3FDB];
	_ =	sdelay $0x1  }
0x9a: {  	s5 =	simm.s32 $_scs_section_size  }
0x9b: {  	s6 =	simm.s32 $_size__tile_overlayer_lowered;
	s7 =	simm.s32 $_tile_overlayer_lowered  }
0x9c: {  	s22 =	simm.s32 $0x1BFF;
	s21 =	sshll.u32 s7, $0x1;
	s4 =	sadd.s32 s5, s19  }
0x9d: {  	s8 =	simm.s32 $0x0;
	s20 =	sshll.u32 s6, $0x1;
	s6 =	sadd.s32 s21, s4  }
0x9e: {  	[timem:s8], [sflag:s22] =	dma.local [hbm:s6], s20  }
0x9f: {  	_ =	swait.ge [sflag:s22], s20  }
0xa0: {  	s5 =	ssub.s32 $0x0, s20;
	[sflag:s22] =	ssyncset.done $0x0  }
0xa1: {  	[sflag:s22] =	ssyncadd.s32 s5;
	_ =	sdelay $0x1  }
0xa2: {  	s23 =	simm.s32 $0x1B8B  }
0xa3: {  	_ =	swait.ge [sflag:s23], $0x1  }
0xa4: {  	[sflag:s23] =	ssyncset.done $0x0  }
0xa5: {  	s25 =	simm.s32 $0x1B8E;
	s24 =	sld [smem:$0x3FFE];
	[sflag:s23] =	ssyncadd.s32 $0xFFFFFFFF  }
0xa6: {  	s26 =	simm.s32 $execute0_lowered;
	[smem:$0x3FD2] =	sst s25  }
0xa7: {  	s6 =	sshll.u32 s26, $0x1;
	_ =	strace $0x80000046;
	[dreg:$0x1] =	wrdreg $0xFFFFFFFF  }
0xa8: {  	s28 =	simm.s32 $_size_execute0_lowered;
	s4 =	sadd.s32 s4, s6;
	[dreg:$0x0] =	wrdreg $0x0  }
0xa9: {  	s6 =	sshll.u32 s28, $0x1;
	[dreg:$0x2] =	wrdreg s4  }
0xaa: {  	[dreg:$0x3] =	wrdreg s6  }
0xab: {  	[dreg:$0x4] =	wrdreg $0xC0  }
0xac: {  	_ =	task [dreg:s8], $0x5FFFF  }
0xad: {  	[dreg:$0x1] =	wrdreg $0xFFFFFFFF  }
0xae: {  	[dreg:$0x0] =	wrdreg $0x60  }
0xaf: {  	[dreg:$0x2] =	wrdreg s24  }
0xb0: {  	[dreg:$0x3] =	wrdreg s2  }
0xb1: {  	[dreg:$0x4] =	wrdreg s18  }
0xb2: {  	[dreg:$0x5] =	wrdreg $0xA1000  }
0xb3: {  	[dreg:$0x6] =	wrdreg $0x9  }
0xb4: {  	_ =	task.clear_ibuf [dreg:s8], $0x7FFFF;
	_ =	strace $0x90000046  }
0xb5: {  	s29 =	simm.s32 $0x9;
	_ =	strace $0x80000048  }
0xb6: {  	_ =	swait.ge [sflag:s29], $0x1  }
0xb7: {  	[sflag:s29] =	ssyncadd.s32 $0xFFFFFFFF  }
0xb8: {  	_ =	strace $0x90000048  }
0xb9: {  	_ =	sfence  }
0xba: {  	s30 =	sld [smem:$0x0];
	_ =	sdelay $0x2  }
0xbb: {  	s31 =	sshll.u32 s1, $0xD;
	s1 =	sshrl.u32 s1, $0x2  }
0xbc: {  	s3 =	sand.u32 $0x4000, s31;
	s1 =	sadd.s32 s1, s30  }
0xbd: {  	s0 =	sor.u32 s3, s0;
	s1 =	sshll.u32 s1, $0x11  }
0xbe: {  	s0 =	sor.u32 s1, s0  }
0xbf: {  	s0 =	sadd.s32 $0x8F2B, s0  }
0xc0: {  	[sflag:s0] =	ssyncadd.remote.s32 $0x1  }
0xc1: {  	_ =	sfence.sel $0xFFFF  }
0xc2: {  	[dreg:$0x0] =	wrdreg $0xFFFFFFFF;
	(pc) =	sbr.abs _section_cstart, $3  }
0xc3: {  	[dreg:$0x1] =	wrdreg $0xFFFFFFFF  }
0xc4: {  	_ =	task.clear_ibuf [dreg:s8], $0x2FFFF;
	_ =	strace $0x9FFFFFFF  }
0xc5: {  	(tm) =	ssettm $0x7FFFFFFF  }
tec
execute0_lowered:
.L_overlay_start_1:
0x0: {  	(tag) =	ssettag $0x1  }
0x1: {  	s0 =	rddreg [dreg:$0x0]  }
0x2: {  	s1 =	rddreg [dreg:$0x1]  }
0x3: {  	s2 =	srdreg.scid;
	s3 =	rddreg [dreg:$0x2]  }
0x4: {  	s9 =	stileid.u32;
	s4 =	rddreg [dreg:$0x3];
	s28 =	simm.s32 $0xA080  }
0x5: {  	s29 =	simm.s32 $0x2800;
	s30 =	simm.s32 $0x2;
	s31 =	simm.s32 $0x4  }
0x6: {  	s2 =	sand.u32 $0x1, s2;
	s5 =	sshll.u32 s9, $0x1;
	s8 =	smul.u32 $0x50000, s9  }
0x7: {  	s6 =	sor.u32 s2, s5;
	s5 =	simm.s32 $0x0;
	s17 =	ssub.s32 $0x2, s2  }
0x8: {  	s2 =	sshll.u32 s2, $0x4;
	s7 =	smul.u32 $0x2800, s6;
	[smem:$0x7FF] =	sst s5  }
0x9: {  	s6 =	sadd.s32 $0x271A00, s0;
	s16 =	sshrl.u32 s8, $0x2;
	s2 =	sor.u32 s9, s2  }
0xa: {  	s19 =	sshrl.u32 s17, $0x1;
	s0 =	sadd.s32 s7, s0;
	s7 =	sadd.s32 s16, s4  }
0xb: {  	_ =	strace $0x80000047;
	s21 =	smul.u32 $0x4E2, s2;
	s10 =	sadd.s32 $0x2800, s7  }
0xc: {  	v1 =	vimm.s32 $0xFFEDCBA9;
	s23 =	smul.u32 $0x27100, s2;
	s18 =	sadd.s32 $0x5000, s7;
	[dreg:$0x5] =	wrdreg s10  }
0xd: {  	v0 =	vimm.s32 $0x54321000;
	v2 =	vimm.s32 $0x87654321;
	v3 =	vimm.s32 $0xDCBA9876;
	s8 =	ssub.s32 s17, s19;
	s20 =	sadd.s32 $0x7800, s7;
	[dreg:$0x6] =	wrdreg s18  }
0xe: {  	v4 =	vimm.s32 $0x65432100;
	v5 =	vimm.s32 $0xEDCBA987;
	s2 =	smul.u32 $0x1388, s2;
	s11 =	sadd.s32 $0xA000, s7;
	[dreg:$0x7] =	wrdreg s20  }
0xf: {  	v1 =	vunpack.c.l.s4.s8 v1;
	v2 =	vunpack.c.l.s4.s8 v2;
	v3 =	vunpack.c.l.s4.s8 v3;
	s22 =	sadd.s32 $0xC800, s7;
	s24 =	sadd.s32 $0xF000, s7;
	[dreg:$0x8] =	wrdreg s11  }
0x10: {  	v0 =	vunpack.c.l.s4.s8 v0;
	v5 =	vunpack.c.l.s4.s8 v5;
	v4 =	vunpack.c.l.s4.s8 v4;
	s25 =	sadd.s32 $0x11800, s7;
	s26 =	sadd.s32 s3, s21;
	[dreg:$0x9] =	wrdreg s22  }
0x11: {  	v1 =	vunpack.c.0.s8.s32 v1;
	v2 =	vunpack.c.0.s8.s32 v2;
	v3 =	vunpack.c.0.s8.s32 v3;
	s16 =	sadd.s32 s6, s23;
	s17 =	sadd.s32 $0x28, s2;
	[dreg:$0xa] =	wrdreg s24  }
0x12: {  	vm0 =	vmmov $0x3;
	v6 =	vunpack.c.0.s8.s32 v0;
	v5 =	vunpack.c.0.s8.s32 v5;
	s19 =	sadd.s32 $0xA00, s0;
	s21 =	simm.s32 $0x7800;
	[dreg:$0xb] =	wrdreg s25  }
0x13: {  	v7 =	vcombine.low v2, v1;
	v1 =	vand.u32 $0xF, v3;
	v2 =	vunpack.c.0.s8.s32 v4;
	s23 =	simm.s32 $0xA000;
	[dreg:$0xc] =	wrdreg s26;
	s18 =	sadd.s32 $0x50, s2  }
0x14: {  	v0 =	vimm.f32 $0.0e+00;
	v3 =	vand.u32 $0xF, v5;
	v1 =	vcombine.low v6, v1;
	s20 =	smax.u32 s8, $0x1;
	s22 =	simm.s32 $0x3;
	s24 =	simm.s32 $0x1  }
0x15: {  	s25 =	simm.s32 $0x50;
	s26 =	simm.s32 $0x5000;
	v2 =	vcombine.low v2, v3;
	v3 =	vlaneseq.u32;
	v4 =	vand.u32 $0xF, v7;
	s2 =	simm.s32 $0x5  }
.LBB2_1:
0x16: {  	s0 =	simm.s32 $0x0;
	s8 =	simm.s32 $0x200  }
.LBB2_2:
0x17: {  	p0 =	sne.s32 s8, $0x9E00;
	[tilespmem:s0+$0x7870] =	vst v0  }
0x18: {  	[tilespmem:s0+$0x7800] =	vst v0  }
0x19: {  	[tilespmem:s0+$0x7810] =	vst v0  }
.Ltmp0:
0x1a: {  	[tilespmem:s0+$0x7820] =	vst v0;
	(pc) =	sbr.rel @p0 .LBB2_2-.Ltmp0, $4  }
0x1b: {  	[tilespmem:s0+$0x7830] =	vst v0  }
0x1c: {  	[tilespmem:s0+$0x7840] =	vst v0  }
0x1d: {  	[tilespmem:s0+$0x7850] =	vst v0  }
0x1e: {  	[tilespmem:s0+$0x7860] =	vst v0;
	s0 =	sshra.s32 s8, $0x2;
	s8 =	sadd.s32 $0x200, s8  }
0x1f: {  	[tilespmem:s0+$0x7870] =	vst v0  }
0x20: {  	[tilespmem:s0+$0x7800] =	vst v0  }
0x21: {  	[tilespmem:s0+$0x7810] =	vst v0  }
0x22: {  	[tilespmem:s0+$0x7820] =	vst v0  }
0x23: {  	[tilespmem:s0+$0x7830] =	vst v0  }
0x24: {  	[tilespmem:s0+$0x7840] =	vst v0  }
0x25: {  	[tilespmem:s0+$0x7850] =	vst v0  }
0x26: {  	[tilespmem:s0+$0x7860] =	vst v0  }
0x27: {  	[spmem:s7] =	stream.linear.scatter [tilespmem:s21], [sflag:$0x3], $0x2800, $0x38;
	[tilespmem:$0x1E100] =	vst v63  }
0x28: {  	s9 =	rddreg [dreg:$0x5]  }
0x29: {  	[spmem:s9] =	stream.linear.scatter [tilespmem:s21], [sflag:$0x3], $0x2800, $0x38;
	[tilespmem:$0x1E100] =	vst v63  }
0x2a: {  	s10 =	rddreg [dreg:$0x6]  }
0x2b: {  	[spmem:s10] =	stream.linear.scatter [tilespmem:s21], [sflag:$0x3], $0x2800, $0x38;
	[tilespmem:$0x1E100] =	vst v63  }
0x2c: {  	s11 =	rddreg [dreg:$0x7]  }
0x2d: {  	[spmem:s11] =	stream.linear.scatter [tilespmem:s21], [sflag:$0x3], $0x2800, $0x38;
	[tilespmem:$0x1E100] =	vst v63  }
0x2e: {  	s12 =	rddreg [dreg:$0x8]  }
0x2f: {  	[spmem:s12] =	stream.linear.scatter [tilespmem:s21], [sflag:$0x3], $0x2800, $0x38;
	[tilespmem:$0x1E100] =	vst v63  }
0x30: {  	s13 =	rddreg [dreg:$0x9]  }
0x31: {  	[spmem:s13] =	stream.linear.scatter [tilespmem:s21], [sflag:$0x3], $0x2800, $0x38;
	[tilespmem:$0x1E100] =	vst v63  }
0x32: {  	s14 =	rddreg [dreg:$0xa]  }
0x33: {  	[spmem:s14] =	stream.linear.scatter [tilespmem:s21], [sflag:$0x3], $0x2800, $0x38;
	[tilespmem:$0x1E100] =	vst v63  }
0x34: {  	s15 =	rddreg [dreg:$0xb]  }
0x35: {  	[spmem:s15] =	stream.linear.scatter [tilespmem:s21], [sflag:$0x3], $0x2800, $0x38;
	[tilespmem:$0x1E100] =	vst v63  }
0x36: {  	_ =	swait.ge [sflag:s22], $0x2800  }
0x37: {  	[sflag:s22] =	ssyncset.done $0x0  }
0x38: {  	[sflag:s22] =	ssyncadd.s32 $0xFFFFD800  }
0x39: {  	_ =	swait.ge [sflag:s22], $0x2800  }
0x3a: {  	[sflag:s22] =	ssyncset.done $0x0  }
0x3b: {  	[sflag:s22] =	ssyncadd.s32 $0xFFFFD800  }
0x3c: {  	_ =	swait.ge [sflag:s22], $0x2800  }
0x3d: {  	[sflag:s22] =	ssyncset.done $0x0  }
0x3e: {  	[sflag:s22] =	ssyncadd.s32 $0xFFFFD800  }
0x3f: {  	_ =	swait.ge [sflag:s22], $0x2800  }
0x40: {  	[sflag:s22] =	ssyncset.done $0x0  }
0x41: {  	[sflag:s22] =	ssyncadd.s32 $0xFFFFD800  }
0x42: {  	_ =	swait.ge [sflag:s22], $0x2800  }
0x43: {  	[sflag:s22] =	ssyncset.done $0x0  }
0x44: {  	[sflag:s22] =	ssyncadd.s32 $0xFFFFD800  }
0x45: {  	_ =	swait.ge [sflag:s22], $0x2800  }
0x46: {  	[sflag:s22] =	ssyncset.done $0x0  }
0x47: {  	[sflag:s22] =	ssyncadd.s32 $0xFFFFD800  }
0x48: {  	_ =	swait.ge [sflag:s22], $0x2800  }
0x49: {  	[sflag:s22] =	ssyncset.done $0x0  }
0x4a: {  	[sflag:s22] =	ssyncadd.s32 $0xFFFFD800  }
0x4b: {  	_ =	swait.ge [sflag:s22], $0x2800  }
0x4c: {  	[sflag:s22] =	ssyncset.done $0x0  }
0x4d: {  	[sflag:s22] =	ssyncadd.s32 $0xFFFFD800  }
0x4e: {  	[bflag:$0x0] =	sbarrier.arrive $0xFFFF  }
0x4f: {  	s0 =	simm.s32 $0x0;
	s8 =	rddreg [dreg:$0xc]  }
0x50: {  	[tilespmem:s23], [sflag:$0x1] =	stream.linear.gather [hbm4b:s8+s0], $0x50, $0x38;
	[tilespmem:$0x1E100] =	vst v63  }
0x51: {  	s8 =	simm.s32 $0x0  }
0x52: {  	[tilespmem:s0], [sflag:$0x1] =	stream.linear.gather [hbm4b:s16+s0], $0x2800, $0x38;
	[tilespmem:$0x1E100] =	vst v63  }
.LBB2_4:
0x53: {  	_ =	swait.ge [sflag:s24], $0x50  }
0x54: {  	[sflag:s24] =	ssyncset.done $0x0  }
0x55: {  	[sflag:s24] =	ssyncadd.s32 $0xFFFFFFB0  }
0x56: {  	_ =	swait.ge [sflag:s24], $0x2800  }
0x57: {  	p0 =	seq.s32 s8, $0x0;
	[sflag:s24] =	ssyncset.done $0x0  }
0x58: {  	s9 =	smul.u32 $0x50, s8;
	s10 =	simm.s32 @!p0 $0x4;
	[sflag:s24] =	ssyncadd.s32 $0xFFFFD800  }
0x59: {  	[tilespmem:s26], [sflag:$0x3] =	stream.indirect.gather [hbm4b:s1+s25], $0x80, s23, s25, $0xb8;
	[tilespmem:$0x1E100] =	vst v63  }
0x5a: {  	s11 =	sadd.s32 s9, s17;
	_ =	swait.ge @!p0 [sflag:s10], $0x2800  }
0x5b: {  	s12 =	sshrl.u32 s11, $0x2;
	[sflag:s10] =	ssyncset.done @!p0 $0x0  }
0x5c: {  	s15 =	sshll.u32 s11, $0x5;
	s14 =	sadd.s32 s3, s12;
	[sflag:s10] =	ssyncadd.s32 @!p0 $0xFFFFD800  }
0x5d: {  	[tilespmem:s28], [sflag:$0x2] =	stream.linear.gather [hbm4b:s14+s0], $0x50, $0x38;
	[tilespmem:$0x1E100] =	vst v63  }
0x5e: {  	s10 =	sadd.s32 s6, s15  }
0x5f: {  	[tilespmem:s29], [sflag:$0x2] =	stream.linear.gather [hbm4b:s10+s0], $0x2800, $0x38;
	[tilespmem:$0x1E100] =	vst v63  }
0x60: {  	_ =	swait.ge [sflag:s22], $0x2800  }
0x61: {  	s13 =	simm.s32 $0x0;
	s11 =	simm.s32 $0x5080;
	[sflag:s22] =	ssyncset.done $0x0  }
0x62: {  	s12 =	simm.s32 $0x0;
	s10 =	simm.s32 $0x7880;
	[sflag:s22] =	ssyncadd.s32 $0xFFFFD800  }
.LBB2_5:
0x63: {  	v5 =	vld [tilespmem:s11+$0x0]  }
0x64: {  	s14 =	sand.u32 $0x3800, s13;
	s15 =	sand.u32 $0x380, s12;
	v6 =	vld [tilespmem:s11+$0xFFFFFF80]  }
0x65: {  	v8 =	vld [tilespmem:s11+$0xE];
	s14 =	sor.u32 s15, s14  }
0x66: {  	v7 =	vld [tilespmem:s14+$0x0]  }
0x67: {  	v12 =	vld [tilespmem:s14+$0x40]  }
0x68: {  	v9 =	vld [tilespmem:s11+$0xFFFFFF8E]  }
0x69: {  	v13 =	vld [tilespmem:s11+$0xF];
	v10 =	vperm.xlane v5, v1  }
0x6a: {  	vm1 =	veq.s32 v3, $0x0;
	v57 =	vld [tilespmem:s14+$0x400];
	v11 =	vperm.xlane v6, v1;
	v16 =	vperm.xlane v5, v2  }
0x6b: {  	v15 =	vld [tilespmem:s11+$0xFFFFFF8F];
	v17 =	vperm.xlane v6, v2;
	v14 =	vshll.u32 v7, $0x10;
	v10 =	vsel vm0, $0x0, v10  }
0x6c: {  	v20 =	vld [tilespmem:s14+$0x440];
	v11 =	vsel vm0, $0x0, v11;
	v7 =	vand.u32 $0xFFFF0000, v7;
	v19 =	vshll.u32 v12, $0x10  }
0x6d: {  	v18 =	vld [tilespmem:s11+$0x10];
	v16 =	vsel vm1, $0x0, v16;
	v17 =	vsel vm1, $0x0, v17;
	v10 =	vmul.f32 v14, v10  }
0x6e: {  	v58 =	vld [tilespmem:s11+$0xFFFFFF90];
	v12 =	vand.u32 $0xFFFF0000, v12;
	v11 =	vmul.f32 v14, v11;
	v8 =	vmul.f32 v7, v8  }
0x6f: {  	v59 =	vld [tilespmem:s11+$0x1];
	v60 =	vshll.u32 v57, $0x10;
	v7 =	vmul.f32 v7, v9;
	v16 =	vmul.f32 v19, v16  }
0x70: {  	v21 =	vld [tilespmem:s11+$0xFFFFFF81];
	v63 =	vand.u32 $0xFFFF0000, v57;
	v17 =	vmul.f32 v19, v17;
	v13 =	vmul.f32 v12, v13  }
0x71: {  	v61 =	vld [tilespmem:s11+$0x11];
	v23 =	vand.u32 $0xFFFF0000, v20;
	v12 =	vmul.f32 v12, v15;
	v5 =	vmul.f32 v60, v5  }
0x72: {  	v62 =	vld [tilespmem:s11+$0xFFFFFF91];
	v6 =	vmul.f32 v60, v6;
	v18 =	vmul.f32 v63, v18;
	v10 =	vadd.f32 v16, v10  }
0x73: {  	v9 =	vmul.f32 v63, v58;
	v11 =	vadd.f32 v17, v11;
	v17 =	vshll.u32 v20, $0x10  }
0x74: {  	v8 =	vadd.f32 v13, v8;
	v22 =	vmul.f32 v17, v59;
	v5 =	vadd.f32 v5, v10  }
0x75: {  	v7 =	vadd.f32 v12, v7;
	v6 =	vadd.f32 v6, v11;
	v10 =	vmul.f32 v17, v21  }
0x76: {  	v24 =	vmul.f32 v23, v61;
	v8 =	vadd.f32 v18, v8;
	v5 =	vadd.f32 v22, v5  }
0x77: {  	v25 =	vmul.f32 v23, v62;
	v7 =	vadd.f32 v9, v7;
	v6 =	vadd.f32 v10, v6  }
0x78: {  	v8 =	vadd.f32 v24, v8;
	[tilespmem:s10+$0xFFFFFF80] =	vst v5  }
0x79: {  	v5 =	vadd.f32 v25, v7;
	[tilespmem:s10+$0x0] =	vst v6  }
0x7a: {  	[tilespmem:s10+$0xFFFFFF90] =	vst v8  }
0x7b: {  	[tilespmem:s10+$0x10] =	vst v5  }
0x7c: {  	v5 =	vld [tilespmem:s14+$0x10]  }
0x7d: {  	v6 =	vld [tilespmem:s11+$0x1E]  }
0x7e: {  	v7 =	vld [tilespmem:s11+$0xFFFFFF9E]  }
0x7f: {  	v8 =	vld [tilespmem:s11+$0x2E]  }
0x80: {  	v26 =	vld [tilespmem:s11+$0xFFFFFFAE]  }
0x81: {  	v27 =	vld [tilespmem:s14+$0x50]  }
0x82: {  	v28 =	vld [tilespmem:s11+$0x1F]  }
0x83: {  	v29 =	vld [tilespmem:s11+$0xFFFFFF9F]  }
0x84: {  	v30 =	vld [tilespmem:s11+$0x2F]  }
0x85: {  	v31 =	vld [tilespmem:s11+$0xFFFFFFAF]  }
0x86: {  	v32 =	vld [tilespmem:s14+$0x410]  }
0x87: {  	v33 =	vld [tilespmem:s11+$0x20]  }
0x88: {  	v39 =	vld [tilespmem:s14+$0x450]  }
0x89: {  	v34 =	vld [tilespmem:s11+$0xFFFFFFA0];
	v35 =	vshll.u32 v5, $0x10  }
0x8a: {  	v36 =	vld [tilespmem:s11+$0x30];
	v5 =	vand.u32 $0xFFFF0000, v5;
	v38 =	vshll.u32 v27, $0x10;
	v10 =	vand.u32 $0xFFFF0000, v27  }
0x8b: {  	v40 =	vld [tilespmem:s11+$0x21];
	v41 =	vshll.u32 v32, $0x10;
	v6 =	vmul.f32 v35, v6;
	v7 =	vmul.f32 v35, v7  }
0x8c: {  	v37 =	vld [tilespmem:s11+$0xFFFFFFB0];
	v47 =	vand.u32 $0xFFFF0000, v32;
	v8 =	vmul.f32 v5, v8;
	v5 =	vmul.f32 v5, v26  }
0x8d: {  	v42 =	vld [tilespmem:s11+$0xFFFFFFA1];
	v48 =	vshll.u32 v39, $0x10;
	v11 =	vmul.f32 v38, v28;
	v9 =	vmul.f32 v38, v29  }
0x8e: {  	v44 =	vld [tilespmem:s11+$0x31];
	v50 =	vand.u32 $0xFFFF0000, v39;
	v13 =	vmul.f32 v10, v30;
	v10 =	vmul.f32 v10, v31  }
0x8f: {  	v46 =	vld [tilespmem:s11+$0xFFFFFFB1];
	v43 =	vmul.f32 v41, v33;
	v45 =	vmul.f32 v41, v34;
	v6 =	vadd.f32 v11, v6  }
0x90: {  	v49 =	vmul.f32 v47, v36;
	v12 =	vmul.f32 v48, v40;
	v7 =	vadd.f32 v9, v7  }
0x91: {  	v14 =	vmul.f32 v47, v37;
	v8 =	vadd.f32 v13, v8;
	v6 =	vadd.f32 v43, v6  }
0x92: {  	v5 =	vadd.f32 v10, v5;
	v9 =	vmul.f32 v48, v42;
	v7 =	vadd.f32 v45, v7  }
0x93: {  	v51 =	vmul.f32 v50, v44;
	v8 =	vadd.f32 v49, v8;
	v6 =	vadd.f32 v12, v6  }
0x94: {  	v52 =	vmul.f32 v50, v46;
	v5 =	vadd.f32 v14, v5;
	v7 =	vadd.f32 v9, v7  }
0x95: {  	v8 =	vadd.f32 v51, v8;
	[tilespmem:s10+$0xFFFFFFA0] =	vst v6  }
0x96: {  	v5 =	vadd.f32 v52, v5;
	[tilespmem:s10+$0x20] =	vst v7  }
0x97: {  	[tilespmem:s10+$0xFFFFFFB0] =	vst v8  }
0x98: {  	[tilespmem:s10+$0x30] =	vst v5  }
0x99: {  	v5 =	vld [tilespmem:s14+$0x20]  }
0x9a: {  	v6 =	vld [tilespmem:s11+$0x3E]  }
0x9b: {  	v7 =	vld [tilespmem:s11+$0xFFFFFFBE]  }
0x9c: {  	v8 =	vld [tilespmem:s11+$0x4E]  }
0x9d: {  	v53 =	vld [tilespmem:s11+$0xFFFFFFCE]  }
0x9e: {  	v54 =	vld [tilespmem:s14+$0x60]  }
0x9f: {  	v55 =	vld [tilespmem:s11+$0x3F]  }
0xa0: {  	v56 =	vld [tilespmem:s11+$0xFFFFFFBF]  }
0xa1: {  	v57 =	vld [tilespmem:s11+$0x4F]  }
0xa2: {  	v58 =	vld [tilespmem:s11+$0xFFFFFFCF]  }
0xa3: {  	v59 =	vld [tilespmem:s14+$0x420]  }
0xa4: {  	v60 =	vld [tilespmem:s11+$0x40]  }
0xa5: {  	v26 =	vld [tilespmem:s14+$0x460]  }
0xa6: {  	v61 =	vld [tilespmem:s11+$0xFFFFFFC0];
	v62 =	vshll.u32 v5, $0x10  }
0xa7: {  	v63 =	vld [tilespmem:s11+$0x50];
	v5 =	vand.u32 $0xFFFF0000, v5;
	v25 =	vshll.u32 v54, $0x10;
	v10 =	vand.u32 $0xFFFF0000, v54  }
0xa8: {  	v27 =	vld [tilespmem:s11+$0x41];
	v28 =	vshll.u32 v59, $0x10;
	v6 =	vmul.f32 v62, v6;
	v7 =	vmul.f32 v62, v7  }
0xa9: {  	v24 =	vld [tilespmem:s11+$0xFFFFFFD0];
	v34 =	vand.u32 $0xFFFF0000, v59;
	v8 =	vmul.f32 v5, v8;
	v5 =	vmul.f32 v5, v53  }
0xaa: {  	v29 =	vld [tilespmem:s11+$0xFFFFFFC1];
	v35 =	vshll.u32 v26, $0x10;
	v11 =	vmul.f32 v25, v55;
	v9 =	vmul.f32 v25, v56  }
0xab: {  	v31 =	vld [tilespmem:s11+$0x51];
	v37 =	vand.u32 $0xFFFF0000, v26;
	v13 =	vmul.f32 v10, v57;
	v10 =	vmul.f32 v10, v58  }
0xac: {  	v33 =	vld [tilespmem:s11+$0xFFFFFFD1];
	v30 =	vmul.f32 v28, v60;
	v32 =	vmul.f32 v28, v61;
	v6 =	vadd.f32 v11, v6  }
0xad: {  	v36 =	vmul.f32 v34, v63;
	v12 =	vmul.f32 v35, v27;
	v7 =	vadd.f32 v9, v7  }
0xae: {  	v14 =	vmul.f32 v34, v24;
	v8 =	vadd.f32 v13, v8;
	v6 =	vadd.f32 v30, v6  }
0xaf: {  	v5 =	vadd.f32 v10, v5;
	v9 =	vmul.f32 v35, v29;
	v7 =	vadd.f32 v32, v7  }
0xb0: {  	v38 =	vmul.f32 v37, v31;
	v8 =	vadd.f32 v36, v8;
	v6 =	vadd.f32 v12, v6  }
0xb1: {  	v39 =	vmul.f32 v37, v33;
	v5 =	vadd.f32 v14, v5;
	v7 =	vadd.f32 v9, v7  }
0xb2: {  	v8 =	vadd.f32 v38, v8;
	[tilespmem:s10+$0xFFFFFFC0] =	vst v6  }
0xb3: {  	v5 =	vadd.f32 v39, v5;
	[tilespmem:s10+$0x40] =	vst v7  }
0xb4: {  	[tilespmem:s10+$0xFFFFFFD0] =	vst v8  }
0xb5: {  	[tilespmem:s10+$0x50] =	vst v5  }
0xb6: {  	v5 =	vld [tilespmem:s14+$0x30]  }
0xb7: {  	v6 =	vld [tilespmem:s11+$0x5E]  }
0xb8: {  	v7 =	vld [tilespmem:s11+$0xFFFFFFDE]  }
0xb9: {  	v8 =	vld [tilespmem:s11+$0x6E]  }
0xba: {  	v40 =	vld [tilespmem:s11+$0xFFFFFFEE]  }
0xbb: {  	v41 =	vld [tilespmem:s14+$0x70]  }
0xbc: {  	v42 =	vld [tilespmem:s11+$0x5F]  }
0xbd: {  	v43 =	vld [tilespmem:s11+$0xFFFFFFDF]  }
0xbe: {  	v44 =	vld [tilespmem:s11+$0x6F]  }
0xbf: {  	v51 =	vld [tilespmem:s11+$0x70]  }
0xc0: {  	v52 =	vld [tilespmem:s11+$0xFFFFFFF0]  }
0xc1: {  	v45 =	vld [tilespmem:s11+$0xFFFFFFEF]  }
0xc2: {  	v46 =	vld [tilespmem:s14+$0x430]  }
0xc3: {  	v48 =	vld [tilespmem:s11+$0x60]  }
0xc4: {  	vm1 =	veq.s32 v3, $0xF;
	v50 =	vld [tilespmem:s11+$0xFFFFFFE0];
	v47 =	vshll.u32 v5, $0x10;
	v61 =	vperm.xlane v51, v4  }
0xc5: {  	v53 =	vld [tilespmem:s14+$0x470];
	v49 =	vshll.u32 v41, $0x10;
	v9 =	vperm.xlane v52, v4;
	v6 =	vmul.f32 v47, v6  }
0xc6: {  	v55 =	vld [tilespmem:s11+$0x61];
	v5 =	vand.u32 $0xFFFF0000, v5;
	v7 =	vmul.f32 v47, v7;
	v11 =	vmul.f32 v49, v42  }
0xc7: {  	v10 =	vand.u32 $0xFFFF0000, v41;
	v8 =	vmul.f32 v5, v8;
	v5 =	vmul.f32 v5, v40  }
0xc8: {  	v54 =	vshll.u32 v46, $0x10;
	v12 =	vmul.f32 v49, v43;
	v13 =	vmul.f32 v10, v44  }
0xc9: {  	v57 =	vld [tilespmem:s11+$0xFFFFFFE1];
	v58 =	vand.u32 $0xFFFF0000, v46;
	v10 =	vmul.f32 v10, v45;
	v56 =	vmul.f32 v54, v48  }
0xca: {  	v60 =	vshll.u32 v53, $0x10;
	v14 =	vmul.f32 v54, v50;
	v59 =	vmul.f32 v58, v51  }
0xcb: {  	v62 =	vmul.f32 v60, v55;
	v6 =	vadd.f32 v11, v6;
	v7 =	vadd.f32 v12, v7  }
0xcc: {  	v9 =	vsel vm1, $0x0, v9;
	v8 =	vadd.f32 v13, v8;
	v5 =	vadd.f32 v10, v5  }
0xcd: {  	v10 =	vmul.f32 v58, v52;
	v11 =	vand.u32 $0xFFFF0000, v53;
	v6 =	vadd.f32 v56, v6  }
0xce: {  	v13 =	vmul.f32 v60, v57;
	v9 =	vmul.f32 v11, v9;
	v7 =	vadd.f32 v14, v7  }
0xcf: {  	p0 =	sne.s32 s13, $0x2700;
	v14 =	vsel vm1, $0x0, v61;
	v5 =	vadd.f32 v10, v5;
	v6 =	vadd.f32 v62, v6  }
.Ltmp1:
0xd0: {  	v8 =	vadd.f32 v59, v8;
	v63 =	vmul.f32 v11, v14;
	v7 =	vadd.f32 v13, v7;
	(pc) =	sbr.rel @p0 .LBB2_5-.Ltmp1, $4  }
0xd1: {  	v5 =	vadd.f32 v9, v5;
	[tilespmem:s10+$0xFFFFFFE0] =	vst v6  }
0xd2: {  	v8 =	vadd.f32 v63, v8;
	[tilespmem:s10+$0x60] =	vst v7  }
0xd3: {  	s12 =	sadd.s32 $0x80, s12;
	[tilespmem:s10+$0x70] =	vst v5  }
0xd4: {  	s13 =	sadd.s32 $0x100, s13;
	s11 =	sadd.s32 $0x100, s11;
	[tilespmem:s10+$0xFFFFFFF0] =	vst v8;
	s10 =	sadd.s32 $0x100, s10  }
0xd5: {  	[spmem:s4] =	stream.indirect.scatter.add.f32 [tilespmem:s21], [sflag:$0x4], $0x80, s23, s25, $0xb8;
	[tilespmem:$0x1E100] =	vst v63  }
0xd6: {  	_ =	swait.ge [sflag:s30], $0x50  }
0xd7: {  	[sflag:s30] =	ssyncset.done $0x0  }
0xd8: {  	[sflag:s30] =	ssyncadd.s32 $0xFFFFFFB0  }
0xd9: {  	_ =	swait.ge [sflag:s30], $0x2800  }
0xda: {  	[sflag:s30] =	ssyncset.done $0x0  }
0xdb: {  	[sflag:s30] =	ssyncadd.s32 $0xFFFFD800  }
0xdc: {  	[tilespmem:s26], [sflag:$0x3] =	stream.indirect.gather [hbm4b:s1+s25], $0x80, s28, s25, $0xb8;
	[tilespmem:$0x1E100] =	vst v63  }
0xdd: {  	s10 =	sadd.s32 s9, s18;
	_ =	swait.ge [sflag:s31], $0x2800  }
0xde: {  	s9 =	sshrl.u32 s10, $0x2;
	s10 =	sshll.u32 s10, $0x5;
	[sflag:s31] =	ssyncset.done $0x0  }
0xdf: {  	s11 =	sadd.s32 s3, s9;
	s9 =	simm.s32 $0x0;
	[sflag:s31] =	ssyncadd.s32 $0xFFFFD800  }
0xe0: {  	[tilespmem:s23], [sflag:$0x1] =	stream.linear.gather [hbm4b:s11+s9], $0x50, $0x38;
	[tilespmem:$0x1E100] =	vst v63  }
0xe1: {  	s10 =	sadd.s32 s6, s10  }
0xe2: {  	[tilespmem:s9], [sflag:$0x1] =	stream.linear.gather [hbm4b:s10+s9], $0x2800, $0x38;
	[tilespmem:$0x1E100] =	vst v63  }
0xe3: {  	_ =	swait.ge [sflag:s22], $0x2800  }
0xe4: {  	s12 =	simm.s32 $0x0;
	[sflag:s22] =	ssyncset.done $0x0  }
0xe5: {  	s11 =	simm.s32 $0x5080;
	s10 =	simm.s32 $0x7880;
	[sflag:s22] =	ssyncadd.s32 $0xFFFFD800  }
.LBB2_7:
0xe6: {  	v5 =	vld [tilespmem:s11+$0x0]  }
0xe7: {  	s13 =	sand.u32 $0x3800, s12;
	s14 =	sand.u32 $0x380, s9;
	v6 =	vld [tilespmem:s11+$0xFFFFFF80]  }
0xe8: {  	v8 =	vld [tilespmem:s11+$0xE];
	s13 =	sor.u32 s14, s13  }
0xe9: {  	v7 =	vld [tilespmem:s13+$0x2800]  }
0xea: {  	v12 =	vld [tilespmem:s13+$0x2840]  }
0xeb: {  	v9 =	vld [tilespmem:s11+$0xFFFFFF8E]  }
0xec: {  	v13 =	vld [tilespmem:s11+$0xF];
	v10 =	vperm.xlane v5, v1  }
0xed: {  	vm1 =	veq.s32 v3, $0x0;
	v57 =	vld [tilespmem:s13+$0x2C00];
	v11 =	vperm.xlane v6, v1;
	v16 =	vperm.xlane v5, v2  }
0xee: {  	v15 =	vld [tilespmem:s11+$0xFFFFFF8F];
	v17 =	vperm.xlane v6, v2;
	v14 =	vshll.u32 v7, $0x10;
	v10 =	vsel vm0, $0x0, v10  }
0xef: {  	v20 =	vld [tilespmem:s13+$0x2C40];
	v11 =	vsel vm0, $0x0, v11;
	v7 =	vand.u32 $0xFFFF0000, v7;
	v19 =	vshll.u32 v12, $0x10  }
0xf0: {  	v18 =	vld [tilespmem:s11+$0x10];
	v16 =	vsel vm1, $0x0, v16;
	v17 =	vsel vm1, $0x0, v17;
	v10 =	vmul.f32 v14, v10  }
0xf1: {  	v58 =	vld [tilespmem:s11+$0xFFFFFF90];
	v12 =	vand.u32 $0xFFFF0000, v12;
	v11 =	vmul.f32 v14, v11;
	v8 =	vmul.f32 v7, v8  }
0xf2: {  	v59 =	vld [tilespmem:s11+$0x1];
	v60 =	vshll.u32 v57, $0x10;
	v7 =	vmul.f32 v7, v9;
	v16 =	vmul.f32 v19, v16  }
0xf3: {  	v21 =	vld [tilespmem:s11+$0xFFFFFF81];
	v63 =	vand.u32 $0xFFFF0000, v57;
	v17 =	vmul.f32 v19, v17;
	v13 =	vmul.f32 v12, v13  }
0xf4: {  	v61 =	vld [tilespmem:s11+$0x11];
	v23 =	vand.u32 $0xFFFF0000, v20;
	v12 =	vmul.f32 v12, v15;
	v5 =	vmul.f32 v60, v5  }
0xf5: {  	v62 =	vld [tilespmem:s11+$0xFFFFFF91];
	v6 =	vmul.f32 v60, v6;
	v18 =	vmul.f32 v63, v18;
	v10 =	vadd.f32 v16, v10  }
0xf6: {  	v9 =	vmul.f32 v63, v58;
	v11 =	vadd.f32 v17, v11;
	v17 =	vshll.u32 v20, $0x10  }
0xf7: {  	v8 =	vadd.f32 v13, v8;
	v22 =	vmul.f32 v17, v59;
	v5 =	vadd.f32 v5, v10  }
0xf8: {  	v7 =	vadd.f32 v12, v7;
	v6 =	vadd.f32 v6, v11;
	v10 =	vmul.f32 v17, v21  }
0xf9: {  	v24 =	vmul.f32 v23, v61;
	v8 =	vadd.f32 v18, v8;
	v5 =	vadd.f32 v22, v5  }
0xfa: {  	v25 =	vmul.f32 v23, v62;
	v7 =	vadd.f32 v9, v7;
	v6 =	vadd.f32 v10, v6  }
0xfb: {  	v8 =	vadd.f32 v24, v8;
	[tilespmem:s10+$0xFFFFFF80] =	vst v5  }
0xfc: {  	v5 =	vadd.f32 v25, v7;
	[tilespmem:s10+$0x0] =	vst v6  }
0xfd: {  	[tilespmem:s10+$0xFFFFFF90] =	vst v8  }
0xfe: {  	[tilespmem:s10+$0x10] =	vst v5  }
0xff: {  	v5 =	vld [tilespmem:s13+$0x2810]  }
0x100: {  	v6 =	vld [tilespmem:s11+$0x1E]  }
0x101: {  	v7 =	vld [tilespmem:s11+$0xFFFFFF9E]  }
0x102: {  	v8 =	vld [tilespmem:s11+$0x2E]  }
0x103: {  	v26 =	vld [tilespmem:s11+$0xFFFFFFAE]  }
0x104: {  	v27 =	vld [tilespmem:s13+$0x2850]  }
0x105: {  	v28 =	vld [tilespmem:s11+$0x1F]  }
0x106: {  	v29 =	vld [tilespmem:s11+$0xFFFFFF9F]  }
0x107: {  	v30 =	vld [tilespmem:s11+$0x2F]  }
0x108: {  	v31 =	vld [tilespmem:s11+$0xFFFFFFAF]  }
0x109: {  	v32 =	vld [tilespmem:s13+$0x2C10]  }
0x10a: {  	v33 =	vld [tilespmem:s11+$0x20]  }
0x10b: {  	v39 =	vld [tilespmem:s13+$0x2C50]  }
0x10c: {  	v34 =	vld [tilespmem:s11+$0xFFFFFFA0];
	v35 =	vshll.u32 v5, $0x10  }
0x10d: {  	v36 =	vld [tilespmem:s11+$0x30];
	v5 =	vand.u32 $0xFFFF0000, v5;
	v38 =	vshll.u32 v27, $0x10;
	v10 =	vand.u32 $0xFFFF0000, v27  }
0x10e: {  	v40 =	vld [tilespmem:s11+$0x21];
	v41 =	vshll.u32 v32, $0x10;
	v6 =	vmul.f32 v35, v6;
	v7 =	vmul.f32 v35, v7  }
0x10f: {  	v37 =	vld [tilespmem:s11+$0xFFFFFFB0];
	v47 =	vand.u32 $0xFFFF0000, v32;
	v8 =	vmul.f32 v5, v8;
	v5 =	vmul.f32 v5, v26  }
0x110: {  	v42 =	vld [tilespmem:s11+$0xFFFFFFA1];
	v48 =	vshll.u32 v39, $0x10;
	v11 =	vmul.f32 v38, v28;
	v9 =	vmul.f32 v38, v29  }
0x111: {  	v44 =	vld [tilespmem:s11+$0x31];
	v50 =	vand.u32 $0xFFFF0000, v39;
	v13 =	vmul.f32 v10, v30;
	v10 =	vmul.f32 v10, v31  }
0x112: {  	v46 =	vld [tilespmem:s11+$0xFFFFFFB1];
	v43 =	vmul.f32 v41, v33;
	v45 =	vmul.f32 v41, v34;
	v6 =	vadd.f32 v11, v6  }
0x113: {  	v49 =	vmul.f32 v47, v36;
	v12 =	vmul.f32 v48, v40;
	v7 =	vadd.f32 v9, v7  }
0x114: {  	v14 =	vmul.f32 v47, v37;
	v8 =	vadd.f32 v13, v8;
	v6 =	vadd.f32 v43, v6  }
0x115: {  	v5 =	vadd.f32 v10, v5;
	v9 =	vmul.f32 v48, v42;
	v7 =	vadd.f32 v45, v7  }
0x116: {  	v51 =	vmul.f32 v50, v44;
	v8 =	vadd.f32 v49, v8;
	v6 =	vadd.f32 v12, v6  }
0x117: {  	v52 =	vmul.f32 v50, v46;
	v5 =	vadd.f32 v14, v5;
	v7 =	vadd.f32 v9, v7  }
0x118: {  	v8 =	vadd.f32 v51, v8;
	[tilespmem:s10+$0xFFFFFFA0] =	vst v6  }
0x119: {  	v5 =	vadd.f32 v52, v5;
	[tilespmem:s10+$0x20] =	vst v7  }
0x11a: {  	[tilespmem:s10+$0xFFFFFFB0] =	vst v8  }
0x11b: {  	[tilespmem:s10+$0x30] =	vst v5  }
0x11c: {  	v5 =	vld [tilespmem:s13+$0x2820]  }
0x11d: {  	v6 =	vld [tilespmem:s11+$0x3E]  }
0x11e: {  	v7 =	vld [tilespmem:s11+$0xFFFFFFBE]  }
0x11f: {  	v8 =	vld [tilespmem:s11+$0x4E]  }
0x120: {  	v53 =	vld [tilespmem:s11+$0xFFFFFFCE]  }
0x121: {  	v54 =	vld [tilespmem:s13+$0x2860]  }
0x122: {  	v55 =	vld [tilespmem:s11+$0x3F]  }
0x123: {  	v56 =	vld [tilespmem:s11+$0xFFFFFFBF]  }
0x124: {  	v57 =	vld [tilespmem:s11+$0x4F]  }
0x125: {  	v58 =	vld [tilespmem:s11+$0xFFFFFFCF]  }
0x126: {  	v59 =	vld [tilespmem:s13+$0x2C20]  }
0x127: {  	v60 =	vld [tilespmem:s11+$0x40]  }
0x128: {  	v26 =	vld [tilespmem:s13+$0x2C60]  }
0x129: {  	v61 =	vld [tilespmem:s11+$0xFFFFFFC0];
	v62 =	vshll.u32 v5, $0x10  }
0x12a: {  	v63 =	vld [tilespmem:s11+$0x50];
	v5 =	vand.u32 $0xFFFF0000, v5;
	v25 =	vshll.u32 v54, $0x10;
	v10 =	vand.u32 $0xFFFF0000, v54  }
0x12b: {  	v27 =	vld [tilespmem:s11+$0x41];
	v28 =	vshll.u32 v59, $0x10;
	v6 =	vmul.f32 v62, v6;
	v7 =	vmul.f32 v62, v7  }
0x12c: {  	v24 =	vld [tilespmem:s11+$0xFFFFFFD0];
	v34 =	vand.u32 $0xFFFF0000, v59;
	v8 =	vmul.f32 v5, v8;
	v5 =	vmul.f32 v5, v53  }
0x12d: {  	v29 =	vld [tilespmem:s11+$0xFFFFFFC1];
	v35 =	vshll.u32 v26, $0x10;
	v11 =	vmul.f32 v25, v55;
	v9 =	vmul.f32 v25, v56  }
0x12e: {  	v31 =	vld [tilespmem:s11+$0x51];
	v37 =	vand.u32 $0xFFFF0000, v26;
	v13 =	vmul.f32 v10, v57;
	v10 =	vmul.f32 v10, v58  }
0x12f: {  	v33 =	vld [tilespmem:s11+$0xFFFFFFD1];
	v30 =	vmul.f32 v28, v60;
	v32 =	vmul.f32 v28, v61;
	v6 =	vadd.f32 v11, v6  }
0x130: {  	v36 =	vmul.f32 v34, v63;
	v12 =	vmul.f32 v35, v27;
	v7 =	vadd.f32 v9, v7  }
0x131: {  	v14 =	vmul.f32 v34, v24;
	v8 =	vadd.f32 v13, v8;
	v6 =	vadd.f32 v30, v6  }
0x132: {  	v5 =	vadd.f32 v10, v5;
	v9 =	vmul.f32 v35, v29;
	v7 =	vadd.f32 v32, v7  }
0x133: {  	v38 =	vmul.f32 v37, v31;
	v8 =	vadd.f32 v36, v8;
	v6 =	vadd.f32 v12, v6  }
0x134: {  	v39 =	vmul.f32 v37, v33;
	v5 =	vadd.f32 v14, v5;
	v7 =	vadd.f32 v9, v7  }
0x135: {  	v8 =	vadd.f32 v38, v8;
	[tilespmem:s10+$0xFFFFFFC0] =	vst v6  }
0x136: {  	v5 =	vadd.f32 v39, v5;
	[tilespmem:s10+$0x40] =	vst v7  }
0x137: {  	[tilespmem:s10+$0xFFFFFFD0] =	vst v8  }
0x138: {  	[tilespmem:s10+$0x50] =	vst v5  }
0x139: {  	v5 =	vld [tilespmem:s13+$0x2830]  }
0x13a: {  	v6 =	vld [tilespmem:s11+$0x5E]  }
0x13b: {  	v7 =	vld [tilespmem:s11+$0xFFFFFFDE]  }
0x13c: {  	v8 =	vld [tilespmem:s11+$0x6E]  }
0x13d: {  	v40 =	vld [tilespmem:s11+$0xFFFFFFEE]  }
0x13e: {  	v41 =	vld [tilespmem:s13+$0x2870]  }
0x13f: {  	v42 =	vld [tilespmem:s11+$0x5F]  }
0x140: {  	v43 =	vld [tilespmem:s11+$0xFFFFFFDF]  }
0x141: {  	v44 =	vld [tilespmem:s11+$0x6F]  }
0x142: {  	v51 =	vld [tilespmem:s11+$0x70]  }
0x143: {  	v52 =	vld [tilespmem:s11+$0xFFFFFFF0]  }
0x144: {  	v45 =	vld [tilespmem:s11+$0xFFFFFFEF]  }
0x145: {  	v46 =	vld [tilespmem:s13+$0x2C30]  }
0x146: {  	v48 =	vld [tilespmem:s11+$0x60]  }
0x147: {  	vm1 =	veq.s32 v3, $0xF;
	v50 =	vld [tilespmem:s11+$0xFFFFFFE0];
	v47 =	vshll.u32 v5, $0x10;
	v61 =	vperm.xlane v51, v4  }
0x148: {  	v53 =	vld [tilespmem:s13+$0x2C70];
	v49 =	vshll.u32 v41, $0x10;
	v9 =	vperm.xlane v52, v4;
	v6 =	vmul.f32 v47, v6  }
0x149: {  	v55 =	vld [tilespmem:s11+$0x61];
	v5 =	vand.u32 $0xFFFF0000, v5;
	v7 =	vmul.f32 v47, v7;
	v11 =	vmul.f32 v49, v42  }
0x14a: {  	v10 =	vand.u32 $0xFFFF0000, v41;
	v8 =	vmul.f32 v5, v8;
	v5 =	vmul.f32 v5, v40  }
0x14b: {  	v54 =	vshll.u32 v46, $0x10;
	v12 =	vmul.f32 v49, v43;
	v13 =	vmul.f32 v10, v44  }
0x14c: {  	v57 =	vld [tilespmem:s11+$0xFFFFFFE1];
	v58 =	vand.u32 $0xFFFF0000, v46;
	v10 =	vmul.f32 v10, v45;
	v56 =	vmul.f32 v54, v48  }
0x14d: {  	v60 =	vshll.u32 v53, $0x10;
	v14 =	vmul.f32 v54, v50;
	v59 =	vmul.f32 v58, v51  }
0x14e: {  	v62 =	vmul.f32 v60, v55;
	v6 =	vadd.f32 v11, v6;
	v7 =	vadd.f32 v12, v7  }
0x14f: {  	v9 =	vsel vm1, $0x0, v9;
	v8 =	vadd.f32 v13, v8;
	v5 =	vadd.f32 v10, v5  }
0x150: {  	v10 =	vmul.f32 v58, v52;
	v11 =	vand.u32 $0xFFFF0000, v53;
	v6 =	vadd.f32 v56, v6  }
0x151: {  	v13 =	vmul.f32 v60, v57;
	v9 =	vmul.f32 v11, v9;
	v7 =	vadd.f32 v14, v7  }
0x152: {  	p0 =	sne.s32 s12, $0x2700;
	v14 =	vsel vm1, $0x0, v61;
	v5 =	vadd.f32 v10, v5;
	v6 =	vadd.f32 v62, v6  }
.Ltmp2:
0x153: {  	v8 =	vadd.f32 v59, v8;
	v63 =	vmul.f32 v11, v14;
	v7 =	vadd.f32 v13, v7;
	(pc) =	sbr.rel @p0 .LBB2_7-.Ltmp2, $4  }
0x154: {  	v5 =	vadd.f32 v9, v5;
	[tilespmem:s10+$0xFFFFFFE0] =	vst v6  }
0x155: {  	v8 =	vadd.f32 v63, v8;
	[tilespmem:s10+$0x60] =	vst v7  }
0x156: {  	s9 =	sadd.s32 $0x80, s9;
	[tilespmem:s10+$0x70] =	vst v5  }
0x157: {  	s12 =	sadd.s32 $0x100, s12;
	s11 =	sadd.s32 $0x100, s11;
	[tilespmem:s10+$0xFFFFFFF0] =	vst v8;
	s10 =	sadd.s32 $0x100, s10  }
0x158: {  	s8 =	sadd.s32 $0x1, s8  }
0x159: {  	p0 =	sne.s32 s8, $0x3E  }
.Ltmp3:
0x15a: {  	_ = 	snop;
	(pc) =	sbr.rel @p0 .LBB2_4-.Ltmp3, $2  }
0x15b: {  	_ =	sdelay $0x2  }
0x15c: {  	[spmem:s4] =	stream.indirect.scatter.add.f32 [tilespmem:s21], [sflag:$0x4], $0x80, s28, s25, $0xb8;
	[tilespmem:$0x1E100] =	vst v63  }
0x15d: {  	_ =	swait.ge [sflag:s24], $0x50  }
0x15e: {  	[sflag:s24] =	ssyncset.done $0x0  }
0x15f: {  	[sflag:s24] =	ssyncadd.s32 $0xFFFFFFB0  }
0x160: {  	_ =	swait.ge [sflag:s24], $0x2800  }
0x161: {  	[sflag:s24] =	ssyncset.done $0x0  }
0x162: {  	[sflag:s24] =	ssyncadd.s32 $0xFFFFD800  }
0x163: {  	[tilespmem:s26], [sflag:$0x3] =	stream.indirect.gather [hbm4b:s1+s25], $0x80, s23, s25, $0xb8;
	[tilespmem:$0x1E100] =	vst v63  }
0x164: {  	_ =	swait.ge [sflag:s31], $0x2800  }
0x165: {  	[sflag:s31] =	ssyncset.done $0x0  }
0x166: {  	[sflag:s31] =	ssyncadd.s32 $0xFFFFD800  }
0x167: {  	_ =	swait.ge [sflag:s22], $0x2800  }
0x168: {  	s0 =	simm.s32 $0x0;
	s8 =	simm.s32 $0x7880;
	[sflag:s22] =	ssyncset.done $0x0  }
0x169: {  	s9 =	simm.s32 $0x5080;
	s10 =	simm.s32 $0x0;
	[sflag:s22] =	ssyncadd.s32 $0xFFFFD800  }
.LBB2_10:
0x16a: {  	v5 =	vld [tilespmem:s9+$0x0]  }
0x16b: {  	s11 =	sand.u32 $0x3800, s10;
	s12 =	sand.u32 $0x380, s0;
	v6 =	vld [tilespmem:s9+$0xFFFFFF80]  }
0x16c: {  	v8 =	vld [tilespmem:s9+$0xE];
	s11 =	sor.u32 s12, s11  }
0x16d: {  	v7 =	vld [tilespmem:s11+$0x0]  }
0x16e: {  	v12 =	vld [tilespmem:s11+$0x40]  }
0x16f: {  	v9 =	vld [tilespmem:s9+$0xFFFFFF8E]  }
0x170: {  	v13 =	vld [tilespmem:s9+$0xF];
	v10 =	vperm.xlane v5, v1  }
0x171: {  	vm1 =	veq.s32 v3, $0x0;
	v57 =	vld [tilespmem:s11+$0x400];
	v11 =	vperm.xlane v6, v1;
	v16 =	vperm.xlane v5, v2  }
0x172: {  	v15 =	vld [tilespmem:s9+$0xFFFFFF8F];
	v17 =	vperm.xlane v6, v2;
	v14 =	vshll.u32 v7, $0x10;
	v10 =	vsel vm0, $0x0, v10  }
0x173: {  	v20 =	vld [tilespmem:s11+$0x440];
	v11 =	vsel vm0, $0x0, v11;
	v7 =	vand.u32 $0xFFFF0000, v7;
	v19 =	vshll.u32 v12, $0x10  }
0x174: {  	v18 =	vld [tilespmem:s9+$0x10];
	v16 =	vsel vm1, $0x0, v16;
	v17 =	vsel vm1, $0x0, v17;
	v10 =	vmul.f32 v14, v10  }
0x175: {  	v58 =	vld [tilespmem:s9+$0xFFFFFF90];
	v12 =	vand.u32 $0xFFFF0000, v12;
	v11 =	vmul.f32 v14, v11;
	v8 =	vmul.f32 v7, v8  }
0x176: {  	v59 =	vld [tilespmem:s9+$0x1];
	v60 =	vshll.u32 v57, $0x10;
	v7 =	vmul.f32 v7, v9;
	v16 =	vmul.f32 v19, v16  }
0x177: {  	v21 =	vld [tilespmem:s9+$0xFFFFFF81];
	v63 =	vand.u32 $0xFFFF0000, v57;
	v17 =	vmul.f32 v19, v17;
	v13 =	vmul.f32 v12, v13  }
0x178: {  	v61 =	vld [tilespmem:s9+$0x11];
	v23 =	vand.u32 $0xFFFF0000, v20;
	v12 =	vmul.f32 v12, v15;
	v5 =	vmul.f32 v60, v5  }
0x179: {  	v62 =	vld [tilespmem:s9+$0xFFFFFF91];
	v6 =	vmul.f32 v60, v6;
	v18 =	vmul.f32 v63, v18;
	v10 =	vadd.f32 v16, v10  }
0x17a: {  	v9 =	vmul.f32 v63, v58;
	v11 =	vadd.f32 v17, v11;
	v17 =	vshll.u32 v20, $0x10  }
0x17b: {  	v8 =	vadd.f32 v13, v8;
	v22 =	vmul.f32 v17, v59;
	v5 =	vadd.f32 v5, v10  }
0x17c: {  	v7 =	vadd.f32 v12, v7;
	v6 =	vadd.f32 v6, v11;
	v10 =	vmul.f32 v17, v21  }
0x17d: {  	v24 =	vmul.f32 v23, v61;
	v8 =	vadd.f32 v18, v8;
	v5 =	vadd.f32 v22, v5  }
0x17e: {  	v25 =	vmul.f32 v23, v62;
	v7 =	vadd.f32 v9, v7;
	v6 =	vadd.f32 v10, v6  }
0x17f: {  	v8 =	vadd.f32 v24, v8;
	[tilespmem:s8+$0xFFFFFF80] =	vst v5  }
0x180: {  	v5 =	vadd.f32 v25, v7;
	[tilespmem:s8+$0x0] =	vst v6  }
0x181: {  	[tilespmem:s8+$0xFFFFFF90] =	vst v8  }
0x182: {  	[tilespmem:s8+$0x10] =	vst v5  }
0x183: {  	v5 =	vld [tilespmem:s11+$0x10]  }
0x184: {  	v6 =	vld [tilespmem:s9+$0x1E]  }
0x185: {  	v7 =	vld [tilespmem:s9+$0xFFFFFF9E]  }
0x186: {  	v8 =	vld [tilespmem:s9+$0x2E]  }
0x187: {  	v26 =	vld [tilespmem:s9+$0xFFFFFFAE]  }
0x188: {  	v27 =	vld [tilespmem:s11+$0x50]  }
0x189: {  	v28 =	vld [tilespmem:s9+$0x1F]  }
0x18a: {  	v29 =	vld [tilespmem:s9+$0xFFFFFF9F]  }
0x18b: {  	v30 =	vld [tilespmem:s9+$0x2F]  }
0x18c: {  	v31 =	vld [tilespmem:s9+$0xFFFFFFAF]  }
0x18d: {  	v32 =	vld [tilespmem:s11+$0x410]  }
0x18e: {  	v33 =	vld [tilespmem:s9+$0x20]  }
0x18f: {  	v39 =	vld [tilespmem:s11+$0x450]  }
0x190: {  	v34 =	vld [tilespmem:s9+$0xFFFFFFA0];
	v35 =	vshll.u32 v5, $0x10  }
0x191: {  	v36 =	vld [tilespmem:s9+$0x30];
	v5 =	vand.u32 $0xFFFF0000, v5;
	v38 =	vshll.u32 v27, $0x10;
	v10 =	vand.u32 $0xFFFF0000, v27  }
0x192: {  	v40 =	vld [tilespmem:s9+$0x21];
	v41 =	vshll.u32 v32, $0x10;
	v6 =	vmul.f32 v35, v6;
	v7 =	vmul.f32 v35, v7  }
0x193: {  	v37 =	vld [tilespmem:s9+$0xFFFFFFB0];
	v47 =	vand.u32 $0xFFFF0000, v32;
	v8 =	vmul.f32 v5, v8;
	v5 =	vmul.f32 v5, v26  }
0x194: {  	v42 =	vld [tilespmem:s9+$0xFFFFFFA1];
	v48 =	vshll.u32 v39, $0x10;
	v11 =	vmul.f32 v38, v28;
	v9 =	vmul.f32 v38, v29  }
0x195: {  	v44 =	vld [tilespmem:s9+$0x31];
	v50 =	vand.u32 $0xFFFF0000, v39;
	v13 =	vmul.f32 v10, v30;
	v10 =	vmul.f32 v10, v31  }
0x196: {  	v46 =	vld [tilespmem:s9+$0xFFFFFFB1];
	v43 =	vmul.f32 v41, v33;
	v45 =	vmul.f32 v41, v34;
	v6 =	vadd.f32 v11, v6  }
0x197: {  	v49 =	vmul.f32 v47, v36;
	v12 =	vmul.f32 v48, v40;
	v7 =	vadd.f32 v9, v7  }
0x198: {  	v14 =	vmul.f32 v47, v37;
	v8 =	vadd.f32 v13, v8;
	v6 =	vadd.f32 v43, v6  }
0x199: {  	v5 =	vadd.f32 v10, v5;
	v9 =	vmul.f32 v48, v42;
	v7 =	vadd.f32 v45, v7  }
0x19a: {  	v51 =	vmul.f32 v50, v44;
	v8 =	vadd.f32 v49, v8;
	v6 =	vadd.f32 v12, v6  }
0x19b: {  	v52 =	vmul.f32 v50, v46;
	v5 =	vadd.f32 v14, v5;
	v7 =	vadd.f32 v9, v7  }
0x19c: {  	v8 =	vadd.f32 v51, v8;
	[tilespmem:s8+$0xFFFFFFA0] =	vst v6  }
0x19d: {  	v5 =	vadd.f32 v52, v5;
	[tilespmem:s8+$0x20] =	vst v7  }
0x19e: {  	[tilespmem:s8+$0xFFFFFFB0] =	vst v8  }
0x19f: {  	[tilespmem:s8+$0x30] =	vst v5  }
0x1a0: {  	v5 =	vld [tilespmem:s11+$0x20]  }
0x1a1: {  	v6 =	vld [tilespmem:s9+$0x3E]  }
0x1a2: {  	v7 =	vld [tilespmem:s9+$0xFFFFFFBE]  }
0x1a3: {  	v8 =	vld [tilespmem:s9+$0x4E]  }
0x1a4: {  	v53 =	vld [tilespmem:s9+$0xFFFFFFCE]  }
0x1a5: {  	v54 =	vld [tilespmem:s11+$0x60]  }
0x1a6: {  	v55 =	vld [tilespmem:s9+$0x3F]  }
0x1a7: {  	v56 =	vld [tilespmem:s9+$0xFFFFFFBF]  }
0x1a8: {  	v57 =	vld [tilespmem:s9+$0x4F]  }
0x1a9: {  	v58 =	vld [tilespmem:s9+$0xFFFFFFCF]  }
0x1aa: {  	v59 =	vld [tilespmem:s11+$0x420]  }
0x1ab: {  	v60 =	vld [tilespmem:s9+$0x40]  }
0x1ac: {  	v26 =	vld [tilespmem:s11+$0x460]  }
0x1ad: {  	v61 =	vld [tilespmem:s9+$0xFFFFFFC0];
	v62 =	vshll.u32 v5, $0x10  }
0x1ae: {  	v63 =	vld [tilespmem:s9+$0x50];
	v5 =	vand.u32 $0xFFFF0000, v5;
	v25 =	vshll.u32 v54, $0x10;
	v10 =	vand.u32 $0xFFFF0000, v54  }
0x1af: {  	v27 =	vld [tilespmem:s9+$0x41];
	v28 =	vshll.u32 v59, $0x10;
	v6 =	vmul.f32 v62, v6;
	v7 =	vmul.f32 v62, v7  }
0x1b0: {  	v24 =	vld [tilespmem:s9+$0xFFFFFFD0];
	v34 =	vand.u32 $0xFFFF0000, v59;
	v8 =	vmul.f32 v5, v8;
	v5 =	vmul.f32 v5, v53  }
0x1b1: {  	v29 =	vld [tilespmem:s9+$0xFFFFFFC1];
	v35 =	vshll.u32 v26, $0x10;
	v11 =	vmul.f32 v25, v55;
	v9 =	vmul.f32 v25, v56  }
0x1b2: {  	v31 =	vld [tilespmem:s9+$0x51];
	v37 =	vand.u32 $0xFFFF0000, v26;
	v13 =	vmul.f32 v10, v57;
	v10 =	vmul.f32 v10, v58  }
0x1b3: {  	v33 =	vld [tilespmem:s9+$0xFFFFFFD1];
	v30 =	vmul.f32 v28, v60;
	v32 =	vmul.f32 v28, v61;
	v6 =	vadd.f32 v11, v6  }
0x1b4: {  	v36 =	vmul.f32 v34, v63;
	v12 =	vmul.f32 v35, v27;
	v7 =	vadd.f32 v9, v7  }
0x1b5: {  	v14 =	vmul.f32 v34, v24;
	v8 =	vadd.f32 v13, v8;
	v6 =	vadd.f32 v30, v6  }
0x1b6: {  	v5 =	vadd.f32 v10, v5;
	v9 =	vmul.f32 v35, v29;
	v7 =	vadd.f32 v32, v7  }
0x1b7: {  	v38 =	vmul.f32 v37, v31;
	v8 =	vadd.f32 v36, v8;
	v6 =	vadd.f32 v12, v6  }
0x1b8: {  	v39 =	vmul.f32 v37, v33;
	v5 =	vadd.f32 v14, v5;
	v7 =	vadd.f32 v9, v7  }
0x1b9: {  	v8 =	vadd.f32 v38, v8;
	[tilespmem:s8+$0xFFFFFFC0] =	vst v6  }
0x1ba: {  	v5 =	vadd.f32 v39, v5;
	[tilespmem:s8+$0x40] =	vst v7  }
0x1bb: {  	[tilespmem:s8+$0xFFFFFFD0] =	vst v8  }
0x1bc: {  	[tilespmem:s8+$0x50] =	vst v5  }
0x1bd: {  	v5 =	vld [tilespmem:s11+$0x30]  }
0x1be: {  	v6 =	vld [tilespmem:s9+$0x5E]  }
0x1bf: {  	v7 =	vld [tilespmem:s9+$0xFFFFFFDE]  }
0x1c0: {  	v8 =	vld [tilespmem:s9+$0x6E]  }
0x1c1: {  	v40 =	vld [tilespmem:s9+$0xFFFFFFEE]  }
0x1c2: {  	v41 =	vld [tilespmem:s11+$0x70]  }
0x1c3: {  	v42 =	vld [tilespmem:s9+$0x5F]  }
0x1c4: {  	v43 =	vld [tilespmem:s9+$0xFFFFFFDF]  }
0x1c5: {  	v44 =	vld [tilespmem:s9+$0x6F]  }
0x1c6: {  	v51 =	vld [tilespmem:s9+$0x70]  }
0x1c7: {  	v52 =	vld [tilespmem:s9+$0xFFFFFFF0]  }
0x1c8: {  	v45 =	vld [tilespmem:s9+$0xFFFFFFEF]  }
0x1c9: {  	v46 =	vld [tilespmem:s11+$0x430]  }
0x1ca: {  	v48 =	vld [tilespmem:s9+$0x60]  }
0x1cb: {  	vm1 =	veq.s32 v3, $0xF;
	v50 =	vld [tilespmem:s9+$0xFFFFFFE0];
	v47 =	vshll.u32 v5, $0x10;
	v61 =	vperm.xlane v51, v4  }
0x1cc: {  	v53 =	vld [tilespmem:s11+$0x470];
	v49 =	vshll.u32 v41, $0x10;
	v9 =	vperm.xlane v52, v4;
	v6 =	vmul.f32 v47, v6  }
0x1cd: {  	v55 =	vld [tilespmem:s9+$0x61];
	v5 =	vand.u32 $0xFFFF0000, v5;
	v7 =	vmul.f32 v47, v7;
	v11 =	vmul.f32 v49, v42  }
0x1ce: {  	v10 =	vand.u32 $0xFFFF0000, v41;
	v8 =	vmul.f32 v5, v8;
	v5 =	vmul.f32 v5, v40  }
0x1cf: {  	v54 =	vshll.u32 v46, $0x10;
	v12 =	vmul.f32 v49, v43;
	v13 =	vmul.f32 v10, v44  }
0x1d0: {  	v57 =	vld [tilespmem:s9+$0xFFFFFFE1];
	v58 =	vand.u32 $0xFFFF0000, v46;
	v10 =	vmul.f32 v10, v45;
	v56 =	vmul.f32 v54, v48  }
0x1d1: {  	v60 =	vshll.u32 v53, $0x10;
	v14 =	vmul.f32 v54, v50;
	v59 =	vmul.f32 v58, v51  }
0x1d2: {  	v62 =	vmul.f32 v60, v55;
	v6 =	vadd.f32 v11, v6;
	v7 =	vadd.f32 v12, v7  }
0x1d3: {  	v9 =	vsel vm1, $0x0, v9;
	v8 =	vadd.f32 v13, v8;
	v5 =	vadd.f32 v10, v5  }
0x1d4: {  	v10 =	vmul.f32 v58, v52;
	v11 =	vand.u32 $0xFFFF0000, v53;
	v6 =	vadd.f32 v56, v6  }
0x1d5: {  	v13 =	vmul.f32 v60, v57;
	v9 =	vmul.f32 v11, v9;
	v7 =	vadd.f32 v14, v7  }
0x1d6: {  	p0 =	sne.s32 s10, $0x2700;
	v14 =	vsel vm1, $0x0, v61;
	v5 =	vadd.f32 v10, v5;
	v6 =	vadd.f32 v62, v6  }
.Ltmp4:
0x1d7: {  	v8 =	vadd.f32 v59, v8;
	v63 =	vmul.f32 v11, v14;
	v7 =	vadd.f32 v13, v7;
	(pc) =	sbr.rel @p0 .LBB2_10-.Ltmp4, $4  }
0x1d8: {  	v5 =	vadd.f32 v9, v5;
	[tilespmem:s8+$0xFFFFFFE0] =	vst v6  }
0x1d9: {  	v8 =	vadd.f32 v63, v8;
	[tilespmem:s8+$0x60] =	vst v7  }
0x1da: {  	s0 =	sadd.s32 $0x80, s0;
	[tilespmem:s8+$0x70] =	vst v5  }
0x1db: {  	s10 =	sadd.s32 $0x100, s10;
	s9 =	sadd.s32 $0x100, s9;
	[tilespmem:s8+$0xFFFFFFF0] =	vst v8;
	s8 =	sadd.s32 $0x100, s8  }
0x1dc: {  	[spmem:s4] =	stream.indirect.scatter.add.f32 [tilespmem:s21], [sflag:$0x4], $0x80, s23, s25, $0xb8;
	[tilespmem:$0x1E100] =	vst v63  }
0x1dd: {  	s0 =	stileid.u32;
	_ =	swait.ge [sflag:s31], $0x2800  }
0x1de: {  	s8 =	sshrl.u32 s7, $0x3;
	s5 =	sadd.s32 $0x1, s5;
	[sflag:s31] =	ssyncset.done $0x0  }
0x1df: {  	s0 =	sshll.u32 s0, $0x6;
	p0 =	sne.s32 s5, s20;
	[sflag:s31] =	ssyncadd.s32 $0xFFFFD800  }
.Ltmp5:
0x1e0: {  	s0 =	sor.u32 $0x1C05, s0;
	[bflag:$0x0] =	sbarrier.arrive $0xFFFF;
	(pc) =	sbr.rel @p0 .LBB2_1-.Ltmp5, $4  }
0x1e1: {  	[hbm:s19], [sflag:s0] =	dma.local [spmem:s8], $0x2800  }
0x1e2: {  	_ =	swait.ge [sflag:s2], $0x2800  }
0x1e3: {  	[sflag:s2] =	ssyncset.done $0x0  }
0x1e4: {  	[sflag:s2] =	ssyncadd.s32 $0xFFFFD800  }
0x1e5: {  	_ =	sfence.sel $0x180000  }
0x1e6: {  	[bflag:$0x0] =	sbarrier.arrive $0xFFFF  }
0x1e7: {  	_ =	strace $0x90000047  }
0x1e8: {  	s0 =	stileid.u32;
	[bflag:$0x2] =	sbarrier.arrive $0xFFFF  }
0x1e9: {  	p0 =	sne.s32 s0, $0x0;
	s0 =	rddreg [dreg:$0x4]  }
0x1ea: {  	s0 =	sadd.s32 @!p0 $0x100000, s0  }
0x1eb: {  	[sflag:s0] =	ssyncadd.tile.s32 @!p0 $0x1;
	_ =	shalt  }
.Lfunc_end2:
_tile_overlayer_lowered:
.L_overlay_start_2:
0x1ec: {  	(tag) =	ssettag $0x2  }
0x1ed: {  	s0 =	rddreg [dreg:$0x0];
	s2 =	stileid.u32  }
0x1ee: {  	s1 =	rddreg [dreg:$0x1];
	p0 =	sne.s32 s2, $0x0  }
0x1ef: {  	s3 =	rddreg [dreg:$0x2];
	[bflag:$0x3] =	sbarrier.arrive $0xFFFF;
	s2 =	simm.s32 @!p0 $0x1C05  }
0x1f0: {  	[timem:s3], [sflag:s2] =	dma.local @!p0 [hbm:s0], s1  }
0x1f1: {  	s0 =	simm.s32 @!p0 $0x5  }
0x1f2: {  	_ =	swait.ge @!p0 [sflag:s0], s1  }
0x1f3: {  	s1 =	ssub.s32 @!p0 $0x0, s1;
	[sflag:s0] =	ssyncset.done @!p0 $0x0  }
0x1f4: {  	[sflag:s0] =	ssyncadd.s32 @!p0 s1  }
0x1f5: {  	[bflag:$0x3] =	sbarrier.arrive $0xFFFF  }
0x1f6: {  	_ =	shalt  }

</sc_bundles>
